<compile_context>
chip_gen: v7x
topology: tpu7x:2x2x1
jax: 0.10.2.dev20260603
libtpu: 0.0.44.dev20260713+nightly
codegen_flags: <defaults>
</compile_context>

<pallas_src>
import jax
import jax.numpy as jnp
from jax import lax
from jax.experimental import pallas as pl
from jax.experimental.pallas import tpu as pltpu
from jax.experimental.pallas import tpu_sc as plsc

N = 10000
E = 160000
F = 256
HF = 128
EFW = 32
EDGE_DIM = 16

NC = 2
NS = 16
K = 80
EPT = E // NS
CH = EPT // K
NP = 10240
RT = NP // NS
ZR = 32

E2 = 163840
EPW2 = E2 // (NC * NS)
K2 = 128
CH2 = EPW2 // K2


def _sc_h_body(hview, src3, dst3, aggh_out,
               acc, srcb, dstb, idxg, rows, sem):
    c = lax.axis_index("c")
    s = lax.axis_index("s")

    @pl.loop(0, K)
    def _zrow(r):
        zero16 = jnp.zeros((16,), jnp.float32)
        for j in range(HF // 16):
            rows[r, pl.ds(j * 16, 16)] = zero16

    @pl.loop(0, RT // K)
    def _zcp(t):
        pltpu.sync_copy(rows, acc.at[pl.ds(s * RT + t * K, K), :])

    plsc.subcore_barrier()

    pltpu.sync_copy(src3.at[s], srcb)
    pltpu.sync_copy(dst3.at[s], dstb)

    coff = jnp.full((16,), c, jnp.int32)

    @pl.loop(0, CH)
    def _chunk(i):
        for j in range(K // 16):
            v = srcb[i, pl.ds(j * 16, 16)]
            idxg[pl.ds(j * 16, 16)] = v + v + coff
        pltpu.async_copy(hview.at[idxg], rows, sem).wait()
        pltpu.sync_copy(rows, acc.at[dstb.at[i]], add=True)

    plsc.subcore_barrier()
    pltpu.sync_copy(acc.at[pl.ds(s * RT, RT), :],
                    aggh_out.at[c, pl.ds(s * RT, RT), :])


def _sc_e_body(dst3b, efp, agge_out,
               acc, dstb2, pefb, rows128, sem0, sem1):
    c = lax.axis_index("c")
    s = lax.axis_index("s")
    w = c * NS + s
    sems = (sem0, sem1)

    @pl.loop(0, K2)
    def _zrow(r):
        zero16 = jnp.zeros((16,), jnp.float32)
        for j in range(HF // 16):
            rows128[r, pl.ds(j * 16, 16)] = zero16

    @pl.loop(0, RT // K2)
    def _zcp(t):
        pltpu.sync_copy(rows128, acc.at[pl.ds(s * RT + t * K2, K2), :])

    one_hot = jnp.where(lax.iota(jnp.int32, 16) == 0,
                        jnp.float32(1), jnp.float32(0))

    @pl.loop(0, K2)
    def _ones(r):
        rows128[r, pl.ds(EDGE_DIM, 16)] = one_hot

    plsc.subcore_barrier()

    pltpu.sync_copy(dst3b.at[w], dstb2)
    PR = K2 // 8
    base = w * (EPW2 // 8)
    pltpu.async_copy(efp.at[pl.ds(base, PR), :], pefb.at[0], sem0)
    pltpu.async_copy(efp.at[pl.ds(base + PR, PR), :], pefb.at[1], sem1)

    @pl.loop(0, CH2, step=2)
    def _chunk2(i):
        for b in range(2):
            ii = i + b
            pltpu.make_async_copy(efp.at[pl.ds(base + ii * PR, PR), :],
                                  pefb.at[b], sems[b]).wait()
            for e in range(K2):
                rows128[e, pl.ds(0, 16)] = pefb[b, e // 8,
                                                pl.ds((e % 8) * 16, 16)]

            @pl.when(ii + 2 < CH2)
            def _(ii=ii, b=b):
                pltpu.async_copy(efp.at[pl.ds(base + (ii + 2) * PR, PR), :],
                                 pefb.at[b], sems[b])

            pltpu.sync_copy(rows128, acc.at[dstb2.at[ii]], add=True)

    plsc.subcore_barrier()
    pltpu.sync_copy(acc.at[pl.ds(s * RT, RT), :],
                    agge_out.at[c, pl.ds(s * RT, RT), :])


@jax.jit
def _sc_aggregate(hview, src3, dst3, dst3b, efp):
    mesh = plsc.VectorSubcoreMesh(core_axis_name="c", subcore_axis_name="s")
    aggh = pl.kernel(
        _sc_h_body,
        out_type=jax.ShapeDtypeStruct((NC, NP, HF), jnp.float32),
        mesh=mesh,
        scratch_types=(
            pltpu.VMEM_SHARED((NP, HF), jnp.float32),
            pltpu.VMEM((CH, K), jnp.int32),
            pltpu.VMEM((CH, K), jnp.int32),
            pltpu.VMEM((K,), jnp.int32),
            pltpu.VMEM((K, HF), jnp.float32),
            pltpu.SemaphoreType.DMA,
        ),
    )(hview, src3, dst3)
    agge = pl.kernel(
        _sc_e_body,
        out_type=jax.ShapeDtypeStruct((NC, NP, HF), jnp.float32),
        mesh=mesh,
        scratch_types=(
            pltpu.VMEM_SHARED((NP, HF), jnp.float32),
            pltpu.VMEM((CH2, K2), jnp.int32),
            pltpu.VMEM((2, K2 // 8, HF), jnp.float32),
            pltpu.VMEM((K2, HF), jnp.float32),
            pltpu.SemaphoreType.DMA,
            pltpu.SemaphoreType.DMA,
        ),
    )(dst3b, efp)
    return aggh, agge


def _tc_body(aggh_ref, agge_ref, w_ref, we_ref, b_ref, o_ref):
    a0 = aggh_ref[0]
    a1 = aggh_ref[1]
    e = agge_ref[0] + agge_ref[1]
    ef = e[:, :EDGE_DIM]
    deg = e[:, EDGE_DIM:EDGE_DIM + 1]
    wew = jnp.dot(we_ref[...], w_ref[...], preferred_element_type=jnp.float32)
    out = jnp.dot(a0, w_ref[:HF, :], preferred_element_type=jnp.float32)
    out += jnp.dot(a1, w_ref[HF:, :], preferred_element_type=jnp.float32)
    out += jnp.dot(ef, wew, preferred_element_type=jnp.float32)
    norm = lax.rsqrt(jnp.maximum(deg, 1.0))
    o_ref[...] = out * norm + b_ref[...]


@jax.jit
def _tc_finish(aggh, agge, weight, weight_edge, bias2d):
    blk = 1000
    return pl.pallas_call(
        _tc_body,
        grid=(N // blk,),
        in_specs=[
            pl.BlockSpec((NC, blk, HF), lambda i: (0, i, 0)),
            pl.BlockSpec((NC, blk, HF), lambda i: (0, i, 0)),
            pl.BlockSpec((F, F), lambda i: (0, 0)),
            pl.BlockSpec((EDGE_DIM, F), lambda i: (0, 0)),
            pl.BlockSpec((1, F), lambda i: (0, 0)),
        ],
        out_specs=pl.BlockSpec((blk, F), lambda i: (i, 0)),
        out_shape=jax.ShapeDtypeStruct((N, F), jnp.float32),
    )(aggh, agge, weight, weight_edge, bias2d)


def kernel(h, edge_index, edge_feat, weight, weight_edge, bias):
    hview = h.reshape(2 * N, HF)
    src3 = edge_index[0].reshape(NS, CH, K)
    dst3 = edge_index[1].reshape(NS, CH, K)
    efp = jnp.concatenate(
        [edge_feat,
         jnp.zeros((E2 - E, EDGE_DIM), jnp.float32)]).reshape(E2 // 8, HF)
    dst3b = jnp.concatenate(
        [edge_index[1],
         jnp.full((E2 - E,), N, jnp.int32)]).reshape(NC * NS, CH2, K2)

    aggh, agge = _sc_aggregate(hview, src3, dst3, dst3b, efp)
    return _tc_finish(aggh, agge, weight, weight_edge, bias.reshape(1, F))

# --- scband reference (transcript-rebuilt; emitter-appended) ---
"""Pipeline reference for scband-gcnlayer-46471546142775 (READ-ONLY COPY).

The authoritative reference and input builder live on the scoring server;
editing this copy changes nothing except your own understanding.
"""

import jax, jax.numpy as jnp
import numpy as np

N = 10000
E = 160000
IN_FEATS = 256
OUT_FEATS = 256
EDGE_DIM = 16


def setup_inputs(seed: int = 0) -> dict:
    key = jax.random.key(seed)
    k1, k2, k3, k4, k5, k6 = jax.random.split(key, 6)
    stdv = 1.0 / np.sqrt(OUT_FEATS)
    h = jax.random.normal(k1, (N, IN_FEATS), dtype=jnp.float32)
    edge_index = jax.random.randint(k2, (2, E), 0, N, dtype=jnp.int32)
    edge_feat = jax.random.normal(k3, (E, EDGE_DIM), dtype=jnp.float32)
    weight = jax.random.uniform(k4, (IN_FEATS, OUT_FEATS), dtype=jnp.float32, minval=-stdv, maxval=stdv)
    weight_edge = jax.random.uniform(k5, (EDGE_DIM, IN_FEATS), dtype=jnp.float32, minval=-stdv, maxval=stdv)
    bias = jax.random.uniform(k6, (OUT_FEATS,), dtype=jnp.float32, minval=-stdv, maxval=stdv)
    return {"h": h, "edge_index": edge_index, "edge_feat": edge_feat, "weight": weight, "weight_edge": weight_edge, "bias": bias}


def reference(h, edge_index, edge_feat, weight, weight_edge, bias):
    # dropout=0.0 -> no-op; activation=None -> identity; norm='both'
    src = edge_index[0]
    dst = edge_index[1]
    # eh = edge_feat @ weight_edge  (per-edge transform to in_feats)
    eh = jnp.dot(edge_feat, weight_edge)
    # message: m = eh + h[src]
    m = eh + jnp.take(h, src, axis=0)
    # sum-aggregate messages by destination node
    agg = jax.ops.segment_sum(m, dst, num_segments=N)
    # node transform
    out = jnp.dot(agg, weight)
    # symmetric-ish norm: degs^{-1/2} on destination in-degrees, clamped at 1
    degs = jnp.maximum(jnp.bincount(dst, length=N).astype(jnp.float32), 1.0)
    norm = jnp.power(degs, -0.5)
    out = out * norm[:, None]
    out = out + bias
    return out

if __name__ == "__main__":
    import jax
    _d = setup_inputs()
    print(jax.jit(kernel)(*tuple(_d.values())))

</pallas_src>

<mosaic_0001>
#map = affine_map<(d0, d1) -> (0, 0)>
#map1 = affine_map<(d0, d1) -> (0, 0, 0)>
module attributes {stable_mosaic.version = 14 : i64} {
  func.func @_sc_h_body(%arg0: i32, %arg1: i32, %arg2: memref<20000x128xf32, #tpu.memory_space<hbm>>, %arg3: memref<16x125x80xi32, #tpu.memory_space<hbm>>, %arg4: memref<16x125x80xi32, #tpu.memory_space<hbm>>, %arg5: memref<2x10240x128xf32, #tpu.memory_space<hbm>>, %arg6: memref<10240x128xf32, #tpu.memory_space<vmem_shared>>, %arg7: memref<125x80xi32, #tpu.memory_space<vmem>>, %arg8: memref<125x80xi32, #tpu.memory_space<vmem>>, %arg9: memref<80xi32, #tpu.memory_space<vmem>>, %arg10: memref<80x128xf32, #tpu.memory_space<vmem>>, %arg11: memref<!tpu.dma_semaphore, #tpu.memory_space<semaphore_mem>>) attributes {dimension_semantics = [#tpu.dimension_semantics<core_parallel>, #tpu.dimension_semantics<subcore_parallel>], iteration_bounds = array<i64: 2, 16>, scalar_prefetch = 0 : i64, scratch_operands = 6 : i64, tpu.core_type = #tpu.core_type<sc_vector_subcore>, window_params = [{transform_indices = #map}, {transform_indices = #map1}, {transform_indices = #map1}, {transform_indices = #map1}]} {
    %scan3A = arith.constant 0 : i32
    %scan3A_0 = arith.constant 80 : i32
    %scan3A_1 = arith.addi %scan3A, %scan3A_0 : i32
    %scan3A_2 = arith.constant 1 : i32
    scf.for %scan3A_18 = %scan3A to %scan3A_1 step %scan3A_2  : i32 {
      %mul3A_19 = arith.constant 1 : i32
      %mul3A_20 = arith.muli %scan3A_18, %mul3A_19 : i32
      %add3A = arith.constant 0 : i32
      %add3A_21 = arith.addi %add3A, %mul3A_20 : i32
      %broadcast_in_dim3A_22 = arith.constant 0.000000e+00 : f32
      %broadcast_in_dim3A_23 = vector.broadcast %broadcast_in_dim3A_22 : f32 to vector<16xf32>
      %swap3A = arith.index_cast %add3A_21 : i32 to index
      %swap3A_24 = arith.constant 0 : index
      %swap3A_25 = tpu.vector_load %arg10[%swap3A, %swap3A_24] {strides = array<i32>} : memref<80x128xf32, #tpu.memory_space<vmem>>, vector<1x16xf32>,
      %swap3A_26 = vector.shape_cast %swap3A_25 : vector<1x16xf32> to vector<16xf32>
      %swap3A_27 = vector.shape_cast %broadcast_in_dim3A_23 : vector<16xf32> to vector<1x16xf32>
      tpu.vector_store %arg10[%swap3A, %swap3A_24], %swap3A_27 {strides = array<i32>} : memref<80x128xf32, #tpu.memory_space<vmem>>, vector<1x16xf32>,
      %swap3A_28 = arith.index_cast %add3A_21 : i32 to index
      %swap3A_29 = arith.constant 16 : index
      %swap3A_30 = tpu.vector_load %arg10[%swap3A_28, %swap3A_29] {strides = array<i32>} : memref<80x128xf32, #tpu.memory_space<vmem>>, vector<1x16xf32>,
      %swap3A_31 = vector.shape_cast %swap3A_30 : vector<1x16xf32> to vector<16xf32>
      %swap3A_32 = vector.shape_cast %broadcast_in_dim3A_23 : vector<16xf32> to vector<1x16xf32>
      tpu.vector_store %arg10[%swap3A_28, %swap3A_29], %swap3A_32 {strides = array<i32>} : memref<80x128xf32, #tpu.memory_space<vmem>>, vector<1x16xf32>,
      %swap3A_33 = arith.index_cast %add3A_21 : i32 to index
      %swap3A_34 = arith.constant 32 : index
      %swap3A_35 = tpu.vector_load %arg10[%swap3A_33, %swap3A_34] {strides = array<i32>} : memref<80x128xf32, #tpu.memory_space<vmem>>, vector<1x16xf32>,
      %swap3A_36 = vector.shape_cast %swap3A_35 : vector<1x16xf32> to vector<16xf32>
      %swap3A_37 = vector.shape_cast %broadcast_in_dim3A_23 : vector<16xf32> to vector<1x16xf32>
      tpu.vector_store %arg10[%swap3A_33, %swap3A_34], %swap3A_37 {strides = array<i32>} : memref<80x128xf32, #tpu.memory_space<vmem>>, vector<1x16xf32>,
      %swap3A_38 = arith.index_cast %add3A_21 : i32 to index
      %swap3A_39 = arith.constant 48 : index
      %swap3A_40 = tpu.vector_load %arg10[%swap3A_38, %swap3A_39] {strides = array<i32>} : memref<80x128xf32, #tpu.memory_space<vmem>>, vector<1x16xf32>,
      %swap3A_41 = vector.shape_cast %swap3A_40 : vector<1x16xf32> to vector<16xf32>
      %swap3A_42 = vector.shape_cast %broadcast_in_dim3A_23 : vector<16xf32> to vector<1x16xf32>
      tpu.vector_store %arg10[%swap3A_38, %swap3A_39], %swap3A_42 {strides = array<i32>} : memref<80x128xf32, #tpu.memory_space<vmem>>, vector<1x16xf32>,
      %swap3A_43 = arith.index_cast %add3A_21 : i32 to index
      %swap3A_44 = arith.constant 64 : index
      %swap3A_45 = tpu.vector_load %arg10[%swap3A_43, %swap3A_44] {strides = array<i32>} : memref<80x128xf32, #tpu.memory_space<vmem>>, vector<1x16xf32>,
      %swap3A_46 = vector.shape_cast %swap3A_45 : vector<1x16xf32> to vector<16xf32>
      %swap3A_47 = vector.shape_cast %broadcast_in_dim3A_23 : vector<16xf32> to vector<1x16xf32>
      tpu.vector_store %arg10[%swap3A_43, %swap3A_44], %swap3A_47 {strides = array<i32>} : memref<80x128xf32, #tpu.memory_space<vmem>>, vector<1x16xf32>,
      %swap3A_48 = arith.index_cast %add3A_21 : i32 to index
      %swap3A_49 = arith.constant 80 : index
      %swap3A_50 = tpu.vector_load %arg10[%swap3A_48, %swap3A_49] {strides = array<i32>} : memref<80x128xf32, #tpu.memory_space<vmem>>, vector<1x16xf32>,
      %swap3A_51 = vector.shape_cast %swap3A_50 : vector<1x16xf32> to vector<16xf32>
      %swap3A_52 = vector.shape_cast %broadcast_in_dim3A_23 : vector<16xf32> to vector<1x16xf32>
      tpu.vector_store %arg10[%swap3A_48, %swap3A_49], %swap3A_52 {strides = array<i32>} : memref<80x128xf32, #tpu.memory_space<vmem>>, vector<1x16xf32>,
      %swap3A_53 = arith.index_cast %add3A_21 : i32 to index
      %swap3A_54 = arith.constant 96 : index
      %swap3A_55 = tpu.vector_load %arg10[%swap3A_53, %swap3A_54] {strides = array<i32>} : memref<80x128xf32, #tpu.memory_space<vmem>>, vector<1x16xf32>,
      %swap3A_56 = vector.shape_cast %swap3A_55 : vector<1x16xf32> to vector<16xf32>
      %swap3A_57 = vector.shape_cast %broadcast_in_dim3A_23 : vector<16xf32> to vector<1x16xf32>
      tpu.vector_store %arg10[%swap3A_53, %swap3A_54], %swap3A_57 {strides = array<i32>} : memref<80x128xf32, #tpu.memory_space<vmem>>, vector<1x16xf32>,
      %swap3A_58 = arith.index_cast %add3A_21 : i32 to index
      %swap3A_59 = arith.constant 112 : index
      %swap3A_60 = tpu.vector_load %arg10[%swap3A_58, %swap3A_59] {strides = array<i32>} : memref<80x128xf32, #tpu.memory_space<vmem>>, vector<1x16xf32>,
      %swap3A_61 = vector.shape_cast %swap3A_60 : vector<1x16xf32> to vector<16xf32>
      %swap3A_62 = vector.shape_cast %broadcast_in_dim3A_23 : vector<16xf32> to vector<1x16xf32>
      tpu.vector_store %arg10[%swap3A_58, %swap3A_59], %swap3A_62 {strides = array<i32>} : memref<80x128xf32, #tpu.memory_space<vmem>>, vector<1x16xf32>,
    }
    %scan3A_3 = arith.constant 80 : i32
    %scan3A_4 = arith.constant 0 : i32
    %scan3A_5 = arith.constant 8 : i32
    %scan3A_6 = arith.addi %scan3A_4, %scan3A_5 : i32
    %scan3A_7 = arith.constant 1 : i32
    scf.for %scan3A_18 = %scan3A_4 to %scan3A_6 step %scan3A_7  : i32 {
      %mul3A_19 = arith.constant 1 : i32
      %mul3A_20 = arith.muli %scan3A_18, %mul3A_19 : i32
      %add3A = arith.constant 0 : i32
      %add3A_21 = arith.addi %add3A, %mul3A_20 : i32
      %mul3A_22 = arith.constant 640 : i32
      %mul3A_23 = arith.muli %arg1, %mul3A_22 : i32
      %mul3A_24 = arith.constant 80 : i32
      %mul3A_25 = arith.muli %add3A_21, %mul3A_24 : i32
      %add3A_26 = arith.addi %mul3A_23, %mul3A_25 : i32
      "tpu.region"() ({
        %run_scoped3A = tpu.sem_alloc : memref<!tpu.dma_semaphore, #tpu.memory_space<semaphore_mem>>
        %dma_start3A = arith.constant 0 : i32
        %dma_start3A_27 = tpu.memref_slice %arg6[%add3A_26, %dma_start3A] : memref<10240x128xf32, #tpu.memory_space<vmem_shared>> -> memref<80x128xf32, #tpu.memory_space<vmem_shared>>
        %dma_start3A_28 = arith.constant 0 : i32
        %dma_start3A_29 = tpu.memref_slice %arg6[%add3A_26, %dma_start3A_28] : memref<10240x128xf32, #tpu.memory_space<vmem_shared>> -> memref<80x128xf32, #tpu.memory_space<vmem_shared>>
        tpu.enqueue_dma source(%arg10 : memref<80x128xf32, #tpu.memory_space<vmem>>) target(%dma_start3A_29 : memref<80x128xf32, #tpu.memory_space<vmem_shared>>) target_semaphore(%run_scoped3A : memref<!tpu.dma_semaphore, #tpu.memory_space<semaphore_mem>>)
        %dma_wait3A = arith.constant 0 : i32
        %dma_wait3A_30 = tpu.memref_slice %arg6[%add3A_26, %dma_wait3A] : memref<10240x128xf32, #tpu.memory_space<vmem_shared>> -> memref<80x128xf32, #tpu.memory_space<vmem_shared>>
        %dma_wait3A_31 = arith.constant 0 : i32
        %dma_wait3A_32 = tpu.memref_slice %arg6[%add3A_26, %dma_wait3A_31] : memref<10240x128xf32, #tpu.memory_space<vmem_shared>> -> memref<80x128xf32, #tpu.memory_space<vmem_shared>>
        tpu.wait_dma2 semaphore(%run_scoped3A : memref<!tpu.dma_semaphore, #tpu.memory_space<semaphore_mem>>) src(%arg10 : memref<80x128xf32, #tpu.memory_space<vmem>>) dst(%dma_wait3A_32 : memref<80x128xf32, #tpu.memory_space<vmem_shared>>)
        tpu.yield
      }) : () -> ()
    }
    %scan3A_8 = arith.constant 8 : i32
    %barrier3A = arith.constant 0 : index
    tpu.barrier barrier_id(%barrier3A)
    "tpu.region"() ({
      %run_scoped3A = tpu.sem_alloc : memref<!tpu.dma_semaphore, #tpu.memory_space<semaphore_mem>>
      %dma_start3A = arith.constant 0 : i32
      %dma_start3A_18 = arith.constant 0 : i32
      %dma_start3A_19 = tpu.memref_slice %arg3[%arg1, %dma_start3A, %dma_start3A_18] : memref<16x125x80xi32, #tpu.memory_space<hbm>> -> memref<1x125x80xi32, #tpu.memory_space<hbm>>
      %dma_start3A_20 = tpu.memref_squeeze %dma_start3A_19 : memref<1x125x80xi32, #tpu.memory_space<hbm>> -> memref<125x80xi32, #tpu.memory_space<hbm>>
      %dma_start3A_21 = arith.constant 0 : i32
      %dma_start3A_22 = arith.constant 0 : i32
      %dma_start3A_23 = tpu.memref_slice %arg3[%arg1, %dma_start3A_21, %dma_start3A_22] : memref<16x125x80xi32, #tpu.memory_space<hbm>> -> memref<1x125x80xi32, #tpu.memory_space<hbm>>
      %dma_start3A_24 = tpu.memref_squeeze %dma_start3A_23 : memref<1x125x80xi32, #tpu.memory_space<hbm>> -> memref<125x80xi32, #tpu.memory_space<hbm>>
      tpu.enqueue_dma source(%dma_start3A_24 : memref<125x80xi32, #tpu.memory_space<hbm>>) target(%arg7 : memref<125x80xi32, #tpu.memory_space<vmem>>) target_semaphore(%run_scoped3A : memref<!tpu.dma_semaphore, #tpu.memory_space<semaphore_mem>>)
      %dma_wait3A = arith.constant 0 : i32
      %dma_wait3A_25 = arith.constant 0 : i32
      %dma_wait3A_26 = tpu.memref_slice %arg3[%arg1, %dma_wait3A, %dma_wait3A_25] : memref<16x125x80xi32, #tpu.memory_space<hbm>> -> memref<1x125x80xi32, #tpu.memory_space<hbm>>
      %dma_wait3A_27 = tpu.memref_squeeze %dma_wait3A_26 : memref<1x125x80xi32, #tpu.memory_space<hbm>> -> memref<125x80xi32, #tpu.memory_space<hbm>>
      %dma_wait3A_28 = arith.constant 0 : i32
      %dma_wait3A_29 = arith.constant 0 : i32
      %dma_wait3A_30 = tpu.memref_slice %arg3[%arg1, %dma_wait3A_28, %dma_wait3A_29] : memref<16x125x80xi32, #tpu.memory_space<hbm>> -> memref<1x125x80xi32, #tpu.memory_space<hbm>>
      %dma_wait3A_31 = tpu.memref_squeeze %dma_wait3A_30 : memref<1x125x80xi32, #tpu.memory_space<hbm>> -> memref<125x80xi32, #tpu.memory_space<hbm>>
      tpu.wait_dma2 semaphore(%run_scoped3A : memref<!tpu.dma_semaphore, #tpu.memory_space<semaphore_mem>>) src(%dma_wait3A_31 : memref<125x80xi32, #tpu.memory_space<hbm>>) dst(%arg7 : memref<125x80xi32, #tpu.memory_space<vmem>>)
      tpu.yield
    }) : () -> ()
    "tpu.region"() ({
      %run_scoped3A = tpu.sem_alloc : memref<!tpu.dma_semaphore, #tpu.memory_space<semaphore_mem>>
      %dma_start3A = arith.constant 0 : i32
      %dma_start3A_18 = arith.constant 0 : i32
      %dma_start3A_19 = tpu.memref_slice %arg4[%arg1, %dma_start3A, %dma_start3A_18] : memref<16x125x80xi32, #tpu.memory_space<hbm>> -> memref<1x125x80xi32, #tpu.memory_space<hbm>>
      %dma_start3A_20 = tpu.memref_squeeze %dma_start3A_19 : memref<1x125x80xi32, #tpu.memory_space<hbm>> -> memref<125x80xi32, #tpu.memory_space<hbm>>
      %dma_start3A_21 = arith.constant 0 : i32
      %dma_start3A_22 = arith.constant 0 : i32
      %dma_start3A_23 = tpu.memref_slice %arg4[%arg1, %dma_start3A_21, %dma_start3A_22] : memref<16x125x80xi32, #tpu.memory_space<hbm>> -> memref<1x125x80xi32, #tpu.memory_space<hbm>>
      %dma_start3A_24 = tpu.memref_squeeze %dma_start3A_23 : memref<1x125x80xi32, #tpu.memory_space<hbm>> -> memref<125x80xi32, #tpu.memory_space<hbm>>
      tpu.enqueue_dma source(%dma_start3A_24 : memref<125x80xi32, #tpu.memory_space<hbm>>) target(%arg8 : memref<125x80xi32, #tpu.memory_space<vmem>>) target_semaphore(%run_scoped3A : memref<!tpu.dma_semaphore, #tpu.memory_space<semaphore_mem>>)
      %dma_wait3A = arith.constant 0 : i32
      %dma_wait3A_25 = arith.constant 0 : i32
      %dma_wait3A_26 = tpu.memref_slice %arg4[%arg1, %dma_wait3A, %dma_wait3A_25] : memref<16x125x80xi32, #tpu.memory_space<hbm>> -> memref<1x125x80xi32, #tpu.memory_space<hbm>>
      %dma_wait3A_27 = tpu.memref_squeeze %dma_wait3A_26 : memref<1x125x80xi32, #tpu.memory_space<hbm>> -> memref<125x80xi32, #tpu.memory_space<hbm>>
      %dma_wait3A_28 = arith.constant 0 : i32
      %dma_wait3A_29 = arith.constant 0 : i32
      %dma_wait3A_30 = tpu.memref_slice %arg4[%arg1, %dma_wait3A_28, %dma_wait3A_29] : memref<16x125x80xi32, #tpu.memory_space<hbm>> -> memref<1x125x80xi32, #tpu.memory_space<hbm>>
      %dma_wait3A_31 = tpu.memref_squeeze %dma_wait3A_30 : memref<1x125x80xi32, #tpu.memory_space<hbm>> -> memref<125x80xi32, #tpu.memory_space<hbm>>
      tpu.wait_dma2 semaphore(%run_scoped3A : memref<!tpu.dma_semaphore, #tpu.memory_space<semaphore_mem>>) src(%dma_wait3A_31 : memref<125x80xi32, #tpu.memory_space<hbm>>) dst(%arg8 : memref<125x80xi32, #tpu.memory_space<vmem>>)
      tpu.yield
    }) : () -> ()
    %broadcast_in_dim3A = vector.broadcast %arg0 : i32 to vector<16xi32>
    %scan3A_9 = arith.constant 0 : i32
    %scan3A_10 = arith.constant 125 : i32
    %scan3A_11 = arith.addi %scan3A_9, %scan3A_10 : i32
    %scan3A_12 = arith.constant 1 : i32
    scf.for %scan3A_18 = %scan3A_9 to %scan3A_11 step %scan3A_12  : i32 {
      %mul3A_19 = arith.constant 1 : i32
      %mul3A_20 = arith.muli %scan3A_18, %mul3A_19 : i32
      %add3A = arith.constant 0 : i32
      %add3A_21 = arith.addi %add3A, %mul3A_20 : i32
      %get3A = arith.index_cast %add3A_21 : i32 to index
      %get3A_22 = arith.constant 0 : index
      %get3A_23 = tpu.vector_load %arg7[%get3A, %get3A_22] {strides = array<i32>} : memref<125x80xi32, #tpu.memory_space<vmem>>, vector<1x16xi32>,
      %get3A_24 = vector.shape_cast %get3A_23 : vector<1x16xi32> to vector<16xi32>
      %add3A_25 = arith.addi %get3A_24, %get3A_24 : vector<16xi32>
      %add3A_26 = arith.addi %add3A_25, %broadcast_in_dim3A : vector<16xi32>
      %swap3A = arith.constant 0 : index
      %swap3A_27 = tpu.vector_load %arg9[%swap3A] {strides = array<i32>} : memref<80xi32, #tpu.memory_space<vmem>>, vector<16xi32>,
      %swap3A_28 = vector.shape_cast %swap3A_27 : vector<16xi32> to vector<16xi32>
      %swap3A_29 = vector.shape_cast %add3A_26 : vector<16xi32> to vector<16xi32>
      tpu.vector_store %arg9[%swap3A], %swap3A_29 {strides = array<i32>} : memref<80xi32, #tpu.memory_space<vmem>>, vector<16xi32>,
      %get3A_30 = arith.index_cast %add3A_21 : i32 to index
      %get3A_31 = arith.constant 16 : index
      %get3A_32 = tpu.vector_load %arg7[%get3A_30, %get3A_31] {strides = array<i32>} : memref<125x80xi32, #tpu.memory_space<vmem>>, vector<1x16xi32>,
      %get3A_33 = vector.shape_cast %get3A_32 : vector<1x16xi32> to vector<16xi32>
      %add3A_34 = arith.addi %get3A_33, %get3A_33 : vector<16xi32>
      %add3A_35 = arith.addi %add3A_34, %broadcast_in_dim3A : vector<16xi32>
      %swap3A_36 = arith.constant 16 : index
      %swap3A_37 = tpu.vector_load %arg9[%swap3A_36] {strides = array<i32>} : memref<80xi32, #tpu.memory_space<vmem>>, vector<16xi32>,
      %swap3A_38 = vector.shape_cast %swap3A_37 : vector<16xi32> to vector<16xi32>
      %swap3A_39 = vector.shape_cast %add3A_35 : vector<16xi32> to vector<16xi32>
      tpu.vector_store %arg9[%swap3A_36], %swap3A_39 {strides = array<i32>} : memref<80xi32, #tpu.memory_space<vmem>>, vector<16xi32>,
      %get3A_40 = arith.index_cast %add3A_21 : i32 to index
      %get3A_41 = arith.constant 32 : index
      %get3A_42 = tpu.vector_load %arg7[%get3A_40, %get3A_41] {strides = array<i32>} : memref<125x80xi32, #tpu.memory_space<vmem>>, vector<1x16xi32>,
      %get3A_43 = vector.shape_cast %get3A_42 : vector<1x16xi32> to vector<16xi32>
      %add3A_44 = arith.addi %get3A_43, %get3A_43 : vector<16xi32>
      %add3A_45 = arith.addi %add3A_44, %broadcast_in_dim3A : vector<16xi32>
      %swap3A_46 = arith.constant 32 : index
      %swap3A_47 = tpu.vector_load %arg9[%swap3A_46] {strides = array<i32>} : memref<80xi32, #tpu.memory_space<vmem>>, vector<16xi32>,
      %swap3A_48 = vector.shape_cast %swap3A_47 : vector<16xi32> to vector<16xi32>
      %swap3A_49 = vector.shape_cast %add3A_45 : vector<16xi32> to vector<16xi32>
      tpu.vector_store %arg9[%swap3A_46], %swap3A_49 {strides = array<i32>} : memref<80xi32, #tpu.memory_space<vmem>>, vector<16xi32>,
      %get3A_50 = arith.index_cast %add3A_21 : i32 to index
      %get3A_51 = arith.constant 48 : index
      %get3A_52 = tpu.vector_load %arg7[%get3A_50, %get3A_51] {strides = array<i32>} : memref<125x80xi32, #tpu.memory_space<vmem>>, vector<1x16xi32>,
      %get3A_53 = vector.shape_cast %get3A_52 : vector<1x16xi32> to vector<16xi32>
      %add3A_54 = arith.addi %get3A_53, %get3A_53 : vector<16xi32>
      %add3A_55 = arith.addi %add3A_54, %broadcast_in_dim3A : vector<16xi32>
      %swap3A_56 = arith.constant 48 : index
      %swap3A_57 = tpu.vector_load %arg9[%swap3A_56] {strides = array<i32>} : memref<80xi32, #tpu.memory_space<vmem>>, vector<16xi32>,
      %swap3A_58 = vector.shape_cast %swap3A_57 : vector<16xi32> to vector<16xi32>
      %swap3A_59 = vector.shape_cast %add3A_55 : vector<16xi32> to vector<16xi32>
      tpu.vector_store %arg9[%swap3A_56], %swap3A_59 {strides = array<i32>} : memref<80xi32, #tpu.memory_space<vmem>>, vector<16xi32>,
      %get3A_60 = arith.index_cast %add3A_21 : i32 to index
      %get3A_61 = arith.constant 64 : index
      %get3A_62 = tpu.vector_load %arg7[%get3A_60, %get3A_61] {strides = array<i32>} : memref<125x80xi32, #tpu.memory_space<vmem>>, vector<1x16xi32>,
      %get3A_63 = vector.shape_cast %get3A_62 : vector<1x16xi32> to vector<16xi32>
      %add3A_64 = arith.addi %get3A_63, %get3A_63 : vector<16xi32>
      %add3A_65 = arith.addi %add3A_64, %broadcast_in_dim3A : vector<16xi32>
      %swap3A_66 = arith.constant 64 : index
      %swap3A_67 = tpu.vector_load %arg9[%swap3A_66] {strides = array<i32>} : memref<80xi32, #tpu.memory_space<vmem>>, vector<16xi32>,
      %swap3A_68 = vector.shape_cast %swap3A_67 : vector<16xi32> to vector<16xi32>
      %swap3A_69 = vector.shape_cast %add3A_65 : vector<16xi32> to vector<16xi32>
      tpu.vector_store %arg9[%swap3A_66], %swap3A_69 {strides = array<i32>} : memref<80xi32, #tpu.memory_space<vmem>>, vector<16xi32>,
      %dma_start3A = arith.constant 0 : i32
      %dma_start3A_70 = arith.constant 0 : i32
      %dma_start3A_71 = tpu.memref_slice %arg2[%dma_start3A, %dma_start3A_70] : memref<20000x128xf32, #tpu.memory_space<hbm>> -> memref<20000x128xf32, #tpu.memory_space<hbm>>
      tpu.enqueue_indirect_dma source(%dma_start3A_71 : memref<20000x128xf32, #tpu.memory_space<hbm>>) target(%arg10 : memref<80x128xf32, #tpu.memory_space<vmem>>) offsets(%arg9 : memref<80xi32, #tpu.memory_space<vmem>>) semaphore(%arg11 : memref<!tpu.dma_semaphore, #tpu.memory_space<semaphore_mem>>)
      %dma_wait3A = arith.constant 0 : i32
      %dma_wait3A_72 = arith.constant 0 : i32
      %dma_wait3A_73 = tpu.memref_slice %arg2[%dma_wait3A, %dma_wait3A_72] : memref<20000x128xf32, #tpu.memory_space<hbm>> -> memref<20000x128xf32, #tpu.memory_space<hbm>>
      tpu.wait_indirect_dma semaphore(%arg11 : memref<!tpu.dma_semaphore, #tpu.memory_space<semaphore_mem>>) src(%dma_wait3A_73 : memref<20000x128xf32, #tpu.memory_space<hbm>>) dst(%arg10 : memref<80x128xf32, #tpu.memory_space<vmem>>)
      "tpu.region"() ({
        %run_scoped3A = tpu.sem_alloc : memref<!tpu.dma_semaphore, #tpu.memory_space<semaphore_mem>>
        %dma_start3A_74 = arith.constant 0 : i32
        %dma_start3A_75 = tpu.memref_slice %arg8[%add3A_21, %dma_start3A_74] : memref<125x80xi32, #tpu.memory_space<vmem>> -> memref<1x80xi32, #tpu.memory_space<vmem>>
        %dma_start3A_76 = tpu.memref_squeeze %dma_start3A_75 : memref<1x80xi32, #tpu.memory_space<vmem>> -> memref<80xi32, #tpu.memory_space<vmem>>
        %dma_start3A_77 = arith.constant 0 : i32
        %dma_start3A_78 = arith.constant 0 : i32
        %dma_start3A_79 = tpu.memref_slice %arg6[%dma_start3A_77, %dma_start3A_78] : memref<10240x128xf32, #tpu.memory_space<vmem_shared>> -> memref<10240x128xf32, #tpu.memory_space<vmem_shared>>
        tpu.enqueue_indirect_dma source(%arg10 : memref<80x128xf32, #tpu.memory_space<vmem>>) target(%dma_start3A_79 : memref<10240x128xf32, #tpu.memory_space<vmem_shared>>) offsets(%dma_start3A_76 : memref<80xi32, #tpu.memory_space<vmem>>) semaphore(%run_scoped3A : memref<!tpu.dma_semaphore, #tpu.memory_space<semaphore_mem>>) {add = true}
        %dma_wait3A_80 = arith.constant 0 : i32
        %dma_wait3A_81 = tpu.memref_slice %arg8[%add3A_21, %dma_wait3A_80] : memref<125x80xi32, #tpu.memory_space<vmem>> -> memref<1x80xi32, #tpu.memory_space<vmem>>
        %dma_wait3A_82 = tpu.memref_squeeze %dma_wait3A_81 : memref<1x80xi32, #tpu.memory_space<vmem>> -> memref<80xi32, #tpu.memory_space<vmem>>
        %dma_wait3A_83 = arith.constant 0 : i32
        %dma_wait3A_84 = arith.constant 0 : i32
        %dma_wait3A_85 = tpu.memref_slice %arg6[%dma_wait3A_83, %dma_wait3A_84] : memref<10240x128xf32, #tpu.memory_space<vmem_shared>> -> memref<10240x128xf32, #tpu.memory_space<vmem_shared>>
        tpu.wait_indirect_dma semaphore(%run_scoped3A : memref<!tpu.dma_semaphore, #tpu.memory_space<semaphore_mem>>) src(%arg10 : memref<80x128xf32, #tpu.memory_space<vmem>>) dst(%dma_wait3A_85 : memref<10240x128xf32, #tpu.memory_space<vmem_shared>>)
        tpu.yield
      }) : () -> ()
    }
    %scan3A_13 = arith.constant 125 : i32
    %barrier3A_14 = arith.constant 0 : index
    tpu.barrier barrier_id(%barrier3A_14)
    %mul3A = arith.constant 640 : i32
    %mul3A_15 = arith.muli %arg1, %mul3A : i32
    %mul3A_16 = arith.constant 640 : i32
    %mul3A_17 = arith.muli %arg1, %mul3A_16 : i32
    "tpu.region"() ({
      %run_scoped3A = tpu.sem_alloc : memref<!tpu.dma_semaphore, #tpu.memory_space<semaphore_mem>>
      %dma_start3A = arith.constant 0 : i32
      %dma_start3A_18 = tpu.memref_slice %arg5[%arg0, %mul3A_17, %dma_start3A] : memref<2x10240x128xf32, #tpu.memory_space<hbm>> -> memref<1x640x128xf32, #tpu.memory_space<hbm>>
      %dma_start3A_19 = tpu.memref_squeeze %dma_start3A_18 : memref<1x640x128xf32, #tpu.memory_space<hbm>> -> memref<640x128xf32, #tpu.memory_space<hbm>>
      %dma_start3A_20 = arith.constant 0 : i32
      %dma_start3A_21 = tpu.memref_slice %arg6[%mul3A_15, %dma_start3A_20] : memref<10240x128xf32, #tpu.memory_space<vmem_shared>> -> memref<640x128xf32, #tpu.memory_space<vmem_shared>>
      tpu.enqueue_dma source(%dma_start3A_21 : memref<640x128xf32, #tpu.memory_space<vmem_shared>>) target(%dma_start3A_19 : memref<640x128xf32, #tpu.memory_space<hbm>>) target_semaphore(%run_scoped3A : memref<!tpu.dma_semaphore, #tpu.memory_space<semaphore_mem>>)
      %dma_wait3A = arith.constant 0 : i32
      %dma_wait3A_22 = tpu.memref_slice %arg5[%arg0, %mul3A_17, %dma_wait3A] : memref<2x10240x128xf32, #tpu.memory_space<hbm>> -> memref<1x640x128xf32, #tpu.memory_space<hbm>>
      %dma_wait3A_23 = tpu.memref_squeeze %dma_wait3A_22 : memref<1x640x128xf32, #tpu.memory_space<hbm>> -> memref<640x128xf32, #tpu.memory_space<hbm>>
      %dma_wait3A_24 = arith.constant 0 : i32
      %dma_wait3A_25 = tpu.memref_slice %arg6[%mul3A_15, %dma_wait3A_24] : memref<10240x128xf32, #tpu.memory_space<vmem_shared>> -> memref<640x128xf32, #tpu.memory_space<vmem_shared>>
      tpu.wait_dma2 semaphore(%run_scoped3A : memref<!tpu.dma_semaphore, #tpu.memory_space<semaphore_mem>>) src(%dma_wait3A_25 : memref<640x128xf32, #tpu.memory_space<vmem_shared>>) dst(%dma_wait3A_23 : memref<640x128xf32, #tpu.memory_space<hbm>>)
      tpu.yield
    }) : () -> ()
    return
  }
}

#map = affine_map<(d0, d1) -> (0, 0, 0)>
#map1 = affine_map<(d0, d1) -> (0, 0)>
module attributes {stable_mosaic.version = 14 : i64} {
  func.func @_sc_e_body(%arg0: i32, %arg1: i32, %arg2: memref<32x40x128xi32, #tpu.memory_space<hbm>>, %arg3: memref<20480x128xf32, #tpu.memory_space<hbm>>, %arg4: memref<2x10240x128xf32, #tpu.memory_space<hbm>>, %arg5: memref<10240x128xf32, #tpu.memory_space<vmem_shared>>, %arg6: memref<40x128xi32, #tpu.memory_space<vmem>>, %arg7: memref<2x16x128xf32, #tpu.memory_space<vmem>>, %arg8: memref<128x128xf32, #tpu.memory_space<vmem>>, %arg9: memref<!tpu.dma_semaphore, #tpu.memory_space<semaphore_mem>>, %arg10: memref<!tpu.dma_semaphore, #tpu.memory_space<semaphore_mem>>) attributes {dimension_semantics = [#tpu.dimension_semantics<core_parallel>, #tpu.dimension_semantics<subcore_parallel>], iteration_bounds = array<i64: 2, 16>, scalar_prefetch = 0 : i64, scratch_operands = 6 : i64, tpu.core_type = #tpu.core_type<sc_vector_subcore>, window_params = [{transform_indices = #map}, {transform_indices = #map1}, {transform_indices = #map}]} {
    %mul3A = arith.constant 16 : i32
    %mul3A_0 = arith.muli %arg0, %mul3A : i32
    %add3A = arith.addi %mul3A_0, %arg1 : i32
    %scan3A = arith.constant 0 : i32
    %scan3A_1 = arith.constant 128 : i32
    %scan3A_2 = arith.addi %scan3A, %scan3A_1 : i32
    %scan3A_3 = arith.constant 1 : i32
    scf.for %scan3A_58 = %scan3A to %scan3A_2 step %scan3A_3  : i32 {
      %mul3A_59 = arith.constant 1 : i32
      %mul3A_60 = arith.muli %scan3A_58, %mul3A_59 : i32
      %add3A_61 = arith.constant 0 : i32
      %add3A_62 = arith.addi %add3A_61, %mul3A_60 : i32
      %broadcast_in_dim3A_63 = arith.constant 0.000000e+00 : f32
      %broadcast_in_dim3A_64 = vector.broadcast %broadcast_in_dim3A_63 : f32 to vector<16xf32>
      %swap3A = arith.index_cast %add3A_62 : i32 to index
      %swap3A_65 = arith.constant 0 : index
      %swap3A_66 = tpu.vector_load %arg8[%swap3A, %swap3A_65] {strides = array<i32>} : memref<128x128xf32, #tpu.memory_space<vmem>>, vector<1x16xf32>,
      %swap3A_67 = vector.shape_cast %swap3A_66 : vector<1x16xf32> to vector<16xf32>
      %swap3A_68 = vector.shape_cast %broadcast_in_dim3A_64 : vector<16xf32> to vector<1x16xf32>
      tpu.vector_store %arg8[%swap3A, %swap3A_65], %swap3A_68 {strides = array<i32>} : memref<128x128xf32, #tpu.memory_space<vmem>>, vector<1x16xf32>,
      %swap3A_69 = arith.index_cast %add3A_62 : i32 to index
      %swap3A_70 = arith.constant 16 : index
      %swap3A_71 = tpu.vector_load %arg8[%swap3A_69, %swap3A_70] {strides = array<i32>} : memref<128x128xf32, #tpu.memory_space<vmem>>, vector<1x16xf32>,
      %swap3A_72 = vector.shape_cast %swap3A_71 : vector<1x16xf32> to vector<16xf32>
      %swap3A_73 = vector.shape_cast %broadcast_in_dim3A_64 : vector<16xf32> to vector<1x16xf32>
      tpu.vector_store %arg8[%swap3A_69, %swap3A_70], %swap3A_73 {strides = array<i32>} : memref<128x128xf32, #tpu.memory_space<vmem>>, vector<1x16xf32>,
      %swap3A_74 = arith.index_cast %add3A_62 : i32 to index
      %swap3A_75 = arith.constant 32 : index
      %swap3A_76 = tpu.vector_load %arg8[%swap3A_74, %swap3A_75] {strides = array<i32>} : memref<128x128xf32, #tpu.memory_space<vmem>>, vector<1x16xf32>,
      %swap3A_77 = vector.shape_cast %swap3A_76 : vector<1x16xf32> to vector<16xf32>
      %swap3A_78 = vector.shape_cast %broadcast_in_dim3A_64 : vector<16xf32> to vector<1x16xf32>
      tpu.vector_store %arg8[%swap3A_74, %swap3A_75], %swap3A_78 {strides = array<i32>} : memref<128x128xf32, #tpu.memory_space<vmem>>, vector<1x16xf32>,
      %swap3A_79 = arith.index_cast %add3A_62 : i32 to index
      %swap3A_80 = arith.constant 48 : index
      %swap3A_81 = tpu.vector_load %arg8[%swap3A_79, %swap3A_80] {strides = array<i32>} : memref<128x128xf32, #tpu.memory_space<vmem>>, vector<1x16xf32>,
      %swap3A_82 = vector.shape_cast %swap3A_81 : vector<1x16xf32> to vector<16xf32>
      %swap3A_83 = vector.shape_cast %broadcast_in_dim3A_64 : vector<16xf32> to vector<1x16xf32>
      tpu.vector_store %arg8[%swap3A_79, %swap3A_80], %swap3A_83 {strides = array<i32>} : memref<128x128xf32, #tpu.memory_space<vmem>>, vector<1x16xf32>,
      %swap3A_84 = arith.index_cast %add3A_62 : i32 to index
      %swap3A_85 = arith.constant 64 : index
      %swap3A_86 = tpu.vector_load %arg8[%swap3A_84, %swap3A_85] {strides = array<i32>} : memref<128x128xf32, #tpu.memory_space<vmem>>, vector<1x16xf32>,
      %swap3A_87 = vector.shape_cast %swap3A_86 : vector<1x16xf32> to vector<16xf32>
      %swap3A_88 = vector.shape_cast %broadcast_in_dim3A_64 : vector<16xf32> to vector<1x16xf32>
      tpu.vector_store %arg8[%swap3A_84, %swap3A_85], %swap3A_88 {strides = array<i32>} : memref<128x128xf32, #tpu.memory_space<vmem>>, vector<1x16xf32>,
      %swap3A_89 = arith.index_cast %add3A_62 : i32 to index
      %swap3A_90 = arith.constant 80 : index
      %swap3A_91 = tpu.vector_load %arg8[%swap3A_89, %swap3A_90] {strides = array<i32>} : memref<128x128xf32, #tpu.memory_space<vmem>>, vector<1x16xf32>,
      %swap3A_92 = vector.shape_cast %swap3A_91 : vector<1x16xf32> to vector<16xf32>
      %swap3A_93 = vector.shape_cast %broadcast_in_dim3A_64 : vector<16xf32> to vector<1x16xf32>
      tpu.vector_store %arg8[%swap3A_89, %swap3A_90], %swap3A_93 {strides = array<i32>} : memref<128x128xf32, #tpu.memory_space<vmem>>, vector<1x16xf32>,
      %swap3A_94 = arith.index_cast %add3A_62 : i32 to index
      %swap3A_95 = arith.constant 96 : index
      %swap3A_96 = tpu.vector_load %arg8[%swap3A_94, %swap3A_95] {strides = array<i32>} : memref<128x128xf32, #tpu.memory_space<vmem>>, vector<1x16xf32>,
      %swap3A_97 = vector.shape_cast %swap3A_96 : vector<1x16xf32> to vector<16xf32>
      %swap3A_98 = vector.shape_cast %broadcast_in_dim3A_64 : vector<16xf32> to vector<1x16xf32>
      tpu.vector_store %arg8[%swap3A_94, %swap3A_95], %swap3A_98 {strides = array<i32>} : memref<128x128xf32, #tpu.memory_space<vmem>>, vector<1x16xf32>,
      %swap3A_99 = arith.index_cast %add3A_62 : i32 to index
      %swap3A_100 = arith.constant 112 : index
      %swap3A_101 = tpu.vector_load %arg8[%swap3A_99, %swap3A_100] {strides = array<i32>} : memref<128x128xf32, #tpu.memory_space<vmem>>, vector<1x16xf32>,
      %swap3A_102 = vector.shape_cast %swap3A_101 : vector<1x16xf32> to vector<16xf32>
      %swap3A_103 = vector.shape_cast %broadcast_in_dim3A_64 : vector<16xf32> to vector<1x16xf32>
      tpu.vector_store %arg8[%swap3A_99, %swap3A_100], %swap3A_103 {strides = array<i32>} : memref<128x128xf32, #tpu.memory_space<vmem>>, vector<1x16xf32>,
    }
    %scan3A_4 = arith.constant 128 : i32
    %scan3A_5 = arith.constant 0 : i32
    %scan3A_6 = arith.constant 5 : i32
    %scan3A_7 = arith.addi %scan3A_5, %scan3A_6 : i32
    %scan3A_8 = arith.constant 1 : i32
    scf.for %scan3A_58 = %scan3A_5 to %scan3A_7 step %scan3A_8  : i32 {
      %mul3A_59 = arith.constant 1 : i32
      %mul3A_60 = arith.muli %scan3A_58, %mul3A_59 : i32
      %add3A_61 = arith.constant 0 : i32
      %add3A_62 = arith.addi %add3A_61, %mul3A_60 : i32
      %mul3A_63 = arith.constant 640 : i32
      %mul3A_64 = arith.muli %arg1, %mul3A_63 : i32
      %mul3A_65 = arith.constant 128 : i32
      %mul3A_66 = arith.muli %add3A_62, %mul3A_65 : i32
      %add3A_67 = arith.addi %mul3A_64, %mul3A_66 : i32
      "tpu.region"() ({
        %run_scoped3A = tpu.sem_alloc : memref<!tpu.dma_semaphore, #tpu.memory_space<semaphore_mem>>
        %dma_start3A_68 = arith.constant 0 : i32
        %dma_start3A_69 = tpu.memref_slice %arg5[%add3A_67, %dma_start3A_68] : memref<10240x128xf32, #tpu.memory_space<vmem_shared>> -> memref<128x128xf32, #tpu.memory_space<vmem_shared>>
        %dma_start3A_70 = arith.constant 0 : i32
        %dma_start3A_71 = tpu.memref_slice %arg5[%add3A_67, %dma_start3A_70] : memref<10240x128xf32, #tpu.memory_space<vmem_shared>> -> memref<128x128xf32, #tpu.memory_space<vmem_shared>>
        tpu.enqueue_dma source(%arg8 : memref<128x128xf32, #tpu.memory_space<vmem>>) target(%dma_start3A_71 : memref<128x128xf32, #tpu.memory_space<vmem_shared>>) target_semaphore(%run_scoped3A : memref<!tpu.dma_semaphore, #tpu.memory_space<semaphore_mem>>)
        %dma_wait3A = arith.constant 0 : i32
        %dma_wait3A_72 = tpu.memref_slice %arg5[%add3A_67, %dma_wait3A] : memref<10240x128xf32, #tpu.memory_space<vmem_shared>> -> memref<128x128xf32, #tpu.memory_space<vmem_shared>>
        %dma_wait3A_73 = arith.constant 0 : i32
        %dma_wait3A_74 = tpu.memref_slice %arg5[%add3A_67, %dma_wait3A_73] : memref<10240x128xf32, #tpu.memory_space<vmem_shared>> -> memref<128x128xf32, #tpu.memory_space<vmem_shared>>
        tpu.wait_dma2 semaphore(%run_scoped3A : memref<!tpu.dma_semaphore, #tpu.memory_space<semaphore_mem>>) src(%arg8 : memref<128x128xf32, #tpu.memory_space<vmem>>) dst(%dma_wait3A_74 : memref<128x128xf32, #tpu.memory_space<vmem_shared>>)
        tpu.yield
      }) : () -> ()
    }
    %scan3A_9 = arith.constant 5 : i32
    %iota3A = tpu.iota {dimensions = array<i32: 0>} : vector<16xi32>
    %eq3A = arith.constant 0 : i32
    %eq3A_10 = vector.broadcast %eq3A : i32 to vector<16xi32>
    %eq3A_11 = arith.cmpi eq, %iota3A, %eq3A_10 : vector<16xi32>
    %jit3A = arith.constant 1.000000e+00 : f32
    %jit3A_12 = arith.constant 0.000000e+00 : f32
    %broadcast_in_dim3A = vector.broadcast %jit3A : f32 to vector<16xf32>
    %broadcast_in_dim3A_13 = vector.broadcast %jit3A_12 : f32 to vector<16xf32>
    %select_n3A = arith.select %eq3A_11, %broadcast_in_dim3A, %broadcast_in_dim3A_13 : vector<16xi1>, vector<16xf32>
    %scan3A_14 = arith.constant 0 : i32
    %scan3A_15 = arith.constant 128 : i32
    %scan3A_16 = arith.addi %scan3A_14, %scan3A_15 : i32
    %scan3A_17 = arith.constant 1 : i32
    scf.for %scan3A_58 = %scan3A_14 to %scan3A_16 step %scan3A_17  : i32 {
      %mul3A_59 = arith.constant 1 : i32
      %mul3A_60 = arith.muli %scan3A_58, %mul3A_59 : i32
      %add3A_61 = arith.constant 0 : i32
      %add3A_62 = arith.addi %add3A_61, %mul3A_60 : i32
      %swap3A = arith.index_cast %add3A_62 : i32 to index
      %swap3A_63 = arith.constant 16 : index
      %swap3A_64 = tpu.vector_load %arg8[%swap3A, %swap3A_63] {strides = array<i32>} : memref<128x128xf32, #tpu.memory_space<vmem>>, vector<1x16xf32>,
      %swap3A_65 = vector.shape_cast %swap3A_64 : vector<1x16xf32> to vector<16xf32>
      %swap3A_66 = vector.shape_cast %select_n3A : vector<16xf32> to vector<1x16xf32>
      tpu.vector_store %arg8[%swap3A, %swap3A_63], %swap3A_66 {strides = array<i32>} : memref<128x128xf32, #tpu.memory_space<vmem>>, vector<1x16xf32>,
    }
    %scan3A_18 = arith.constant 128 : i32
    %barrier3A = arith.constant 0 : index
    tpu.barrier barrier_id(%barrier3A)
    "tpu.region"() ({
      %run_scoped3A = tpu.sem_alloc : memref<!tpu.dma_semaphore, #tpu.memory_space<semaphore_mem>>
      %dma_start3A_58 = arith.constant 0 : i32
      %dma_start3A_59 = arith.constant 0 : i32
      %dma_start3A_60 = tpu.memref_slice %arg2[%add3A, %dma_start3A_58, %dma_start3A_59] : memref<32x40x128xi32, #tpu.memory_space<hbm>> -> memref<1x40x128xi32, #tpu.memory_space<hbm>>
      %dma_start3A_61 = tpu.memref_squeeze %dma_start3A_60 : memref<1x40x128xi32, #tpu.memory_space<hbm>> -> memref<40x128xi32, #tpu.memory_space<hbm>>
      %dma_start3A_62 = arith.constant 0 : i32
      %dma_start3A_63 = arith.constant 0 : i32
      %dma_start3A_64 = tpu.memref_slice %arg2[%add3A, %dma_start3A_62, %dma_start3A_63] : memref<32x40x128xi32, #tpu.memory_space<hbm>> -> memref<1x40x128xi32, #tpu.memory_space<hbm>>
      %dma_start3A_65 = tpu.memref_squeeze %dma_start3A_64 : memref<1x40x128xi32, #tpu.memory_space<hbm>> -> memref<40x128xi32, #tpu.memory_space<hbm>>
      tpu.enqueue_dma source(%dma_start3A_65 : memref<40x128xi32, #tpu.memory_space<hbm>>) target(%arg6 : memref<40x128xi32, #tpu.memory_space<vmem>>) target_semaphore(%run_scoped3A : memref<!tpu.dma_semaphore, #tpu.memory_space<semaphore_mem>>)
      %dma_wait3A = arith.constant 0 : i32
      %dma_wait3A_66 = arith.constant 0 : i32
      %dma_wait3A_67 = tpu.memref_slice %arg2[%add3A, %dma_wait3A, %dma_wait3A_66] : memref<32x40x128xi32, #tpu.memory_space<hbm>> -> memref<1x40x128xi32, #tpu.memory_space<hbm>>
      %dma_wait3A_68 = tpu.memref_squeeze %dma_wait3A_67 : memref<1x40x128xi32, #tpu.memory_space<hbm>> -> memref<40x128xi32, #tpu.memory_space<hbm>>
      %dma_wait3A_69 = arith.constant 0 : i32
      %dma_wait3A_70 = arith.constant 0 : i32
      %dma_wait3A_71 = tpu.memref_slice %arg2[%add3A, %dma_wait3A_69, %dma_wait3A_70] : memref<32x40x128xi32, #tpu.memory_space<hbm>> -> memref<1x40x128xi32, #tpu.memory_space<hbm>>
      %dma_wait3A_72 = tpu.memref_squeeze %dma_wait3A_71 : memref<1x40x128xi32, #tpu.memory_space<hbm>> -> memref<40x128xi32, #tpu.memory_space<hbm>>
      tpu.wait_dma2 semaphore(%run_scoped3A : memref<!tpu.dma_semaphore, #tpu.memory_space<semaphore_mem>>) src(%dma_wait3A_72 : memref<40x128xi32, #tpu.memory_space<hbm>>) dst(%arg6 : memref<40x128xi32, #tpu.memory_space<vmem>>)
      tpu.yield
    }) : () -> ()
    %mul3A_19 = arith.constant 640 : i32
    %mul3A_20 = arith.muli %add3A, %mul3A_19 : i32
    %dma_start3A = arith.constant 0 : i32
    %dma_start3A_21 = arith.constant 0 : i32
    %dma_start3A_22 = arith.constant 0 : i32
    %dma_start3A_23 = tpu.memref_slice %arg7[%dma_start3A, %dma_start3A_21, %dma_start3A_22] : memref<2x16x128xf32, #tpu.memory_space<vmem>> -> memref<1x16x128xf32, #tpu.memory_space<vmem>>
    %dma_start3A_24 = tpu.memref_squeeze %dma_start3A_23 : memref<1x16x128xf32, #tpu.memory_space<vmem>> -> memref<16x128xf32, #tpu.memory_space<vmem>>
    %dma_start3A_25 = arith.constant 0 : i32
    %dma_start3A_26 = tpu.memref_slice %arg3[%mul3A_20, %dma_start3A_25] : memref<20480x128xf32, #tpu.memory_space<hbm>> -> memref<16x128xf32, #tpu.memory_space<hbm>>
    %dma_start3A_27 = arith.constant 0 : i32
    %dma_start3A_28 = arith.constant 0 : i32
    %dma_start3A_29 = tpu.memref_slice %arg7[%dma_start3A, %dma_start3A_27, %dma_start3A_28] : memref<2x16x128xf32, #tpu.memory_space<vmem>> -> memref<1x16x128xf32, #tpu.memory_space<vmem>>
    %dma_start3A_30 = tpu.memref_squeeze %dma_start3A_29 : memref<1x16x128xf32, #tpu.memory_space<vmem>> -> memref<16x128xf32, #tpu.memory_space<vmem>>
    %dma_start3A_31 = arith.constant 0 : i32
    %dma_start3A_32 = tpu.memref_slice %arg3[%mul3A_20, %dma_start3A_31] : memref<20480x128xf32, #tpu.memory_space<hbm>> -> memref<16x128xf32, #tpu.memory_space<hbm>>
    tpu.enqueue_dma source(%dma_start3A_32 : memref<16x128xf32, #tpu.memory_space<hbm>>) target(%dma_start3A_30 : memref<16x128xf32, #tpu.memory_space<vmem>>) target_semaphore(%arg9 : memref<!tpu.dma_semaphore, #tpu.memory_space<semaphore_mem>>)
    %add3A_33 = arith.constant 16 : i32
    %add3A_34 = arith.addi %mul3A_20, %add3A_33 : i32
    %dma_start3A_35 = arith.constant 1 : i32
    %dma_start3A_36 = arith.constant 0 : i32
    %dma_start3A_37 = arith.constant 0 : i32
    %dma_start3A_38 = tpu.memref_slice %arg7[%dma_start3A_35, %dma_start3A_36, %dma_start3A_37] : memref<2x16x128xf32, #tpu.memory_space<vmem>> -> memref<1x16x128xf32, #tpu.memory_space<vmem>>
    %dma_start3A_39 = tpu.memref_squeeze %dma_start3A_38 : memref<1x16x128xf32, #tpu.memory_space<vmem>> -> memref<16x128xf32, #tpu.memory_space<vmem>>
    %dma_start3A_40 = arith.constant 0 : i32
    %dma_start3A_41 = tpu.memref_slice %arg3[%add3A_34, %dma_start3A_40] : memref<20480x128xf32, #tpu.memory_space<hbm>> -> memref<16x128xf32, #tpu.memory_space<hbm>>
    %dma_start3A_42 = arith.constant 0 : i32
    %dma_start3A_43 = arith.constant 0 : i32
    %dma_start3A_44 = tpu.memref_slice %arg7[%dma_start3A_35, %dma_start3A_42, %dma_start3A_43] : memref<2x16x128xf32, #tpu.memory_space<vmem>> -> memref<1x16x128xf32, #tpu.memory_space<vmem>>
    %dma_start3A_45 = tpu.memref_squeeze %dma_start3A_44 : memref<1x16x128xf32, #tpu.memory_space<vmem>> -> memref<16x128xf32, #tpu.memory_space<vmem>>
    %dma_start3A_46 = arith.constant 0 : i32
    %dma_start3A_47 = tpu.memref_slice %arg3[%add3A_34, %dma_start3A_46] : memref<20480x128xf32, #tpu.memory_space<hbm>> -> memref<16x128xf32, #tpu.memory_space<hbm>>
    tpu.enqueue_dma source(%dma_start3A_47 : memref<16x128xf32, #tpu.memory_space<hbm>>) target(%dma_start3A_45 : memref<16x128xf32, #tpu.memory_space<vmem>>) target_semaphore(%arg10 : memref<!tpu.dma_semaphore, #tpu.memory_space<semaphore_mem>>)
    %scan3A_48 = arith.constant 0 : i32
    %scan3A_49 = arith.constant 20 : i32
    %scan3A_50 = arith.addi %scan3A_48, %scan3A_49 : i32
    %scan3A_51 = arith.constant 1 : i32
    scf.for %scan3A_58 = %scan3A_48 to %scan3A_50 step %scan3A_51  : i32 {
      %mul3A_59 = arith.constant 2 : i32
      %mul3A_60 = arith.muli %scan3A_58, %mul3A_59 : i32
      %add3A_61 = arith.constant 0 : i32
      %add3A_62 = arith.addi %add3A_61, %mul3A_60 : i32
      %add3A_63 = arith.constant 0 : i32
      %add3A_64 = arith.addi %add3A_62, %add3A_63 : i32
      %mul3A_65 = arith.constant 16 : i32
      %mul3A_66 = arith.muli %add3A_64, %mul3A_65 : i32
      %add3A_67 = arith.addi %mul3A_20, %mul3A_66 : i32
      %dma_wait3A = arith.constant 0 : i32
      %dma_wait3A_68 = arith.constant 0 : i32
      %dma_wait3A_69 = arith.constant 0 : i32
      %dma_wait3A_70 = tpu.memref_slice %arg7[%dma_wait3A, %dma_wait3A_68, %dma_wait3A_69] : memref<2x16x128xf32, #tpu.memory_space<vmem>> -> memref<1x16x128xf32, #tpu.memory_space<vmem>>
      %dma_wait3A_71 = tpu.memref_squeeze %dma_wait3A_70 : memref<1x16x128xf32, #tpu.memory_space<vmem>> -> memref<16x128xf32, #tpu.memory_space<vmem>>
      %dma_wait3A_72 = arith.constant 0 : i32
      %dma_wait3A_73 = tpu.memref_slice %arg3[%add3A_67, %dma_wait3A_72] : memref<20480x128xf32, #tpu.memory_space<hbm>> -> memref<16x128xf32, #tpu.memory_space<hbm>>
      %dma_wait3A_74 = arith.constant 0 : i32
      %dma_wait3A_75 = arith.constant 0 : i32
      %dma_wait3A_76 = tpu.memref_slice %arg7[%dma_wait3A, %dma_wait3A_74, %dma_wait3A_75] : memref<2x16x128xf32, #tpu.memory_space<vmem>> -> memref<1x16x128xf32, #tpu.memory_space<vmem>>
      %dma_wait3A_77 = tpu.memref_squeeze %dma_wait3A_76 : memref<1x16x128xf32, #tpu.memory_space<vmem>> -> memref<16x128xf32, #tpu.memory_space<vmem>>
      %dma_wait3A_78 = arith.constant 0 : i32
      %dma_wait3A_79 = tpu.memref_slice %arg3[%add3A_67, %dma_wait3A_78] : memref<20480x128xf32, #tpu.memory_space<hbm>> -> memref<16x128xf32, #tpu.memory_space<hbm>>
      tpu.wait_dma2 semaphore(%arg9 : memref<!tpu.dma_semaphore, #tpu.memory_space<semaphore_mem>>) src(%dma_wait3A_79 : memref<16x128xf32, #tpu.memory_space<hbm>>) dst(%dma_wait3A_77 : memref<16x128xf32, #tpu.memory_space<vmem>>)
      %get3A = arith.constant 0 : i32
      %get3A_80 = arith.constant 0 : i32
      %get3A_81 = arith.index_cast %get3A : i32 to index
      %get3A_82 = arith.index_cast %get3A_80 : i32 to index
      %get3A_83 = arith.constant 0 : index
      %get3A_84 = tpu.vector_load %arg7[%get3A_81, %get3A_82, %get3A_83] {strides = array<i32>} : memref<2x16x128xf32, #tpu.memory_space<vmem>>, vector<1x1x16xf32>,
      %get3A_85 = vector.shape_cast %get3A_84 : vector<1x1x16xf32> to vector<16xf32>
      %swap3A = arith.constant 0 : i32
      %swap3A_86 = arith.index_cast %swap3A : i32 to index
      %swap3A_87 = arith.constant 0 : index
      %swap3A_88 = tpu.vector_load %arg8[%swap3A_86, %swap3A_87] {strides = array<i32>} : memref<128x128xf32, #tpu.memory_space<vmem>>, vector<1x16xf32>,
      %swap3A_89 = vector.shape_cast %swap3A_88 : vector<1x16xf32> to vector<16xf32>
      %swap3A_90 = vector.shape_cast %get3A_85 : vector<16xf32> to vector<1x16xf32>
      tpu.vector_store %arg8[%swap3A_86, %swap3A_87], %swap3A_90 {strides = array<i32>} : memref<128x128xf32, #tpu.memory_space<vmem>>, vector<1x16xf32>,
      %get3A_91 = arith.constant 0 : i32
      %get3A_92 = arith.constant 0 : i32
      %get3A_93 = arith.index_cast %get3A_91 : i32 to index
      %get3A_94 = arith.index_cast %get3A_92 : i32 to index
      %get3A_95 = arith.constant 16 : index
      %get3A_96 = tpu.vector_load %arg7[%get3A_93, %get3A_94, %get3A_95] {strides = array<i32>} : memref<2x16x128xf32, #tpu.memory_space<vmem>>, vector<1x1x16xf32>,
      %get3A_97 = vector.shape_cast %get3A_96 : vector<1x1x16xf32> to vector<16xf32>
      %swap3A_98 = arith.constant 1 : i32
      %swap3A_99 = arith.index_cast %swap3A_98 : i32 to index
      %swap3A_100 = arith.constant 0 : index
      %swap3A_101 = tpu.vector_load %arg8[%swap3A_99, %swap3A_100] {strides = array<i32>} : memref<128x128xf32, #tpu.memory_space<vmem>>, vector<1x16xf32>,
      %swap3A_102 = vector.shape_cast %swap3A_101 : vector<1x16xf32> to vector<16xf32>
      %swap3A_103 = vector.shape_cast %get3A_97 : vector<16xf32> to vector<1x16xf32>
      tpu.vector_store %arg8[%swap3A_99, %swap3A_100], %swap3A_103 {strides = array<i32>} : memref<128x128xf32, #tpu.memory_space<vmem>>, vector<1x16xf32>,
      %get3A_104 = arith.constant 0 : i32
      %get3A_105 = arith.constant 0 : i32
      %get3A_106 = arith.index_cast %get3A_104 : i32 to index
      %get3A_107 = arith.index_cast %get3A_105 : i32 to index
      %get3A_108 = arith.constant 32 : index
      %get3A_109 = tpu.vector_load %arg7[%get3A_106, %get3A_107, %get3A_108] {strides = array<i32>} : memref<2x16x128xf32, #tpu.memory_space<vmem>>, vector<1x1x16xf32>,
      %get3A_110 = vector.shape_cast %get3A_109 : vector<1x1x16xf32> to vector<16xf32>
      %swap3A_111 = arith.constant 2 : i32
      %swap3A_112 = arith.index_cast %swap3A_111 : i32 to index
      %swap3A_113 = arith.constant 0 : index
      %swap3A_114 = tpu.vector_load %arg8[%swap3A_112, %swap3A_113] {strides = array<i32>} : memref<128x128xf32, #tpu.memory_space<vmem>>, vector<1x16xf32>,
      %swap3A_115 = vector.shape_cast %swap3A_114 : vector<1x16xf32> to vector<16xf32>
      %swap3A_116 = vector.shape_cast %get3A_110 : vector<16xf32> to vector<1x16xf32>
      tpu.vector_store %arg8[%swap3A_112, %swap3A_113], %swap3A_116 {strides = array<i32>} : memref<128x128xf32, #tpu.memory_space<vmem>>, vector<1x16xf32>,
      %get3A_117 = arith.constant 0 : i32
      %get3A_118 = arith.constant 0 : i32
      %get3A_119 = arith.index_cast %get3A_117 : i32 to index
      %get3A_120 = arith.index_cast %get3A_118 : i32 to index
      %get3A_121 = arith.constant 48 : index
      %get3A_122 = tpu.vector_load %arg7[%get3A_119, %get3A_120, %get3A_121] {strides = array<i32>} : memref<2x16x128xf32, #tpu.memory_space<vmem>>, vector<1x1x16xf32>,
      %get3A_123 = vector.shape_cast %get3A_122 : vector<1x1x16xf32> to vector<16xf32>
      %swap3A_124 = arith.constant 3 : i32
      %swap3A_125 = arith.index_cast %swap3A_124 : i32 to index
      %swap3A_126 = arith.constant 0 : index
      %swap3A_127 = tpu.vector_load %arg8[%swap3A_125, %swap3A_126] {strides = array<i32>} : memref<128x128xf32, #tpu.memory_space<vmem>>, vector<1x16xf32>,
      %swap3A_128 = vector.shape_cast %swap3A_127 : vector<1x16xf32> to vector<16xf32>
      %swap3A_129 = vector.shape_cast %get3A_123 : vector<16xf32> to vector<1x16xf32>
      tpu.vector_store %arg8[%swap3A_125, %swap3A_126], %swap3A_129 {strides = array<i32>} : memref<128x128xf32, #tpu.memory_space<vmem>>, vector<1x16xf32>,
      %get3A_130 = arith.constant 0 : i32
      %get3A_131 = arith.constant 0 : i32
      %get3A_132 = arith.index_cast %get3A_130 : i32 to index
      %get3A_133 = arith.index_cast %get3A_131 : i32 to index
      %get3A_134 = arith.constant 64 : index
      %get3A_135 = tpu.vector_load %arg7[%get3A_132, %get3A_133, %get3A_134] {strides = array<i32>} : memref<2x16x128xf32, #tpu.memory_space<vmem>>, vector<1x1x16xf32>,
      %get3A_136 = vector.shape_cast %get3A_135 : vector<1x1x16xf32> to vector<16xf32>
      %swap3A_137 = arith.constant 4 : i32
      %swap3A_138 = arith.index_cast %swap3A_137 : i32 to index
      %swap3A_139 = arith.constant 0 : index
      %swap3A_140 = tpu.vector_load %arg8[%swap3A_138, %swap3A_139] {strides = array<i32>} : memref<128x128xf32, #tpu.memory_space<vmem>>, vector<1x16xf32>,
      %swap3A_141 = vector.shape_cast %swap3A_140 : vector<1x16xf32> to vector<16xf32>
      %swap3A_142 = vector.shape_cast %get3A_136 : vector<16xf32> to vector<1x16xf32>
      tpu.vector_store %arg8[%swap3A_138, %swap3A_139], %swap3A_142 {strides = array<i32>} : memref<128x128xf32, #tpu.memory_space<vmem>>, vector<1x16xf32>,
      %get3A_143 = arith.constant 0 : i32
      %get3A_144 = arith.constant 0 : i32
      %get3A_145 = arith.index_cast %get3A_143 : i32 to index
      %get3A_146 = arith.index_cast %get3A_144 : i32 to index
      %get3A_147 = arith.constant 80 : index
      %get3A_148 = tpu.vector_load %arg7[%get3A_145, %get3A_146, %get3A_147] {strides = array<i32>} : memref<2x16x128xf32, #tpu.memory_space<vmem>>, vector<1x1x16xf32>,
      %get3A_149 = vector.shape_cast %get3A_148 : vector<1x1x16xf32> to vector<16xf32>
      %swap3A_150 = arith.constant 5 : i32
      %swap3A_151 = arith.index_cast %swap3A_150 : i32 to index
      %swap3A_152 = arith.constant 0 : index
      %swap3A_153 = tpu.vector_load %arg8[%swap3A_151, %swap3A_152] {strides = array<i32>} : memref<128x128xf32, #tpu.memory_space<vmem>>, vector<1x16xf32>,
      %swap3A_154 = vector.shape_cast %swap3A_153 : vector<1x16xf32> to vector<16xf32>
      %swap3A_155 = vector.shape_cast %get3A_149 : vector<16xf32> to vector<1x16xf32>
      tpu.vector_store %arg8[%swap3A_151, %swap3A_152], %swap3A_155 {strides = array<i32>} : memref<128x128xf32, #tpu.memory_space<vmem>>, vector<1x16xf32>,
      %get3A_156 = arith.constant 0 : i32
      %get3A_157 = arith.constant 0 : i32
      %get3A_158 = arith.index_cast %get3A_156 : i32 to index
      %get3A_159 = arith.index_cast %get3A_157 : i32 to index
      %get3A_160 = arith.constant 96 : index
      %get3A_161 = tpu.vector_load %arg7[%get3A_158, %get3A_159, %get3A_160] {strides = array<i32>} : memref<2x16x128xf32, #tpu.memory_space<vmem>>, vector<1x1x16xf32>,
      %get3A_162 = vector.shape_cast %get3A_161 : vector<1x1x16xf32> to vector<16xf32>
      %swap3A_163 = arith.constant 6 : i32
      %swap3A_164 = arith.index_cast %swap3A_163 : i32 to index
      %swap3A_165 = arith.constant 0 : index
      %swap3A_166 = tpu.vector_load %arg8[%swap3A_164, %swap3A_165] {strides = array<i32>} : memref<128x128xf32, #tpu.memory_space<vmem>>, vector<1x16xf32>,
      %swap3A_167 = vector.shape_cast %swap3A_166 : vector<1x16xf32> to vector<16xf32>
      %swap3A_168 = vector.shape_cast %get3A_162 : vector<16xf32> to vector<1x16xf32>
      tpu.vector_store %arg8[%swap3A_164, %swap3A_165], %swap3A_168 {strides = array<i32>} : memref<128x128xf32, #tpu.memory_space<vmem>>, vector<1x16xf32>,
      %get3A_169 = arith.constant 0 : i32
      %get3A_170 = arith.constant 0 : i32
      %get3A_171 = arith.index_cast %get3A_169 : i32 to index
      %get3A_172 = arith.index_cast %get3A_170 : i32 to index
      %get3A_173 = arith.constant 112 : index
      %get3A_174 = tpu.vector_load %arg7[%get3A_171, %get3A_172, %get3A_173] {strides = array<i32>} : memref<2x16x128xf32, #tpu.memory_space<vmem>>, vector<1x1x16xf32>,
      %get3A_175 = vector.shape_cast %get3A_174 : vector<1x1x16xf32> to vector<16xf32>
      %swap3A_176 = arith.constant 7 : i32
      %swap3A_177 = arith.index_cast %swap3A_176 : i32 to index
      %swap3A_178 = arith.constant 0 : index
      %swap3A_179 = tpu.vector_load %arg8[%swap3A_177, %swap3A_178] {strides = array<i32>} : memref<128x128xf32, #tpu.memory_space<vmem>>, vector<1x16xf32>,
      %swap3A_180 = vector.shape_cast %swap3A_179 : vector<1x16xf32> to vector<16xf32>
      %swap3A_181 = vector.shape_cast %get3A_175 : vector<16xf32> to vector<1x16xf32>
      tpu.vector_store %arg8[%swap3A_177, %swap3A_178], %swap3A_181 {strides = array<i32>} : memref<128x128xf32, #tpu.memory_space<vmem>>, vector<1x16xf32>,
      %get3A_182 = arith.constant 0 : i32
      %get3A_183 = arith.constant 1 : i32
      %get3A_184 = arith.index_cast %get3A_182 : i32 to index
      %get3A_185 = arith.index_cast %get3A_183 : i32 to index
      %get3A_186 = arith.constant 0 : index
      %get3A_187 = tpu.vector_load %arg7[%get3A_184, %get3A_185, %get3A_186] {strides = array<i32>} : memref<2x16x128xf32, #tpu.memory_space<vmem>>, vector<1x1x16xf32>,
      %get3A_188 = vector.shape_cast %get3A_187 : vector<1x1x16xf32> to vector<16xf32>
      %swap3A_189 = arith.constant 8 : i32
      %swap3A_190 = arith.index_cast %swap3A_189 : i32 to index
      %swap3A_191 = arith.constant 0 : index
      %swap3A_192 = tpu.vector_load %arg8[%swap3A_190, %swap3A_191] {strides = array<i32>} : memref<128x128xf32, #tpu.memory_space<vmem>>, vector<1x16xf32>,
      %swap3A_193 = vector.shape_cast %swap3A_192 : vector<1x16xf32> to vector<16xf32>
      %swap3A_194 = vector.shape_cast %get3A_188 : vector<16xf32> to vector<1x16xf32>
      tpu.vector_store %arg8[%swap3A_190, %swap3A_191], %swap3A_194 {strides = array<i32>} : memref<128x128xf32, #tpu.memory_space<vmem>>, vector<1x16xf32>,
      %get3A_195 = arith.constant 0 : i32
      %get3A_196 = arith.constant 1 : i32
      %get3A_197 = arith.index_cast %get3A_195 : i32 to index
      %get3A_198 = arith.index_cast %get3A_196 : i32 to index
      %get3A_199 = arith.constant 16 : index
      %get3A_200 = tpu.vector_load %arg7[%get3A_197, %get3A_198, %get3A_199] {strides = array<i32>} : memref<2x16x128xf32, #tpu.memory_space<vmem>>, vector<1x1x16xf32>,
      %get3A_201 = vector.shape_cast %get3A_200 : vector<1x1x16xf32> to vector<16xf32>
      %swap3A_202 = arith.constant 9 : i32
      %swap3A_203 = arith.index_cast %swap3A_202 : i32 to index
      %swap3A_204 = arith.constant 0 : index
      %swap3A_205 = tpu.vector_load %arg8[%swap3A_203, %swap3A_204] {strides = array<i32>} : memref<128x128xf32, #tpu.memory_space<vmem>>, vector<1x16xf32>,
      %swap3A_206 = vector.shape_cast %swap3A_205 : vector<1x16xf32> to vector<16xf32>
      %swap3A_207 = vector.shape_cast %get3A_201 : vector<16xf32> to vector<1x16xf32>
      tpu.vector_store %arg8[%swap3A_203, %swap3A_204], %swap3A_207 {strides = array<i32>} : memref<128x128xf32, #tpu.memory_space<vmem>>, vector<1x16xf32>,
      %get3A_208 = arith.constant 0 : i32
      %get3A_209 = arith.constant 1 : i32
      %get3A_210 = arith.index_cast %get3A_208 : i32 to index
      %get3A_211 = arith.index_cast %get3A_209 : i32 to index
      %get3A_212 = arith.constant 32 : index
      %get3A_213 = tpu.vector_load %arg7[%get3A_210, %get3A_211, %get3A_212] {strides = array<i32>} : memref<2x16x128xf32, #tpu.memory_space<vmem>>, vector<1x1x16xf32>,
      %get3A_214 = vector.shape_cast %get3A_213 : vector<1x1x16xf32> to vector<16xf32>
      %swap3A_215 = arith.constant 10 : i32
      %swap3A_216 = arith.index_cast %swap3A_215 : i32 to index
      %swap3A_217 = arith.constant 0 : index
      %swap3A_218 = tpu.vector_load %arg8[%swap3A_216, %swap3A_217] {strides = array<i32>} : memref<128x128xf32, #tpu.memory_space<vmem>>, vector<1x16xf32>,
      %swap3A_219 = vector.shape_cast %swap3A_218 : vector<1x16xf32> to vector<16xf32>
      %swap3A_220 = vector.shape_cast %get3A_214 : vector<16xf32> to vector<1x16xf32>
      tpu.vector_store %arg8[%swap3A_216, %swap3A_217], %swap3A_220 {strides = array<i32>} : memref<128x128xf32, #tpu.memory_space<vmem>>, vector<1x16xf32>,
      %get3A_221 = arith.constant 0 : i32
      %get3A_222 = arith.constant 1 : i32
      %get3A_223 = arith.index_cast %get3A_221 : i32 to index
      %get3A_224 = arith.index_cast %get3A_222 : i32 to index
      %get3A_225 = arith.constant 48 : index
      %get3A_226 = tpu.vector_load %arg7[%get3A_223, %get3A_224, %get3A_225] {strides = array<i32>} : memref<2x16x128xf32, #tpu.memory_space<vmem>>, vector<1x1x16xf32>,
      %get3A_227 = vector.shape_cast %get3A_226 : vector<1x1x16xf32> to vector<16xf32>
      %swap3A_228 = arith.constant 11 : i32
      %swap3A_229 = arith.index_cast %swap3A_228 : i32 to index
      %swap3A_230 = arith.constant 0 : index
      %swap3A_231 = tpu.vector_load %arg8[%swap3A_229, %swap3A_230] {strides = array<i32>} : memref<128x128xf32, #tpu.memory_space<vmem>>, vector<1x16xf32>,
      %swap3A_232 = vector.shape_cast %swap3A_231 : vector<1x16xf32> to vector<16xf32>
      %swap3A_233 = vector.shape_cast %get3A_227 : vector<16xf32> to vector<1x16xf32>
      tpu.vector_store %arg8[%swap3A_229, %swap3A_230], %swap3A_233 {strides = array<i32>} : memref<128x128xf32, #tpu.memory_space<vmem>>, vector<1x16xf32>,
      %get3A_234 = arith.constant 0 : i32
      %get3A_235 = arith.constant 1 : i32
      %get3A_236 = arith.index_cast %get3A_234 : i32 to index
      %get3A_237 = arith.index_cast %get3A_235 : i32 to index
      %get3A_238 = arith.constant 64 : index
      %get3A_239 = tpu.vector_load %arg7[%get3A_236, %get3A_237, %get3A_238] {strides = array<i32>} : memref<2x16x128xf32, #tpu.memory_space<vmem>>, vector<1x1x16xf32>,
      %get3A_240 = vector.shape_cast %get3A_239 : vector<1x1x16xf32> to vector<16xf32>
      %swap3A_241 = arith.constant 12 : i32
      %swap3A_242 = arith.index_cast %swap3A_241 : i32 to index
      %swap3A_243 = arith.constant 0 : index
      %swap3A_244 = tpu.vector_load %arg8[%swap3A_242, %swap3A_243] {strides = array<i32>} : memref<128x128xf32, #tpu.memory_space<vmem>>, vector<1x16xf32>,
      %swap3A_245 = vector.shape_cast %swap3A_244 : vector<1x16xf32> to vector<16xf32>
      %swap3A_246 = vector.shape_cast %get3A_240 : vector<16xf32> to vector<1x16xf32>
      tpu.vector_store %arg8[%swap3A_242, %swap3A_243], %swap3A_246 {strides = array<i32>} : memref<128x128xf32, #tpu.memory_space<vmem>>, vector<1x16xf32>,
      %get3A_247 = arith.constant 0 : i32
      %get3A_248 = arith.constant 1 : i32
      %get3A_249 = arith.index_cast %get3A_247 : i32 to index
      %get3A_250 = arith.index_cast %get3A_248 : i32 to index
      %get3A_251 = arith.constant 80 : index
      %get3A_252 = tpu.vector_load %arg7[%get3A_249, %get3A_250, %get3A_251] {strides = array<i32>} : memref<2x16x128xf32, #tpu.memory_space<vmem>>, vector<1x1x16xf32>,
      %get3A_253 = vector.shape_cast %get3A_252 : vector<1x1x16xf32> to vector<16xf32>
      %swap3A_254 = arith.constant 13 : i32
      %swap3A_255 = arith.index_cast %swap3A_254 : i32 to index
      %swap3A_256 = arith.constant 0 : index
      %swap3A_257 = tpu.vector_load %arg8[%swap3A_255, %swap3A_256] {strides = array<i32>} : memref<128x128xf32, #tpu.memory_space<vmem>>, vector<1x16xf32>,
      %swap3A_258 = vector.shape_cast %swap3A_257 : vector<1x16xf32> to vector<16xf32>
      %swap3A_259 = vector.shape_cast %get3A_253 : vector<16xf32> to vector<1x16xf32>
      tpu.vector_store %arg8[%swap3A_255, %swap3A_256], %swap3A_259 {strides = array<i32>} : memref<128x128xf32, #tpu.memory_space<vmem>>, vector<1x16xf32>,
      %get3A_260 = arith.constant 0 : i32
      %get3A_261 = arith.constant 1 : i32
      %get3A_262 = arith.index_cast %get3A_260 : i32 to index
      %get3A_263 = arith.index_cast %get3A_261 : i32 to index
      %get3A_264 = arith.constant 96 : index
      %get3A_265 = tpu.vector_load %arg7[%get3A_262, %get3A_263, %get3A_264] {strides = array<i32>} : memref<2x16x128xf32, #tpu.memory_space<vmem>>, vector<1x1x16xf32>,
      %get3A_266 = vector.shape_cast %get3A_265 : vector<1x1x16xf32> to vector<16xf32>
      %swap3A_267 = arith.constant 14 : i32
      %swap3A_268 = arith.index_cast %swap3A_267 : i32 to index
      %swap3A_269 = arith.constant 0 : index
      %swap3A_270 = tpu.vector_load %arg8[%swap3A_268, %swap3A_269] {strides = array<i32>} : memref<128x128xf32, #tpu.memory_space<vmem>>, vector<1x16xf32>,
      %swap3A_271 = vector.shape_cast %swap3A_270 : vector<1x16xf32> to vector<16xf32>
      %swap3A_272 = vector.shape_cast %get3A_266 : vector<16xf32> to vector<1x16xf32>
      tpu.vector_store %arg8[%swap3A_268, %swap3A_269], %swap3A_272 {strides = array<i32>} : memref<128x128xf32, #tpu.memory_space<vmem>>, vector<1x16xf32>,
      %get3A_273 = arith.constant 0 : i32
      %get3A_274 = arith.constant 1 : i32
      %get3A_275 = arith.index_cast %get3A_273 : i32 to index
      %get3A_276 = arith.index_cast %get3A_274 : i32 to index
      %get3A_277 = arith.constant 112 : index
      %get3A_278 = tpu.vector_load %arg7[%get3A_275, %get3A_276, %get3A_277] {strides = array<i32>} : memref<2x16x128xf32, #tpu.memory_space<vmem>>, vector<1x1x16xf32>,
      %get3A_279 = vector.shape_cast %get3A_278 : vector<1x1x16xf32> to vector<16xf32>
      %swap3A_280 = arith.constant 15 : i32
      %swap3A_281 = arith.index_cast %swap3A_280 : i32 to index
      %swap3A_282 = arith.constant 0 : index
      %swap3A_283 = tpu.vector_load %arg8[%swap3A_281, %swap3A_282] {strides = array<i32>} : memref<128x128xf32, #tpu.memory_space<vmem>>, vector<1x16xf32>,
      %swap3A_284 = vector.shape_cast %swap3A_283 : vector<1x16xf32> to vector<16xf32>
      %swap3A_285 = vector.shape_cast %get3A_279 : vector<16xf32> to vector<1x16xf32>
      tpu.vector_store %arg8[%swap3A_281, %swap3A_282], %swap3A_285 {strides = array<i32>} : memref<128x128xf32, #tpu.memory_space<vmem>>, vector<1x16xf32>,
      %get3A_286 = arith.constant 0 : i32
      %get3A_287 = arith.constant 2 : i32
      %get3A_288 = arith.index_cast %get3A_286 : i32 to index
      %get3A_289 = arith.index_cast %get3A_287 : i32 to index
      %get3A_290 = arith.constant 0 : index
      %get3A_291 = tpu.vector_load %arg7[%get3A_288, %get3A_289, %get3A_290] {strides = array<i32>} : memref<2x16x128xf32, #tpu.memory_space<vmem>>, vector<1x1x16xf32>,
      %get3A_292 = vector.shape_cast %get3A_291 : vector<1x1x16xf32> to vector<16xf32>
      %swap3A_293 = arith.constant 16 : i32
      %swap3A_294 = arith.index_cast %swap3A_293 : i32 to index
      %swap3A_295 = arith.constant 0 : index
      %swap3A_296 = tpu.vector_load %arg8[%swap3A_294, %swap3A_295] {strides = array<i32>} : memref<128x128xf32, #tpu.memory_space<vmem>>, vector<1x16xf32>,
      %swap3A_297 = vector.shape_cast %swap3A_296 : vector<1x16xf32> to vector<16xf32>
      %swap3A_298 = vector.shape_cast %get3A_292 : vector<16xf32> to vector<1x16xf32>
      tpu.vector_store %arg8[%swap3A_294, %swap3A_295], %swap3A_298 {strides = array<i32>} : memref<128x128xf32, #tpu.memory_space<vmem>>, vector<1x16xf32>,
      %get3A_299 = arith.constant 0 : i32
      %get3A_300 = arith.constant 2 : i32
      %get3A_301 = arith.index_cast %get3A_299 : i32 to index
      %get3A_302 = arith.index_cast %get3A_300 : i32 to index
      %get3A_303 = arith.constant 16 : index
      %get3A_304 = tpu.vector_load %arg7[%get3A_301, %get3A_302, %get3A_303] {strides = array<i32>} : memref<2x16x128xf32, #tpu.memory_space<vmem>>, vector<1x1x16xf32>,
      %get3A_305 = vector.shape_cast %get3A_304 : vector<1x1x16xf32> to vector<16xf32>
      %swap3A_306 = arith.constant 17 : i32
      %swap3A_307 = arith.index_cast %swap3A_306 : i32 to index
      %swap3A_308 = arith.constant 0 : index
      %swap3A_309 = tpu.vector_load %arg8[%swap3A_307, %swap3A_308] {strides = array<i32>} : memref<128x128xf32, #tpu.memory_space<vmem>>, vector<1x16xf32>,
      %swap3A_310 = vector.shape_cast %swap3A_309 : vector<1x16xf32> to vector<16xf32>
      %swap3A_311 = vector.shape_cast %get3A_305 : vector<16xf32> to vector<1x16xf32>
      tpu.vector_store %arg8[%swap3A_307, %swap3A_308], %swap3A_311 {strides = array<i32>} : memref<128x128xf32, #tpu.memory_space<vmem>>, vector<1x16xf32>,
      %get3A_312 = arith.constant 0 : i32
      %get3A_313 = arith.constant 2 : i32
      %get3A_314 = arith.index_cast %get3A_312 : i32 to index
      %get3A_315 = arith.index_cast %get3A_313 : i32 to index
      %get3A_316 = arith.constant 32 : index
      %get3A_317 = tpu.vector_load %arg7[%get3A_314, %get3A_315, %get3A_316] {strides = array<i32>} : memref<2x16x128xf32, #tpu.memory_space<vmem>>, vector<1x1x16xf32>,
      %get3A_318 = vector.shape_cast %get3A_317 : vector<1x1x16xf32> to vector<16xf32>
      %swap3A_319 = arith.constant 18 : i32
      %swap3A_320 = arith.index_cast %swap3A_319 : i32 to index
      %swap3A_321 = arith.constant 0 : index
      %swap3A_322 = tpu.vector_load %arg8[%swap3A_320, %swap3A_321] {strides = array<i32>} : memref<128x128xf32, #tpu.memory_space<vmem>>, vector<1x16xf32>,
      %swap3A_323 = vector.shape_cast %swap3A_322 : vector<1x16xf32> to vector<16xf32>
      %swap3A_324 = vector.shape_cast %get3A_318 : vector<16xf32> to vector<1x16xf32>
      tpu.vector_store %arg8[%swap3A_320, %swap3A_321], %swap3A_324 {strides = array<i32>} : memref<128x128xf32, #tpu.memory_space<vmem>>, vector<1x16xf32>,
      %get3A_325 = arith.constant 0 : i32
      %get3A_326 = arith.constant 2 : i32
      %get3A_327 = arith.index_cast %get3A_325 : i32 to index
      %get3A_328 = arith.index_cast %get3A_326 : i32 to index
      %get3A_329 = arith.constant 48 : index
      %get3A_330 = tpu.vector_load %arg7[%get3A_327, %get3A_328, %get3A_329] {strides = array<i32>} : memref<2x16x128xf32, #tpu.memory_space<vmem>>, vector<1x1x16xf32>,
      %get3A_331 = vector.shape_cast %get3A_330 : vector<1x1x16xf32> to vector<16xf32>
      %swap3A_332 = arith.constant 19 : i32
      %swap3A_333 = arith.index_cast %swap3A_332 : i32 to index
      %swap3A_334 = arith.constant 0 : index
      %swap3A_335 = tpu.vector_load %arg8[%swap3A_333, %swap3A_334] {strides = array<i32>} : memref<128x128xf32, #tpu.memory_space<vmem>>, vector<1x16xf32>,
      %swap3A_336 = vector.shape_cast %swap3A_335 : vector<1x16xf32> to vector<16xf32>
      %swap3A_337 = vector.shape_cast %get3A_331 : vector<16xf32> to vector<1x16xf32>
      tpu.vector_store %arg8[%swap3A_333, %swap3A_334], %swap3A_337 {strides = array<i32>} : memref<128x128xf32, #tpu.memory_space<vmem>>, vector<1x16xf32>,
      %get3A_338 = arith.constant 0 : i32
      %get3A_339 = arith.constant 2 : i32
      %get3A_340 = arith.index_cast %get3A_338 : i32 to index
      %get3A_341 = arith.index_cast %get3A_339 : i32 to index
      %get3A_342 = arith.constant 64 : index
      %get3A_343 = tpu.vector_load %arg7[%get3A_340, %get3A_341, %get3A_342] {strides = array<i32>} : memref<2x16x128xf32, #tpu.memory_space<vmem>>, vector<1x1x16xf32>,
      %get3A_344 = vector.shape_cast %get3A_343 : vector<1x1x16xf32> to vector<16xf32>
      %swap3A_345 = arith.constant 20 : i32
      %swap3A_346 = arith.index_cast %swap3A_345 : i32 to index
      %swap3A_347 = arith.constant 0 : index
      %swap3A_348 = tpu.vector_load %arg8[%swap3A_346, %swap3A_347] {strides = array<i32>} : memref<128x128xf32, #tpu.memory_space<vmem>>, vector<1x16xf32>,
      %swap3A_349 = vector.shape_cast %swap3A_348 : vector<1x16xf32> to vector<16xf32>
      %swap3A_350 = vector.shape_cast %get3A_344 : vector<16xf32> to vector<1x16xf32>
      tpu.vector_store %arg8[%swap3A_346, %swap3A_347], %swap3A_350 {strides = array<i32>} : memref<128x128xf32, #tpu.memory_space<vmem>>, vector<1x16xf32>,
      %get3A_351 = arith.constant 0 : i32
      %get3A_352 = arith.constant 2 : i32
      %get3A_353 = arith.index_cast %get3A_351 : i32 to index
      %get3A_354 = arith.index_cast %get3A_352 : i32 to index
      %get3A_355 = arith.constant 80 : index
      %get3A_356 = tpu.vector_load %arg7[%get3A_353, %get3A_354, %get3A_355] {strides = array<i32>} : memref<2x16x128xf32, #tpu.memory_space<vmem>>, vector<1x1x16xf32>,
      %get3A_357 = vector.shape_cast %get3A_356 : vector<1x1x16xf32> to vector<16xf32>
      %swap3A_358 = arith.constant 21 : i32
      %swap3A_359 = arith.index_cast %swap3A_358 : i32 to index
      %swap3A_360 = arith.constant 0 : index
      %swap3A_361 = tpu.vector_load %arg8[%swap3A_359, %swap3A_360] {strides = array<i32>} : memref<128x128xf32, #tpu.memory_space<vmem>>, vector<1x16xf32>,
      %swap3A_362 = vector.shape_cast %swap3A_361 : vector<1x16xf32> to vector<16xf32>
      %swap3A_363 = vector.shape_cast %get3A_357 : vector<16xf32> to vector<1x16xf32>
      tpu.vector_store %arg8[%swap3A_359, %swap3A_360], %swap3A_363 {strides = array<i32>} : memref<128x128xf32, #tpu.memory_space<vmem>>, vector<1x16xf32>,
      %get3A_364 = arith.constant 0 : i32
      %get3A_365 = arith.constant 2 : i32
      %get3A_366 = arith.index_cast %get3A_364 : i32 to index
      %get3A_367 = arith.index_cast %get3A_365 : i32 to index
      %get3A_368 = arith.constant 96 : index
      %get3A_369 = tpu.vector_load %arg7[%get3A_366, %get3A_367, %get3A_368] {strides = array<i32>} : memref<2x16x128xf32, #tpu.memory_space<vmem>>, vector<1x1x16xf32>,
      %get3A_370 = vector.shape_cast %get3A_369 : vector<1x1x16xf32> to vector<16xf32>
      %swap3A_371 = arith.constant 22 : i32
      %swap3A_372 = arith.index_cast %swap3A_371 : i32 to index
      %swap3A_373 = arith.constant 0 : index
      %swap3A_374 = tpu.vector_load %arg8[%swap3A_372, %swap3A_373] {strides = array<i32>} : memref<128x128xf32, #tpu.memory_space<vmem>>, vector<1x16xf32>,
      %swap3A_375 = vector.shape_cast %swap3A_374 : vector<1x16xf32> to vector<16xf32>
      %swap3A_376 = vector.shape_cast %get3A_370 : vector<16xf32> to vector<1x16xf32>
      tpu.vector_store %arg8[%swap3A_372, %swap3A_373], %swap3A_376 {strides = array<i32>} : memref<128x128xf32, #tpu.memory_space<vmem>>, vector<1x16xf32>,
      %get3A_377 = arith.constant 0 : i32
      %get3A_378 = arith.constant 2 : i32
      %get3A_379 = arith.index_cast %get3A_377 : i32 to index
      %get3A_380 = arith.index_cast %get3A_378 : i32 to index
      %get3A_381 = arith.constant 112 : index
      %get3A_382 = tpu.vector_load %arg7[%get3A_379, %get3A_380, %get3A_381] {strides = array<i32>} : memref<2x16x128xf32, #tpu.memory_space<vmem>>, vector<1x1x16xf32>,
      %get3A_383 = vector.shape_cast %get3A_382 : vector<1x1x16xf32> to vector<16xf32>
      %swap3A_384 = arith.constant 23 : i32
      %swap3A_385 = arith.index_cast %swap3A_384 : i32 to index
      %swap3A_386 = arith.constant 0 : index
      %swap3A_387 = tpu.vector_load %arg8[%swap3A_385, %swap3A_386] {strides = array<i32>} : memref<128x128xf32, #tpu.memory_space<vmem>>, vector<1x16xf32>,
      %swap3A_388 = vector.shape_cast %swap3A_387 : vector<1x16xf32> to vector<16xf32>
      %swap3A_389 = vector.shape_cast %get3A_383 : vector<16xf32> to vector<1x16xf32>
      tpu.vector_store %arg8[%swap3A_385, %swap3A_386], %swap3A_389 {strides = array<i32>} : memref<128x128xf32, #tpu.memory_space<vmem>>, vector<1x16xf32>,
      %get3A_390 = arith.constant 0 : i32
      %get3A_391 = arith.constant 3 : i32
      %get3A_392 = arith.index_cast %get3A_390 : i32 to index
      %get3A_393 = arith.index_cast %get3A_391 : i32 to index
      %get3A_394 = arith.constant 0 : index
      %get3A_395 = tpu.vector_load %arg7[%get3A_392, %get3A_393, %get3A_394] {strides = array<i32>} : memref<2x16x128xf32, #tpu.memory_space<vmem>>, vector<1x1x16xf32>,
      %get3A_396 = vector.shape_cast %get3A_395 : vector<1x1x16xf32> to vector<16xf32>
      %swap3A_397 = arith.constant 24 : i32
      %swap3A_398 = arith.index_cast %swap3A_397 : i32 to index
      %swap3A_399 = arith.constant 0 : index
      %swap3A_400 = tpu.vector_load %arg8[%swap3A_398, %swap3A_399] {strides = array<i32>} : memref<128x128xf32, #tpu.memory_space<vmem>>, vector<1x16xf32>,
      %swap3A_401 = vector.shape_cast %swap3A_400 : vector<1x16xf32> to vector<16xf32>
      %swap3A_402 = vector.shape_cast %get3A_396 : vector<16xf32> to vector<1x16xf32>
      tpu.vector_store %arg8[%swap3A_398, %swap3A_399], %swap3A_402 {strides = array<i32>} : memref<128x128xf32, #tpu.memory_space<vmem>>, vector<1x16xf32>,
      %get3A_403 = arith.constant 0 : i32
      %get3A_404 = arith.constant 3 : i32
      %get3A_405 = arith.index_cast %get3A_403 : i32 to index
      %get3A_406 = arith.index_cast %get3A_404 : i32 to index
      %get3A_407 = arith.constant 16 : index
      %get3A_408 = tpu.vector_load %arg7[%get3A_405, %get3A_406, %get3A_407] {strides = array<i32>} : memref<2x16x128xf32, #tpu.memory_space<vmem>>, vector<1x1x16xf32>,
      %get3A_409 = vector.shape_cast %get3A_408 : vector<1x1x16xf32> to vector<16xf32>
      %swap3A_410 = arith.constant 25 : i32
      %swap3A_411 = arith.index_cast %swap3A_410 : i32 to index
      %swap3A_412 = arith.constant 0 : index
      %swap3A_413 = tpu.vector_load %arg8[%swap3A_411, %swap3A_412] {strides = array<i32>} : memref<128x128xf32, #tpu.memory_space<vmem>>, vector<1x16xf32>,
      %swap3A_414 = vector.shape_cast %swap3A_413 : vector<1x16xf32> to vector<16xf32>
      %swap3A_415 = vector.shape_cast %get3A_409 : vector<16xf32> to vector<1x16xf32>
      tpu.vector_store %arg8[%swap3A_411, %swap3A_412], %swap3A_415 {strides = array<i32>} : memref<128x128xf32, #tpu.memory_space<vmem>>, vector<1x16xf32>,
      %get3A_416 = arith.constant 0 : i32
      %get3A_417 = arith.constant 3 : i32
      %get3A_418 = arith.index_cast %get3A_416 : i32 to index
      %get3A_419 = arith.index_cast %get3A_417 : i32 to index
      %get3A_420 = arith.constant 32 : index
      %get3A_421 = tpu.vector_load %arg7[%get3A_418, %get3A_419, %get3A_420] {strides = array<i32>} : memref<2x16x128xf32, #tpu.memory_space<vmem>>, vector<1x1x16xf32>,
      %get3A_422 = vector.shape_cast %get3A_421 : vector<1x1x16xf32> to vector<16xf32>
      %swap3A_423 = arith.constant 26 : i32
      %swap3A_424 = arith.index_cast %swap3A_423 : i32 to index
      %swap3A_425 = arith.constant 0 : index
      %swap3A_426 = tpu.vector_load %arg8[%swap3A_424, %swap3A_425] {strides = array<i32>} : memref<128x128xf32, #tpu.memory_space<vmem>>, vector<1x16xf32>,
      %swap3A_427 = vector.shape_cast %swap3A_426 : vector<1x16xf32> to vector<16xf32>
      %swap3A_428 = vector.shape_cast %get3A_422 : vector<16xf32> to vector<1x16xf32>
      tpu.vector_store %arg8[%swap3A_424, %swap3A_425], %swap3A_428 {strides = array<i32>} : memref<128x128xf32, #tpu.memory_space<vmem>>, vector<1x16xf32>,
      %get3A_429 = arith.constant 0 : i32
      %get3A_430 = arith.constant 3 : i32
      %get3A_431 = arith.index_cast %get3A_429 : i32 to index
      %get3A_432 = arith.index_cast %get3A_430 : i32 to index
      %get3A_433 = arith.constant 48 : index
      %get3A_434 = tpu.vector_load %arg7[%get3A_431, %get3A_432, %get3A_433] {strides = array<i32>} : memref<2x16x128xf32, #tpu.memory_space<vmem>>, vector<1x1x16xf32>,
      %get3A_435 = vector.shape_cast %get3A_434 : vector<1x1x16xf32> to vector<16xf32>
      %swap3A_436 = arith.constant 27 : i32
      %swap3A_437 = arith.index_cast %swap3A_436 : i32 to index
      %swap3A_438 = arith.constant 0 : index
      %swap3A_439 = tpu.vector_load %arg8[%swap3A_437, %swap3A_438] {strides = array<i32>} : memref<128x128xf32, #tpu.memory_space<vmem>>, vector<1x16xf32>,
      %swap3A_440 = vector.shape_cast %swap3A_439 : vector<1x16xf32> to vector<16xf32>
      %swap3A_441 = vector.shape_cast %get3A_435 : vector<16xf32> to vector<1x16xf32>
      tpu.vector_store %arg8[%swap3A_437, %swap3A_438], %swap3A_441 {strides = array<i32>} : memref<128x128xf32, #tpu.memory_space<vmem>>, vector<1x16xf32>,
      %get3A_442 = arith.constant 0 : i32
      %get3A_443 = arith.constant 3 : i32
      %get3A_444 = arith.index_cast %get3A_442 : i32 to index
      %get3A_445 = arith.index_cast %get3A_443 : i32 to index
      %get3A_446 = arith.constant 64 : index
      %get3A_447 = tpu.vector_load %arg7[%get3A_444, %get3A_445, %get3A_446] {strides = array<i32>} : memref<2x16x128xf32, #tpu.memory_space<vmem>>, vector<1x1x16xf32>,
      %get3A_448 = vector.shape_cast %get3A_447 : vector<1x1x16xf32> to vector<16xf32>
      %swap3A_449 = arith.constant 28 : i32
      %swap3A_450 = arith.index_cast %swap3A_449 : i32 to index
      %swap3A_451 = arith.constant 0 : index
      %swap3A_452 = tpu.vector_load %arg8[%swap3A_450, %swap3A_451] {strides = array<i32>} : memref<128x128xf32, #tpu.memory_space<vmem>>, vector<1x16xf32>,
      %swap3A_453 = vector.shape_cast %swap3A_452 : vector<1x16xf32> to vector<16xf32>
      %swap3A_454 = vector.shape_cast %get3A_448 : vector<16xf32> to vector<1x16xf32>
      tpu.vector_store %arg8[%swap3A_450, %swap3A_451], %swap3A_454 {strides = array<i32>} : memref<128x128xf32, #tpu.memory_space<vmem>>, vector<1x16xf32>,
      %get3A_455 = arith.constant 0 : i32
      %get3A_456 = arith.constant 3 : i32
      %get3A_457 = arith.index_cast %get3A_455 : i32 to index
      %get3A_458 = arith.index_cast %get3A_456 : i32 to index
      %get3A_459 = arith.constant 80 : index
      %get3A_460 = tpu.vector_load %arg7[%get3A_457, %get3A_458, %get3A_459] {strides = array<i32>} : memref<2x16x128xf32, #tpu.memory_space<vmem>>, vector<1x1x16xf32>,
      %get3A_461 = vector.shape_cast %get3A_460 : vector<1x1x16xf32> to vector<16xf32>
      %swap3A_462 = arith.constant 29 : i32
      %swap3A_463 = arith.index_cast %swap3A_462 : i32 to index
      %swap3A_464 = arith.constant 0 : index
      %swap3A_465 = tpu.vector_load %arg8[%swap3A_463, %swap3A_464] {strides = array<i32>} : memref<128x128xf32, #tpu.memory_space<vmem>>, vector<1x16xf32>,
      %swap3A_466 = vector.shape_cast %swap3A_465 : vector<1x16xf32> to vector<16xf32>
      %swap3A_467 = vector.shape_cast %get3A_461 : vector<16xf32> to vector<1x16xf32>
      tpu.vector_store %arg8[%swap3A_463, %swap3A_464], %swap3A_467 {strides = array<i32>} : memref<128x128xf32, #tpu.memory_space<vmem>>, vector<1x16xf32>,
      %get3A_468 = arith.constant 0 : i32
      %get3A_469 = arith.constant 3 : i32
      %get3A_470 = arith.index_cast %get3A_468 : i32 to index
      %get3A_471 = arith.index_cast %get3A_469 : i32 to index
      %get3A_472 = arith.constant 96 : index
      %get3A_473 = tpu.vector_load %arg7[%get3A_470, %get3A_471, %get3A_472] {strides = array<i32>} : memref<2x16x128xf32, #tpu.memory_space<vmem>>, vector<1x1x16xf32>,
      %get3A_474 = vector.shape_cast %get3A_473 : vector<1x1x16xf32> to vector<16xf32>
      %swap3A_475 = arith.constant 30 : i32
      %swap3A_476 = arith.index_cast %swap3A_475 : i32 to index
      %swap3A_477 = arith.constant 0 : index
      %swap3A_478 = tpu.vector_load %arg8[%swap3A_476, %swap3A_477] {strides = array<i32>} : memref<128x128xf32, #tpu.memory_space<vmem>>, vector<1x16xf32>,
      %swap3A_479 = vector.shape_cast %swap3A_478 : vector<1x16xf32> to vector<16xf32>
      %swap3A_480 = vector.shape_cast %get3A_474 : vector<16xf32> to vector<1x16xf32>
      tpu.vector_store %arg8[%swap3A_476, %swap3A_477], %swap3A_480 {strides = array<i32>} : memref<128x128xf32, #tpu.memory_space<vmem>>, vector<1x16xf32>,
      %get3A_481 = arith.constant 0 : i32
      %get3A_482 = arith.constant 3 : i32
      %get3A_483 = arith.index_cast %get3A_481 : i32 to index
      %get3A_484 = arith.index_cast %get3A_482 : i32 to index
      %get3A_485 = arith.constant 112 : index
      %get3A_486 = tpu.vector_load %arg7[%get3A_483, %get3A_484, %get3A_485] {strides = array<i32>} : memref<2x16x128xf32, #tpu.memory_space<vmem>>, vector<1x1x16xf32>,
      %get3A_487 = vector.shape_cast %get3A_486 : vector<1x1x16xf32> to vector<16xf32>
      %swap3A_488 = arith.constant 31 : i32
      %swap3A_489 = arith.index_cast %swap3A_488 : i32 to index
      %swap3A_490 = arith.constant 0 : index
      %swap3A_491 = tpu.vector_load %arg8[%swap3A_489, %swap3A_490] {strides = array<i32>} : memref<128x128xf32, #tpu.memory_space<vmem>>, vector<1x16xf32>,
      %swap3A_492 = vector.shape_cast %swap3A_491 : vector<1x16xf32> to vector<16xf32>
      %swap3A_493 = vector.shape_cast %get3A_487 : vector<16xf32> to vector<1x16xf32>
      tpu.vector_store %arg8[%swap3A_489, %swap3A_490], %swap3A_493 {strides = array<i32>} : memref<128x128xf32, #tpu.memory_space<vmem>>, vector<1x16xf32>,
      %get3A_494 = arith.constant 0 : i32
      %get3A_495 = arith.constant 4 : i32
      %get3A_496 = arith.index_cast %get3A_494 : i32 to index
      %get3A_497 = arith.index_cast %get3A_495 : i32 to index
      %get3A_498 = arith.constant 0 : index
      %get3A_499 = tpu.vector_load %arg7[%get3A_496, %get3A_497, %get3A_498] {strides = array<i32>} : memref<2x16x128xf32, #tpu.memory_space<vmem>>, vector<1x1x16xf32>,
      %get3A_500 = vector.shape_cast %get3A_499 : vector<1x1x16xf32> to vector<16xf32>
      %swap3A_501 = arith.constant 32 : i32
      %swap3A_502 = arith.index_cast %swap3A_501 : i32 to index
      %swap3A_503 = arith.constant 0 : index
      %swap3A_504 = tpu.vector_load %arg8[%swap3A_502, %swap3A_503] {strides = array<i32>} : memref<128x128xf32, #tpu.memory_space<vmem>>, vector<1x16xf32>,
      %swap3A_505 = vector.shape_cast %swap3A_504 : vector<1x16xf32> to vector<16xf32>
      %swap3A_506 = vector.shape_cast %get3A_500 : vector<16xf32> to vector<1x16xf32>
      tpu.vector_store %arg8[%swap3A_502, %swap3A_503], %swap3A_506 {strides = array<i32>} : memref<128x128xf32, #tpu.memory_space<vmem>>, vector<1x16xf32>,
      %get3A_507 = arith.constant 0 : i32
      %get3A_508 = arith.constant 4 : i32
      %get3A_509 = arith.index_cast %get3A_507 : i32 to index
      %get3A_510 = arith.index_cast %get3A_508 : i32 to index
      %get3A_511 = arith.constant 16 : index
      %get3A_512 = tpu.vector_load %arg7[%get3A_509, %get3A_510, %get3A_511] {strides = array<i32>} : memref<2x16x128xf32, #tpu.memory_space<vmem>>, vector<1x1x16xf32>,
      %get3A_513 = vector.shape_cast %get3A_512 : vector<1x1x16xf32> to vector<16xf32>
      %swap3A_514 = arith.constant 33 : i32
      %swap3A_515 = arith.index_cast %swap3A_514 : i32 to index
      %swap3A_516 = arith.constant 0 : index
      %swap3A_517 = tpu.vector_load %arg8[%swap3A_515, %swap3A_516] {strides = array<i32>} : memref<128x128xf32, #tpu.memory_space<vmem>>, vector<1x16xf32>,
      %swap3A_518 = vector.shape_cast %swap3A_517 : vector<1x16xf32> to vector<16xf32>
      %swap3A_519 = vector.shape_cast %get3A_513 : vector<16xf32> to vector<1x16xf32>
      tpu.vector_store %arg8[%swap3A_515, %swap3A_516], %swap3A_519 {strides = array<i32>} : memref<128x128xf32, #tpu.memory_space<vmem>>, vector<1x16xf32>,
      %get3A_520 = arith.constant 0 : i32
      %get3A_521 = arith.constant 4 : i32
      %get3A_522 = arith.index_cast %get3A_520 : i32 to index
      %get3A_523 = arith.index_cast %get3A_521 : i32 to index
      %get3A_524 = arith.constant 32 : index
      %get3A_525 = tpu.vector_load %arg7[%get3A_522, %get3A_523, %get3A_524] {strides = array<i32>} : memref<2x16x128xf32, #tpu.memory_space<vmem>>, vector<1x1x16xf32>,
      %get3A_526 = vector.shape_cast %get3A_525 : vector<1x1x16xf32> to vector<16xf32>
      %swap3A_527 = arith.constant 34 : i32
      %swap3A_528 = arith.index_cast %swap3A_527 : i32 to index
      %swap3A_529 = arith.constant 0 : index
      %swap3A_530 = tpu.vector_load %arg8[%swap3A_528, %swap3A_529] {strides = array<i32>} : memref<128x128xf32, #tpu.memory_space<vmem>>, vector<1x16xf32>,
      %swap3A_531 = vector.shape_cast %swap3A_530 : vector<1x16xf32> to vector<16xf32>
      %swap3A_532 = vector.shape_cast %get3A_526 : vector<16xf32> to vector<1x16xf32>
      tpu.vector_store %arg8[%swap3A_528, %swap3A_529], %swap3A_532 {strides = array<i32>} : memref<128x128xf32, #tpu.memory_space<vmem>>, vector<1x16xf32>,
      %get3A_533 = arith.constant 0 : i32
      %get3A_534 = arith.constant 4 : i32
      %get3A_535 = arith.index_cast %get3A_533 : i32 to index
      %get3A_536 = arith.index_cast %get3A_534 : i32 to index
      %get3A_537 = arith.constant 48 : index
      %get3A_538 = tpu.vector_load %arg7[%get3A_535, %get3A_536, %get3A_537] {strides = array<i32>} : memref<2x16x128xf32, #tpu.memory_space<vmem>>, vector<1x1x16xf32>,
      %get3A_539 = vector.shape_cast %get3A_538 : vector<1x1x16xf32> to vector<16xf32>
      %swap3A_540 = arith.constant 35 : i32
      %swap3A_541 = arith.index_cast %swap3A_540 : i32 to index
      %swap3A_542 = arith.constant 0 : index
      %swap3A_543 = tpu.vector_load %arg8[%swap3A_541, %swap3A_542] {strides = array<i32>} : memref<128x128xf32, #tpu.memory_space<vmem>>, vector<1x16xf32>,
      %swap3A_544 = vector.shape_cast %swap3A_543 : vector<1x16xf32> to vector<16xf32>
      %swap3A_545 = vector.shape_cast %get3A_539 : vector<16xf32> to vector<1x16xf32>
      tpu.vector_store %arg8[%swap3A_541, %swap3A_542], %swap3A_545 {strides = array<i32>} : memref<128x128xf32, #tpu.memory_space<vmem>>, vector<1x16xf32>,
      %get3A_546 = arith.constant 0 : i32
      %get3A_547 = arith.constant 4 : i32
      %get3A_548 = arith.index_cast %get3A_546 : i32 to index
      %get3A_549 = arith.index_cast %get3A_547 : i32 to index
      %get3A_550 = arith.constant 64 : index
      %get3A_551 = tpu.vector_load %arg7[%get3A_548, %get3A_549, %get3A_550] {strides = array<i32>} : memref<2x16x128xf32, #tpu.memory_space<vmem>>, vector<1x1x16xf32>,
      %get3A_552 = vector.shape_cast %get3A_551 : vector<1x1x16xf32> to vector<16xf32>
      %swap3A_553 = arith.constant 36 : i32
      %swap3A_554 = arith.index_cast %swap3A_553 : i32 to index
      %swap3A_555 = arith.constant 0 : index
      %swap3A_556 = tpu.vector_load %arg8[%swap3A_554, %swap3A_555] {strides = array<i32>} : memref<128x128xf32, #tpu.memory_space<vmem>>, vector<1x16xf32>,
      %swap3A_557 = vector.shape_cast %swap3A_556 : vector<1x16xf32> to vector<16xf32>
      %swap3A_558 = vector.shape_cast %get3A_552 : vector<16xf32> to vector<1x16xf32>
      tpu.vector_store %arg8[%swap3A_554, %swap3A_555], %swap3A_558 {strides = array<i32>} : memref<128x128xf32, #tpu.memory_space<vmem>>, vector<1x16xf32>,
      %get3A_559 = arith.constant 0 : i32
      %get3A_560 = arith.constant 4 : i32
      %get3A_561 = arith.index_cast %get3A_559 : i32 to index
      %get3A_562 = arith.index_cast %get3A_560 : i32 to index
      %get3A_563 = arith.constant 80 : index
      %get3A_564 = tpu.vector_load %arg7[%get3A_561, %get3A_562, %get3A_563] {strides = array<i32>} : memref<2x16x128xf32, #tpu.memory_space<vmem>>, vector<1x1x16xf32>,
      %get3A_565 = vector.shape_cast %get3A_564 : vector<1x1x16xf32> to vector<16xf32>
      %swap3A_566 = arith.constant 37 : i32
      %swap3A_567 = arith.index_cast %swap3A_566 : i32 to index
      %swap3A_568 = arith.constant 0 : index
      %swap3A_569 = tpu.vector_load %arg8[%swap3A_567, %swap3A_568] {strides = array<i32>} : memref<128x128xf32, #tpu.memory_space<vmem>>, vector<1x16xf32>,
      %swap3A_570 = vector.shape_cast %swap3A_569 : vector<1x16xf32> to vector<16xf32>
      %swap3A_571 = vector.shape_cast %get3A_565 : vector<16xf32> to vector<1x16xf32>
      tpu.vector_store %arg8[%swap3A_567, %swap3A_568], %swap3A_571 {strides = array<i32>} : memref<128x128xf32, #tpu.memory_space<vmem>>, vector<1x16xf32>,
      %get3A_572 = arith.constant 0 : i32
      %get3A_573 = arith.constant 4 : i32
      %get3A_574 = arith.index_cast %get3A_572 : i32 to index
      %get3A_575 = arith.index_cast %get3A_573 : i32 to index
      %get3A_576 = arith.constant 96 : index
      %get3A_577 = tpu.vector_load %arg7[%get3A_574, %get3A_575, %get3A_576] {strides = array<i32>} : memref<2x16x128xf32, #tpu.memory_space<vmem>>, vector<1x1x16xf32>,
      %get3A_578 = vector.shape_cast %get3A_577 : vector<1x1x16xf32> to vector<16xf32>
      %swap3A_579 = arith.constant 38 : i32
      %swap3A_580 = arith.index_cast %swap3A_579 : i32 to index
      %swap3A_581 = arith.constant 0 : index
      %swap3A_582 = tpu.vector_load %arg8[%swap3A_580, %swap3A_581] {strides = array<i32>} : memref<128x128xf32, #tpu.memory_space<vmem>>, vector<1x16xf32>,
      %swap3A_583 = vector.shape_cast %swap3A_582 : vector<1x16xf32> to vector<16xf32>
      %swap3A_584 = vector.shape_cast %get3A_578 : vector<16xf32> to vector<1x16xf32>
      tpu.vector_store %arg8[%swap3A_580, %swap3A_581], %swap3A_584 {strides = array<i32>} : memref<128x128xf32, #tpu.memory_space<vmem>>, vector<1x16xf32>,
      %get3A_585 = arith.constant 0 : i32
      %get3A_586 = arith.constant 4 : i32
      %get3A_587 = arith.index_cast %get3A_585 : i32 to index
      %get3A_588 = arith.index_cast %get3A_586 : i32 to index
      %get3A_589 = arith.constant 112 : index
      %get3A_590 = tpu.vector_load %arg7[%get3A_587, %get3A_588, %get3A_589] {strides = array<i32>} : memref<2x16x128xf32, #tpu.memory_space<vmem>>, vector<1x1x16xf32>,
      %get3A_591 = vector.shape_cast %get3A_590 : vector<1x1x16xf32> to vector<16xf32>
      %swap3A_592 = arith.constant 39 : i32
      %swap3A_593 = arith.index_cast %swap3A_592 : i32 to index
      %swap3A_594 = arith.constant 0 : index
      %swap3A_595 = tpu.vector_load %arg8[%swap3A_593, %swap3A_594] {strides = array<i32>} : memref<128x128xf32, #tpu.memory_space<vmem>>, vector<1x16xf32>,
      %swap3A_596 = vector.shape_cast %swap3A_595 : vector<1x16xf32> to vector<16xf32>
      %swap3A_597 = vector.shape_cast %get3A_591 : vector<16xf32> to vector<1x16xf32>
      tpu.vector_store %arg8[%swap3A_593, %swap3A_594], %swap3A_597 {strides = array<i32>} : memref<128x128xf32, #tpu.memory_space<vmem>>, vector<1x16xf32>,
      %get3A_598 = arith.constant 0 : i32
      %get3A_599 = arith.constant 5 : i32
      %get3A_600 = arith.index_cast %get3A_598 : i32 to index
      %get3A_601 = arith.index_cast %get3A_599 : i32 to index
      %get3A_602 = arith.constant 0 : index
      %get3A_603 = tpu.vector_load %arg7[%get3A_600, %get3A_601, %get3A_602] {strides = array<i32>} : memref<2x16x128xf32, #tpu.memory_space<vmem>>, vector<1x1x16xf32>,
      %get3A_604 = vector.shape_cast %get3A_603 : vector<1x1x16xf32> to vector<16xf32>
      %swap3A_605 = arith.constant 40 : i32
      %swap3A_606 = arith.index_cast %swap3A_605 : i32 to index
      %swap3A_607 = arith.constant 0 : index
      %swap3A_608 = tpu.vector_load %arg8[%swap3A_606, %swap3A_607] {strides = array<i32>} : memref<128x128xf32, #tpu.memory_space<vmem>>, vector<1x16xf32>,
      %swap3A_609 = vector.shape_cast %swap3A_608 : vector<1x16xf32> to vector<16xf32>
      %swap3A_610 = vector.shape_cast %get3A_604 : vector<16xf32> to vector<1x16xf32>
      tpu.vector_store %arg8[%swap3A_606, %swap3A_607], %swap3A_610 {strides = array<i32>} : memref<128x128xf32, #tpu.memory_space<vmem>>, vector<1x16xf32>,
      %get3A_611 = arith.constant 0 : i32
      %get3A_612 = arith.constant 5 : i32
      %get3A_613 = arith.index_cast %get3A_611 : i32 to index
      %get3A_614 = arith.index_cast %get3A_612 : i32 to index
      %get3A_615 = arith.constant 16 : index
      %get3A_616 = tpu.vector_load %arg7[%get3A_613, %get3A_614, %get3A_615] {strides = array<i32>} : memref<2x16x128xf32, #tpu.memory_space<vmem>>, vector<1x1x16xf32>,
      %get3A_617 = vector.shape_cast %get3A_616 : vector<1x1x16xf32> to vector<16xf32>
      %swap3A_618 = arith.constant 41 : i32
      %swap3A_619 = arith.index_cast %swap3A_618 : i32 to index
      %swap3A_620 = arith.constant 0 : index
      %swap3A_621 = tpu.vector_load %arg8[%swap3A_619, %swap3A_620] {strides = array<i32>} : memref<128x128xf32, #tpu.memory_space<vmem>>, vector<1x16xf32>,
      %swap3A_622 = vector.shape_cast %swap3A_621 : vector<1x16xf32> to vector<16xf32>
      %swap3A_623 = vector.shape_cast %get3A_617 : vector<16xf32> to vector<1x16xf32>
      tpu.vector_store %arg8[%swap3A_619, %swap3A_620], %swap3A_623 {strides = array<i32>} : memref<128x128xf32, #tpu.memory_space<vmem>>, vector<1x16xf32>,
      %get3A_624 = arith.constant 0 : i32
      %get3A_625 = arith.constant 5 : i32
      %get3A_626 = arith.index_cast %get3A_624 : i32 to index
      %get3A_627 = arith.index_cast %get3A_625 : i32 to index
      %get3A_628 = arith.constant 32 : index
      %get3A_629 = tpu.vector_load %arg7[%get3A_626, %get3A_627, %get3A_628] {strides = array<i32>} : memref<2x16x128xf32, #tpu.memory_space<vmem>>, vector<1x1x16xf32>,
      %get3A_630 = vector.shape_cast %get3A_629 : vector<1x1x16xf32> to vector<16xf32>
      %swap3A_631 = arith.constant 42 : i32
      %swap3A_632 = arith.index_cast %swap3A_631 : i32 to index
      %swap3A_633 = arith.constant 0 : index
      %swap3A_634 = tpu.vector_load %arg8[%swap3A_632, %swap3A_633] {strides = array<i32>} : memref<128x128xf32, #tpu.memory_space<vmem>>, vector<1x16xf32>,
      %swap3A_635 = vector.shape_cast %swap3A_634 : vector<1x16xf32> to vector<16xf32>
      %swap3A_636 = vector.shape_cast %get3A_630 : vector<16xf32> to vector<1x16xf32>
      tpu.vector_store %arg8[%swap3A_632, %swap3A_633], %swap3A_636 {strides = array<i32>} : memref<128x128xf32, #tpu.memory_space<vmem>>, vector<1x16xf32>,
      %get3A_637 = arith.constant 0 : i32
      %get3A_638 = arith.constant 5 : i32
      %get3A_639 = arith.index_cast %get3A_637 : i32 to index
      %get3A_640 = arith.index_cast %get3A_638 : i32 to index
      %get3A_641 = arith.constant 48 : index
      %get3A_642 = tpu.vector_load %arg7[%get3A_639, %get3A_640, %get3A_641] {strides = array<i32>} : memref<2x16x128xf32, #tpu.memory_space<vmem>>, vector<1x1x16xf32>,
      %get3A_643 = vector.shape_cast %get3A_642 : vector<1x1x16xf32> to vector<16xf32>
      %swap3A_644 = arith.constant 43 : i32
      %swap3A_645 = arith.index_cast %swap3A_644 : i32 to index
      %swap3A_646 = arith.constant 0 : index
      %swap3A_647 = tpu.vector_load %arg8[%swap3A_645, %swap3A_646] {strides = array<i32>} : memref<128x128xf32, #tpu.memory_space<vmem>>, vector<1x16xf32>,
      %swap3A_648 = vector.shape_cast %swap3A_647 : vector<1x16xf32> to vector<16xf32>
      %swap3A_649 = vector.shape_cast %get3A_643 : vector<16xf32> to vector<1x16xf32>
      tpu.vector_store %arg8[%swap3A_645, %swap3A_646], %swap3A_649 {strides = array<i32>} : memref<128x128xf32, #tpu.memory_space<vmem>>, vector<1x16xf32>,
      %get3A_650 = arith.constant 0 : i32
      %get3A_651 = arith.constant 5 : i32
      %get3A_652 = arith.index_cast %get3A_650 : i32 to index
      %get3A_653 = arith.index_cast %get3A_651 : i32 to index
      %get3A_654 = arith.constant 64 : index
      %get3A_655 = tpu.vector_load %arg7[%get3A_652, %get3A_653, %get3A_654] {strides = array<i32>} : memref<2x16x128xf32, #tpu.memory_space<vmem>>, vector<1x1x16xf32>,
      %get3A_656 = vector.shape_cast %get3A_655 : vector<1x1x16xf32> to vector<16xf32>
      %swap3A_657 = arith.constant 44 : i32
      %swap3A_658 = arith.index_cast %swap3A_657 : i32 to index
      %swap3A_659 = arith.constant 0 : index
      %swap3A_660 = tpu.vector_load %arg8[%swap3A_658, %swap3A_659] {strides = array<i32>} : memref<128x128xf32, #tpu.memory_space<vmem>>, vector<1x16xf32>,
      %swap3A_661 = vector.shape_cast %swap3A_660 : vector<1x16xf32> to vector<16xf32>
      %swap3A_662 = vector.shape_cast %get3A_656 : vector<16xf32> to vector<1x16xf32>
      tpu.vector_store %arg8[%swap3A_658, %swap3A_659], %swap3A_662 {strides = array<i32>} : memref<128x128xf32, #tpu.memory_space<vmem>>, vector<1x16xf32>,
      %get3A_663 = arith.constant 0 : i32
      %get3A_664 = arith.constant 5 : i32
      %get3A_665 = arith.index_cast %get3A_663 : i32 to index
      %get3A_666 = arith.index_cast %get3A_664 : i32 to index
      %get3A_667 = arith.constant 80 : index
      %get3A_668 = tpu.vector_load %arg7[%get3A_665, %get3A_666, %get3A_667] {strides = array<i32>} : memref<2x16x128xf32, #tpu.memory_space<vmem>>, vector<1x1x16xf32>,
      %get3A_669 = vector.shape_cast %get3A_668 : vector<1x1x16xf32> to vector<16xf32>
      %swap3A_670 = arith.constant 45 : i32
      %swap3A_671 = arith.index_cast %swap3A_670 : i32 to index
      %swap3A_672 = arith.constant 0 : index
      %swap3A_673 = tpu.vector_load %arg8[%swap3A_671, %swap3A_672] {strides = array<i32>} : memref<128x128xf32, #tpu.memory_space<vmem>>, vector<1x16xf32>,
      %swap3A_674 = vector.shape_cast %swap3A_673 : vector<1x16xf32> to vector<16xf32>
      %swap3A_675 = vector.shape_cast %get3A_669 : vector<16xf32> to vector<1x16xf32>
      tpu.vector_store %arg8[%swap3A_671, %swap3A_672], %swap3A_675 {strides = array<i32>} : memref<128x128xf32, #tpu.memory_space<vmem>>, vector<1x16xf32>,
      %get3A_676 = arith.constant 0 : i32
      %get3A_677 = arith.constant 5 : i32
      %get3A_678 = arith.index_cast %get3A_676 : i32 to index
      %get3A_679 = arith.index_cast %get3A_677 : i32 to index
      %get3A_680 = arith.constant 96 : index
      %get3A_681 = tpu.vector_load %arg7[%get3A_678, %get3A_679, %get3A_680] {strides = array<i32>} : memref<2x16x128xf32, #tpu.memory_space<vmem>>, vector<1x1x16xf32>,
      %get3A_682 = vector.shape_cast %get3A_681 : vector<1x1x16xf32> to vector<16xf32>
      %swap3A_683 = arith.constant 46 : i32
      %swap3A_684 = arith.index_cast %swap3A_683 : i32 to index
      %swap3A_685 = arith.constant 0 : index
      %swap3A_686 = tpu.vector_load %arg8[%swap3A_684, %swap3A_685] {strides = array<i32>} : memref<128x128xf32, #tpu.memory_space<vmem>>, vector<1x16xf32>,
      %swap3A_687 = vector.shape_cast %swap3A_686 : vector<1x16xf32> to vector<16xf32>
      %swap3A_688 = vector.shape_cast %get3A_682 : vector<16xf32> to vector<1x16xf32>
      tpu.vector_store %arg8[%swap3A_684, %swap3A_685], %swap3A_688 {strides = array<i32>} : memref<128x128xf32, #tpu.memory_space<vmem>>, vector<1x16xf32>,
      %get3A_689 = arith.constant 0 : i32
      %get3A_690 = arith.constant 5 : i32
      %get3A_691 = arith.index_cast %get3A_689 : i32 to index
      %get3A_692 = arith.index_cast %get3A_690 : i32 to index
      %get3A_693 = arith.constant 112 : index
      %get3A_694 = tpu.vector_load %arg7[%get3A_691, %get3A_692, %get3A_693] {strides = array<i32>} : memref<2x16x128xf32, #tpu.memory_space<vmem>>, vector<1x1x16xf32>,
      %get3A_695 = vector.shape_cast %get3A_694 : vector<1x1x16xf32> to vector<16xf32>
      %swap3A_696 = arith.constant 47 : i32
      %swap3A_697 = arith.index_cast %swap3A_696 : i32 to index
      %swap3A_698 = arith.constant 0 : index
      %swap3A_699 = tpu.vector_load %arg8[%swap3A_697, %swap3A_698] {strides = array<i32>} : memref<128x128xf32, #tpu.memory_space<vmem>>, vector<1x16xf32>,
      %swap3A_700 = vector.shape_cast %swap3A_699 : vector<1x16xf32> to vector<16xf32>
      %swap3A_701 = vector.shape_cast %get3A_695 : vector<16xf32> to vector<1x16xf32>
      tpu.vector_store %arg8[%swap3A_697, %swap3A_698], %swap3A_701 {strides = array<i32>} : memref<128x128xf32, #tpu.memory_space<vmem>>, vector<1x16xf32>,
      %get3A_702 = arith.constant 0 : i32
      %get3A_703 = arith.constant 6 : i32
      %get3A_704 = arith.index_cast %get3A_702 : i32 to index
      %get3A_705 = arith.index_cast %get3A_703 : i32 to index
      %get3A_706 = arith.constant 0 : index
      %get3A_707 = tpu.vector_load %arg7[%get3A_704, %get3A_705, %get3A_706] {strides = array<i32>} : memref<2x16x128xf32, #tpu.memory_space<vmem>>, vector<1x1x16xf32>,
      %get3A_708 = vector.shape_cast %get3A_707 : vector<1x1x16xf32> to vector<16xf32>
      %swap3A_709 = arith.constant 48 : i32
      %swap3A_710 = arith.index_cast %swap3A_709 : i32 to index
      %swap3A_711 = arith.constant 0 : index
      %swap3A_712 = tpu.vector_load %arg8[%swap3A_710, %swap3A_711] {strides = array<i32>} : memref<128x128xf32, #tpu.memory_space<vmem>>, vector<1x16xf32>,
      %swap3A_713 = vector.shape_cast %swap3A_712 : vector<1x16xf32> to vector<16xf32>
      %swap3A_714 = vector.shape_cast %get3A_708 : vector<16xf32> to vector<1x16xf32>
      tpu.vector_store %arg8[%swap3A_710, %swap3A_711], %swap3A_714 {strides = array<i32>} : memref<128x128xf32, #tpu.memory_space<vmem>>, vector<1x16xf32>,
      %get3A_715 = arith.constant 0 : i32
      %get3A_716 = arith.constant 6 : i32
      %get3A_717 = arith.index_cast %get3A_715 : i32 to index
      %get3A_718 = arith.index_cast %get3A_716 : i32 to index
      %get3A_719 = arith.constant 16 : index
      %get3A_720 = tpu.vector_load %arg7[%get3A_717, %get3A_718, %get3A_719] {strides = array<i32>} : memref<2x16x128xf32, #tpu.memory_space<vmem>>, vector<1x1x16xf32>,
      %get3A_721 = vector.shape_cast %get3A_720 : vector<1x1x16xf32> to vector<16xf32>
      %swap3A_722 = arith.constant 49 : i32
      %swap3A_723 = arith.index_cast %swap3A_722 : i32 to index
      %swap3A_724 = arith.constant 0 : index
      %swap3A_725 = tpu.vector_load %arg8[%swap3A_723, %swap3A_724] {strides = array<i32>} : memref<128x128xf32, #tpu.memory_space<vmem>>, vector<1x16xf32>,
      %swap3A_726 = vector.shape_cast %swap3A_725 : vector<1x16xf32> to vector<16xf32>
      %swap3A_727 = vector.shape_cast %get3A_721 : vector<16xf32> to vector<1x16xf32>
      tpu.vector_store %arg8[%swap3A_723, %swap3A_724], %swap3A_727 {strides = array<i32>} : memref<128x128xf32, #tpu.memory_space<vmem>>, vector<1x16xf32>,
      %get3A_728 = arith.constant 0 : i32
      %get3A_729 = arith.constant 6 : i32
      %get3A_730 = arith.index_cast %get3A_728 : i32 to index
      %get3A_731 = arith.index_cast %get3A_729 : i32 to index
      %get3A_732 = arith.constant 32 : index
      %get3A_733 = tpu.vector_load %arg7[%get3A_730, %get3A_731, %get3A_732] {strides = array<i32>} : memref<2x16x128xf32, #tpu.memory_space<vmem>>, vector<1x1x16xf32>,
      %get3A_734 = vector.shape_cast %get3A_733 : vector<1x1x16xf32> to vector<16xf32>
      %swap3A_735 = arith.constant 50 : i32
      %swap3A_736 = arith.index_cast %swap3A_735 : i32 to index
      %swap3A_737 = arith.constant 0 : index
      %swap3A_738 = tpu.vector_load %arg8[%swap3A_736, %swap3A_737] {strides = array<i32>} : memref<128x128xf32, #tpu.memory_space<vmem>>, vector<1x16xf32>,
      %swap3A_739 = vector.shape_cast %swap3A_738 : vector<1x16xf32> to vector<16xf32>
      %swap3A_740 = vector.shape_cast %get3A_734 : vector<16xf32> to vector<1x16xf32>
      tpu.vector_store %arg8[%swap3A_736, %swap3A_737], %swap3A_740 {strides = array<i32>} : memref<128x128xf32, #tpu.memory_space<vmem>>, vector<1x16xf32>,
      %get3A_741 = arith.constant 0 : i32
      %get3A_742 = arith.constant 6 : i32
      %get3A_743 = arith.index_cast %get3A_741 : i32 to index
      %get3A_744 = arith.index_cast %get3A_742 : i32 to index
      %get3A_745 = arith.constant 48 : index
      %get3A_746 = tpu.vector_load %arg7[%get3A_743, %get3A_744, %get3A_745] {strides = array<i32>} : memref<2x16x128xf32, #tpu.memory_space<vmem>>, vector<1x1x16xf32>,
      %get3A_747 = vector.shape_cast %get3A_746 : vector<1x1x16xf32> to vector<16xf32>
      %swap3A_748 = arith.constant 51 : i32
      %swap3A_749 = arith.index_cast %swap3A_748 : i32 to index
      %swap3A_750 = arith.constant 0 : index
      %swap3A_751 = tpu.vector_load %arg8[%swap3A_749, %swap3A_750] {strides = array<i32>} : memref<128x128xf32, #tpu.memory_space<vmem>>, vector<1x16xf32>,
      %swap3A_752 = vector.shape_cast %swap3A_751 : vector<1x16xf32> to vector<16xf32>
      %swap3A_753 = vector.shape_cast %get3A_747 : vector<16xf32> to vector<1x16xf32>
      tpu.vector_store %arg8[%swap3A_749, %swap3A_750], %swap3A_753 {strides = array<i32>} : memref<128x128xf32, #tpu.memory_space<vmem>>, vector<1x16xf32>,
      %get3A_754 = arith.constant 0 : i32
      %get3A_755 = arith.constant 6 : i32
      %get3A_756 = arith.index_cast %get3A_754 : i32 to index
      %get3A_757 = arith.index_cast %get3A_755 : i32 to index
      %get3A_758 = arith.constant 64 : index
      %get3A_759 = tpu.vector_load %arg7[%get3A_756, %get3A_757, %get3A_758] {strides = array<i32>} : memref<2x16x128xf32, #tpu.memory_space<vmem>>, vector<1x1x16xf32>,
      %get3A_760 = vector.shape_cast %get3A_759 : vector<1x1x16xf32> to vector<16xf32>
      %swap3A_761 = arith.constant 52 : i32
      %swap3A_762 = arith.index_cast %swap3A_761 : i32 to index
      %swap3A_763 = arith.constant 0 : index
      %swap3A_764 = tpu.vector_load %arg8[%swap3A_762, %swap3A_763] {strides = array<i32>} : memref<128x128xf32, #tpu.memory_space<vmem>>, vector<1x16xf32>,
      %swap3A_765 = vector.shape_cast %swap3A_764 : vector<1x16xf32> to vector<16xf32>
      %swap3A_766 = vector.shape_cast %get3A_760 : vector<16xf32> to vector<1x16xf32>
      tpu.vector_store %arg8[%swap3A_762, %swap3A_763], %swap3A_766 {strides = array<i32>} : memref<128x128xf32, #tpu.memory_space<vmem>>, vector<1x16xf32>,
      %get3A_767 = arith.constant 0 : i32
      %get3A_768 = arith.constant 6 : i32
      %get3A_769 = arith.index_cast %get3A_767 : i32 to index
      %get3A_770 = arith.index_cast %get3A_768 : i32 to index
      %get3A_771 = arith.constant 80 : index
      %get3A_772 = tpu.vector_load %arg7[%get3A_769, %get3A_770, %get3A_771] {strides = array<i32>} : memref<2x16x128xf32, #tpu.memory_space<vmem>>, vector<1x1x16xf32>,
      %get3A_773 = vector.shape_cast %get3A_772 : vector<1x1x16xf32> to vector<16xf32>
      %swap3A_774 = arith.constant 53 : i32
      %swap3A_775 = arith.index_cast %swap3A_774 : i32 to index
      %swap3A_776 = arith.constant 0 : index
      %swap3A_777 = tpu.vector_load %arg8[%swap3A_775, %swap3A_776] {strides = array<i32>} : memref<128x128xf32, #tpu.memory_space<vmem>>, vector<1x16xf32>,
      %swap3A_778 = vector.shape_cast %swap3A_777 : vector<1x16xf32> to vector<16xf32>
      %swap3A_779 = vector.shape_cast %get3A_773 : vector<16xf32> to vector<1x16xf32>
      tpu.vector_store %arg8[%swap3A_775, %swap3A_776], %swap3A_779 {strides = array<i32>} : memref<128x128xf32, #tpu.memory_space<vmem>>, vector<1x16xf32>,
      %get3A_780 = arith.constant 0 : i32
      %get3A_781 = arith.constant 6 : i32
      %get3A_782 = arith.index_cast %get3A_780 : i32 to index
      %get3A_783 = arith.index_cast %get3A_781 : i32 to index
      %get3A_784 = arith.constant 96 : index
      %get3A_785 = tpu.vector_load %arg7[%get3A_782, %get3A_783, %get3A_784] {strides = array<i32>} : memref<2x16x128xf32, #tpu.memory_space<vmem>>, vector<1x1x16xf32>,
      %get3A_786 = vector.shape_cast %get3A_785 : vector<1x1x16xf32> to vector<16xf32>
      %swap3A_787 = arith.constant 54 : i32
      %swap3A_788 = arith.index_cast %swap3A_787 : i32 to index
      %swap3A_789 = arith.constant 0 : index
      %swap3A_790 = tpu.vector_load %arg8[%swap3A_788, %swap3A_789] {strides = array<i32>} : memref<128x128xf32, #tpu.memory_space<vmem>>, vector<1x16xf32>,
      %swap3A_791 = vector.shape_cast %swap3A_790 : vector<1x16xf32> to vector<16xf32>
      %swap3A_792 = vector.shape_cast %get3A_786 : vector<16xf32> to vector<1x16xf32>
      tpu.vector_store %arg8[%swap3A_788, %swap3A_789], %swap3A_792 {strides = array<i32>} : memref<128x128xf32, #tpu.memory_space<vmem>>, vector<1x16xf32>,
      %get3A_793 = arith.constant 0 : i32
      %get3A_794 = arith.constant 6 : i32
      %get3A_795 = arith.index_cast %get3A_793 : i32 to index
      %get3A_796 = arith.index_cast %get3A_794 : i32 to index
      %get3A_797 = arith.constant 112 : index
      %get3A_798 = tpu.vector_load %arg7[%get3A_795, %get3A_796, %get3A_797] {strides = array<i32>} : memref<2x16x128xf32, #tpu.memory_space<vmem>>, vector<1x1x16xf32>,
      %get3A_799 = vector.shape_cast %get3A_798 : vector<1x1x16xf32> to vector<16xf32>
      %swap3A_800 = arith.constant 55 : i32
      %swap3A_801 = arith.index_cast %swap3A_800 : i32 to index
      %swap3A_802 = arith.constant 0 : index
      %swap3A_803 = tpu.vector_load %arg8[%swap3A_801, %swap3A_802] {strides = array<i32>} : memref<128x128xf32, #tpu.memory_space<vmem>>, vector<1x16xf32>,
      %swap3A_804 = vector.shape_cast %swap3A_803 : vector<1x16xf32> to vector<16xf32>
      %swap3A_805 = vector.shape_cast %get3A_799 : vector<16xf32> to vector<1x16xf32>
      tpu.vector_store %arg8[%swap3A_801, %swap3A_802], %swap3A_805 {strides = array<i32>} : memref<128x128xf32, #tpu.memory_space<vmem>>, vector<1x16xf32>,
      %get3A_806 = arith.constant 0 : i32
      %get3A_807 = arith.constant 7 : i32
      %get3A_808 = arith.index_cast %get3A_806 : i32 to index
      %get3A_809 = arith.index_cast %get3A_807 : i32 to index
      %get3A_810 = arith.constant 0 : index
      %get3A_811 = tpu.vector_load %arg7[%get3A_808, %get3A_809, %get3A_810] {strides = array<i32>} : memref<2x16x128xf32, #tpu.memory_space<vmem>>, vector<1x1x16xf32>,
      %get3A_812 = vector.shape_cast %get3A_811 : vector<1x1x16xf32> to vector<16xf32>
      %swap3A_813 = arith.constant 56 : i32
      %swap3A_814 = arith.index_cast %swap3A_813 : i32 to index
      %swap3A_815 = arith.constant 0 : index
      %swap3A_816 = tpu.vector_load %arg8[%swap3A_814, %swap3A_815] {strides = array<i32>} : memref<128x128xf32, #tpu.memory_space<vmem>>, vector<1x16xf32>,
      %swap3A_817 = vector.shape_cast %swap3A_816 : vector<1x16xf32> to vector<16xf32>
      %swap3A_818 = vector.shape_cast %get3A_812 : vector<16xf32> to vector<1x16xf32>
      tpu.vector_store %arg8[%swap3A_814, %swap3A_815], %swap3A_818 {strides = array<i32>} : memref<128x128xf32, #tpu.memory_space<vmem>>, vector<1x16xf32>,
      %get3A_819 = arith.constant 0 : i32
      %get3A_820 = arith.constant 7 : i32
      %get3A_821 = arith.index_cast %get3A_819 : i32 to index
      %get3A_822 = arith.index_cast %get3A_820 : i32 to index
      %get3A_823 = arith.constant 16 : index
      %get3A_824 = tpu.vector_load %arg7[%get3A_821, %get3A_822, %get3A_823] {strides = array<i32>} : memref<2x16x128xf32, #tpu.memory_space<vmem>>, vector<1x1x16xf32>,
      %get3A_825 = vector.shape_cast %get3A_824 : vector<1x1x16xf32> to vector<16xf32>
      %swap3A_826 = arith.constant 57 : i32
      %swap3A_827 = arith.index_cast %swap3A_826 : i32 to index
      %swap3A_828 = arith.constant 0 : index
      %swap3A_829 = tpu.vector_load %arg8[%swap3A_827, %swap3A_828] {strides = array<i32>} : memref<128x128xf32, #tpu.memory_space<vmem>>, vector<1x16xf32>,
      %swap3A_830 = vector.shape_cast %swap3A_829 : vector<1x16xf32> to vector<16xf32>
      %swap3A_831 = vector.shape_cast %get3A_825 : vector<16xf32> to vector<1x16xf32>
      tpu.vector_store %arg8[%swap3A_827, %swap3A_828], %swap3A_831 {strides = array<i32>} : memref<128x128xf32, #tpu.memory_space<vmem>>, vector<1x16xf32>,
      %get3A_832 = arith.constant 0 : i32
      %get3A_833 = arith.constant 7 : i32
      %get3A_834 = arith.index_cast %get3A_832 : i32 to index
      %get3A_835 = arith.index_cast %get3A_833 : i32 to index
      %get3A_836 = arith.constant 32 : index
      %get3A_837 = tpu.vector_load %arg7[%get3A_834, %get3A_835, %get3A_836] {strides = array<i32>} : memref<2x16x128xf32, #tpu.memory_space<vmem>>, vector<1x1x16xf32>,
      %get3A_838 = vector.shape_cast %get3A_837 : vector<1x1x16xf32> to vector<16xf32>
      %swap3A_839 = arith.constant 58 : i32
      %swap3A_840 = arith.index_cast %swap3A_839 : i32 to index
      %swap3A_841 = arith.constant 0 : index
      %swap3A_842 = tpu.vector_load %arg8[%swap3A_840, %swap3A_841] {strides = array<i32>} : memref<128x128xf32, #tpu.memory_space<vmem>>, vector<1x16xf32>,
      %swap3A_843 = vector.shape_cast %swap3A_842 : vector<1x16xf32> to vector<16xf32>
      %swap3A_844 = vector.shape_cast %get3A_838 : vector<16xf32> to vector<1x16xf32>
      tpu.vector_store %arg8[%swap3A_840, %swap3A_841], %swap3A_844 {strides = array<i32>} : memref<128x128xf32, #tpu.memory_space<vmem>>, vector<1x16xf32>,
      %get3A_845 = arith.constant 0 : i32
      %get3A_846 = arith.constant 7 : i32
      %get3A_847 = arith.index_cast %get3A_845 : i32 to index
      %get3A_848 = arith.index_cast %get3A_846 : i32 to index
      %get3A_849 = arith.constant 48 : index
      %get3A_850 = tpu.vector_load %arg7[%get3A_847, %get3A_848, %get3A_849] {strides = array<i32>} : memref<2x16x128xf32, #tpu.memory_space<vmem>>, vector<1x1x16xf32>,
      %get3A_851 = vector.shape_cast %get3A_850 : vector<1x1x16xf32> to vector<16xf32>
      %swap3A_852 = arith.constant 59 : i32
      %swap3A_853 = arith.index_cast %swap3A_852 : i32 to index
      %swap3A_854 = arith.constant 0 : index
      %swap3A_855 = tpu.vector_load %arg8[%swap3A_853, %swap3A_854] {strides = array<i32>} : memref<128x128xf32, #tpu.memory_space<vmem>>, vector<1x16xf32>,
      %swap3A_856 = vector.shape_cast %swap3A_855 : vector<1x16xf32> to vector<16xf32>
      %swap3A_857 = vector.shape_cast %get3A_851 : vector<16xf32> to vector<1x16xf32>
      tpu.vector_store %arg8[%swap3A_853, %swap3A_854], %swap3A_857 {strides = array<i32>} : memref<128x128xf32, #tpu.memory_space<vmem>>, vector<1x16xf32>,
      %get3A_858 = arith.constant 0 : i32
      %get3A_859 = arith.constant 7 : i32
      %get3A_860 = arith.index_cast %get3A_858 : i32 to index
      %get3A_861 = arith.index_cast %get3A_859 : i32 to index
      %get3A_862 = arith.constant 64 : index
      %get3A_863 = tpu.vector_load %arg7[%get3A_860, %get3A_861, %get3A_862] {strides = array<i32>} : memref<2x16x128xf32, #tpu.memory_space<vmem>>, vector<1x1x16xf32>,
      %get3A_864 = vector.shape_cast %get3A_863 : vector<1x1x16xf32> to vector<16xf32>
      %swap3A_865 = arith.constant 60 : i32
      %swap3A_866 = arith.index_cast %swap3A_865 : i32 to index
      %swap3A_867 = arith.constant 0 : index
      %swap3A_868 = tpu.vector_load %arg8[%swap3A_866, %swap3A_867] {strides = array<i32>} : memref<128x128xf32, #tpu.memory_space<vmem>>, vector<1x16xf32>,
      %swap3A_869 = vector.shape_cast %swap3A_868 : vector<1x16xf32> to vector<16xf32>
      %swap3A_870 = vector.shape_cast %get3A_864 : vector<16xf32> to vector<1x16xf32>
      tpu.vector_store %arg8[%swap3A_866, %swap3A_867], %swap3A_870 {strides = array<i32>} : memref<128x128xf32, #tpu.memory_space<vmem>>, vector<1x16xf32>,
      %get3A_871 = arith.constant 0 : i32
      %get3A_872 = arith.constant 7 : i32
      %get3A_873 = arith.index_cast %get3A_871 : i32 to index
      %get3A_874 = arith.index_cast %get3A_872 : i32 to index
      %get3A_875 = arith.constant 80 : index
      %get3A_876 = tpu.vector_load %arg7[%get3A_873, %get3A_874, %get3A_875] {strides = array<i32>} : memref<2x16x128xf32, #tpu.memory_space<vmem>>, vector<1x1x16xf32>,
      %get3A_877 = vector.shape_cast %get3A_876 : vector<1x1x16xf32> to vector<16xf32>
      %swap3A_878 = arith.constant 61 : i32
      %swap3A_879 = arith.index_cast %swap3A_878 : i32 to index
      %swap3A_880 = arith.constant 0 : index
      %swap3A_881 = tpu.vector_load %arg8[%swap3A_879, %swap3A_880] {strides = array<i32>} : memref<128x128xf32, #tpu.memory_space<vmem>>, vector<1x16xf32>,
      %swap3A_882 = vector.shape_cast %swap3A_881 : vector<1x16xf32> to vector<16xf32>
      %swap3A_883 = vector.shape_cast %get3A_877 : vector<16xf32> to vector<1x16xf32>
      tpu.vector_store %arg8[%swap3A_879, %swap3A_880], %swap3A_883 {strides = array<i32>} : memref<128x128xf32, #tpu.memory_space<vmem>>, vector<1x16xf32>,
      %get3A_884 = arith.constant 0 : i32
      %get3A_885 = arith.constant 7 : i32
      %get3A_886 = arith.index_cast %get3A_884 : i32 to index
      %get3A_887 = arith.index_cast %get3A_885 : i32 to index
      %get3A_888 = arith.constant 96 : index
      %get3A_889 = tpu.vector_load %arg7[%get3A_886, %get3A_887, %get3A_888] {strides = array<i32>} : memref<2x16x128xf32, #tpu.memory_space<vmem>>, vector<1x1x16xf32>,
      %get3A_890 = vector.shape_cast %get3A_889 : vector<1x1x16xf32> to vector<16xf32>
      %swap3A_891 = arith.constant 62 : i32
      %swap3A_892 = arith.index_cast %swap3A_891 : i32 to index
      %swap3A_893 = arith.constant 0 : index
      %swap3A_894 = tpu.vector_load %arg8[%swap3A_892, %swap3A_893] {strides = array<i32>} : memref<128x128xf32, #tpu.memory_space<vmem>>, vector<1x16xf32>,
      %swap3A_895 = vector.shape_cast %swap3A_894 : vector<1x16xf32> to vector<16xf32>
      %swap3A_896 = vector.shape_cast %get3A_890 : vector<16xf32> to vector<1x16xf32>
      tpu.vector_store %arg8[%swap3A_892, %swap3A_893], %swap3A_896 {strides = array<i32>} : memref<128x128xf32, #tpu.memory_space<vmem>>, vector<1x16xf32>,
      %get3A_897 = arith.constant 0 : i32
      %get3A_898 = arith.constant 7 : i32
      %get3A_899 = arith.index_cast %get3A_897 : i32 to index
      %get3A_900 = arith.index_cast %get3A_898 : i32 to index
      %get3A_901 = arith.constant 112 : index
      %get3A_902 = tpu.vector_load %arg7[%get3A_899, %get3A_900, %get3A_901] {strides = array<i32>} : memref<2x16x128xf32, #tpu.memory_space<vmem>>, vector<1x1x16xf32>,
      %get3A_903 = vector.shape_cast %get3A_902 : vector<1x1x16xf32> to vector<16xf32>
      %swap3A_904 = arith.constant 63 : i32
      %swap3A_905 = arith.index_cast %swap3A_904 : i32 to index
      %swap3A_906 = arith.constant 0 : index
      %swap3A_907 = tpu.vector_load %arg8[%swap3A_905, %swap3A_906] {strides = array<i32>} : memref<128x128xf32, #tpu.memory_space<vmem>>, vector<1x16xf32>,
      %swap3A_908 = vector.shape_cast %swap3A_907 : vector<1x16xf32> to vector<16xf32>
      %swap3A_909 = vector.shape_cast %get3A_903 : vector<16xf32> to vector<1x16xf32>
      tpu.vector_store %arg8[%swap3A_905, %swap3A_906], %swap3A_909 {strides = array<i32>} : memref<128x128xf32, #tpu.memory_space<vmem>>, vector<1x16xf32>,
      %get3A_910 = arith.constant 0 : i32
      %get3A_911 = arith.constant 8 : i32
      %get3A_912 = arith.index_cast %get3A_910 : i32 to index
      %get3A_913 = arith.index_cast %get3A_911 : i32 to index
      %get3A_914 = arith.constant 0 : index
      %get3A_915 = tpu.vector_load %arg7[%get3A_912, %get3A_913, %get3A_914] {strides = array<i32>} : memref<2x16x128xf32, #tpu.memory_space<vmem>>, vector<1x1x16xf32>,
      %get3A_916 = vector.shape_cast %get3A_915 : vector<1x1x16xf32> to vector<16xf32>
      %swap3A_917 = arith.constant 64 : i32
      %swap3A_918 = arith.index_cast %swap3A_917 : i32 to index
      %swap3A_919 = arith.constant 0 : index
      %swap3A_920 = tpu.vector_load %arg8[%swap3A_918, %swap3A_919] {strides = array<i32>} : memref<128x128xf32, #tpu.memory_space<vmem>>, vector<1x16xf32>,
      %swap3A_921 = vector.shape_cast %swap3A_920 : vector<1x16xf32> to vector<16xf32>
      %swap3A_922 = vector.shape_cast %get3A_916 : vector<16xf32> to vector<1x16xf32>
      tpu.vector_store %arg8[%swap3A_918, %swap3A_919], %swap3A_922 {strides = array<i32>} : memref<128x128xf32, #tpu.memory_space<vmem>>, vector<1x16xf32>,
      %get3A_923 = arith.constant 0 : i32
      %get3A_924 = arith.constant 8 : i32
      %get3A_925 = arith.index_cast %get3A_923 : i32 to index
      %get3A_926 = arith.index_cast %get3A_924 : i32 to index
      %get3A_927 = arith.constant 16 : index
      %get3A_928 = tpu.vector_load %arg7[%get3A_925, %get3A_926, %get3A_927] {strides = array<i32>} : memref<2x16x128xf32, #tpu.memory_space<vmem>>, vector<1x1x16xf32>,
      %get3A_929 = vector.shape_cast %get3A_928 : vector<1x1x16xf32> to vector<16xf32>
      %swap3A_930 = arith.constant 65 : i32
      %swap3A_931 = arith.index_cast %swap3A_930 : i32 to index
      %swap3A_932 = arith.constant 0 : index
      %swap3A_933 = tpu.vector_load %arg8[%swap3A_931, %swap3A_932] {strides = array<i32>} : memref<128x128xf32, #tpu.memory_space<vmem>>, vector<1x16xf32>,
      %swap3A_934 = vector.shape_cast %swap3A_933 : vector<1x16xf32> to vector<16xf32>
      %swap3A_935 = vector.shape_cast %get3A_929 : vector<16xf32> to vector<1x16xf32>
      tpu.vector_store %arg8[%swap3A_931, %swap3A_932], %swap3A_935 {strides = array<i32>} : memref<128x128xf32, #tpu.memory_space<vmem>>, vector<1x16xf32>,
      %get3A_936 = arith.constant 0 : i32
      %get3A_937 = arith.constant 8 : i32
      %get3A_938 = arith.index_cast %get3A_936 : i32 to index
      %get3A_939 = arith.index_cast %get3A_937 : i32 to index
      %get3A_940 = arith.constant 32 : index
      %get3A_941 = tpu.vector_load %arg7[%get3A_938, %get3A_939, %get3A_940] {strides = array<i32>} : memref<2x16x128xf32, #tpu.memory_space<vmem>>, vector<1x1x16xf32>,
      %get3A_942 = vector.shape_cast %get3A_941 : vector<1x1x16xf32> to vector<16xf32>
      %swap3A_943 = arith.constant 66 : i32
      %swap3A_944 = arith.index_cast %swap3A_943 : i32 to index
      %swap3A_945 = arith.constant 0 : index
      %swap3A_946 = tpu.vector_load %arg8[%swap3A_944, %swap3A_945] {strides = array<i32>} : memref<128x128xf32, #tpu.memory_space<vmem>>, vector<1x16xf32>,
      %swap3A_947 = vector.shape_cast %swap3A_946 : vector<1x16xf32> to vector<16xf32>
      %swap3A_948 = vector.shape_cast %get3A_942 : vector<16xf32> to vector<1x16xf32>
      tpu.vector_store %arg8[%swap3A_944, %swap3A_945], %swap3A_948 {strides = array<i32>} : memref<128x128xf32, #tpu.memory_space<vmem>>, vector<1x16xf32>,
      %get3A_949 = arith.constant 0 : i32
      %get3A_950 = arith.constant 8 : i32
      %get3A_951 = arith.index_cast %get3A_949 : i32 to index
      %get3A_952 = arith.index_cast %get3A_950 : i32 to index
      %get3A_953 = arith.constant 48 : index
      %get3A_954 = tpu.vector_load %arg7[%get3A_951, %get3A_952, %get3A_953] {strides = array<i32>} : memref<2x16x128xf32, #tpu.memory_space<vmem>>, vector<1x1x16xf32>,
      %get3A_955 = vector.shape_cast %get3A_954 : vector<1x1x16xf32> to vector<16xf32>
      %swap3A_956 = arith.constant 67 : i32
      %swap3A_957 = arith.index_cast %swap3A_956 : i32 to index
      %swap3A_958 = arith.constant 0 : index
      %swap3A_959 = tpu.vector_load %arg8[%swap3A_957, %swap3A_958] {strides = array<i32>} : memref<128x128xf32, #tpu.memory_space<vmem>>, vector<1x16xf32>,
      %swap3A_960 = vector.shape_cast %swap3A_959 : vector<1x16xf32> to vector<16xf32>
      %swap3A_961 = vector.shape_cast %get3A_955 : vector<16xf32> to vector<1x16xf32>
      tpu.vector_store %arg8[%swap3A_957, %swap3A_958], %swap3A_961 {strides = array<i32>} : memref<128x128xf32, #tpu.memory_space<vmem>>, vector<1x16xf32>,
      %get3A_962 = arith.constant 0 : i32
      %get3A_963 = arith.constant 8 : i32
      %get3A_964 = arith.index_cast %get3A_962 : i32 to index
      %get3A_965 = arith.index_cast %get3A_963 : i32 to index
      %get3A_966 = arith.constant 64 : index
      %get3A_967 = tpu.vector_load %arg7[%get3A_964, %get3A_965, %get3A_966] {strides = array<i32>} : memref<2x16x128xf32, #tpu.memory_space<vmem>>, vector<1x1x16xf32>,
      %get3A_968 = vector.shape_cast %get3A_967 : vector<1x1x16xf32> to vector<16xf32>
      %swap3A_969 = arith.constant 68 : i32
      %swap3A_970 = arith.index_cast %swap3A_969 : i32 to index
      %swap3A_971 = arith.constant 0 : index
      %swap3A_972 = tpu.vector_load %arg8[%swap3A_970, %swap3A_971] {strides = array<i32>} : memref<128x128xf32, #tpu.memory_space<vmem>>, vector<1x16xf32>,
      %swap3A_973 = vector.shape_cast %swap3A_972 : vector<1x16xf32> to vector<16xf32>
      %swap3A_974 = vector.shape_cast %get3A_968 : vector<16xf32> to vector<1x16xf32>
      tpu.vector_store %arg8[%swap3A_970, %swap3A_971], %swap3A_974 {strides = array<i32>} : memref<128x128xf32, #tpu.memory_space<vmem>>, vector<1x16xf32>,
      %get3A_975 = arith.constant 0 : i32
      %get3A_976 = arith.constant 8 : i32
      %get3A_977 = arith.index_cast %get3A_975 : i32 to index
      %get3A_978 = arith.index_cast %get3A_976 : i32 to index
      %get3A_979 = arith.constant 80 : index
      %get3A_980 = tpu.vector_load %arg7[%get3A_977, %get3A_978, %get3A_979] {strides = array<i32>} : memref<2x16x128xf32, #tpu.memory_space<vmem>>, vector<1x1x16xf32>,
      %get3A_981 = vector.shape_cast %get3A_980 : vector<1x1x16xf32> to vector<16xf32>
      %swap3A_982 = arith.constant 69 : i32
      %swap3A_983 = arith.index_cast %swap3A_982 : i32 to index
      %swap3A_984 = arith.constant 0 : index
      %swap3A_985 = tpu.vector_load %arg8[%swap3A_983, %swap3A_984] {strides = array<i32>} : memref<128x128xf32, #tpu.memory_space<vmem>>, vector<1x16xf32>,
      %swap3A_986 = vector.shape_cast %swap3A_985 : vector<1x16xf32> to vector<16xf32>
      %swap3A_987 = vector.shape_cast %get3A_981 : vector<16xf32> to vector<1x16xf32>
      tpu.vector_store %arg8[%swap3A_983, %swap3A_984], %swap3A_987 {strides = array<i32>} : memref<128x128xf32, #tpu.memory_space<vmem>>, vector<1x16xf32>,
      %get3A_988 = arith.constant 0 : i32
      %get3A_989 = arith.constant 8 : i32
      %get3A_990 = arith.index_cast %get3A_988 : i32 to index
      %get3A_991 = arith.index_cast %get3A_989 : i32 to index
      %get3A_992 = arith.constant 96 : index
      %get3A_993 = tpu.vector_load %arg7[%get3A_990, %get3A_991, %get3A_992] {strides = array<i32>} : memref<2x16x128xf32, #tpu.memory_space<vmem>>, vector<1x1x16xf32>,
      %get3A_994 = vector.shape_cast %get3A_993 : vector<1x1x16xf32> to vector<16xf32>
      %swap3A_995 = arith.constant 70 : i32
      %swap3A_996 = arith.index_cast %swap3A_995 : i32 to index
      %swap3A_997 = arith.constant 0 : index
      %swap3A_998 = tpu.vector_load %arg8[%swap3A_996, %swap3A_997] {strides = array<i32>} : memref<128x128xf32, #tpu.memory_space<vmem>>, vector<1x16xf32>,
      %swap3A_999 = vector.shape_cast %swap3A_998 : vector<1x16xf32> to vector<16xf32>
      %swap3A_1000 = vector.shape_cast %get3A_994 : vector<16xf32> to vector<1x16xf32>
      tpu.vector_store %arg8[%swap3A_996, %swap3A_997], %swap3A_1000 {strides = array<i32>} : memref<128x128xf32, #tpu.memory_space<vmem>>, vector<1x16xf32>,
      %get3A_1001 = arith.constant 0 : i32
      %get3A_1002 = arith.constant 8 : i32
      %get3A_1003 = arith.index_cast %get3A_1001 : i32 to index
      %get3A_1004 = arith.index_cast %get3A_1002 : i32 to index
      %get3A_1005 = arith.constant 112 : index
      %get3A_1006 = tpu.vector_load %arg7[%get3A_1003, %get3A_1004, %get3A_1005] {strides = array<i32>} : memref<2x16x128xf32, #tpu.memory_space<vmem>>, vector<1x1x16xf32>,
      %get3A_1007 = vector.shape_cast %get3A_1006 : vector<1x1x16xf32> to vector<16xf32>
      %swap3A_1008 = arith.constant 71 : i32
      %swap3A_1009 = arith.index_cast %swap3A_1008 : i32 to index
      %swap3A_1010 = arith.constant 0 : index
      %swap3A_1011 = tpu.vector_load %arg8[%swap3A_1009, %swap3A_1010] {strides = array<i32>} : memref<128x128xf32, #tpu.memory_space<vmem>>, vector<1x16xf32>,
      %swap3A_1012 = vector.shape_cast %swap3A_1011 : vector<1x16xf32> to vector<16xf32>
      %swap3A_1013 = vector.shape_cast %get3A_1007 : vector<16xf32> to vector<1x16xf32>
      tpu.vector_store %arg8[%swap3A_1009, %swap3A_1010], %swap3A_1013 {strides = array<i32>} : memref<128x128xf32, #tpu.memory_space<vmem>>, vector<1x16xf32>,
      %get3A_1014 = arith.constant 0 : i32
      %get3A_1015 = arith.constant 9 : i32
      %get3A_1016 = arith.index_cast %get3A_1014 : i32 to index
      %get3A_1017 = arith.index_cast %get3A_1015 : i32 to index
      %get3A_1018 = arith.constant 0 : index
      %get3A_1019 = tpu.vector_load %arg7[%get3A_1016, %get3A_1017, %get3A_1018] {strides = array<i32>} : memref<2x16x128xf32, #tpu.memory_space<vmem>>, vector<1x1x16xf32>,
      %get3A_1020 = vector.shape_cast %get3A_1019 : vector<1x1x16xf32> to vector<16xf32>
      %swap3A_1021 = arith.constant 72 : i32
      %swap3A_1022 = arith.index_cast %swap3A_1021 : i32 to index
      %swap3A_1023 = arith.constant 0 : index
      %swap3A_1024 = tpu.vector_load %arg8[%swap3A_1022, %swap3A_1023] {strides = array<i32>} : memref<128x128xf32, #tpu.memory_space<vmem>>, vector<1x16xf32>,
      %swap3A_1025 = vector.shape_cast %swap3A_1024 : vector<1x16xf32> to vector<16xf32>
      %swap3A_1026 = vector.shape_cast %get3A_1020 : vector<16xf32> to vector<1x16xf32>
      tpu.vector_store %arg8[%swap3A_1022, %swap3A_1023], %swap3A_1026 {strides = array<i32>} : memref<128x128xf32, #tpu.memory_space<vmem>>, vector<1x16xf32>,
      %get3A_1027 = arith.constant 0 : i32
      %get3A_1028 = arith.constant 9 : i32
      %get3A_1029 = arith.index_cast %get3A_1027 : i32 to index
      %get3A_1030 = arith.index_cast %get3A_1028 : i32 to index
      %get3A_1031 = arith.constant 16 : index
      %get3A_1032 = tpu.vector_load %arg7[%get3A_1029, %get3A_1030, %get3A_1031] {strides = array<i32>} : memref<2x16x128xf32, #tpu.memory_space<vmem>>, vector<1x1x16xf32>,
      %get3A_1033 = vector.shape_cast %get3A_1032 : vector<1x1x16xf32> to vector<16xf32>
      %swap3A_1034 = arith.constant 73 : i32
      %swap3A_1035 = arith.index_cast %swap3A_1034 : i32 to index
      %swap3A_1036 = arith.constant 0 : index
      %swap3A_1037 = tpu.vector_load %arg8[%swap3A_1035, %swap3A_1036] {strides = array<i32>} : memref<128x128xf32, #tpu.memory_space<vmem>>, vector<1x16xf32>,
      %swap3A_1038 = vector.shape_cast %swap3A_1037 : vector<1x16xf32> to vector<16xf32>
      %swap3A_1039 = vector.shape_cast %get3A_1033 : vector<16xf32> to vector<1x16xf32>
      tpu.vector_store %arg8[%swap3A_1035, %swap3A_1036], %swap3A_1039 {strides = array<i32>} : memref<128x128xf32, #tpu.memory_space<vmem>>, vector<1x16xf32>,
      %get3A_1040 = arith.constant 0 : i32
      %get3A_1041 = arith.constant 9 : i32
      %get3A_1042 = arith.index_cast %get3A_1040 : i32 to index
      %get3A_1043 = arith.index_cast %get3A_1041 : i32 to index
      %get3A_1044 = arith.constant 32 : index
      %get3A_1045 = tpu.vector_load %arg7[%get3A_1042, %get3A_1043, %get3A_1044] {strides = array<i32>} : memref<2x16x128xf32, #tpu.memory_space<vmem>>, vector<1x1x16xf32>,
      %get3A_1046 = vector.shape_cast %get3A_1045 : vector<1x1x16xf32> to vector<16xf32>
      %swap3A_1047 = arith.constant 74 : i32
      %swap3A_1048 = arith.index_cast %swap3A_1047 : i32 to index
      %swap3A_1049 = arith.constant 0 : index
      %swap3A_1050 = tpu.vector_load %arg8[%swap3A_1048, %swap3A_1049] {strides = array<i32>} : memref<128x128xf32, #tpu.memory_space<vmem>>, vector<1x16xf32>,
      %swap3A_1051 = vector.shape_cast %swap3A_1050 : vector<1x16xf32> to vector<16xf32>
      %swap3A_1052 = vector.shape_cast %get3A_1046 : vector<16xf32> to vector<1x16xf32>
      tpu.vector_store %arg8[%swap3A_1048, %swap3A_1049], %swap3A_1052 {strides = array<i32>} : memref<128x128xf32, #tpu.memory_space<vmem>>, vector<1x16xf32>,
      %get3A_1053 = arith.constant 0 : i32
      %get3A_1054 = arith.constant 9 : i32
      %get3A_1055 = arith.index_cast %get3A_1053 : i32 to index
      %get3A_1056 = arith.index_cast %get3A_1054 : i32 to index
      %get3A_1057 = arith.constant 48 : index
      %get3A_1058 = tpu.vector_load %arg7[%get3A_1055, %get3A_1056, %get3A_1057] {strides = array<i32>} : memref<2x16x128xf32, #tpu.memory_space<vmem>>, vector<1x1x16xf32>,
      %get3A_1059 = vector.shape_cast %get3A_1058 : vector<1x1x16xf32> to vector<16xf32>
      %swap3A_1060 = arith.constant 75 : i32
      %swap3A_1061 = arith.index_cast %swap3A_1060 : i32 to index
      %swap3A_1062 = arith.constant 0 : index
      %swap3A_1063 = tpu.vector_load %arg8[%swap3A_1061, %swap3A_1062] {strides = array<i32>} : memref<128x128xf32, #tpu.memory_space<vmem>>, vector<1x16xf32>,
      %swap3A_1064 = vector.shape_cast %swap3A_1063 : vector<1x16xf32> to vector<16xf32>
      %swap3A_1065 = vector.shape_cast %get3A_1059 : vector<16xf32> to vector<1x16xf32>
      tpu.vector_store %arg8[%swap3A_1061, %swap3A_1062], %swap3A_1065 {strides = array<i32>} : memref<128x128xf32, #tpu.memory_space<vmem>>, vector<1x16xf32>,
      %get3A_1066 = arith.constant 0 : i32
      %get3A_1067 = arith.constant 9 : i32
      %get3A_1068 = arith.index_cast %get3A_1066 : i32 to index
      %get3A_1069 = arith.index_cast %get3A_1067 : i32 to index
      %get3A_1070 = arith.constant 64 : index
      %get3A_1071 = tpu.vector_load %arg7[%get3A_1068, %get3A_1069, %get3A_1070] {strides = array<i32>} : memref<2x16x128xf32, #tpu.memory_space<vmem>>, vector<1x1x16xf32>,
      %get3A_1072 = vector.shape_cast %get3A_1071 : vector<1x1x16xf32> to vector<16xf32>
      %swap3A_1073 = arith.constant 76 : i32
      %swap3A_1074 = arith.index_cast %swap3A_1073 : i32 to index
      %swap3A_1075 = arith.constant 0 : index
      %swap3A_1076 = tpu.vector_load %arg8[%swap3A_1074, %swap3A_1075] {strides = array<i32>} : memref<128x128xf32, #tpu.memory_space<vmem>>, vector<1x16xf32>,
      %swap3A_1077 = vector.shape_cast %swap3A_1076 : vector<1x16xf32> to vector<16xf32>
      %swap3A_1078 = vector.shape_cast %get3A_1072 : vector<16xf32> to vector<1x16xf32>
      tpu.vector_store %arg8[%swap3A_1074, %swap3A_1075], %swap3A_1078 {strides = array<i32>} : memref<128x128xf32, #tpu.memory_space<vmem>>, vector<1x16xf32>,
      %get3A_1079 = arith.constant 0 : i32
      %get3A_1080 = arith.constant 9 : i32
      %get3A_1081 = arith.index_cast %get3A_1079 : i32 to index
      %get3A_1082 = arith.index_cast %get3A_1080 : i32 to index
      %get3A_1083 = arith.constant 80 : index
      %get3A_1084 = tpu.vector_load %arg7[%get3A_1081, %get3A_1082, %get3A_1083] {strides = array<i32>} : memref<2x16x128xf32, #tpu.memory_space<vmem>>, vector<1x1x16xf32>,
      %get3A_1085 = vector.shape_cast %get3A_1084 : vector<1x1x16xf32> to vector<16xf32>
      %swap3A_1086 = arith.constant 77 : i32
      %swap3A_1087 = arith.index_cast %swap3A_1086 : i32 to index
      %swap3A_1088 = arith.constant 0 : index
      %swap3A_1089 = tpu.vector_load %arg8[%swap3A_1087, %swap3A_1088] {strides = array<i32>} : memref<128x128xf32, #tpu.memory_space<vmem>>, vector<1x16xf32>,
      %swap3A_1090 = vector.shape_cast %swap3A_1089 : vector<1x16xf32> to vector<16xf32>
      %swap3A_1091 = vector.shape_cast %get3A_1085 : vector<16xf32> to vector<1x16xf32>
      tpu.vector_store %arg8[%swap3A_1087, %swap3A_1088], %swap3A_1091 {strides = array<i32>} : memref<128x128xf32, #tpu.memory_space<vmem>>, vector<1x16xf32>,
      %get3A_1092 = arith.constant 0 : i32
      %get3A_1093 = arith.constant 9 : i32
      %get3A_1094 = arith.index_cast %get3A_1092 : i32 to index
      %get3A_1095 = arith.index_cast %get3A_1093 : i32 to index
      %get3A_1096 = arith.constant 96 : index
      %get3A_1097 = tpu.vector_load %arg7[%get3A_1094, %get3A_1095, %get3A_1096] {strides = array<i32>} : memref<2x16x128xf32, #tpu.memory_space<vmem>>, vector<1x1x16xf32>,
      %get3A_1098 = vector.shape_cast %get3A_1097 : vector<1x1x16xf32> to vector<16xf32>
      %swap3A_1099 = arith.constant 78 : i32
      %swap3A_1100 = arith.index_cast %swap3A_1099 : i32 to index
      %swap3A_1101 = arith.constant 0 : index
      %swap3A_1102 = tpu.vector_load %arg8[%swap3A_1100, %swap3A_1101] {strides = array<i32>} : memref<128x128xf32, #tpu.memory_space<vmem>>, vector<1x16xf32>,
      %swap3A_1103 = vector.shape_cast %swap3A_1102 : vector<1x16xf32> to vector<16xf32>
      %swap3A_1104 = vector.shape_cast %get3A_1098 : vector<16xf32> to vector<1x16xf32>
      tpu.vector_store %arg8[%swap3A_1100, %swap3A_1101], %swap3A_1104 {strides = array<i32>} : memref<128x128xf32, #tpu.memory_space<vmem>>, vector<1x16xf32>,
      %get3A_1105 = arith.constant 0 : i32
      %get3A_1106 = arith.constant 9 : i32
      %get3A_1107 = arith.index_cast %get3A_1105 : i32 to index
      %get3A_1108 = arith.index_cast %get3A_1106 : i32 to index
      %get3A_1109 = arith.constant 112 : index
      %get3A_1110 = tpu.vector_load %arg7[%get3A_1107, %get3A_1108, %get3A_1109] {strides = array<i32>} : memref<2x16x128xf32, #tpu.memory_space<vmem>>, vector<1x1x16xf32>,
      %get3A_1111 = vector.shape_cast %get3A_1110 : vector<1x1x16xf32> to vector<16xf32>
      %swap3A_1112 = arith.constant 79 : i32
      %swap3A_1113 = arith.index_cast %swap3A_1112 : i32 to index
      %swap3A_1114 = arith.constant 0 : index
      %swap3A_1115 = tpu.vector_load %arg8[%swap3A_1113, %swap3A_1114] {strides = array<i32>} : memref<128x128xf32, #tpu.memory_space<vmem>>, vector<1x16xf32>,
      %swap3A_1116 = vector.shape_cast %swap3A_1115 : vector<1x16xf32> to vector<16xf32>
      %swap3A_1117 = vector.shape_cast %get3A_1111 : vector<16xf32> to vector<1x16xf32>
      tpu.vector_store %arg8[%swap3A_1113, %swap3A_1114], %swap3A_1117 {strides = array<i32>} : memref<128x128xf32, #tpu.memory_space<vmem>>, vector<1x16xf32>,
      %get3A_1118 = arith.constant 0 : i32
      %get3A_1119 = arith.constant 10 : i32
      %get3A_1120 = arith.index_cast %get3A_1118 : i32 to index
      %get3A_1121 = arith.index_cast %get3A_1119 : i32 to index
      %get3A_1122 = arith.constant 0 : index
      %get3A_1123 = tpu.vector_load %arg7[%get3A_1120, %get3A_1121, %get3A_1122] {strides = array<i32>} : memref<2x16x128xf32, #tpu.memory_space<vmem>>, vector<1x1x16xf32>,
      %get3A_1124 = vector.shape_cast %get3A_1123 : vector<1x1x16xf32> to vector<16xf32>
      %swap3A_1125 = arith.constant 80 : i32
      %swap3A_1126 = arith.index_cast %swap3A_1125 : i32 to index
      %swap3A_1127 = arith.constant 0 : index
      %swap3A_1128 = tpu.vector_load %arg8[%swap3A_1126, %swap3A_1127] {strides = array<i32>} : memref<128x128xf32, #tpu.memory_space<vmem>>, vector<1x16xf32>,
      %swap3A_1129 = vector.shape_cast %swap3A_1128 : vector<1x16xf32> to vector<16xf32>
      %swap3A_1130 = vector.shape_cast %get3A_1124 : vector<16xf32> to vector<1x16xf32>
      tpu.vector_store %arg8[%swap3A_1126, %swap3A_1127], %swap3A_1130 {strides = array<i32>} : memref<128x128xf32, #tpu.memory_space<vmem>>, vector<1x16xf32>,
      %get3A_1131 = arith.constant 0 : i32
      %get3A_1132 = arith.constant 10 : i32
      %get3A_1133 = arith.index_cast %get3A_1131 : i32 to index
      %get3A_1134 = arith.index_cast %get3A_1132 : i32 to index
      %get3A_1135 = arith.constant 16 : index
      %get3A_1136 = tpu.vector_load %arg7[%get3A_1133, %get3A_1134, %get3A_1135] {strides = array<i32>} : memref<2x16x128xf32, #tpu.memory_space<vmem>>, vector<1x1x16xf32>,
      %get3A_1137 = vector.shape_cast %get3A_1136 : vector<1x1x16xf32> to vector<16xf32>
      %swap3A_1138 = arith.constant 81 : i32
      %swap3A_1139 = arith.index_cast %swap3A_1138 : i32 to index
      %swap3A_1140 = arith.constant 0 : index
      %swap3A_1141 = tpu.vector_load %arg8[%swap3A_1139, %swap3A_1140] {strides = array<i32>} : memref<128x128xf32, #tpu.memory_space<vmem>>, vector<1x16xf32>,
      %swap3A_1142 = vector.shape_cast %swap3A_1141 : vector<1x16xf32> to vector<16xf32>
      %swap3A_1143 = vector.shape_cast %get3A_1137 : vector<16xf32> to vector<1x16xf32>
      tpu.vector_store %arg8[%swap3A_1139, %swap3A_1140], %swap3A_1143 {strides = array<i32>} : memref<128x128xf32, #tpu.memory_space<vmem>>, vector<1x16xf32>,
      %get3A_1144 = arith.constant 0 : i32
      %get3A_1145 = arith.constant 10 : i32
      %get3A_1146 = arith.index_cast %get3A_1144 : i32 to index
      %get3A_1147 = arith.index_cast %get3A_1145 : i32 to index
      %get3A_1148 = arith.constant 32 : index
      %get3A_1149 = tpu.vector_load %arg7[%get3A_1146, %get3A_1147, %get3A_1148] {strides = array<i32>} : memref<2x16x128xf32, #tpu.memory_space<vmem>>, vector<1x1x16xf32>,
      %get3A_1150 = vector.shape_cast %get3A_1149 : vector<1x1x16xf32> to vector<16xf32>
      %swap3A_1151 = arith.constant 82 : i32
      %swap3A_1152 = arith.index_cast %swap3A_1151 : i32 to index
      %swap3A_1153 = arith.constant 0 : index
      %swap3A_1154 = tpu.vector_load %arg8[%swap3A_1152, %swap3A_1153] {strides = array<i32>} : memref<128x128xf32, #tpu.memory_space<vmem>>, vector<1x16xf32>,
      %swap3A_1155 = vector.shape_cast %swap3A_1154 : vector<1x16xf32> to vector<16xf32>
      %swap3A_1156 = vector.shape_cast %get3A_1150 : vector<16xf32> to vector<1x16xf32>
      tpu.vector_store %arg8[%swap3A_1152, %swap3A_1153], %swap3A_1156 {strides = array<i32>} : memref<128x128xf32, #tpu.memory_space<vmem>>, vector<1x16xf32>,
      %get3A_1157 = arith.constant 0 : i32
      %get3A_1158 = arith.constant 10 : i32
      %get3A_1159 = arith.index_cast %get3A_1157 : i32 to index
      %get3A_1160 = arith.index_cast %get3A_1158 : i32 to index
      %get3A_1161 = arith.constant 48 : index
      %get3A_1162 = tpu.vector_load %arg7[%get3A_1159, %get3A_1160, %get3A_1161] {strides = array<i32>} : memref<2x16x128xf32, #tpu.memory_space<vmem>>, vector<1x1x16xf32>,
      %get3A_1163 = vector.shape_cast %get3A_1162 : vector<1x1x16xf32> to vector<16xf32>
      %swap3A_1164 = arith.constant 83 : i32
      %swap3A_1165 = arith.index_cast %swap3A_1164 : i32 to index
      %swap3A_1166 = arith.constant 0 : index
      %swap3A_1167 = tpu.vector_load %arg8[%swap3A_1165, %swap3A_1166] {strides = array<i32>} : memref<128x128xf32, #tpu.memory_space<vmem>>, vector<1x16xf32>,
      %swap3A_1168 = vector.shape_cast %swap3A_1167 : vector<1x16xf32> to vector<16xf32>
      %swap3A_1169 = vector.shape_cast %get3A_1163 : vector<16xf32> to vector<1x16xf32>
      tpu.vector_store %arg8[%swap3A_1165, %swap3A_1166], %swap3A_1169 {strides = array<i32>} : memref<128x128xf32, #tpu.memory_space<vmem>>, vector<1x16xf32>,
      %get3A_1170 = arith.constant 0 : i32
      %get3A_1171 = arith.constant 10 : i32
      %get3A_1172 = arith.index_cast %get3A_1170 : i32 to index
      %get3A_1173 = arith.index_cast %get3A_1171 : i32 to index
      %get3A_1174 = arith.constant 64 : index
      %get3A_1175 = tpu.vector_load %arg7[%get3A_1172, %get3A_1173, %get3A_1174] {strides = array<i32>} : memref<2x16x128xf32, #tpu.memory_space<vmem>>, vector<1x1x16xf32>,
      %get3A_1176 = vector.shape_cast %get3A_1175 : vector<1x1x16xf32> to vector<16xf32>
      %swap3A_1177 = arith.constant 84 : i32
      %swap3A_1178 = arith.index_cast %swap3A_1177 : i32 to index
      %swap3A_1179 = arith.constant 0 : index
      %swap3A_1180 = tpu.vector_load %arg8[%swap3A_1178, %swap3A_1179] {strides = array<i32>} : memref<128x128xf32, #tpu.memory_space<vmem>>, vector<1x16xf32>,
      %swap3A_1181 = vector.shape_cast %swap3A_1180 : vector<1x16xf32> to vector<16xf32>
      %swap3A_1182 = vector.shape_cast %get3A_1176 : vector<16xf32> to vector<1x16xf32>
      tpu.vector_store %arg8[%swap3A_1178, %swap3A_1179], %swap3A_1182 {strides = array<i32>} : memref<128x128xf32, #tpu.memory_space<vmem>>, vector<1x16xf32>,
      %get3A_1183 = arith.constant 0 : i32
      %get3A_1184 = arith.constant 10 : i32
      %get3A_1185 = arith.index_cast %get3A_1183 : i32 to index
      %get3A_1186 = arith.index_cast %get3A_1184 : i32 to index
      %get3A_1187 = arith.constant 80 : index
      %get3A_1188 = tpu.vector_load %arg7[%get3A_1185, %get3A_1186, %get3A_1187] {strides = array<i32>} : memref<2x16x128xf32, #tpu.memory_space<vmem>>, vector<1x1x16xf32>,
      %get3A_1189 = vector.shape_cast %get3A_1188 : vector<1x1x16xf32> to vector<16xf32>
      %swap3A_1190 = arith.constant 85 : i32
      %swap3A_1191 = arith.index_cast %swap3A_1190 : i32 to index
      %swap3A_1192 = arith.constant 0 : index
      %swap3A_1193 = tpu.vector_load %arg8[%swap3A_1191, %swap3A_1192] {strides = array<i32>} : memref<128x128xf32, #tpu.memory_space<vmem>>, vector<1x16xf32>,
      %swap3A_1194 = vector.shape_cast %swap3A_1193 : vector<1x16xf32> to vector<16xf32>
      %swap3A_1195 = vector.shape_cast %get3A_1189 : vector<16xf32> to vector<1x16xf32>
      tpu.vector_store %arg8[%swap3A_1191, %swap3A_1192], %swap3A_1195 {strides = array<i32>} : memref<128x128xf32, #tpu.memory_space<vmem>>, vector<1x16xf32>,
      %get3A_1196 = arith.constant 0 : i32
      %get3A_1197 = arith.constant 10 : i32
      %get3A_1198 = arith.index_cast %get3A_1196 : i32 to index
      %get3A_1199 = arith.index_cast %get3A_1197 : i32 to index
      %get3A_1200 = arith.constant 96 : index
      %get3A_1201 = tpu.vector_load %arg7[%get3A_1198, %get3A_1199, %get3A_1200] {strides = array<i32>} : memref<2x16x128xf32, #tpu.memory_space<vmem>>, vector<1x1x16xf32>,
      %get3A_1202 = vector.shape_cast %get3A_1201 : vector<1x1x16xf32> to vector<16xf32>
      %swap3A_1203 = arith.constant 86 : i32
      %swap3A_1204 = arith.index_cast %swap3A_1203 : i32 to index
      %swap3A_1205 = arith.constant 0 : index
      %swap3A_1206 = tpu.vector_load %arg8[%swap3A_1204, %swap3A_1205] {strides = array<i32>} : memref<128x128xf32, #tpu.memory_space<vmem>>, vector<1x16xf32>,
      %swap3A_1207 = vector.shape_cast %swap3A_1206 : vector<1x16xf32> to vector<16xf32>
      %swap3A_1208 = vector.shape_cast %get3A_1202 : vector<16xf32> to vector<1x16xf32>
      tpu.vector_store %arg8[%swap3A_1204, %swap3A_1205], %swap3A_1208 {strides = array<i32>} : memref<128x128xf32, #tpu.memory_space<vmem>>, vector<1x16xf32>,
      %get3A_1209 = arith.constant 0 : i32
      %get3A_1210 = arith.constant 10 : i32
      %get3A_1211 = arith.index_cast %get3A_1209 : i32 to index
      %get3A_1212 = arith.index_cast %get3A_1210 : i32 to index
      %get3A_1213 = arith.constant 112 : index
      %get3A_1214 = tpu.vector_load %arg7[%get3A_1211, %get3A_1212, %get3A_1213] {strides = array<i32>} : memref<2x16x128xf32, #tpu.memory_space<vmem>>, vector<1x1x16xf32>,
      %get3A_1215 = vector.shape_cast %get3A_1214 : vector<1x1x16xf32> to vector<16xf32>
      %swap3A_1216 = arith.constant 87 : i32
      %swap3A_1217 = arith.index_cast %swap3A_1216 : i32 to index
      %swap3A_1218 = arith.constant 0 : index
      %swap3A_1219 = tpu.vector_load %arg8[%swap3A_1217, %swap3A_1218] {strides = array<i32>} : memref<128x128xf32, #tpu.memory_space<vmem>>, vector<1x16xf32>,
      %swap3A_1220 = vector.shape_cast %swap3A_1219 : vector<1x16xf32> to vector<16xf32>
      %swap3A_1221 = vector.shape_cast %get3A_1215 : vector<16xf32> to vector<1x16xf32>
      tpu.vector_store %arg8[%swap3A_1217, %swap3A_1218], %swap3A_1221 {strides = array<i32>} : memref<128x128xf32, #tpu.memory_space<vmem>>, vector<1x16xf32>,
      %get3A_1222 = arith.constant 0 : i32
      %get3A_1223 = arith.constant 11 : i32
      %get3A_1224 = arith.index_cast %get3A_1222 : i32 to index
      %get3A_1225 = arith.index_cast %get3A_1223 : i32 to index
      %get3A_1226 = arith.constant 0 : index
      %get3A_1227 = tpu.vector_load %arg7[%get3A_1224, %get3A_1225, %get3A_1226] {strides = array<i32>} : memref<2x16x128xf32, #tpu.memory_space<vmem>>, vector<1x1x16xf32>,
      %get3A_1228 = vector.shape_cast %get3A_1227 : vector<1x1x16xf32> to vector<16xf32>
      %swap3A_1229 = arith.constant 88 : i32
      %swap3A_1230 = arith.index_cast %swap3A_1229 : i32 to index
      %swap3A_1231 = arith.constant 0 : index
      %swap3A_1232 = tpu.vector_load %arg8[%swap3A_1230, %swap3A_1231] {strides = array<i32>} : memref<128x128xf32, #tpu.memory_space<vmem>>, vector<1x16xf32>,
      %swap3A_1233 = vector.shape_cast %swap3A_1232 : vector<1x16xf32> to vector<16xf32>
      %swap3A_1234 = vector.shape_cast %get3A_1228 : vector<16xf32> to vector<1x16xf32>
      tpu.vector_store %arg8[%swap3A_1230, %swap3A_1231], %swap3A_1234 {strides = array<i32>} : memref<128x128xf32, #tpu.memory_space<vmem>>, vector<1x16xf32>,
      %get3A_1235 = arith.constant 0 : i32
      %get3A_1236 = arith.constant 11 : i32
      %get3A_1237 = arith.index_cast %get3A_1235 : i32 to index
      %get3A_1238 = arith.index_cast %get3A_1236 : i32 to index
      %get3A_1239 = arith.constant 16 : index
      %get3A_1240 = tpu.vector_load %arg7[%get3A_1237, %get3A_1238, %get3A_1239] {strides = array<i32>} : memref<2x16x128xf32, #tpu.memory_space<vmem>>, vector<1x1x16xf32>,
      %get3A_1241 = vector.shape_cast %get3A_1240 : vector<1x1x16xf32> to vector<16xf32>
      %swap3A_1242 = arith.constant 89 : i32
      %swap3A_1243 = arith.index_cast %swap3A_1242 : i32 to index
      %swap3A_1244 = arith.constant 0 : index
      %swap3A_1245 = tpu.vector_load %arg8[%swap3A_1243, %swap3A_1244] {strides = array<i32>} : memref<128x128xf32, #tpu.memory_space<vmem>>, vector<1x16xf32>,
      %swap3A_1246 = vector.shape_cast %swap3A_1245 : vector<1x16xf32> to vector<16xf32>
      %swap3A_1247 = vector.shape_cast %get3A_1241 : vector<16xf32> to vector<1x16xf32>
      tpu.vector_store %arg8[%swap3A_1243, %swap3A_1244], %swap3A_1247 {strides = array<i32>} : memref<128x128xf32, #tpu.memory_space<vmem>>, vector<1x16xf32>,
      %get3A_1248 = arith.constant 0 : i32
      %get3A_1249 = arith.constant 11 : i32
      %get3A_1250 = arith.index_cast %get3A_1248 : i32 to index
      %get3A_1251 = arith.index_cast %get3A_1249 : i32 to index
      %get3A_1252 = arith.constant 32 : index
      %get3A_1253 = tpu.vector_load %arg7[%get3A_1250, %get3A_1251, %get3A_1252] {strides = array<i32>} : memref<2x16x128xf32, #tpu.memory_space<vmem>>, vector<1x1x16xf32>,
      %get3A_1254 = vector.shape_cast %get3A_1253 : vector<1x1x16xf32> to vector<16xf32>
      %swap3A_1255 = arith.constant 90 : i32
      %swap3A_1256 = arith.index_cast %swap3A_1255 : i32 to index
      %swap3A_1257 = arith.constant 0 : index
      %swap3A_1258 = tpu.vector_load %arg8[%swap3A_1256, %swap3A_1257] {strides = array<i32>} : memref<128x128xf32, #tpu.memory_space<vmem>>, vector<1x16xf32>,
      %swap3A_1259 = vector.shape_cast %swap3A_1258 : vector<1x16xf32> to vector<16xf32>
      %swap3A_1260 = vector.shape_cast %get3A_1254 : vector<16xf32> to vector<1x16xf32>
      tpu.vector_store %arg8[%swap3A_1256, %swap3A_1257], %swap3A_1260 {strides = array<i32>} : memref<128x128xf32, #tpu.memory_space<vmem>>, vector<1x16xf32>,
      %get3A_1261 = arith.constant 0 : i32
      %get3A_1262 = arith.constant 11 : i32
      %get3A_1263 = arith.index_cast %get3A_1261 : i32 to index
      %get3A_1264 = arith.index_cast %get3A_1262 : i32 to index
      %get3A_1265 = arith.constant 48 : index
      %get3A_1266 = tpu.vector_load %arg7[%get3A_1263, %get3A_1264, %get3A_1265] {strides = array<i32>} : memref<2x16x128xf32, #tpu.memory_space<vmem>>, vector<1x1x16xf32>,
      %get3A_1267 = vector.shape_cast %get3A_1266 : vector<1x1x16xf32> to vector<16xf32>
      %swap3A_1268 = arith.constant 91 : i32
      %swap3A_1269 = arith.index_cast %swap3A_1268 : i32 to index
      %swap3A_1270 = arith.constant 0 : index
      %swap3A_1271 = tpu.vector_load %arg8[%swap3A_1269, %swap3A_1270] {strides = array<i32>} : memref<128x128xf32, #tpu.memory_space<vmem>>, vector<1x16xf32>,
      %swap3A_1272 = vector.shape_cast %swap3A_1271 : vector<1x16xf32> to vector<16xf32>
      %swap3A_1273 = vector.shape_cast %get3A_1267 : vector<16xf32> to vector<1x16xf32>
      tpu.vector_store %arg8[%swap3A_1269, %swap3A_1270], %swap3A_1273 {strides = array<i32>} : memref<128x128xf32, #tpu.memory_space<vmem>>, vector<1x16xf32>,
      %get3A_1274 = arith.constant 0 : i32
      %get3A_1275 = arith.constant 11 : i32
      %get3A_1276 = arith.index_cast %get3A_1274 : i32 to index
      %get3A_1277 = arith.index_cast %get3A_1275 : i32 to index
      %get3A_1278 = arith.constant 64 : index
      %get3A_1279 = tpu.vector_load %arg7[%get3A_1276, %get3A_1277, %get3A_1278] {strides = array<i32>} : memref<2x16x128xf32, #tpu.memory_space<vmem>>, vector<1x1x16xf32>,
      %get3A_1280 = vector.shape_cast %get3A_1279 : vector<1x1x16xf32> to vector<16xf32>
      %swap3A_1281 = arith.constant 92 : i32
      %swap3A_1282 = arith.index_cast %swap3A_1281 : i32 to index
      %swap3A_1283 = arith.constant 0 : index
      %swap3A_1284 = tpu.vector_load %arg8[%swap3A_1282, %swap3A_1283] {strides = array<i32>} : memref<128x128xf32, #tpu.memory_space<vmem>>, vector<1x16xf32>,
      %swap3A_1285 = vector.shape_cast %swap3A_1284 : vector<1x16xf32> to vector<16xf32>
      %swap3A_1286 = vector.shape_cast %get3A_1280 : vector<16xf32> to vector<1x16xf32>
      tpu.vector_store %arg8[%swap3A_1282, %swap3A_1283], %swap3A_1286 {strides = array<i32>} : memref<128x128xf32, #tpu.memory_space<vmem>>, vector<1x16xf32>,
      %get3A_1287 = arith.constant 0 : i32
      %get3A_1288 = arith.constant 11 : i32
      %get3A_1289 = arith.index_cast %get3A_1287 : i32 to index
      %get3A_1290 = arith.index_cast %get3A_1288 : i32 to index
      %get3A_1291 = arith.constant 80 : index
      %get3A_1292 = tpu.vector_load %arg7[%get3A_1289, %get3A_1290, %get3A_1291] {strides = array<i32>} : memref<2x16x128xf32, #tpu.memory_space<vmem>>, vector<1x1x16xf32>,
      %get3A_1293 = vector.shape_cast %get3A_1292 : vector<1x1x16xf32> to vector<16xf32>
      %swap3A_1294 = arith.constant 93 : i32
      %swap3A_1295 = arith.index_cast %swap3A_1294 : i32 to index
      %swap3A_1296 = arith.constant 0 : index
      %swap3A_1297 = tpu.vector_load %arg8[%swap3A_1295, %swap3A_1296] {strides = array<i32>} : memref<128x128xf32, #tpu.memory_space<vmem>>, vector<1x16xf32>,
      %swap3A_1298 = vector.shape_cast %swap3A_1297 : vector<1x16xf32> to vector<16xf32>
      %swap3A_1299 = vector.shape_cast %get3A_1293 : vector<16xf32> to vector<1x16xf32>
      tpu.vector_store %arg8[%swap3A_1295, %swap3A_1296], %swap3A_1299 {strides = array<i32>} : memref<128x128xf32, #tpu.memory_space<vmem>>, vector<1x16xf32>,
      %get3A_1300 = arith.constant 0 : i32
      %get3A_1301 = arith.constant 11 : i32
      %get3A_1302 = arith.index_cast %get3A_1300 : i32 to index
      %get3A_1303 = arith.index_cast %get3A_1301 : i32 to index
      %get3A_1304 = arith.constant 96 : index
      %get3A_1305 = tpu.vector_load %arg7[%get3A_1302, %get3A_1303, %get3A_1304] {strides = array<i32>} : memref<2x16x128xf32, #tpu.memory_space<vmem>>, vector<1x1x16xf32>,
      %get3A_1306 = vector.shape_cast %get3A_1305 : vector<1x1x16xf32> to vector<16xf32>
      %swap3A_1307 = arith.constant 94 : i32
      %swap3A_1308 = arith.index_cast %swap3A_1307 : i32 to index
      %swap3A_1309 = arith.constant 0 : index
      %swap3A_1310 = tpu.vector_load %arg8[%swap3A_1308, %swap3A_1309] {strides = array<i32>} : memref<128x128xf32, #tpu.memory_space<vmem>>, vector<1x16xf32>,
      %swap3A_1311 = vector.shape_cast %swap3A_1310 : vector<1x16xf32> to vector<16xf32>
      %swap3A_1312 = vector.shape_cast %get3A_1306 : vector<16xf32> to vector<1x16xf32>
      tpu.vector_store %arg8[%swap3A_1308, %swap3A_1309], %swap3A_1312 {strides = array<i32>} : memref<128x128xf32, #tpu.memory_space<vmem>>, vector<1x16xf32>,
      %get3A_1313 = arith.constant 0 : i32
      %get3A_1314 = arith.constant 11 : i32
      %get3A_1315 = arith.index_cast %get3A_1313 : i32 to index
      %get3A_1316 = arith.index_cast %get3A_1314 : i32 to index
      %get3A_1317 = arith.constant 112 : index
      %get3A_1318 = tpu.vector_load %arg7[%get3A_1315, %get3A_1316, %get3A_1317] {strides = array<i32>} : memref<2x16x128xf32, #tpu.memory_space<vmem>>, vector<1x1x16xf32>,
      %get3A_1319 = vector.shape_cast %get3A_1318 : vector<1x1x16xf32> to vector<16xf32>
      %swap3A_1320 = arith.constant 95 : i32
      %swap3A_1321 = arith.index_cast %swap3A_1320 : i32 to index
      %swap3A_1322 = arith.constant 0 : index
      %swap3A_1323 = tpu.vector_load %arg8[%swap3A_1321, %swap3A_1322] {strides = array<i32>} : memref<128x128xf32, #tpu.memory_space<vmem>>, vector<1x16xf32>,
      %swap3A_1324 = vector.shape_cast %swap3A_1323 : vector<1x16xf32> to vector<16xf32>
      %swap3A_1325 = vector.shape_cast %get3A_1319 : vector<16xf32> to vector<1x16xf32>
      tpu.vector_store %arg8[%swap3A_1321, %swap3A_1322], %swap3A_1325 {strides = array<i32>} : memref<128x128xf32, #tpu.memory_space<vmem>>, vector<1x16xf32>,
      %get3A_1326 = arith.constant 0 : i32
      %get3A_1327 = arith.constant 12 : i32
      %get3A_1328 = arith.index_cast %get3A_1326 : i32 to index
      %get3A_1329 = arith.index_cast %get3A_1327 : i32 to index
      %get3A_1330 = arith.constant 0 : index
      %get3A_1331 = tpu.vector_load %arg7[%get3A_1328, %get3A_1329, %get3A_1330] {strides = array<i32>} : memref<2x16x128xf32, #tpu.memory_space<vmem>>, vector<1x1x16xf32>,
      %get3A_1332 = vector.shape_cast %get3A_1331 : vector<1x1x16xf32> to vector<16xf32>
      %swap3A_1333 = arith.constant 96 : i32
      %swap3A_1334 = arith.index_cast %swap3A_1333 : i32 to index
      %swap3A_1335 = arith.constant 0 : index
      %swap3A_1336 = tpu.vector_load %arg8[%swap3A_1334, %swap3A_1335] {strides = array<i32>} : memref<128x128xf32, #tpu.memory_space<vmem>>, vector<1x16xf32>,
      %swap3A_1337 = vector.shape_cast %swap3A_1336 : vector<1x16xf32> to vector<16xf32>
      %swap3A_1338 = vector.shape_cast %get3A_1332 : vector<16xf32> to vector<1x16xf32>
      tpu.vector_store %arg8[%swap3A_1334, %swap3A_1335], %swap3A_1338 {strides = array<i32>} : memref<128x128xf32, #tpu.memory_space<vmem>>, vector<1x16xf32>,
      %get3A_1339 = arith.constant 0 : i32
      %get3A_1340 = arith.constant 12 : i32
      %get3A_1341 = arith.index_cast %get3A_1339 : i32 to index
      %get3A_1342 = arith.index_cast %get3A_1340 : i32 to index
      %get3A_1343 = arith.constant 16 : index
      %get3A_1344 = tpu.vector_load %arg7[%get3A_1341, %get3A_1342, %get3A_1343] {strides = array<i32>} : memref<2x16x128xf32, #tpu.memory_space<vmem>>, vector<1x1x16xf32>,
      %get3A_1345 = vector.shape_cast %get3A_1344 : vector<1x1x16xf32> to vector<16xf32>
      %swap3A_1346 = arith.constant 97 : i32
      %swap3A_1347 = arith.index_cast %swap3A_1346 : i32 to index
      %swap3A_1348 = arith.constant 0 : index
      %swap3A_1349 = tpu.vector_load %arg8[%swap3A_1347, %swap3A_1348] {strides = array<i32>} : memref<128x128xf32, #tpu.memory_space<vmem>>, vector<1x16xf32>,
      %swap3A_1350 = vector.shape_cast %swap3A_1349 : vector<1x16xf32> to vector<16xf32>
      %swap3A_1351 = vector.shape_cast %get3A_1345 : vector<16xf32> to vector<1x16xf32>
      tpu.vector_store %arg8[%swap3A_1347, %swap3A_1348], %swap3A_1351 {strides = array<i32>} : memref<128x128xf32, #tpu.memory_space<vmem>>, vector<1x16xf32>,
      %get3A_1352 = arith.constant 0 : i32
      %get3A_1353 = arith.constant 12 : i32
      %get3A_1354 = arith.index_cast %get3A_1352 : i32 to index
      %get3A_1355 = arith.index_cast %get3A_1353 : i32 to index
      %get3A_1356 = arith.constant 32 : index
      %get3A_1357 = tpu.vector_load %arg7[%get3A_1354, %get3A_1355, %get3A_1356] {strides = array<i32>} : memref<2x16x128xf32, #tpu.memory_space<vmem>>, vector<1x1x16xf32>,
      %get3A_1358 = vector.shape_cast %get3A_1357 : vector<1x1x16xf32> to vector<16xf32>
      %swap3A_1359 = arith.constant 98 : i32
      %swap3A_1360 = arith.index_cast %swap3A_1359 : i32 to index
      %swap3A_1361 = arith.constant 0 : index
      %swap3A_1362 = tpu.vector_load %arg8[%swap3A_1360, %swap3A_1361] {strides = array<i32>} : memref<128x128xf32, #tpu.memory_space<vmem>>, vector<1x16xf32>,
      %swap3A_1363 = vector.shape_cast %swap3A_1362 : vector<1x16xf32> to vector<16xf32>
      %swap3A_1364 = vector.shape_cast %get3A_1358 : vector<16xf32> to vector<1x16xf32>
      tpu.vector_store %arg8[%swap3A_1360, %swap3A_1361], %swap3A_1364 {strides = array<i32>} : memref<128x128xf32, #tpu.memory_space<vmem>>, vector<1x16xf32>,
      %get3A_1365 = arith.constant 0 : i32
      %get3A_1366 = arith.constant 12 : i32
      %get3A_1367 = arith.index_cast %get3A_1365 : i32 to index
      %get3A_1368 = arith.index_cast %get3A_1366 : i32 to index
      %get3A_1369 = arith.constant 48 : index
      %get3A_1370 = tpu.vector_load %arg7[%get3A_1367, %get3A_1368, %get3A_1369] {strides = array<i32>} : memref<2x16x128xf32, #tpu.memory_space<vmem>>, vector<1x1x16xf32>,
      %get3A_1371 = vector.shape_cast %get3A_1370 : vector<1x1x16xf32> to vector<16xf32>
      %swap3A_1372 = arith.constant 99 : i32
      %swap3A_1373 = arith.index_cast %swap3A_1372 : i32 to index
      %swap3A_1374 = arith.constant 0 : index
      %swap3A_1375 = tpu.vector_load %arg8[%swap3A_1373, %swap3A_1374] {strides = array<i32>} : memref<128x128xf32, #tpu.memory_space<vmem>>, vector<1x16xf32>,
      %swap3A_1376 = vector.shape_cast %swap3A_1375 : vector<1x16xf32> to vector<16xf32>
      %swap3A_1377 = vector.shape_cast %get3A_1371 : vector<16xf32> to vector<1x16xf32>
      tpu.vector_store %arg8[%swap3A_1373, %swap3A_1374], %swap3A_1377 {strides = array<i32>} : memref<128x128xf32, #tpu.memory_space<vmem>>, vector<1x16xf32>,
      %get3A_1378 = arith.constant 0 : i32
      %get3A_1379 = arith.constant 12 : i32
      %get3A_1380 = arith.index_cast %get3A_1378 : i32 to index
      %get3A_1381 = arith.index_cast %get3A_1379 : i32 to index
      %get3A_1382 = arith.constant 64 : index
      %get3A_1383 = tpu.vector_load %arg7[%get3A_1380, %get3A_1381, %get3A_1382] {strides = array<i32>} : memref<2x16x128xf32, #tpu.memory_space<vmem>>, vector<1x1x16xf32>,
      %get3A_1384 = vector.shape_cast %get3A_1383 : vector<1x1x16xf32> to vector<16xf32>
      %swap3A_1385 = arith.constant 100 : i32
      %swap3A_1386 = arith.index_cast %swap3A_1385 : i32 to index
      %swap3A_1387 = arith.constant 0 : index
      %swap3A_1388 = tpu.vector_load %arg8[%swap3A_1386, %swap3A_1387] {strides = array<i32>} : memref<128x128xf32, #tpu.memory_space<vmem>>, vector<1x16xf32>,
      %swap3A_1389 = vector.shape_cast %swap3A_1388 : vector<1x16xf32> to vector<16xf32>
      %swap3A_1390 = vector.shape_cast %get3A_1384 : vector<16xf32> to vector<1x16xf32>
      tpu.vector_store %arg8[%swap3A_1386, %swap3A_1387], %swap3A_1390 {strides = array<i32>} : memref<128x128xf32, #tpu.memory_space<vmem>>, vector<1x16xf32>,
      %get3A_1391 = arith.constant 0 : i32
      %get3A_1392 = arith.constant 12 : i32
      %get3A_1393 = arith.index_cast %get3A_1391 : i32 to index
      %get3A_1394 = arith.index_cast %get3A_1392 : i32 to index
      %get3A_1395 = arith.constant 80 : index
      %get3A_1396 = tpu.vector_load %arg7[%get3A_1393, %get3A_1394, %get3A_1395] {strides = array<i32>} : memref<2x16x128xf32, #tpu.memory_space<vmem>>, vector<1x1x16xf32>,
      %get3A_1397 = vector.shape_cast %get3A_1396 : vector<1x1x16xf32> to vector<16xf32>
      %swap3A_1398 = arith.constant 101 : i32
      %swap3A_1399 = arith.index_cast %swap3A_1398 : i32 to index
      %swap3A_1400 = arith.constant 0 : index
      %swap3A_1401 = tpu.vector_load %arg8[%swap3A_1399, %swap3A_1400] {strides = array<i32>} : memref<128x128xf32, #tpu.memory_space<vmem>>, vector<1x16xf32>,
      %swap3A_1402 = vector.shape_cast %swap3A_1401 : vector<1x16xf32> to vector<16xf32>
      %swap3A_1403 = vector.shape_cast %get3A_1397 : vector<16xf32> to vector<1x16xf32>
      tpu.vector_store %arg8[%swap3A_1399, %swap3A_1400], %swap3A_1403 {strides = array<i32>} : memref<128x128xf32, #tpu.memory_space<vmem>>, vector<1x16xf32>,
      %get3A_1404 = arith.constant 0 : i32
      %get3A_1405 = arith.constant 12 : i32
      %get3A_1406 = arith.index_cast %get3A_1404 : i32 to index
      %get3A_1407 = arith.index_cast %get3A_1405 : i32 to index
      %get3A_1408 = arith.constant 96 : index
      %get3A_1409 = tpu.vector_load %arg7[%get3A_1406, %get3A_1407, %get3A_1408] {strides = array<i32>} : memref<2x16x128xf32, #tpu.memory_space<vmem>>, vector<1x1x16xf32>,
      %get3A_1410 = vector.shape_cast %get3A_1409 : vector<1x1x16xf32> to vector<16xf32>
      %swap3A_1411 = arith.constant 102 : i32
      %swap3A_1412 = arith.index_cast %swap3A_1411 : i32 to index
      %swap3A_1413 = arith.constant 0 : index
      %swap3A_1414 = tpu.vector_load %arg8[%swap3A_1412, %swap3A_1413] {strides = array<i32>} : memref<128x128xf32, #tpu.memory_space<vmem>>, vector<1x16xf32>,
      %swap3A_1415 = vector.shape_cast %swap3A_1414 : vector<1x16xf32> to vector<16xf32>
      %swap3A_1416 = vector.shape_cast %get3A_1410 : vector<16xf32> to vector<1x16xf32>
      tpu.vector_store %arg8[%swap3A_1412, %swap3A_1413], %swap3A_1416 {strides = array<i32>} : memref<128x128xf32, #tpu.memory_space<vmem>>, vector<1x16xf32>,
      %get3A_1417 = arith.constant 0 : i32
      %get3A_1418 = arith.constant 12 : i32
      %get3A_1419 = arith.index_cast %get3A_1417 : i32 to index
      %get3A_1420 = arith.index_cast %get3A_1418 : i32 to index
      %get3A_1421 = arith.constant 112 : index
      %get3A_1422 = tpu.vector_load %arg7[%get3A_1419, %get3A_1420, %get3A_1421] {strides = array<i32>} : memref<2x16x128xf32, #tpu.memory_space<vmem>>, vector<1x1x16xf32>,
      %get3A_1423 = vector.shape_cast %get3A_1422 : vector<1x1x16xf32> to vector<16xf32>
      %swap3A_1424 = arith.constant 103 : i32
      %swap3A_1425 = arith.index_cast %swap3A_1424 : i32 to index
      %swap3A_1426 = arith.constant 0 : index
      %swap3A_1427 = tpu.vector_load %arg8[%swap3A_1425, %swap3A_1426] {strides = array<i32>} : memref<128x128xf32, #tpu.memory_space<vmem>>, vector<1x16xf32>,
      %swap3A_1428 = vector.shape_cast %swap3A_1427 : vector<1x16xf32> to vector<16xf32>
      %swap3A_1429 = vector.shape_cast %get3A_1423 : vector<16xf32> to vector<1x16xf32>
      tpu.vector_store %arg8[%swap3A_1425, %swap3A_1426], %swap3A_1429 {strides = array<i32>} : memref<128x128xf32, #tpu.memory_space<vmem>>, vector<1x16xf32>,
      %get3A_1430 = arith.constant 0 : i32
      %get3A_1431 = arith.constant 13 : i32
      %get3A_1432 = arith.index_cast %get3A_1430 : i32 to index
      %get3A_1433 = arith.index_cast %get3A_1431 : i32 to index
      %get3A_1434 = arith.constant 0 : index
      %get3A_1435 = tpu.vector_load %arg7[%get3A_1432, %get3A_1433, %get3A_1434] {strides = array<i32>} : memref<2x16x128xf32, #tpu.memory_space<vmem>>, vector<1x1x16xf32>,
      %get3A_1436 = vector.shape_cast %get3A_1435 : vector<1x1x16xf32> to vector<16xf32>
      %swap3A_1437 = arith.constant 104 : i32
      %swap3A_1438 = arith.index_cast %swap3A_1437 : i32 to index
      %swap3A_1439 = arith.constant 0 : index
      %swap3A_1440 = tpu.vector_load %arg8[%swap3A_1438, %swap3A_1439] {strides = array<i32>} : memref<128x128xf32, #tpu.memory_space<vmem>>, vector<1x16xf32>,
      %swap3A_1441 = vector.shape_cast %swap3A_1440 : vector<1x16xf32> to vector<16xf32>
      %swap3A_1442 = vector.shape_cast %get3A_1436 : vector<16xf32> to vector<1x16xf32>
      tpu.vector_store %arg8[%swap3A_1438, %swap3A_1439], %swap3A_1442 {strides = array<i32>} : memref<128x128xf32, #tpu.memory_space<vmem>>, vector<1x16xf32>,
      %get3A_1443 = arith.constant 0 : i32
      %get3A_1444 = arith.constant 13 : i32
      %get3A_1445 = arith.index_cast %get3A_1443 : i32 to index
      %get3A_1446 = arith.index_cast %get3A_1444 : i32 to index
      %get3A_1447 = arith.constant 16 : index
      %get3A_1448 = tpu.vector_load %arg7[%get3A_1445, %get3A_1446, %get3A_1447] {strides = array<i32>} : memref<2x16x128xf32, #tpu.memory_space<vmem>>, vector<1x1x16xf32>,
      %get3A_1449 = vector.shape_cast %get3A_1448 : vector<1x1x16xf32> to vector<16xf32>
      %swap3A_1450 = arith.constant 105 : i32
      %swap3A_1451 = arith.index_cast %swap3A_1450 : i32 to index
      %swap3A_1452 = arith.constant 0 : index
      %swap3A_1453 = tpu.vector_load %arg8[%swap3A_1451, %swap3A_1452] {strides = array<i32>} : memref<128x128xf32, #tpu.memory_space<vmem>>, vector<1x16xf32>,
      %swap3A_1454 = vector.shape_cast %swap3A_1453 : vector<1x16xf32> to vector<16xf32>
      %swap3A_1455 = vector.shape_cast %get3A_1449 : vector<16xf32> to vector<1x16xf32>
      tpu.vector_store %arg8[%swap3A_1451, %swap3A_1452], %swap3A_1455 {strides = array<i32>} : memref<128x128xf32, #tpu.memory_space<vmem>>, vector<1x16xf32>,
      %get3A_1456 = arith.constant 0 : i32
      %get3A_1457 = arith.constant 13 : i32
      %get3A_1458 = arith.index_cast %get3A_1456 : i32 to index
      %get3A_1459 = arith.index_cast %get3A_1457 : i32 to index
      %get3A_1460 = arith.constant 32 : index
      %get3A_1461 = tpu.vector_load %arg7[%get3A_1458, %get3A_1459, %get3A_1460] {strides = array<i32>} : memref<2x16x128xf32, #tpu.memory_space<vmem>>, vector<1x1x16xf32>,
      %get3A_1462 = vector.shape_cast %get3A_1461 : vector<1x1x16xf32> to vector<16xf32>
      %swap3A_1463 = arith.constant 106 : i32
      %swap3A_1464 = arith.index_cast %swap3A_1463 : i32 to index
      %swap3A_1465 = arith.constant 0 : index
      %swap3A_1466 = tpu.vector_load %arg8[%swap3A_1464, %swap3A_1465] {strides = array<i32>} : memref<128x128xf32, #tpu.memory_space<vmem>>, vector<1x16xf32>,
      %swap3A_1467 = vector.shape_cast %swap3A_1466 : vector<1x16xf32> to vector<16xf32>
      %swap3A_1468 = vector.shape_cast %get3A_1462 : vector<16xf32> to vector<1x16xf32>
      tpu.vector_store %arg8[%swap3A_1464, %swap3A_1465], %swap3A_1468 {strides = array<i32>} : memref<128x128xf32, #tpu.memory_space<vmem>>, vector<1x16xf32>,
      %get3A_1469 = arith.constant 0 : i32
      %get3A_1470 = arith.constant 13 : i32
      %get3A_1471 = arith.index_cast %get3A_1469 : i32 to index
      %get3A_1472 = arith.index_cast %get3A_1470 : i32 to index
      %get3A_1473 = arith.constant 48 : index
      %get3A_1474 = tpu.vector_load %arg7[%get3A_1471, %get3A_1472, %get3A_1473] {strides = array<i32>} : memref<2x16x128xf32, #tpu.memory_space<vmem>>, vector<1x1x16xf32>,
      %get3A_1475 = vector.shape_cast %get3A_1474 : vector<1x1x16xf32> to vector<16xf32>
      %swap3A_1476 = arith.constant 107 : i32
      %swap3A_1477 = arith.index_cast %swap3A_1476 : i32 to index
      %swap3A_1478 = arith.constant 0 : index
      %swap3A_1479 = tpu.vector_load %arg8[%swap3A_1477, %swap3A_1478] {strides = array<i32>} : memref<128x128xf32, #tpu.memory_space<vmem>>, vector<1x16xf32>,
      %swap3A_1480 = vector.shape_cast %swap3A_1479 : vector<1x16xf32> to vector<16xf32>
      %swap3A_1481 = vector.shape_cast %get3A_1475 : vector<16xf32> to vector<1x16xf32>
      tpu.vector_store %arg8[%swap3A_1477, %swap3A_1478], %swap3A_1481 {strides = array<i32>} : memref<128x128xf32, #tpu.memory_space<vmem>>, vector<1x16xf32>,
      %get3A_1482 = arith.constant 0 : i32
      %get3A_1483 = arith.constant 13 : i32
      %get3A_1484 = arith.index_cast %get3A_1482 : i32 to index
      %get3A_1485 = arith.index_cast %get3A_1483 : i32 to index
      %get3A_1486 = arith.constant 64 : index
      %get3A_1487 = tpu.vector_load %arg7[%get3A_1484, %get3A_1485, %get3A_1486] {strides = array<i32>} : memref<2x16x128xf32, #tpu.memory_space<vmem>>, vector<1x1x16xf32>,
      %get3A_1488 = vector.shape_cast %get3A_1487 : vector<1x1x16xf32> to vector<16xf32>
      %swap3A_1489 = arith.constant 108 : i32
      %swap3A_1490 = arith.index_cast %swap3A_1489 : i32 to index
      %swap3A_1491 = arith.constant 0 : index
      %swap3A_1492 = tpu.vector_load %arg8[%swap3A_1490, %swap3A_1491] {strides = array<i32>} : memref<128x128xf32, #tpu.memory_space<vmem>>, vector<1x16xf32>,
      %swap3A_1493 = vector.shape_cast %swap3A_1492 : vector<1x16xf32> to vector<16xf32>
      %swap3A_1494 = vector.shape_cast %get3A_1488 : vector<16xf32> to vector<1x16xf32>
      tpu.vector_store %arg8[%swap3A_1490, %swap3A_1491], %swap3A_1494 {strides = array<i32>} : memref<128x128xf32, #tpu.memory_space<vmem>>, vector<1x16xf32>,
      %get3A_1495 = arith.constant 0 : i32
      %get3A_1496 = arith.constant 13 : i32
      %get3A_1497 = arith.index_cast %get3A_1495 : i32 to index
      %get3A_1498 = arith.index_cast %get3A_1496 : i32 to index
      %get3A_1499 = arith.constant 80 : index
      %get3A_1500 = tpu.vector_load %arg7[%get3A_1497, %get3A_1498, %get3A_1499] {strides = array<i32>} : memref<2x16x128xf32, #tpu.memory_space<vmem>>, vector<1x1x16xf32>,
      %get3A_1501 = vector.shape_cast %get3A_1500 : vector<1x1x16xf32> to vector<16xf32>
      %swap3A_1502 = arith.constant 109 : i32
      %swap3A_1503 = arith.index_cast %swap3A_1502 : i32 to index
      %swap3A_1504 = arith.constant 0 : index
      %swap3A_1505 = tpu.vector_load %arg8[%swap3A_1503, %swap3A_1504] {strides = array<i32>} : memref<128x128xf32, #tpu.memory_space<vmem>>, vector<1x16xf32>,
      %swap3A_1506 = vector.shape_cast %swap3A_1505 : vector<1x16xf32> to vector<16xf32>
      %swap3A_1507 = vector.shape_cast %get3A_1501 : vector<16xf32> to vector<1x16xf32>
      tpu.vector_store %arg8[%swap3A_1503, %swap3A_1504], %swap3A_1507 {strides = array<i32>} : memref<128x128xf32, #tpu.memory_space<vmem>>, vector<1x16xf32>,
      %get3A_1508 = arith.constant 0 : i32
      %get3A_1509 = arith.constant 13 : i32
      %get3A_1510 = arith.index_cast %get3A_1508 : i32 to index
      %get3A_1511 = arith.index_cast %get3A_1509 : i32 to index
      %get3A_1512 = arith.constant 96 : index
      %get3A_1513 = tpu.vector_load %arg7[%get3A_1510, %get3A_1511, %get3A_1512] {strides = array<i32>} : memref<2x16x128xf32, #tpu.memory_space<vmem>>, vector<1x1x16xf32>,
      %get3A_1514 = vector.shape_cast %get3A_1513 : vector<1x1x16xf32> to vector<16xf32>
      %swap3A_1515 = arith.constant 110 : i32
      %swap3A_1516 = arith.index_cast %swap3A_1515 : i32 to index
      %swap3A_1517 = arith.constant 0 : index
      %swap3A_1518 = tpu.vector_load %arg8[%swap3A_1516, %swap3A_1517] {strides = array<i32>} : memref<128x128xf32, #tpu.memory_space<vmem>>, vector<1x16xf32>,
      %swap3A_1519 = vector.shape_cast %swap3A_1518 : vector<1x16xf32> to vector<16xf32>
      %swap3A_1520 = vector.shape_cast %get3A_1514 : vector<16xf32> to vector<1x16xf32>
      tpu.vector_store %arg8[%swap3A_1516, %swap3A_1517], %swap3A_1520 {strides = array<i32>} : memref<128x128xf32, #tpu.memory_space<vmem>>, vector<1x16xf32>,
      %get3A_1521 = arith.constant 0 : i32
      %get3A_1522 = arith.constant 13 : i32
      %get3A_1523 = arith.index_cast %get3A_1521 : i32 to index
      %get3A_1524 = arith.index_cast %get3A_1522 : i32 to index
      %get3A_1525 = arith.constant 112 : index
      %get3A_1526 = tpu.vector_load %arg7[%get3A_1523, %get3A_1524, %get3A_1525] {strides = array<i32>} : memref<2x16x128xf32, #tpu.memory_space<vmem>>, vector<1x1x16xf32>,
      %get3A_1527 = vector.shape_cast %get3A_1526 : vector<1x1x16xf32> to vector<16xf32>
      %swap3A_1528 = arith.constant 111 : i32
      %swap3A_1529 = arith.index_cast %swap3A_1528 : i32 to index
      %swap3A_1530 = arith.constant 0 : index
      %swap3A_1531 = tpu.vector_load %arg8[%swap3A_1529, %swap3A_1530] {strides = array<i32>} : memref<128x128xf32, #tpu.memory_space<vmem>>, vector<1x16xf32>,
      %swap3A_1532 = vector.shape_cast %swap3A_1531 : vector<1x16xf32> to vector<16xf32>
      %swap3A_1533 = vector.shape_cast %get3A_1527 : vector<16xf32> to vector<1x16xf32>
      tpu.vector_store %arg8[%swap3A_1529, %swap3A_1530], %swap3A_1533 {strides = array<i32>} : memref<128x128xf32, #tpu.memory_space<vmem>>, vector<1x16xf32>,
      %get3A_1534 = arith.constant 0 : i32
      %get3A_1535 = arith.constant 14 : i32
      %get3A_1536 = arith.index_cast %get3A_1534 : i32 to index
      %get3A_1537 = arith.index_cast %get3A_1535 : i32 to index
      %get3A_1538 = arith.constant 0 : index
      %get3A_1539 = tpu.vector_load %arg7[%get3A_1536, %get3A_1537, %get3A_1538] {strides = array<i32>} : memref<2x16x128xf32, #tpu.memory_space<vmem>>, vector<1x1x16xf32>,
      %get3A_1540 = vector.shape_cast %get3A_1539 : vector<1x1x16xf32> to vector<16xf32>
      %swap3A_1541 = arith.constant 112 : i32
      %swap3A_1542 = arith.index_cast %swap3A_1541 : i32 to index
      %swap3A_1543 = arith.constant 0 : index
      %swap3A_1544 = tpu.vector_load %arg8[%swap3A_1542, %swap3A_1543] {strides = array<i32>} : memref<128x128xf32, #tpu.memory_space<vmem>>, vector<1x16xf32>,
      %swap3A_1545 = vector.shape_cast %swap3A_1544 : vector<1x16xf32> to vector<16xf32>
      %swap3A_1546 = vector.shape_cast %get3A_1540 : vector<16xf32> to vector<1x16xf32>
      tpu.vector_store %arg8[%swap3A_1542, %swap3A_1543], %swap3A_1546 {strides = array<i32>} : memref<128x128xf32, #tpu.memory_space<vmem>>, vector<1x16xf32>,
      %get3A_1547 = arith.constant 0 : i32
      %get3A_1548 = arith.constant 14 : i32
      %get3A_1549 = arith.index_cast %get3A_1547 : i32 to index
      %get3A_1550 = arith.index_cast %get3A_1548 : i32 to index
      %get3A_1551 = arith.constant 16 : index
      %get3A_1552 = tpu.vector_load %arg7[%get3A_1549, %get3A_1550, %get3A_1551] {strides = array<i32>} : memref<2x16x128xf32, #tpu.memory_space<vmem>>, vector<1x1x16xf32>,
      %get3A_1553 = vector.shape_cast %get3A_1552 : vector<1x1x16xf32> to vector<16xf32>
      %swap3A_1554 = arith.constant 113 : i32
      %swap3A_1555 = arith.index_cast %swap3A_1554 : i32 to index
      %swap3A_1556 = arith.constant 0 : index
      %swap3A_1557 = tpu.vector_load %arg8[%swap3A_1555, %swap3A_1556] {strides = array<i32>} : memref<128x128xf32, #tpu.memory_space<vmem>>, vector<1x16xf32>,
      %swap3A_1558 = vector.shape_cast %swap3A_1557 : vector<1x16xf32> to vector<16xf32>
      %swap3A_1559 = vector.shape_cast %get3A_1553 : vector<16xf32> to vector<1x16xf32>
      tpu.vector_store %arg8[%swap3A_1555, %swap3A_1556], %swap3A_1559 {strides = array<i32>} : memref<128x128xf32, #tpu.memory_space<vmem>>, vector<1x16xf32>,
      %get3A_1560 = arith.constant 0 : i32
      %get3A_1561 = arith.constant 14 : i32
      %get3A_1562 = arith.index_cast %get3A_1560 : i32 to index
      %get3A_1563 = arith.index_cast %get3A_1561 : i32 to index
      %get3A_1564 = arith.constant 32 : index
      %get3A_1565 = tpu.vector_load %arg7[%get3A_1562, %get3A_1563, %get3A_1564] {strides = array<i32>} : memref<2x16x128xf32, #tpu.memory_space<vmem>>, vector<1x1x16xf32>,
      %get3A_1566 = vector.shape_cast %get3A_1565 : vector<1x1x16xf32> to vector<16xf32>
      %swap3A_1567 = arith.constant 114 : i32
      %swap3A_1568 = arith.index_cast %swap3A_1567 : i32 to index
      %swap3A_1569 = arith.constant 0 : index
      %swap3A_1570 = tpu.vector_load %arg8[%swap3A_1568, %swap3A_1569] {strides = array<i32>} : memref<128x128xf32, #tpu.memory_space<vmem>>, vector<1x16xf32>,
      %swap3A_1571 = vector.shape_cast %swap3A_1570 : vector<1x16xf32> to vector<16xf32>
      %swap3A_1572 = vector.shape_cast %get3A_1566 : vector<16xf32> to vector<1x16xf32>
      tpu.vector_store %arg8[%swap3A_1568, %swap3A_1569], %swap3A_1572 {strides = array<i32>} : memref<128x128xf32, #tpu.memory_space<vmem>>, vector<1x16xf32>,
      %get3A_1573 = arith.constant 0 : i32
      %get3A_1574 = arith.constant 14 : i32
      %get3A_1575 = arith.index_cast %get3A_1573 : i32 to index
      %get3A_1576 = arith.index_cast %get3A_1574 : i32 to index
      %get3A_1577 = arith.constant 48 : index
      %get3A_1578 = tpu.vector_load %arg7[%get3A_1575, %get3A_1576, %get3A_1577] {strides = array<i32>} : memref<2x16x128xf32, #tpu.memory_space<vmem>>, vector<1x1x16xf32>,
      %get3A_1579 = vector.shape_cast %get3A_1578 : vector<1x1x16xf32> to vector<16xf32>
      %swap3A_1580 = arith.constant 115 : i32
      %swap3A_1581 = arith.index_cast %swap3A_1580 : i32 to index
      %swap3A_1582 = arith.constant 0 : index
      %swap3A_1583 = tpu.vector_load %arg8[%swap3A_1581, %swap3A_1582] {strides = array<i32>} : memref<128x128xf32, #tpu.memory_space<vmem>>, vector<1x16xf32>,
      %swap3A_1584 = vector.shape_cast %swap3A_1583 : vector<1x16xf32> to vector<16xf32>
      %swap3A_1585 = vector.shape_cast %get3A_1579 : vector<16xf32> to vector<1x16xf32>
      tpu.vector_store %arg8[%swap3A_1581, %swap3A_1582], %swap3A_1585 {strides = array<i32>} : memref<128x128xf32, #tpu.memory_space<vmem>>, vector<1x16xf32>,
      %get3A_1586 = arith.constant 0 : i32
      %get3A_1587 = arith.constant 14 : i32
      %get3A_1588 = arith.index_cast %get3A_1586 : i32 to index
      %get3A_1589 = arith.index_cast %get3A_1587 : i32 to index
      %get3A_1590 = arith.constant 64 : index
      %get3A_1591 = tpu.vector_load %arg7[%get3A_1588, %get3A_1589, %get3A_1590] {strides = array<i32>} : memref<2x16x128xf32, #tpu.memory_space<vmem>>, vector<1x1x16xf32>,
      %get3A_1592 = vector.shape_cast %get3A_1591 : vector<1x1x16xf32> to vector<16xf32>
      %swap3A_1593 = arith.constant 116 : i32
      %swap3A_1594 = arith.index_cast %swap3A_1593 : i32 to index
      %swap3A_1595 = arith.constant 0 : index
      %swap3A_1596 = tpu.vector_load %arg8[%swap3A_1594, %swap3A_1595] {strides = array<i32>} : memref<128x128xf32, #tpu.memory_space<vmem>>, vector<1x16xf32>,
      %swap3A_1597 = vector.shape_cast %swap3A_1596 : vector<1x16xf32> to vector<16xf32>
      %swap3A_1598 = vector.shape_cast %get3A_1592 : vector<16xf32> to vector<1x16xf32>
      tpu.vector_store %arg8[%swap3A_1594, %swap3A_1595], %swap3A_1598 {strides = array<i32>} : memref<128x128xf32, #tpu.memory_space<vmem>>, vector<1x16xf32>,
      %get3A_1599 = arith.constant 0 : i32
      %get3A_1600 = arith.constant 14 : i32
      %get3A_1601 = arith.index_cast %get3A_1599 : i32 to index
      %get3A_1602 = arith.index_cast %get3A_1600 : i32 to index
      %get3A_1603 = arith.constant 80 : index
      %get3A_1604 = tpu.vector_load %arg7[%get3A_1601, %get3A_1602, %get3A_1603] {strides = array<i32>} : memref<2x16x128xf32, #tpu.memory_space<vmem>>, vector<1x1x16xf32>,
      %get3A_1605 = vector.shape_cast %get3A_1604 : vector<1x1x16xf32> to vector<16xf32>
      %swap3A_1606 = arith.constant 117 : i32
      %swap3A_1607 = arith.index_cast %swap3A_1606 : i32 to index
      %swap3A_1608 = arith.constant 0 : index
      %swap3A_1609 = tpu.vector_load %arg8[%swap3A_1607, %swap3A_1608] {strides = array<i32>} : memref<128x128xf32, #tpu.memory_space<vmem>>, vector<1x16xf32>,
      %swap3A_1610 = vector.shape_cast %swap3A_1609 : vector<1x16xf32> to vector<16xf32>
      %swap3A_1611 = vector.shape_cast %get3A_1605 : vector<16xf32> to vector<1x16xf32>
      tpu.vector_store %arg8[%swap3A_1607, %swap3A_1608], %swap3A_1611 {strides = array<i32>} : memref<128x128xf32, #tpu.memory_space<vmem>>, vector<1x16xf32>,
      %get3A_1612 = arith.constant 0 : i32
      %get3A_1613 = arith.constant 14 : i32
      %get3A_1614 = arith.index_cast %get3A_1612 : i32 to index
      %get3A_1615 = arith.index_cast %get3A_1613 : i32 to index
      %get3A_1616 = arith.constant 96 : index
      %get3A_1617 = tpu.vector_load %arg7[%get3A_1614, %get3A_1615, %get3A_1616] {strides = array<i32>} : memref<2x16x128xf32, #tpu.memory_space<vmem>>, vector<1x1x16xf32>,
      %get3A_1618 = vector.shape_cast %get3A_1617 : vector<1x1x16xf32> to vector<16xf32>
      %swap3A_1619 = arith.constant 118 : i32
      %swap3A_1620 = arith.index_cast %swap3A_1619 : i32 to index
      %swap3A_1621 = arith.constant 0 : index
      %swap3A_1622 = tpu.vector_load %arg8[%swap3A_1620, %swap3A_1621] {strides = array<i32>} : memref<128x128xf32, #tpu.memory_space<vmem>>, vector<1x16xf32>,
      %swap3A_1623 = vector.shape_cast %swap3A_1622 : vector<1x16xf32> to vector<16xf32>
      %swap3A_1624 = vector.shape_cast %get3A_1618 : vector<16xf32> to vector<1x16xf32>
      tpu.vector_store %arg8[%swap3A_1620, %swap3A_1621], %swap3A_1624 {strides = array<i32>} : memref<128x128xf32, #tpu.memory_space<vmem>>, vector<1x16xf32>,
      %get3A_1625 = arith.constant 0 : i32
      %get3A_1626 = arith.constant 14 : i32
      %get3A_1627 = arith.index_cast %get3A_1625 : i32 to index
      %get3A_1628 = arith.index_cast %get3A_1626 : i32 to index
      %get3A_1629 = arith.constant 112 : index
      %get3A_1630 = tpu.vector_load %arg7[%get3A_1627, %get3A_1628, %get3A_1629] {strides = array<i32>} : memref<2x16x128xf32, #tpu.memory_space<vmem>>, vector<1x1x16xf32>,
      %get3A_1631 = vector.shape_cast %get3A_1630 : vector<1x1x16xf32> to vector<16xf32>
      %swap3A_1632 = arith.constant 119 : i32
      %swap3A_1633 = arith.index_cast %swap3A_1632 : i32 to index
      %swap3A_1634 = arith.constant 0 : index
      %swap3A_1635 = tpu.vector_load %arg8[%swap3A_1633, %swap3A_1634] {strides = array<i32>} : memref<128x128xf32, #tpu.memory_space<vmem>>, vector<1x16xf32>,
      %swap3A_1636 = vector.shape_cast %swap3A_1635 : vector<1x16xf32> to vector<16xf32>
      %swap3A_1637 = vector.shape_cast %get3A_1631 : vector<16xf32> to vector<1x16xf32>
      tpu.vector_store %arg8[%swap3A_1633, %swap3A_1634], %swap3A_1637 {strides = array<i32>} : memref<128x128xf32, #tpu.memory_space<vmem>>, vector<1x16xf32>,
      %get3A_1638 = arith.constant 0 : i32
      %get3A_1639 = arith.constant 15 : i32
      %get3A_1640 = arith.index_cast %get3A_1638 : i32 to index
      %get3A_1641 = arith.index_cast %get3A_1639 : i32 to index
      %get3A_1642 = arith.constant 0 : index
      %get3A_1643 = tpu.vector_load %arg7[%get3A_1640, %get3A_1641, %get3A_1642] {strides = array<i32>} : memref<2x16x128xf32, #tpu.memory_space<vmem>>, vector<1x1x16xf32>,
      %get3A_1644 = vector.shape_cast %get3A_1643 : vector<1x1x16xf32> to vector<16xf32>
      %swap3A_1645 = arith.constant 120 : i32
      %swap3A_1646 = arith.index_cast %swap3A_1645 : i32 to index
      %swap3A_1647 = arith.constant 0 : index
      %swap3A_1648 = tpu.vector_load %arg8[%swap3A_1646, %swap3A_1647] {strides = array<i32>} : memref<128x128xf32, #tpu.memory_space<vmem>>, vector<1x16xf32>,
      %swap3A_1649 = vector.shape_cast %swap3A_1648 : vector<1x16xf32> to vector<16xf32>
      %swap3A_1650 = vector.shape_cast %get3A_1644 : vector<16xf32> to vector<1x16xf32>
      tpu.vector_store %arg8[%swap3A_1646, %swap3A_1647], %swap3A_1650 {strides = array<i32>} : memref<128x128xf32, #tpu.memory_space<vmem>>, vector<1x16xf32>,
      %get3A_1651 = arith.constant 0 : i32
      %get3A_1652 = arith.constant 15 : i32
      %get3A_1653 = arith.index_cast %get3A_1651 : i32 to index
      %get3A_1654 = arith.index_cast %get3A_1652 : i32 to index
      %get3A_1655 = arith.constant 16 : index
      %get3A_1656 = tpu.vector_load %arg7[%get3A_1653, %get3A_1654, %get3A_1655] {strides = array<i32>} : memref<2x16x128xf32, #tpu.memory_space<vmem>>, vector<1x1x16xf32>,
      %get3A_1657 = vector.shape_cast %get3A_1656 : vector<1x1x16xf32> to vector<16xf32>
      %swap3A_1658 = arith.constant 121 : i32
      %swap3A_1659 = arith.index_cast %swap3A_1658 : i32 to index
      %swap3A_1660 = arith.constant 0 : index
      %swap3A_1661 = tpu.vector_load %arg8[%swap3A_1659, %swap3A_1660] {strides = array<i32>} : memref<128x128xf32, #tpu.memory_space<vmem>>, vector<1x16xf32>,
      %swap3A_1662 = vector.shape_cast %swap3A_1661 : vector<1x16xf32> to vector<16xf32>
      %swap3A_1663 = vector.shape_cast %get3A_1657 : vector<16xf32> to vector<1x16xf32>
      tpu.vector_store %arg8[%swap3A_1659, %swap3A_1660], %swap3A_1663 {strides = array<i32>} : memref<128x128xf32, #tpu.memory_space<vmem>>, vector<1x16xf32>,
      %get3A_1664 = arith.constant 0 : i32
      %get3A_1665 = arith.constant 15 : i32
      %get3A_1666 = arith.index_cast %get3A_1664 : i32 to index
      %get3A_1667 = arith.index_cast %get3A_1665 : i32 to index
      %get3A_1668 = arith.constant 32 : index
      %get3A_1669 = tpu.vector_load %arg7[%get3A_1666, %get3A_1667, %get3A_1668] {strides = array<i32>} : memref<2x16x128xf32, #tpu.memory_space<vmem>>, vector<1x1x16xf32>,
      %get3A_1670 = vector.shape_cast %get3A_1669 : vector<1x1x16xf32> to vector<16xf32>
      %swap3A_1671 = arith.constant 122 : i32
      %swap3A_1672 = arith.index_cast %swap3A_1671 : i32 to index
      %swap3A_1673 = arith.constant 0 : index
      %swap3A_1674 = tpu.vector_load %arg8[%swap3A_1672, %swap3A_1673] {strides = array<i32>} : memref<128x128xf32, #tpu.memory_space<vmem>>, vector<1x16xf32>,
      %swap3A_1675 = vector.shape_cast %swap3A_1674 : vector<1x16xf32> to vector<16xf32>
      %swap3A_1676 = vector.shape_cast %get3A_1670 : vector<16xf32> to vector<1x16xf32>
      tpu.vector_store %arg8[%swap3A_1672, %swap3A_1673], %swap3A_1676 {strides = array<i32>} : memref<128x128xf32, #tpu.memory_space<vmem>>, vector<1x16xf32>,
      %get3A_1677 = arith.constant 0 : i32
      %get3A_1678 = arith.constant 15 : i32
      %get3A_1679 = arith.index_cast %get3A_1677 : i32 to index
      %get3A_1680 = arith.index_cast %get3A_1678 : i32 to index
      %get3A_1681 = arith.constant 48 : index
      %get3A_1682 = tpu.vector_load %arg7[%get3A_1679, %get3A_1680, %get3A_1681] {strides = array<i32>} : memref<2x16x128xf32, #tpu.memory_space<vmem>>, vector<1x1x16xf32>,
      %get3A_1683 = vector.shape_cast %get3A_1682 : vector<1x1x16xf32> to vector<16xf32>
      %swap3A_1684 = arith.constant 123 : i32
      %swap3A_1685 = arith.index_cast %swap3A_1684 : i32 to index
      %swap3A_1686 = arith.constant 0 : index
      %swap3A_1687 = tpu.vector_load %arg8[%swap3A_1685, %swap3A_1686] {strides = array<i32>} : memref<128x128xf32, #tpu.memory_space<vmem>>, vector<1x16xf32>,
      %swap3A_1688 = vector.shape_cast %swap3A_1687 : vector<1x16xf32> to vector<16xf32>
      %swap3A_1689 = vector.shape_cast %get3A_1683 : vector<16xf32> to vector<1x16xf32>
      tpu.vector_store %arg8[%swap3A_1685, %swap3A_1686], %swap3A_1689 {strides = array<i32>} : memref<128x128xf32, #tpu.memory_space<vmem>>, vector<1x16xf32>,
      %get3A_1690 = arith.constant 0 : i32
      %get3A_1691 = arith.constant 15 : i32
      %get3A_1692 = arith.index_cast %get3A_1690 : i32 to index
      %get3A_1693 = arith.index_cast %get3A_1691 : i32 to index
      %get3A_1694 = arith.constant 64 : index
      %get3A_1695 = tpu.vector_load %arg7[%get3A_1692, %get3A_1693, %get3A_1694] {strides = array<i32>} : memref<2x16x128xf32, #tpu.memory_space<vmem>>, vector<1x1x16xf32>,
      %get3A_1696 = vector.shape_cast %get3A_1695 : vector<1x1x16xf32> to vector<16xf32>
      %swap3A_1697 = arith.constant 124 : i32
      %swap3A_1698 = arith.index_cast %swap3A_1697 : i32 to index
      %swap3A_1699 = arith.constant 0 : index
      %swap3A_1700 = tpu.vector_load %arg8[%swap3A_1698, %swap3A_1699] {strides = array<i32>} : memref<128x128xf32, #tpu.memory_space<vmem>>, vector<1x16xf32>,
      %swap3A_1701 = vector.shape_cast %swap3A_1700 : vector<1x16xf32> to vector<16xf32>
      %swap3A_1702 = vector.shape_cast %get3A_1696 : vector<16xf32> to vector<1x16xf32>
      tpu.vector_store %arg8[%swap3A_1698, %swap3A_1699], %swap3A_1702 {strides = array<i32>} : memref<128x128xf32, #tpu.memory_space<vmem>>, vector<1x16xf32>,
      %get3A_1703 = arith.constant 0 : i32
      %get3A_1704 = arith.constant 15 : i32
      %get3A_1705 = arith.index_cast %get3A_1703 : i32 to index
      %get3A_1706 = arith.index_cast %get3A_1704 : i32 to index
      %get3A_1707 = arith.constant 80 : index
      %get3A_1708 = tpu.vector_load %arg7[%get3A_1705, %get3A_1706, %get3A_1707] {strides = array<i32>} : memref<2x16x128xf32, #tpu.memory_space<vmem>>, vector<1x1x16xf32>,
      %get3A_1709 = vector.shape_cast %get3A_1708 : vector<1x1x16xf32> to vector<16xf32>
      %swap3A_1710 = arith.constant 125 : i32
      %swap3A_1711 = arith.index_cast %swap3A_1710 : i32 to index
      %swap3A_1712 = arith.constant 0 : index
      %swap3A_1713 = tpu.vector_load %arg8[%swap3A_1711, %swap3A_1712] {strides = array<i32>} : memref<128x128xf32, #tpu.memory_space<vmem>>, vector<1x16xf32>,
      %swap3A_1714 = vector.shape_cast %swap3A_1713 : vector<1x16xf32> to vector<16xf32>
      %swap3A_1715 = vector.shape_cast %get3A_1709 : vector<16xf32> to vector<1x16xf32>
      tpu.vector_store %arg8[%swap3A_1711, %swap3A_1712], %swap3A_1715 {strides = array<i32>} : memref<128x128xf32, #tpu.memory_space<vmem>>, vector<1x16xf32>,
      %get3A_1716 = arith.constant 0 : i32
      %get3A_1717 = arith.constant 15 : i32
      %get3A_1718 = arith.index_cast %get3A_1716 : i32 to index
      %get3A_1719 = arith.index_cast %get3A_1717 : i32 to index
      %get3A_1720 = arith.constant 96 : index
      %get3A_1721 = tpu.vector_load %arg7[%get3A_1718, %get3A_1719, %get3A_1720] {strides = array<i32>} : memref<2x16x128xf32, #tpu.memory_space<vmem>>, vector<1x1x16xf32>,
      %get3A_1722 = vector.shape_cast %get3A_1721 : vector<1x1x16xf32> to vector<16xf32>
      %swap3A_1723 = arith.constant 126 : i32
      %swap3A_1724 = arith.index_cast %swap3A_1723 : i32 to index
      %swap3A_1725 = arith.constant 0 : index
      %swap3A_1726 = tpu.vector_load %arg8[%swap3A_1724, %swap3A_1725] {strides = array<i32>} : memref<128x128xf32, #tpu.memory_space<vmem>>, vector<1x16xf32>,
      %swap3A_1727 = vector.shape_cast %swap3A_1726 : vector<1x16xf32> to vector<16xf32>
      %swap3A_1728 = vector.shape_cast %get3A_1722 : vector<16xf32> to vector<1x16xf32>
      tpu.vector_store %arg8[%swap3A_1724, %swap3A_1725], %swap3A_1728 {strides = array<i32>} : memref<128x128xf32, #tpu.memory_space<vmem>>, vector<1x16xf32>,
      %get3A_1729 = arith.constant 0 : i32
      %get3A_1730 = arith.constant 15 : i32
      %get3A_1731 = arith.index_cast %get3A_1729 : i32 to index
      %get3A_1732 = arith.index_cast %get3A_1730 : i32 to index
      %get3A_1733 = arith.constant 112 : index
      %get3A_1734 = tpu.vector_load %arg7[%get3A_1731, %get3A_1732, %get3A_1733] {strides = array<i32>} : memref<2x16x128xf32, #tpu.memory_space<vmem>>, vector<1x1x16xf32>,
      %get3A_1735 = vector.shape_cast %get3A_1734 : vector<1x1x16xf32> to vector<16xf32>
      %swap3A_1736 = arith.constant 127 : i32
      %swap3A_1737 = arith.index_cast %swap3A_1736 : i32 to index
      %swap3A_1738 = arith.constant 0 : index
      %swap3A_1739 = tpu.vector_load %arg8[%swap3A_1737, %swap3A_1738] {strides = array<i32>} : memref<128x128xf32, #tpu.memory_space<vmem>>, vector<1x16xf32>,
      %swap3A_1740 = vector.shape_cast %swap3A_1739 : vector<1x16xf32> to vector<16xf32>
      %swap3A_1741 = vector.shape_cast %get3A_1735 : vector<16xf32> to vector<1x16xf32>
      tpu.vector_store %arg8[%swap3A_1737, %swap3A_1738], %swap3A_1741 {strides = array<i32>} : memref<128x128xf32, #tpu.memory_space<vmem>>, vector<1x16xf32>,
      %add3A_1742 = arith.constant 2 : i32
      %add3A_1743 = arith.addi %add3A_64, %add3A_1742 : i32
      %lt3A = arith.constant 40 : i32
      %lt3A_1744 = arith.cmpi slt, %add3A_1743, %lt3A : i32
      %convert_element_type3A = arith.extui %lt3A_1744 : i1 to i32
      %cond3A = arith.constant 0 : i32
      %cond3A_1745 = arith.cmpi ne, %convert_element_type3A, %cond3A : i32
      scf.if %cond3A_1745 {
        %add3A_3435 = arith.constant 2 : i32
        %add3A_3436 = arith.addi %add3A_64, %add3A_3435 : i32
        %mul3A_3437 = arith.constant 16 : i32
        %mul3A_3438 = arith.muli %add3A_3436, %mul3A_3437 : i32
        %add3A_3439 = arith.addi %mul3A_20, %mul3A_3438 : i32
        %dma_start3A_3440 = arith.constant 0 : i32
        %dma_start3A_3441 = arith.constant 0 : i32
        %dma_start3A_3442 = arith.constant 0 : i32
        %dma_start3A_3443 = tpu.memref_slice %arg7[%dma_start3A_3440, %dma_start3A_3441, %dma_start3A_3442] : memref<2x16x128xf32, #tpu.memory_space<vmem>> -> memref<1x16x128xf32, #tpu.memory_space<vmem>>
        %dma_start3A_3444 = tpu.memref_squeeze %dma_start3A_3443 : memref<1x16x128xf32, #tpu.memory_space<vmem>> -> memref<16x128xf32, #tpu.memory_space<vmem>>
        %dma_start3A_3445 = arith.constant 0 : i32
        %dma_start3A_3446 = tpu.memref_slice %arg3[%add3A_3439, %dma_start3A_3445] : memref<20480x128xf32, #tpu.memory_space<hbm>> -> memref<16x128xf32, #tpu.memory_space<hbm>>
        %dma_start3A_3447 = arith.constant 0 : i32
        %dma_start3A_3448 = arith.constant 0 : i32
        %dma_start3A_3449 = tpu.memref_slice %arg7[%dma_start3A_3440, %dma_start3A_3447, %dma_start3A_3448] : memref<2x16x128xf32, #tpu.memory_space<vmem>> -> memref<1x16x128xf32, #tpu.memory_space<vmem>>
        %dma_start3A_3450 = tpu.memref_squeeze %dma_start3A_3449 : memref<1x16x128xf32, #tpu.memory_space<vmem>> -> memref<16x128xf32, #tpu.memory_space<vmem>>
        %dma_start3A_3451 = arith.constant 0 : i32
        %dma_start3A_3452 = tpu.memref_slice %arg3[%add3A_3439, %dma_start3A_3451] : memref<20480x128xf32, #tpu.memory_space<hbm>> -> memref<16x128xf32, #tpu.memory_space<hbm>>
        tpu.enqueue_dma source(%dma_start3A_3452 : memref<16x128xf32, #tpu.memory_space<hbm>>) target(%dma_start3A_3450 : memref<16x128xf32, #tpu.memory_space<vmem>>) target_semaphore(%arg9 : memref<!tpu.dma_semaphore, #tpu.memory_space<semaphore_mem>>)
      } else {
      }
      "tpu.region"() ({
        %run_scoped3A = tpu.sem_alloc : memref<!tpu.dma_semaphore, #tpu.memory_space<semaphore_mem>>
        %dma_start3A_3435 = arith.constant 0 : i32
        %dma_start3A_3436 = tpu.memref_slice %arg6[%add3A_64, %dma_start3A_3435] : memref<40x128xi32, #tpu.memory_space<vmem>> -> memref<1x128xi32, #tpu.memory_space<vmem>>
        %dma_start3A_3437 = tpu.memref_squeeze %dma_start3A_3436 : memref<1x128xi32, #tpu.memory_space<vmem>> -> memref<128xi32, #tpu.memory_space<vmem>>
        %dma_start3A_3438 = arith.constant 0 : i32
        %dma_start3A_3439 = arith.constant 0 : i32
        %dma_start3A_3440 = tpu.memref_slice %arg5[%dma_start3A_3438, %dma_start3A_3439] : memref<10240x128xf32, #tpu.memory_space<vmem_shared>> -> memref<10240x128xf32, #tpu.memory_space<vmem_shared>>
        tpu.enqueue_indirect_dma source(%arg8 : memref<128x128xf32, #tpu.memory_space<vmem>>) target(%dma_start3A_3440 : memref<10240x128xf32, #tpu.memory_space<vmem_shared>>) offsets(%dma_start3A_3437 : memref<128xi32, #tpu.memory_space<vmem>>) semaphore(%run_scoped3A : memref<!tpu.dma_semaphore, #tpu.memory_space<semaphore_mem>>) {add = true}
        %dma_wait3A_3441 = arith.constant 0 : i32
        %dma_wait3A_3442 = tpu.memref_slice %arg6[%add3A_64, %dma_wait3A_3441] : memref<40x128xi32, #tpu.memory_space<vmem>> -> memref<1x128xi32, #tpu.memory_space<vmem>>
        %dma_wait3A_3443 = tpu.memref_squeeze %dma_wait3A_3442 : memref<1x128xi32, #tpu.memory_space<vmem>> -> memref<128xi32, #tpu.memory_space<vmem>>
        %dma_wait3A_3444 = arith.constant 0 : i32
        %dma_wait3A_3445 = arith.constant 0 : i32
        %dma_wait3A_3446 = tpu.memref_slice %arg5[%dma_wait3A_3444, %dma_wait3A_3445] : memref<10240x128xf32, #tpu.memory_space<vmem_shared>> -> memref<10240x128xf32, #tpu.memory_space<vmem_shared>>
        tpu.wait_indirect_dma semaphore(%run_scoped3A : memref<!tpu.dma_semaphore, #tpu.memory_space<semaphore_mem>>) src(%arg8 : memref<128x128xf32, #tpu.memory_space<vmem>>) dst(%dma_wait3A_3446 : memref<10240x128xf32, #tpu.memory_space<vmem_shared>>)
        tpu.yield
      }) : () -> ()
      %add3A_1746 = arith.constant 1 : i32
      %add3A_1747 = arith.addi %add3A_62, %add3A_1746 : i32
      %mul3A_1748 = arith.constant 16 : i32
      %mul3A_1749 = arith.muli %add3A_1747, %mul3A_1748 : i32
      %add3A_1750 = arith.addi %mul3A_20, %mul3A_1749 : i32
      %dma_wait3A_1751 = arith.constant 1 : i32
      %dma_wait3A_1752 = arith.constant 0 : i32
      %dma_wait3A_1753 = arith.constant 0 : i32
      %dma_wait3A_1754 = tpu.memref_slice %arg7[%dma_wait3A_1751, %dma_wait3A_1752, %dma_wait3A_1753] : memref<2x16x128xf32, #tpu.memory_space<vmem>> -> memref<1x16x128xf32, #tpu.memory_space<vmem>>
      %dma_wait3A_1755 = tpu.memref_squeeze %dma_wait3A_1754 : memref<1x16x128xf32, #tpu.memory_space<vmem>> -> memref<16x128xf32, #tpu.memory_space<vmem>>
      %dma_wait3A_1756 = arith.constant 0 : i32
      %dma_wait3A_1757 = tpu.memref_slice %arg3[%add3A_1750, %dma_wait3A_1756] : memref<20480x128xf32, #tpu.memory_space<hbm>> -> memref<16x128xf32, #tpu.memory_space<hbm>>
      %dma_wait3A_1758 = arith.constant 0 : i32
      %dma_wait3A_1759 = arith.constant 0 : i32
      %dma_wait3A_1760 = tpu.memref_slice %arg7[%dma_wait3A_1751, %dma_wait3A_1758, %dma_wait3A_1759] : memref<2x16x128xf32, #tpu.memory_space<vmem>> -> memref<1x16x128xf32, #tpu.memory_space<vmem>>
      %dma_wait3A_1761 = tpu.memref_squeeze %dma_wait3A_1760 : memref<1x16x128xf32, #tpu.memory_space<vmem>> -> memref<16x128xf32, #tpu.memory_space<vmem>>
      %dma_wait3A_1762 = arith.constant 0 : i32
      %dma_wait3A_1763 = tpu.memref_slice %arg3[%add3A_1750, %dma_wait3A_1762] : memref<20480x128xf32, #tpu.memory_space<hbm>> -> memref<16x128xf32, #tpu.memory_space<hbm>>
      tpu.wait_dma2 semaphore(%arg10 : memref<!tpu.dma_semaphore, #tpu.memory_space<semaphore_mem>>) src(%dma_wait3A_1763 : memref<16x128xf32, #tpu.memory_space<hbm>>) dst(%dma_wait3A_1761 : memref<16x128xf32, #tpu.memory_space<vmem>>)
      %get3A_1764 = arith.constant 1 : i32
      %get3A_1765 = arith.constant 0 : i32
      %get3A_1766 = arith.index_cast %get3A_1764 : i32 to index
      %get3A_1767 = arith.index_cast %get3A_1765 : i32 to index
      %get3A_1768 = arith.constant 0 : index
      %get3A_1769 = tpu.vector_load %arg7[%get3A_1766, %get3A_1767, %get3A_1768] {strides = array<i32>} : memref<2x16x128xf32, #tpu.memory_space<vmem>>, vector<1x1x16xf32>,
      %get3A_1770 = vector.shape_cast %get3A_1769 : vector<1x1x16xf32> to vector<16xf32>
      %swap3A_1771 = arith.constant 0 : i32
      %swap3A_1772 = arith.index_cast %swap3A_1771 : i32 to index
      %swap3A_1773 = arith.constant 0 : index
      %swap3A_1774 = tpu.vector_load %arg8[%swap3A_1772, %swap3A_1773] {strides = array<i32>} : memref<128x128xf32, #tpu.memory_space<vmem>>, vector<1x16xf32>,
      %swap3A_1775 = vector.shape_cast %swap3A_1774 : vector<1x16xf32> to vector<16xf32>
      %swap3A_1776 = vector.shape_cast %get3A_1770 : vector<16xf32> to vector<1x16xf32>
      tpu.vector_store %arg8[%swap3A_1772, %swap3A_1773], %swap3A_1776 {strides = array<i32>} : memref<128x128xf32, #tpu.memory_space<vmem>>, vector<1x16xf32>,
      %get3A_1777 = arith.constant 1 : i32
      %get3A_1778 = arith.constant 0 : i32
      %get3A_1779 = arith.index_cast %get3A_1777 : i32 to index
      %get3A_1780 = arith.index_cast %get3A_1778 : i32 to index
      %get3A_1781 = arith.constant 16 : index
      %get3A_1782 = tpu.vector_load %arg7[%get3A_1779, %get3A_1780, %get3A_1781] {strides = array<i32>} : memref<2x16x128xf32, #tpu.memory_space<vmem>>, vector<1x1x16xf32>,
      %get3A_1783 = vector.shape_cast %get3A_1782 : vector<1x1x16xf32> to vector<16xf32>
      %swap3A_1784 = arith.constant 1 : i32
      %swap3A_1785 = arith.index_cast %swap3A_1784 : i32 to index
      %swap3A_1786 = arith.constant 0 : index
      %swap3A_1787 = tpu.vector_load %arg8[%swap3A_1785, %swap3A_1786] {strides = array<i32>} : memref<128x128xf32, #tpu.memory_space<vmem>>, vector<1x16xf32>,
      %swap3A_1788 = vector.shape_cast %swap3A_1787 : vector<1x16xf32> to vector<16xf32>
      %swap3A_1789 = vector.shape_cast %get3A_1783 : vector<16xf32> to vector<1x16xf32>
      tpu.vector_store %arg8[%swap3A_1785, %swap3A_1786], %swap3A_1789 {strides = array<i32>} : memref<128x128xf32, #tpu.memory_space<vmem>>, vector<1x16xf32>,
      %get3A_1790 = arith.constant 1 : i32
      %get3A_1791 = arith.constant 0 : i32
      %get3A_1792 = arith.index_cast %get3A_1790 : i32 to index
      %get3A_1793 = arith.index_cast %get3A_1791 : i32 to index
      %get3A_1794 = arith.constant 32 : index
      %get3A_1795 = tpu.vector_load %arg7[%get3A_1792, %get3A_1793, %get3A_1794] {strides = array<i32>} : memref<2x16x128xf32, #tpu.memory_space<vmem>>, vector<1x1x16xf32>,
      %get3A_1796 = vector.shape_cast %get3A_1795 : vector<1x1x16xf32> to vector<16xf32>
      %swap3A_1797 = arith.constant 2 : i32
      %swap3A_1798 = arith.index_cast %swap3A_1797 : i32 to index
      %swap3A_1799 = arith.constant 0 : index
      %swap3A_1800 = tpu.vector_load %arg8[%swap3A_1798, %swap3A_1799] {strides = array<i32>} : memref<128x128xf32, #tpu.memory_space<vmem>>, vector<1x16xf32>,
      %swap3A_1801 = vector.shape_cast %swap3A_1800 : vector<1x16xf32> to vector<16xf32>
      %swap3A_1802 = vector.shape_cast %get3A_1796 : vector<16xf32> to vector<1x16xf32>
      tpu.vector_store %arg8[%swap3A_1798, %swap3A_1799], %swap3A_1802 {strides = array<i32>} : memref<128x128xf32, #tpu.memory_space<vmem>>, vector<1x16xf32>,
      %get3A_1803 = arith.constant 1 : i32
      %get3A_1804 = arith.constant 0 : i32
      %get3A_1805 = arith.index_cast %get3A_1803 : i32 to index
      %get3A_1806 = arith.index_cast %get3A_1804 : i32 to index
      %get3A_1807 = arith.constant 48 : index
      %get3A_1808 = tpu.vector_load %arg7[%get3A_1805, %get3A_1806, %get3A_1807] {strides = array<i32>} : memref<2x16x128xf32, #tpu.memory_space<vmem>>, vector<1x1x16xf32>,
      %get3A_1809 = vector.shape_cast %get3A_1808 : vector<1x1x16xf32> to vector<16xf32>
      %swap3A_1810 = arith.constant 3 : i32
      %swap3A_1811 = arith.index_cast %swap3A_1810 : i32 to index
      %swap3A_1812 = arith.constant 0 : index
      %swap3A_1813 = tpu.vector_load %arg8[%swap3A_1811, %swap3A_1812] {strides = array<i32>} : memref<128x128xf32, #tpu.memory_space<vmem>>, vector<1x16xf32>,
      %swap3A_1814 = vector.shape_cast %swap3A_1813 : vector<1x16xf32> to vector<16xf32>
      %swap3A_1815 = vector.shape_cast %get3A_1809 : vector<16xf32> to vector<1x16xf32>
      tpu.vector_store %arg8[%swap3A_1811, %swap3A_1812], %swap3A_1815 {strides = array<i32>} : memref<128x128xf32, #tpu.memory_space<vmem>>, vector<1x16xf32>,
      %get3A_1816 = arith.constant 1 : i32
      %get3A_1817 = arith.constant 0 : i32
      %get3A_1818 = arith.index_cast %get3A_1816 : i32 to index
      %get3A_1819 = arith.index_cast %get3A_1817 : i32 to index
      %get3A_1820 = arith.constant 64 : index
      %get3A_1821 = tpu.vector_load %arg7[%get3A_1818, %get3A_1819, %get3A_1820] {strides = array<i32>} : memref<2x16x128xf32, #tpu.memory_space<vmem>>, vector<1x1x16xf32>,
      %get3A_1822 = vector.shape_cast %get3A_1821 : vector<1x1x16xf32> to vector<16xf32>
      %swap3A_1823 = arith.constant 4 : i32
      %swap3A_1824 = arith.index_cast %swap3A_1823 : i32 to index
      %swap3A_1825 = arith.constant 0 : index
      %swap3A_1826 = tpu.vector_load %arg8[%swap3A_1824, %swap3A_1825] {strides = array<i32>} : memref<128x128xf32, #tpu.memory_space<vmem>>, vector<1x16xf32>,
      %swap3A_1827 = vector.shape_cast %swap3A_1826 : vector<1x16xf32> to vector<16xf32>
      %swap3A_1828 = vector.shape_cast %get3A_1822 : vector<16xf32> to vector<1x16xf32>
      tpu.vector_store %arg8[%swap3A_1824, %swap3A_1825], %swap3A_1828 {strides = array<i32>} : memref<128x128xf32, #tpu.memory_space<vmem>>, vector<1x16xf32>,
      %get3A_1829 = arith.constant 1 : i32
      %get3A_1830 = arith.constant 0 : i32
      %get3A_1831 = arith.index_cast %get3A_1829 : i32 to index
      %get3A_1832 = arith.index_cast %get3A_1830 : i32 to index
      %get3A_1833 = arith.constant 80 : index
      %get3A_1834 = tpu.vector_load %arg7[%get3A_1831, %get3A_1832, %get3A_1833] {strides = array<i32>} : memref<2x16x128xf32, #tpu.memory_space<vmem>>, vector<1x1x16xf32>,
      %get3A_1835 = vector.shape_cast %get3A_1834 : vector<1x1x16xf32> to vector<16xf32>
      %swap3A_1836 = arith.constant 5 : i32
      %swap3A_1837 = arith.index_cast %swap3A_1836 : i32 to index
      %swap3A_1838 = arith.constant 0 : index
      %swap3A_1839 = tpu.vector_load %arg8[%swap3A_1837, %swap3A_1838] {strides = array<i32>} : memref<128x128xf32, #tpu.memory_space<vmem>>, vector<1x16xf32>,
      %swap3A_1840 = vector.shape_cast %swap3A_1839 : vector<1x16xf32> to vector<16xf32>
      %swap3A_1841 = vector.shape_cast %get3A_1835 : vector<16xf32> to vector<1x16xf32>
      tpu.vector_store %arg8[%swap3A_1837, %swap3A_1838], %swap3A_1841 {strides = array<i32>} : memref<128x128xf32, #tpu.memory_space<vmem>>, vector<1x16xf32>,
      %get3A_1842 = arith.constant 1 : i32
      %get3A_1843 = arith.constant 0 : i32
      %get3A_1844 = arith.index_cast %get3A_1842 : i32 to index
      %get3A_1845 = arith.index_cast %get3A_1843 : i32 to index
      %get3A_1846 = arith.constant 96 : index
      %get3A_1847 = tpu.vector_load %arg7[%get3A_1844, %get3A_1845, %get3A_1846] {strides = array<i32>} : memref<2x16x128xf32, #tpu.memory_space<vmem>>, vector<1x1x16xf32>,
      %get3A_1848 = vector.shape_cast %get3A_1847 : vector<1x1x16xf32> to vector<16xf32>
      %swap3A_1849 = arith.constant 6 : i32
      %swap3A_1850 = arith.index_cast %swap3A_1849 : i32 to index
      %swap3A_1851 = arith.constant 0 : index
      %swap3A_1852 = tpu.vector_load %arg8[%swap3A_1850, %swap3A_1851] {strides = array<i32>} : memref<128x128xf32, #tpu.memory_space<vmem>>, vector<1x16xf32>,
      %swap3A_1853 = vector.shape_cast %swap3A_1852 : vector<1x16xf32> to vector<16xf32>
      %swap3A_1854 = vector.shape_cast %get3A_1848 : vector<16xf32> to vector<1x16xf32>
      tpu.vector_store %arg8[%swap3A_1850, %swap3A_1851], %swap3A_1854 {strides = array<i32>} : memref<128x128xf32, #tpu.memory_space<vmem>>, vector<1x16xf32>,
      %get3A_1855 = arith.constant 1 : i32
      %get3A_1856 = arith.constant 0 : i32
      %get3A_1857 = arith.index_cast %get3A_1855 : i32 to index
      %get3A_1858 = arith.index_cast %get3A_1856 : i32 to index
      %get3A_1859 = arith.constant 112 : index
      %get3A_1860 = tpu.vector_load %arg7[%get3A_1857, %get3A_1858, %get3A_1859] {strides = array<i32>} : memref<2x16x128xf32, #tpu.memory_space<vmem>>, vector<1x1x16xf32>,
      %get3A_1861 = vector.shape_cast %get3A_1860 : vector<1x1x16xf32> to vector<16xf32>
      %swap3A_1862 = arith.constant 7 : i32
      %swap3A_1863 = arith.index_cast %swap3A_1862 : i32 to index
      %swap3A_1864 = arith.constant 0 : index
      %swap3A_1865 = tpu.vector_load %arg8[%swap3A_1863, %swap3A_1864] {strides = array<i32>} : memref<128x128xf32, #tpu.memory_space<vmem>>, vector<1x16xf32>,
      %swap3A_1866 = vector.shape_cast %swap3A_1865 : vector<1x16xf32> to vector<16xf32>
      %swap3A_1867 = vector.shape_cast %get3A_1861 : vector<16xf32> to vector<1x16xf32>
      tpu.vector_store %arg8[%swap3A_1863, %swap3A_1864], %swap3A_1867 {strides = array<i32>} : memref<128x128xf32, #tpu.memory_space<vmem>>, vector<1x16xf32>,
      %get3A_1868 = arith.constant 1 : i32
      %get3A_1869 = arith.constant 1 : i32
      %get3A_1870 = arith.index_cast %get3A_1868 : i32 to index
      %get3A_1871 = arith.index_cast %get3A_1869 : i32 to index
      %get3A_1872 = arith.constant 0 : index
      %get3A_1873 = tpu.vector_load %arg7[%get3A_1870, %get3A_1871, %get3A_1872] {strides = array<i32>} : memref<2x16x128xf32, #tpu.memory_space<vmem>>, vector<1x1x16xf32>,
      %get3A_1874 = vector.shape_cast %get3A_1873 : vector<1x1x16xf32> to vector<16xf32>
      %swap3A_1875 = arith.constant 8 : i32
      %swap3A_1876 = arith.index_cast %swap3A_1875 : i32 to index
      %swap3A_1877 = arith.constant 0 : index
      %swap3A_1878 = tpu.vector_load %arg8[%swap3A_1876, %swap3A_1877] {strides = array<i32>} : memref<128x128xf32, #tpu.memory_space<vmem>>, vector<1x16xf32>,
      %swap3A_1879 = vector.shape_cast %swap3A_1878 : vector<1x16xf32> to vector<16xf32>
      %swap3A_1880 = vector.shape_cast %get3A_1874 : vector<16xf32> to vector<1x16xf32>
      tpu.vector_store %arg8[%swap3A_1876, %swap3A_1877], %swap3A_1880 {strides = array<i32>} : memref<128x128xf32, #tpu.memory_space<vmem>>, vector<1x16xf32>,
      %get3A_1881 = arith.constant 1 : i32
      %get3A_1882 = arith.constant 1 : i32
      %get3A_1883 = arith.index_cast %get3A_1881 : i32 to index
      %get3A_1884 = arith.index_cast %get3A_1882 : i32 to index
      %get3A_1885 = arith.constant 16 : index
      %get3A_1886 = tpu.vector_load %arg7[%get3A_1883, %get3A_1884, %get3A_1885] {strides = array<i32>} : memref<2x16x128xf32, #tpu.memory_space<vmem>>, vector<1x1x16xf32>,
      %get3A_1887 = vector.shape_cast %get3A_1886 : vector<1x1x16xf32> to vector<16xf32>
      %swap3A_1888 = arith.constant 9 : i32
      %swap3A_1889 = arith.index_cast %swap3A_1888 : i32 to index
      %swap3A_1890 = arith.constant 0 : index
      %swap3A_1891 = tpu.vector_load %arg8[%swap3A_1889, %swap3A_1890] {strides = array<i32>} : memref<128x128xf32, #tpu.memory_space<vmem>>, vector<1x16xf32>,
      %swap3A_1892 = vector.shape_cast %swap3A_1891 : vector<1x16xf32> to vector<16xf32>
      %swap3A_1893 = vector.shape_cast %get3A_1887 : vector<16xf32> to vector<1x16xf32>
      tpu.vector_store %arg8[%swap3A_1889, %swap3A_1890], %swap3A_1893 {strides = array<i32>} : memref<128x128xf32, #tpu.memory_space<vmem>>, vector<1x16xf32>,
      %get3A_1894 = arith.constant 1 : i32
      %get3A_1895 = arith.constant 1 : i32
      %get3A_1896 = arith.index_cast %get3A_1894 : i32 to index
      %get3A_1897 = arith.index_cast %get3A_1895 : i32 to index
      %get3A_1898 = arith.constant 32 : index
      %get3A_1899 = tpu.vector_load %arg7[%get3A_1896, %get3A_1897, %get3A_1898] {strides = array<i32>} : memref<2x16x128xf32, #tpu.memory_space<vmem>>, vector<1x1x16xf32>,
      %get3A_1900 = vector.shape_cast %get3A_1899 : vector<1x1x16xf32> to vector<16xf32>
      %swap3A_1901 = arith.constant 10 : i32
      %swap3A_1902 = arith.index_cast %swap3A_1901 : i32 to index
      %swap3A_1903 = arith.constant 0 : index
      %swap3A_1904 = tpu.vector_load %arg8[%swap3A_1902, %swap3A_1903] {strides = array<i32>} : memref<128x128xf32, #tpu.memory_space<vmem>>, vector<1x16xf32>,
      %swap3A_1905 = vector.shape_cast %swap3A_1904 : vector<1x16xf32> to vector<16xf32>
      %swap3A_1906 = vector.shape_cast %get3A_1900 : vector<16xf32> to vector<1x16xf32>
      tpu.vector_store %arg8[%swap3A_1902, %swap3A_1903], %swap3A_1906 {strides = array<i32>} : memref<128x128xf32, #tpu.memory_space<vmem>>, vector<1x16xf32>,
      %get3A_1907 = arith.constant 1 : i32
      %get3A_1908 = arith.constant 1 : i32
      %get3A_1909 = arith.index_cast %get3A_1907 : i32 to index
      %get3A_1910 = arith.index_cast %get3A_1908 : i32 to index
      %get3A_1911 = arith.constant 48 : index
      %get3A_1912 = tpu.vector_load %arg7[%get3A_1909, %get3A_1910, %get3A_1911] {strides = array<i32>} : memref<2x16x128xf32, #tpu.memory_space<vmem>>, vector<1x1x16xf32>,
      %get3A_1913 = vector.shape_cast %get3A_1912 : vector<1x1x16xf32> to vector<16xf32>
      %swap3A_1914 = arith.constant 11 : i32
      %swap3A_1915 = arith.index_cast %swap3A_1914 : i32 to index
      %swap3A_1916 = arith.constant 0 : index
      %swap3A_1917 = tpu.vector_load %arg8[%swap3A_1915, %swap3A_1916] {strides = array<i32>} : memref<128x128xf32, #tpu.memory_space<vmem>>, vector<1x16xf32>,
      %swap3A_1918 = vector.shape_cast %swap3A_1917 : vector<1x16xf32> to vector<16xf32>
      %swap3A_1919 = vector.shape_cast %get3A_1913 : vector<16xf32> to vector<1x16xf32>
      tpu.vector_store %arg8[%swap3A_1915, %swap3A_1916], %swap3A_1919 {strides = array<i32>} : memref<128x128xf32, #tpu.memory_space<vmem>>, vector<1x16xf32>,
      %get3A_1920 = arith.constant 1 : i32
      %get3A_1921 = arith.constant 1 : i32
      %get3A_1922 = arith.index_cast %get3A_1920 : i32 to index
      %get3A_1923 = arith.index_cast %get3A_1921 : i32 to index
      %get3A_1924 = arith.constant 64 : index
      %get3A_1925 = tpu.vector_load %arg7[%get3A_1922, %get3A_1923, %get3A_1924] {strides = array<i32>} : memref<2x16x128xf32, #tpu.memory_space<vmem>>, vector<1x1x16xf32>,
      %get3A_1926 = vector.shape_cast %get3A_1925 : vector<1x1x16xf32> to vector<16xf32>
      %swap3A_1927 = arith.constant 12 : i32
      %swap3A_1928 = arith.index_cast %swap3A_1927 : i32 to index
      %swap3A_1929 = arith.constant 0 : index
      %swap3A_1930 = tpu.vector_load %arg8[%swap3A_1928, %swap3A_1929] {strides = array<i32>} : memref<128x128xf32, #tpu.memory_space<vmem>>, vector<1x16xf32>,
      %swap3A_1931 = vector.shape_cast %swap3A_1930 : vector<1x16xf32> to vector<16xf32>
      %swap3A_1932 = vector.shape_cast %get3A_1926 : vector<16xf32> to vector<1x16xf32>
      tpu.vector_store %arg8[%swap3A_1928, %swap3A_1929], %swap3A_1932 {strides = array<i32>} : memref<128x128xf32, #tpu.memory_space<vmem>>, vector<1x16xf32>,
      %get3A_1933 = arith.constant 1 : i32
      %get3A_1934 = arith.constant 1 : i32
      %get3A_1935 = arith.index_cast %get3A_1933 : i32 to index
      %get3A_1936 = arith.index_cast %get3A_1934 : i32 to index
      %get3A_1937 = arith.constant 80 : index
      %get3A_1938 = tpu.vector_load %arg7[%get3A_1935, %get3A_1936, %get3A_1937] {strides = array<i32>} : memref<2x16x128xf32, #tpu.memory_space<vmem>>, vector<1x1x16xf32>,
      %get3A_1939 = vector.shape_cast %get3A_1938 : vector<1x1x16xf32> to vector<16xf32>
      %swap3A_1940 = arith.constant 13 : i32
      %swap3A_1941 = arith.index_cast %swap3A_1940 : i32 to index
      %swap3A_1942 = arith.constant 0 : index
      %swap3A_1943 = tpu.vector_load %arg8[%swap3A_1941, %swap3A_1942] {strides = array<i32>} : memref<128x128xf32, #tpu.memory_space<vmem>>, vector<1x16xf32>,
      %swap3A_1944 = vector.shape_cast %swap3A_1943 : vector<1x16xf32> to vector<16xf32>
      %swap3A_1945 = vector.shape_cast %get3A_1939 : vector<16xf32> to vector<1x16xf32>
      tpu.vector_store %arg8[%swap3A_1941, %swap3A_1942], %swap3A_1945 {strides = array<i32>} : memref<128x128xf32, #tpu.memory_space<vmem>>, vector<1x16xf32>,
      %get3A_1946 = arith.constant 1 : i32
      %get3A_1947 = arith.constant 1 : i32
      %get3A_1948 = arith.index_cast %get3A_1946 : i32 to index
      %get3A_1949 = arith.index_cast %get3A_1947 : i32 to index
      %get3A_1950 = arith.constant 96 : index
      %get3A_1951 = tpu.vector_load %arg7[%get3A_1948, %get3A_1949, %get3A_1950] {strides = array<i32>} : memref<2x16x128xf32, #tpu.memory_space<vmem>>, vector<1x1x16xf32>,
      %get3A_1952 = vector.shape_cast %get3A_1951 : vector<1x1x16xf32> to vector<16xf32>
      %swap3A_1953 = arith.constant 14 : i32
      %swap3A_1954 = arith.index_cast %swap3A_1953 : i32 to index
      %swap3A_1955 = arith.constant 0 : index
      %swap3A_1956 = tpu.vector_load %arg8[%swap3A_1954, %swap3A_1955] {strides = array<i32>} : memref<128x128xf32, #tpu.memory_space<vmem>>, vector<1x16xf32>,
      %swap3A_1957 = vector.shape_cast %swap3A_1956 : vector<1x16xf32> to vector<16xf32>
      %swap3A_1958 = vector.shape_cast %get3A_1952 : vector<16xf32> to vector<1x16xf32>
      tpu.vector_store %arg8[%swap3A_1954, %swap3A_1955], %swap3A_1958 {strides = array<i32>} : memref<128x128xf32, #tpu.memory_space<vmem>>, vector<1x16xf32>,
      %get3A_1959 = arith.constant 1 : i32
      %get3A_1960 = arith.constant 1 : i32
      %get3A_1961 = arith.index_cast %get3A_1959 : i32 to index
      %get3A_1962 = arith.index_cast %get3A_1960 : i32 to index
      %get3A_1963 = arith.constant 112 : index
      %get3A_1964 = tpu.vector_load %arg7[%get3A_1961, %get3A_1962, %get3A_1963] {strides = array<i32>} : memref<2x16x128xf32, #tpu.memory_space<vmem>>, vector<1x1x16xf32>,
      %get3A_1965 = vector.shape_cast %get3A_1964 : vector<1x1x16xf32> to vector<16xf32>
      %swap3A_1966 = arith.constant 15 : i32
      %swap3A_1967 = arith.index_cast %swap3A_1966 : i32 to index
      %swap3A_1968 = arith.constant 0 : index
      %swap3A_1969 = tpu.vector_load %arg8[%swap3A_1967, %swap3A_1968] {strides = array<i32>} : memref<128x128xf32, #tpu.memory_space<vmem>>, vector<1x16xf32>,
      %swap3A_1970 = vector.shape_cast %swap3A_1969 : vector<1x16xf32> to vector<16xf32>
      %swap3A_1971 = vector.shape_cast %get3A_1965 : vector<16xf32> to vector<1x16xf32>
      tpu.vector_store %arg8[%swap3A_1967, %swap3A_1968], %swap3A_1971 {strides = array<i32>} : memref<128x128xf32, #tpu.memory_space<vmem>>, vector<1x16xf32>,
      %get3A_1972 = arith.constant 1 : i32
      %get3A_1973 = arith.constant 2 : i32
      %get3A_1974 = arith.index_cast %get3A_1972 : i32 to index
      %get3A_1975 = arith.index_cast %get3A_1973 : i32 to index
      %get3A_1976 = arith.constant 0 : index
      %get3A_1977 = tpu.vector_load %arg7[%get3A_1974, %get3A_1975, %get3A_1976] {strides = array<i32>} : memref<2x16x128xf32, #tpu.memory_space<vmem>>, vector<1x1x16xf32>,
      %get3A_1978 = vector.shape_cast %get3A_1977 : vector<1x1x16xf32> to vector<16xf32>
      %swap3A_1979 = arith.constant 16 : i32
      %swap3A_1980 = arith.index_cast %swap3A_1979 : i32 to index
      %swap3A_1981 = arith.constant 0 : index
      %swap3A_1982 = tpu.vector_load %arg8[%swap3A_1980, %swap3A_1981] {strides = array<i32>} : memref<128x128xf32, #tpu.memory_space<vmem>>, vector<1x16xf32>,
      %swap3A_1983 = vector.shape_cast %swap3A_1982 : vector<1x16xf32> to vector<16xf32>
      %swap3A_1984 = vector.shape_cast %get3A_1978 : vector<16xf32> to vector<1x16xf32>
      tpu.vector_store %arg8[%swap3A_1980, %swap3A_1981], %swap3A_1984 {strides = array<i32>} : memref<128x128xf32, #tpu.memory_space<vmem>>, vector<1x16xf32>,
      %get3A_1985 = arith.constant 1 : i32
      %get3A_1986 = arith.constant 2 : i32
      %get3A_1987 = arith.index_cast %get3A_1985 : i32 to index
      %get3A_1988 = arith.index_cast %get3A_1986 : i32 to index
      %get3A_1989 = arith.constant 16 : index
      %get3A_1990 = tpu.vector_load %arg7[%get3A_1987, %get3A_1988, %get3A_1989] {strides = array<i32>} : memref<2x16x128xf32, #tpu.memory_space<vmem>>, vector<1x1x16xf32>,
      %get3A_1991 = vector.shape_cast %get3A_1990 : vector<1x1x16xf32> to vector<16xf32>
      %swap3A_1992 = arith.constant 17 : i32
      %swap3A_1993 = arith.index_cast %swap3A_1992 : i32 to index
      %swap3A_1994 = arith.constant 0 : index
      %swap3A_1995 = tpu.vector_load %arg8[%swap3A_1993, %swap3A_1994] {strides = array<i32>} : memref<128x128xf32, #tpu.memory_space<vmem>>, vector<1x16xf32>,
      %swap3A_1996 = vector.shape_cast %swap3A_1995 : vector<1x16xf32> to vector<16xf32>
      %swap3A_1997 = vector.shape_cast %get3A_1991 : vector<16xf32> to vector<1x16xf32>
      tpu.vector_store %arg8[%swap3A_1993, %swap3A_1994], %swap3A_1997 {strides = array<i32>} : memref<128x128xf32, #tpu.memory_space<vmem>>, vector<1x16xf32>,
      %get3A_1998 = arith.constant 1 : i32
      %get3A_1999 = arith.constant 2 : i32
      %get3A_2000 = arith.index_cast %get3A_1998 : i32 to index
      %get3A_2001 = arith.index_cast %get3A_1999 : i32 to index
      %get3A_2002 = arith.constant 32 : index
      %get3A_2003 = tpu.vector_load %arg7[%get3A_2000, %get3A_2001, %get3A_2002] {strides = array<i32>} : memref<2x16x128xf32, #tpu.memory_space<vmem>>, vector<1x1x16xf32>,
      %get3A_2004 = vector.shape_cast %get3A_2003 : vector<1x1x16xf32> to vector<16xf32>
      %swap3A_2005 = arith.constant 18 : i32
      %swap3A_2006 = arith.index_cast %swap3A_2005 : i32 to index
      %swap3A_2007 = arith.constant 0 : index
      %swap3A_2008 = tpu.vector_load %arg8[%swap3A_2006, %swap3A_2007] {strides = array<i32>} : memref<128x128xf32, #tpu.memory_space<vmem>>, vector<1x16xf32>,
      %swap3A_2009 = vector.shape_cast %swap3A_2008 : vector<1x16xf32> to vector<16xf32>
      %swap3A_2010 = vector.shape_cast %get3A_2004 : vector<16xf32> to vector<1x16xf32>
      tpu.vector_store %arg8[%swap3A_2006, %swap3A_2007], %swap3A_2010 {strides = array<i32>} : memref<128x128xf32, #tpu.memory_space<vmem>>, vector<1x16xf32>,
      %get3A_2011 = arith.constant 1 : i32
      %get3A_2012 = arith.constant 2 : i32
      %get3A_2013 = arith.index_cast %get3A_2011 : i32 to index
      %get3A_2014 = arith.index_cast %get3A_2012 : i32 to index
      %get3A_2015 = arith.constant 48 : index
      %get3A_2016 = tpu.vector_load %arg7[%get3A_2013, %get3A_2014, %get3A_2015] {strides = array<i32>} : memref<2x16x128xf32, #tpu.memory_space<vmem>>, vector<1x1x16xf32>,
      %get3A_2017 = vector.shape_cast %get3A_2016 : vector<1x1x16xf32> to vector<16xf32>
      %swap3A_2018 = arith.constant 19 : i32
      %swap3A_2019 = arith.index_cast %swap3A_2018 : i32 to index
      %swap3A_2020 = arith.constant 0 : index
      %swap3A_2021 = tpu.vector_load %arg8[%swap3A_2019, %swap3A_2020] {strides = array<i32>} : memref<128x128xf32, #tpu.memory_space<vmem>>, vector<1x16xf32>,
      %swap3A_2022 = vector.shape_cast %swap3A_2021 : vector<1x16xf32> to vector<16xf32>
      %swap3A_2023 = vector.shape_cast %get3A_2017 : vector<16xf32> to vector<1x16xf32>
      tpu.vector_store %arg8[%swap3A_2019, %swap3A_2020], %swap3A_2023 {strides = array<i32>} : memref<128x128xf32, #tpu.memory_space<vmem>>, vector<1x16xf32>,
      %get3A_2024 = arith.constant 1 : i32
      %get3A_2025 = arith.constant 2 : i32
      %get3A_2026 = arith.index_cast %get3A_2024 : i32 to index
      %get3A_2027 = arith.index_cast %get3A_2025 : i32 to index
      %get3A_2028 = arith.constant 64 : index
      %get3A_2029 = tpu.vector_load %arg7[%get3A_2026, %get3A_2027, %get3A_2028] {strides = array<i32>} : memref<2x16x128xf32, #tpu.memory_space<vmem>>, vector<1x1x16xf32>,
      %get3A_2030 = vector.shape_cast %get3A_2029 : vector<1x1x16xf32> to vector<16xf32>
      %swap3A_2031 = arith.constant 20 : i32
      %swap3A_2032 = arith.index_cast %swap3A_2031 : i32 to index
      %swap3A_2033 = arith.constant 0 : index
      %swap3A_2034 = tpu.vector_load %arg8[%swap3A_2032, %swap3A_2033] {strides = array<i32>} : memref<128x128xf32, #tpu.memory_space<vmem>>, vector<1x16xf32>,
      %swap3A_2035 = vector.shape_cast %swap3A_2034 : vector<1x16xf32> to vector<16xf32>
      %swap3A_2036 = vector.shape_cast %get3A_2030 : vector<16xf32> to vector<1x16xf32>
      tpu.vector_store %arg8[%swap3A_2032, %swap3A_2033], %swap3A_2036 {strides = array<i32>} : memref<128x128xf32, #tpu.memory_space<vmem>>, vector<1x16xf32>,
      %get3A_2037 = arith.constant 1 : i32
      %get3A_2038 = arith.constant 2 : i32
      %get3A_2039 = arith.index_cast %get3A_2037 : i32 to index
      %get3A_2040 = arith.index_cast %get3A_2038 : i32 to index
      %get3A_2041 = arith.constant 80 : index
      %get3A_2042 = tpu.vector_load %arg7[%get3A_2039, %get3A_2040, %get3A_2041] {strides = array<i32>} : memref<2x16x128xf32, #tpu.memory_space<vmem>>, vector<1x1x16xf32>,
      %get3A_2043 = vector.shape_cast %get3A_2042 : vector<1x1x16xf32> to vector<16xf32>
      %swap3A_2044 = arith.constant 21 : i32
      %swap3A_2045 = arith.index_cast %swap3A_2044 : i32 to index
      %swap3A_2046 = arith.constant 0 : index
      %swap3A_2047 = tpu.vector_load %arg8[%swap3A_2045, %swap3A_2046] {strides = array<i32>} : memref<128x128xf32, #tpu.memory_space<vmem>>, vector<1x16xf32>,
      %swap3A_2048 = vector.shape_cast %swap3A_2047 : vector<1x16xf32> to vector<16xf32>
      %swap3A_2049 = vector.shape_cast %get3A_2043 : vector<16xf32> to vector<1x16xf32>
      tpu.vector_store %arg8[%swap3A_2045, %swap3A_2046], %swap3A_2049 {strides = array<i32>} : memref<128x128xf32, #tpu.memory_space<vmem>>, vector<1x16xf32>,
      %get3A_2050 = arith.constant 1 : i32
      %get3A_2051 = arith.constant 2 : i32
      %get3A_2052 = arith.index_cast %get3A_2050 : i32 to index
      %get3A_2053 = arith.index_cast %get3A_2051 : i32 to index
      %get3A_2054 = arith.constant 96 : index
      %get3A_2055 = tpu.vector_load %arg7[%get3A_2052, %get3A_2053, %get3A_2054] {strides = array<i32>} : memref<2x16x128xf32, #tpu.memory_space<vmem>>, vector<1x1x16xf32>,
      %get3A_2056 = vector.shape_cast %get3A_2055 : vector<1x1x16xf32> to vector<16xf32>
      %swap3A_2057 = arith.constant 22 : i32
      %swap3A_2058 = arith.index_cast %swap3A_2057 : i32 to index
      %swap3A_2059 = arith.constant 0 : index
      %swap3A_2060 = tpu.vector_load %arg8[%swap3A_2058, %swap3A_2059] {strides = array<i32>} : memref<128x128xf32, #tpu.memory_space<vmem>>, vector<1x16xf32>,
      %swap3A_2061 = vector.shape_cast %swap3A_2060 : vector<1x16xf32> to vector<16xf32>
      %swap3A_2062 = vector.shape_cast %get3A_2056 : vector<16xf32> to vector<1x16xf32>
      tpu.vector_store %arg8[%swap3A_2058, %swap3A_2059], %swap3A_2062 {strides = array<i32>} : memref<128x128xf32, #tpu.memory_space<vmem>>, vector<1x16xf32>,
      %get3A_2063 = arith.constant 1 : i32
      %get3A_2064 = arith.constant 2 : i32
      %get3A_2065 = arith.index_cast %get3A_2063 : i32 to index
      %get3A_2066 = arith.index_cast %get3A_2064 : i32 to index
      %get3A_2067 = arith.constant 112 : index
      %get3A_2068 = tpu.vector_load %arg7[%get3A_2065, %get3A_2066, %get3A_2067] {strides = array<i32>} : memref<2x16x128xf32, #tpu.memory_space<vmem>>, vector<1x1x16xf32>,
      %get3A_2069 = vector.shape_cast %get3A_2068 : vector<1x1x16xf32> to vector<16xf32>
      %swap3A_2070 = arith.constant 23 : i32
      %swap3A_2071 = arith.index_cast %swap3A_2070 : i32 to index
      %swap3A_2072 = arith.constant 0 : index
      %swap3A_2073 = tpu.vector_load %arg8[%swap3A_2071, %swap3A_2072] {strides = array<i32>} : memref<128x128xf32, #tpu.memory_space<vmem>>, vector<1x16xf32>,
      %swap3A_2074 = vector.shape_cast %swap3A_2073 : vector<1x16xf32> to vector<16xf32>
      %swap3A_2075 = vector.shape_cast %get3A_2069 : vector<16xf32> to vector<1x16xf32>
      tpu.vector_store %arg8[%swap3A_2071, %swap3A_2072], %swap3A_2075 {strides = array<i32>} : memref<128x128xf32, #tpu.memory_space<vmem>>, vector<1x16xf32>,
      %get3A_2076 = arith.constant 1 : i32
      %get3A_2077 = arith.constant 3 : i32
      %get3A_2078 = arith.index_cast %get3A_2076 : i32 to index
      %get3A_2079 = arith.index_cast %get3A_2077 : i32 to index
      %get3A_2080 = arith.constant 0 : index
      %get3A_2081 = tpu.vector_load %arg7[%get3A_2078, %get3A_2079, %get3A_2080] {strides = array<i32>} : memref<2x16x128xf32, #tpu.memory_space<vmem>>, vector<1x1x16xf32>,
      %get3A_2082 = vector.shape_cast %get3A_2081 : vector<1x1x16xf32> to vector<16xf32>
      %swap3A_2083 = arith.constant 24 : i32
      %swap3A_2084 = arith.index_cast %swap3A_2083 : i32 to index
      %swap3A_2085 = arith.constant 0 : index
      %swap3A_2086 = tpu.vector_load %arg8[%swap3A_2084, %swap3A_2085] {strides = array<i32>} : memref<128x128xf32, #tpu.memory_space<vmem>>, vector<1x16xf32>,
      %swap3A_2087 = vector.shape_cast %swap3A_2086 : vector<1x16xf32> to vector<16xf32>
      %swap3A_2088 = vector.shape_cast %get3A_2082 : vector<16xf32> to vector<1x16xf32>
      tpu.vector_store %arg8[%swap3A_2084, %swap3A_2085], %swap3A_2088 {strides = array<i32>} : memref<128x128xf32, #tpu.memory_space<vmem>>, vector<1x16xf32>,
      %get3A_2089 = arith.constant 1 : i32
      %get3A_2090 = arith.constant 3 : i32
      %get3A_2091 = arith.index_cast %get3A_2089 : i32 to index
      %get3A_2092 = arith.index_cast %get3A_2090 : i32 to index
      %get3A_2093 = arith.constant 16 : index
      %get3A_2094 = tpu.vector_load %arg7[%get3A_2091, %get3A_2092, %get3A_2093] {strides = array<i32>} : memref<2x16x128xf32, #tpu.memory_space<vmem>>, vector<1x1x16xf32>,
      %get3A_2095 = vector.shape_cast %get3A_2094 : vector<1x1x16xf32> to vector<16xf32>
      %swap3A_2096 = arith.constant 25 : i32
      %swap3A_2097 = arith.index_cast %swap3A_2096 : i32 to index
      %swap3A_2098 = arith.constant 0 : index
      %swap3A_2099 = tpu.vector_load %arg8[%swap3A_2097, %swap3A_2098] {strides = array<i32>} : memref<128x128xf32, #tpu.memory_space<vmem>>, vector<1x16xf32>,
      %swap3A_2100 = vector.shape_cast %swap3A_2099 : vector<1x16xf32> to vector<16xf32>
      %swap3A_2101 = vector.shape_cast %get3A_2095 : vector<16xf32> to vector<1x16xf32>
      tpu.vector_store %arg8[%swap3A_2097, %swap3A_2098], %swap3A_2101 {strides = array<i32>} : memref<128x128xf32, #tpu.memory_space<vmem>>, vector<1x16xf32>,
      %get3A_2102 = arith.constant 1 : i32
      %get3A_2103 = arith.constant 3 : i32
      %get3A_2104 = arith.index_cast %get3A_2102 : i32 to index
      %get3A_2105 = arith.index_cast %get3A_2103 : i32 to index
      %get3A_2106 = arith.constant 32 : index
      %get3A_2107 = tpu.vector_load %arg7[%get3A_2104, %get3A_2105, %get3A_2106] {strides = array<i32>} : memref<2x16x128xf32, #tpu.memory_space<vmem>>, vector<1x1x16xf32>,
      %get3A_2108 = vector.shape_cast %get3A_2107 : vector<1x1x16xf32> to vector<16xf32>
      %swap3A_2109 = arith.constant 26 : i32
      %swap3A_2110 = arith.index_cast %swap3A_2109 : i32 to index
      %swap3A_2111 = arith.constant 0 : index
      %swap3A_2112 = tpu.vector_load %arg8[%swap3A_2110, %swap3A_2111] {strides = array<i32>} : memref<128x128xf32, #tpu.memory_space<vmem>>, vector<1x16xf32>,
      %swap3A_2113 = vector.shape_cast %swap3A_2112 : vector<1x16xf32> to vector<16xf32>
      %swap3A_2114 = vector.shape_cast %get3A_2108 : vector<16xf32> to vector<1x16xf32>
      tpu.vector_store %arg8[%swap3A_2110, %swap3A_2111], %swap3A_2114 {strides = array<i32>} : memref<128x128xf32, #tpu.memory_space<vmem>>, vector<1x16xf32>,
      %get3A_2115 = arith.constant 1 : i32
      %get3A_2116 = arith.constant 3 : i32
      %get3A_2117 = arith.index_cast %get3A_2115 : i32 to index
      %get3A_2118 = arith.index_cast %get3A_2116 : i32 to index
      %get3A_2119 = arith.constant 48 : index
      %get3A_2120 = tpu.vector_load %arg7[%get3A_2117, %get3A_2118, %get3A_2119] {strides = array<i32>} : memref<2x16x128xf32, #tpu.memory_space<vmem>>, vector<1x1x16xf32>,
      %get3A_2121 = vector.shape_cast %get3A_2120 : vector<1x1x16xf32> to vector<16xf32>
      %swap3A_2122 = arith.constant 27 : i32
      %swap3A_2123 = arith.index_cast %swap3A_2122 : i32 to index
      %swap3A_2124 = arith.constant 0 : index
      %swap3A_2125 = tpu.vector_load %arg8[%swap3A_2123, %swap3A_2124] {strides = array<i32>} : memref<128x128xf32, #tpu.memory_space<vmem>>, vector<1x16xf32>,
      %swap3A_2126 = vector.shape_cast %swap3A_2125 : vector<1x16xf32> to vector<16xf32>
      %swap3A_2127 = vector.shape_cast %get3A_2121 : vector<16xf32> to vector<1x16xf32>
      tpu.vector_store %arg8[%swap3A_2123, %swap3A_2124], %swap3A_2127 {strides = array<i32>} : memref<128x128xf32, #tpu.memory_space<vmem>>, vector<1x16xf32>,
      %get3A_2128 = arith.constant 1 : i32
      %get3A_2129 = arith.constant 3 : i32
      %get3A_2130 = arith.index_cast %get3A_2128 : i32 to index
      %get3A_2131 = arith.index_cast %get3A_2129 : i32 to index
      %get3A_2132 = arith.constant 64 : index
      %get3A_2133 = tpu.vector_load %arg7[%get3A_2130, %get3A_2131, %get3A_2132] {strides = array<i32>} : memref<2x16x128xf32, #tpu.memory_space<vmem>>, vector<1x1x16xf32>,
      %get3A_2134 = vector.shape_cast %get3A_2133 : vector<1x1x16xf32> to vector<16xf32>
      %swap3A_2135 = arith.constant 28 : i32
      %swap3A_2136 = arith.index_cast %swap3A_2135 : i32 to index
      %swap3A_2137 = arith.constant 0 : index
      %swap3A_2138 = tpu.vector_load %arg8[%swap3A_2136, %swap3A_2137] {strides = array<i32>} : memref<128x128xf32, #tpu.memory_space<vmem>>, vector<1x16xf32>,
      %swap3A_2139 = vector.shape_cast %swap3A_2138 : vector<1x16xf32> to vector<16xf32>
      %swap3A_2140 = vector.shape_cast %get3A_2134 : vector<16xf32> to vector<1x16xf32>
      tpu.vector_store %arg8[%swap3A_2136, %swap3A_2137], %swap3A_2140 {strides = array<i32>} : memref<128x128xf32, #tpu.memory_space<vmem>>, vector<1x16xf32>,
      %get3A_2141 = arith.constant 1 : i32
      %get3A_2142 = arith.constant 3 : i32
      %get3A_2143 = arith.index_cast %get3A_2141 : i32 to index
      %get3A_2144 = arith.index_cast %get3A_2142 : i32 to index
      %get3A_2145 = arith.constant 80 : index
      %get3A_2146 = tpu.vector_load %arg7[%get3A_2143, %get3A_2144, %get3A_2145] {strides = array<i32>} : memref<2x16x128xf32, #tpu.memory_space<vmem>>, vector<1x1x16xf32>,
      %get3A_2147 = vector.shape_cast %get3A_2146 : vector<1x1x16xf32> to vector<16xf32>
      %swap3A_2148 = arith.constant 29 : i32
      %swap3A_2149 = arith.index_cast %swap3A_2148 : i32 to index
      %swap3A_2150 = arith.constant 0 : index
      %swap3A_2151 = tpu.vector_load %arg8[%swap3A_2149, %swap3A_2150] {strides = array<i32>} : memref<128x128xf32, #tpu.memory_space<vmem>>, vector<1x16xf32>,
      %swap3A_2152 = vector.shape_cast %swap3A_2151 : vector<1x16xf32> to vector<16xf32>
      %swap3A_2153 = vector.shape_cast %get3A_2147 : vector<16xf32> to vector<1x16xf32>
      tpu.vector_store %arg8[%swap3A_2149, %swap3A_2150], %swap3A_2153 {strides = array<i32>} : memref<128x128xf32, #tpu.memory_space<vmem>>, vector<1x16xf32>,
      %get3A_2154 = arith.constant 1 : i32
      %get3A_2155 = arith.constant 3 : i32
      %get3A_2156 = arith.index_cast %get3A_2154 : i32 to index
      %get3A_2157 = arith.index_cast %get3A_2155 : i32 to index
      %get3A_2158 = arith.constant 96 : index
      %get3A_2159 = tpu.vector_load %arg7[%get3A_2156, %get3A_2157, %get3A_2158] {strides = array<i32>} : memref<2x16x128xf32, #tpu.memory_space<vmem>>, vector<1x1x16xf32>,
      %get3A_2160 = vector.shape_cast %get3A_2159 : vector<1x1x16xf32> to vector<16xf32>
      %swap3A_2161 = arith.constant 30 : i32
      %swap3A_2162 = arith.index_cast %swap3A_2161 : i32 to index
      %swap3A_2163 = arith.constant 0 : index
      %swap3A_2164 = tpu.vector_load %arg8[%swap3A_2162, %swap3A_2163] {strides = array<i32>} : memref<128x128xf32, #tpu.memory_space<vmem>>, vector<1x16xf32>,
      %swap3A_2165 = vector.shape_cast %swap3A_2164 : vector<1x16xf32> to vector<16xf32>
      %swap3A_2166 = vector.shape_cast %get3A_2160 : vector<16xf32> to vector<1x16xf32>
      tpu.vector_store %arg8[%swap3A_2162, %swap3A_2163], %swap3A_2166 {strides = array<i32>} : memref<128x128xf32, #tpu.memory_space<vmem>>, vector<1x16xf32>,
      %get3A_2167 = arith.constant 1 : i32
      %get3A_2168 = arith.constant 3 : i32
      %get3A_2169 = arith.index_cast %get3A_2167 : i32 to index
      %get3A_2170 = arith.index_cast %get3A_2168 : i32 to index
      %get3A_2171 = arith.constant 112 : index
      %get3A_2172 = tpu.vector_load %arg7[%get3A_2169, %get3A_2170, %get3A_2171] {strides = array<i32>} : memref<2x16x128xf32, #tpu.memory_space<vmem>>, vector<1x1x16xf32>,
      %get3A_2173 = vector.shape_cast %get3A_2172 : vector<1x1x16xf32> to vector<16xf32>
      %swap3A_2174 = arith.constant 31 : i32
      %swap3A_2175 = arith.index_cast %swap3A_2174 : i32 to index
      %swap3A_2176 = arith.constant 0 : index
      %swap3A_2177 = tpu.vector_load %arg8[%swap3A_2175, %swap3A_2176] {strides = array<i32>} : memref<128x128xf32, #tpu.memory_space<vmem>>, vector<1x16xf32>,
      %swap3A_2178 = vector.shape_cast %swap3A_2177 : vector<1x16xf32> to vector<16xf32>
      %swap3A_2179 = vector.shape_cast %get3A_2173 : vector<16xf32> to vector<1x16xf32>
      tpu.vector_store %arg8[%swap3A_2175, %swap3A_2176], %swap3A_2179 {strides = array<i32>} : memref<128x128xf32, #tpu.memory_space<vmem>>, vector<1x16xf32>,
      %get3A_2180 = arith.constant 1 : i32
      %get3A_2181 = arith.constant 4 : i32
      %get3A_2182 = arith.index_cast %get3A_2180 : i32 to index
      %get3A_2183 = arith.index_cast %get3A_2181 : i32 to index
      %get3A_2184 = arith.constant 0 : index
      %get3A_2185 = tpu.vector_load %arg7[%get3A_2182, %get3A_2183, %get3A_2184] {strides = array<i32>} : memref<2x16x128xf32, #tpu.memory_space<vmem>>, vector<1x1x16xf32>,
      %get3A_2186 = vector.shape_cast %get3A_2185 : vector<1x1x16xf32> to vector<16xf32>
      %swap3A_2187 = arith.constant 32 : i32
      %swap3A_2188 = arith.index_cast %swap3A_2187 : i32 to index
      %swap3A_2189 = arith.constant 0 : index
      %swap3A_2190 = tpu.vector_load %arg8[%swap3A_2188, %swap3A_2189] {strides = array<i32>} : memref<128x128xf32, #tpu.memory_space<vmem>>, vector<1x16xf32>,
      %swap3A_2191 = vector.shape_cast %swap3A_2190 : vector<1x16xf32> to vector<16xf32>
      %swap3A_2192 = vector.shape_cast %get3A_2186 : vector<16xf32> to vector<1x16xf32>
      tpu.vector_store %arg8[%swap3A_2188, %swap3A_2189], %swap3A_2192 {strides = array<i32>} : memref<128x128xf32, #tpu.memory_space<vmem>>, vector<1x16xf32>,
      %get3A_2193 = arith.constant 1 : i32
      %get3A_2194 = arith.constant 4 : i32
      %get3A_2195 = arith.index_cast %get3A_2193 : i32 to index
      %get3A_2196 = arith.index_cast %get3A_2194 : i32 to index
      %get3A_2197 = arith.constant 16 : index
      %get3A_2198 = tpu.vector_load %arg7[%get3A_2195, %get3A_2196, %get3A_2197] {strides = array<i32>} : memref<2x16x128xf32, #tpu.memory_space<vmem>>, vector<1x1x16xf32>,
      %get3A_2199 = vector.shape_cast %get3A_2198 : vector<1x1x16xf32> to vector<16xf32>
      %swap3A_2200 = arith.constant 33 : i32
      %swap3A_2201 = arith.index_cast %swap3A_2200 : i32 to index
      %swap3A_2202 = arith.constant 0 : index
      %swap3A_2203 = tpu.vector_load %arg8[%swap3A_2201, %swap3A_2202] {strides = array<i32>} : memref<128x128xf32, #tpu.memory_space<vmem>>, vector<1x16xf32>,
      %swap3A_2204 = vector.shape_cast %swap3A_2203 : vector<1x16xf32> to vector<16xf32>
      %swap3A_2205 = vector.shape_cast %get3A_2199 : vector<16xf32> to vector<1x16xf32>
      tpu.vector_store %arg8[%swap3A_2201, %swap3A_2202], %swap3A_2205 {strides = array<i32>} : memref<128x128xf32, #tpu.memory_space<vmem>>, vector<1x16xf32>,
      %get3A_2206 = arith.constant 1 : i32
      %get3A_2207 = arith.constant 4 : i32
      %get3A_2208 = arith.index_cast %get3A_2206 : i32 to index
      %get3A_2209 = arith.index_cast %get3A_2207 : i32 to index
      %get3A_2210 = arith.constant 32 : index
      %get3A_2211 = tpu.vector_load %arg7[%get3A_2208, %get3A_2209, %get3A_2210] {strides = array<i32>} : memref<2x16x128xf32, #tpu.memory_space<vmem>>, vector<1x1x16xf32>,
      %get3A_2212 = vector.shape_cast %get3A_2211 : vector<1x1x16xf32> to vector<16xf32>
      %swap3A_2213 = arith.constant 34 : i32
      %swap3A_2214 = arith.index_cast %swap3A_2213 : i32 to index
      %swap3A_2215 = arith.constant 0 : index
      %swap3A_2216 = tpu.vector_load %arg8[%swap3A_2214, %swap3A_2215] {strides = array<i32>} : memref<128x128xf32, #tpu.memory_space<vmem>>, vector<1x16xf32>,
      %swap3A_2217 = vector.shape_cast %swap3A_2216 : vector<1x16xf32> to vector<16xf32>
      %swap3A_2218 = vector.shape_cast %get3A_2212 : vector<16xf32> to vector<1x16xf32>
      tpu.vector_store %arg8[%swap3A_2214, %swap3A_2215], %swap3A_2218 {strides = array<i32>} : memref<128x128xf32, #tpu.memory_space<vmem>>, vector<1x16xf32>,
      %get3A_2219 = arith.constant 1 : i32
      %get3A_2220 = arith.constant 4 : i32
      %get3A_2221 = arith.index_cast %get3A_2219 : i32 to index
      %get3A_2222 = arith.index_cast %get3A_2220 : i32 to index
      %get3A_2223 = arith.constant 48 : index
      %get3A_2224 = tpu.vector_load %arg7[%get3A_2221, %get3A_2222, %get3A_2223] {strides = array<i32>} : memref<2x16x128xf32, #tpu.memory_space<vmem>>, vector<1x1x16xf32>,
      %get3A_2225 = vector.shape_cast %get3A_2224 : vector<1x1x16xf32> to vector<16xf32>
      %swap3A_2226 = arith.constant 35 : i32
      %swap3A_2227 = arith.index_cast %swap3A_2226 : i32 to index
      %swap3A_2228 = arith.constant 0 : index
      %swap3A_2229 = tpu.vector_load %arg8[%swap3A_2227, %swap3A_2228] {strides = array<i32>} : memref<128x128xf32, #tpu.memory_space<vmem>>, vector<1x16xf32>,
      %swap3A_2230 = vector.shape_cast %swap3A_2229 : vector<1x16xf32> to vector<16xf32>
      %swap3A_2231 = vector.shape_cast %get3A_2225 : vector<16xf32> to vector<1x16xf32>
      tpu.vector_store %arg8[%swap3A_2227, %swap3A_2228], %swap3A_2231 {strides = array<i32>} : memref<128x128xf32, #tpu.memory_space<vmem>>, vector<1x16xf32>,
      %get3A_2232 = arith.constant 1 : i32
      %get3A_2233 = arith.constant 4 : i32
      %get3A_2234 = arith.index_cast %get3A_2232 : i32 to index
      %get3A_2235 = arith.index_cast %get3A_2233 : i32 to index
      %get3A_2236 = arith.constant 64 : index
      %get3A_2237 = tpu.vector_load %arg7[%get3A_2234, %get3A_2235, %get3A_2236] {strides = array<i32>} : memref<2x16x128xf32, #tpu.memory_space<vmem>>, vector<1x1x16xf32>,
      %get3A_2238 = vector.shape_cast %get3A_2237 : vector<1x1x16xf32> to vector<16xf32>
      %swap3A_2239 = arith.constant 36 : i32
      %swap3A_2240 = arith.index_cast %swap3A_2239 : i32 to index
      %swap3A_2241 = arith.constant 0 : index
      %swap3A_2242 = tpu.vector_load %arg8[%swap3A_2240, %swap3A_2241] {strides = array<i32>} : memref<128x128xf32, #tpu.memory_space<vmem>>, vector<1x16xf32>,
      %swap3A_2243 = vector.shape_cast %swap3A_2242 : vector<1x16xf32> to vector<16xf32>
      %swap3A_2244 = vector.shape_cast %get3A_2238 : vector<16xf32> to vector<1x16xf32>
      tpu.vector_store %arg8[%swap3A_2240, %swap3A_2241], %swap3A_2244 {strides = array<i32>} : memref<128x128xf32, #tpu.memory_space<vmem>>, vector<1x16xf32>,
      %get3A_2245 = arith.constant 1 : i32
      %get3A_2246 = arith.constant 4 : i32
      %get3A_2247 = arith.index_cast %get3A_2245 : i32 to index
      %get3A_2248 = arith.index_cast %get3A_2246 : i32 to index
      %get3A_2249 = arith.constant 80 : index
      %get3A_2250 = tpu.vector_load %arg7[%get3A_2247, %get3A_2248, %get3A_2249] {strides = array<i32>} : memref<2x16x128xf32, #tpu.memory_space<vmem>>, vector<1x1x16xf32>,
      %get3A_2251 = vector.shape_cast %get3A_2250 : vector<1x1x16xf32> to vector<16xf32>
      %swap3A_2252 = arith.constant 37 : i32
      %swap3A_2253 = arith.index_cast %swap3A_2252 : i32 to index
      %swap3A_2254 = arith.constant 0 : index
      %swap3A_2255 = tpu.vector_load %arg8[%swap3A_2253, %swap3A_2254] {strides = array<i32>} : memref<128x128xf32, #tpu.memory_space<vmem>>, vector<1x16xf32>,
      %swap3A_2256 = vector.shape_cast %swap3A_2255 : vector<1x16xf32> to vector<16xf32>
      %swap3A_2257 = vector.shape_cast %get3A_2251 : vector<16xf32> to vector<1x16xf32>
      tpu.vector_store %arg8[%swap3A_2253, %swap3A_2254], %swap3A_2257 {strides = array<i32>} : memref<128x128xf32, #tpu.memory_space<vmem>>, vector<1x16xf32>,
      %get3A_2258 = arith.constant 1 : i32
      %get3A_2259 = arith.constant 4 : i32
      %get3A_2260 = arith.index_cast %get3A_2258 : i32 to index
      %get3A_2261 = arith.index_cast %get3A_2259 : i32 to index
      %get3A_2262 = arith.constant 96 : index
      %get3A_2263 = tpu.vector_load %arg7[%get3A_2260, %get3A_2261, %get3A_2262] {strides = array<i32>} : memref<2x16x128xf32, #tpu.memory_space<vmem>>, vector<1x1x16xf32>,
      %get3A_2264 = vector.shape_cast %get3A_2263 : vector<1x1x16xf32> to vector<16xf32>
      %swap3A_2265 = arith.constant 38 : i32
      %swap3A_2266 = arith.index_cast %swap3A_2265 : i32 to index
      %swap3A_2267 = arith.constant 0 : index
      %swap3A_2268 = tpu.vector_load %arg8[%swap3A_2266, %swap3A_2267] {strides = array<i32>} : memref<128x128xf32, #tpu.memory_space<vmem>>, vector<1x16xf32>,
      %swap3A_2269 = vector.shape_cast %swap3A_2268 : vector<1x16xf32> to vector<16xf32>
      %swap3A_2270 = vector.shape_cast %get3A_2264 : vector<16xf32> to vector<1x16xf32>
      tpu.vector_store %arg8[%swap3A_2266, %swap3A_2267], %swap3A_2270 {strides = array<i32>} : memref<128x128xf32, #tpu.memory_space<vmem>>, vector<1x16xf32>,
      %get3A_2271 = arith.constant 1 : i32
      %get3A_2272 = arith.constant 4 : i32
      %get3A_2273 = arith.index_cast %get3A_2271 : i32 to index
      %get3A_2274 = arith.index_cast %get3A_2272 : i32 to index
      %get3A_2275 = arith.constant 112 : index
      %get3A_2276 = tpu.vector_load %arg7[%get3A_2273, %get3A_2274, %get3A_2275] {strides = array<i32>} : memref<2x16x128xf32, #tpu.memory_space<vmem>>, vector<1x1x16xf32>,
      %get3A_2277 = vector.shape_cast %get3A_2276 : vector<1x1x16xf32> to vector<16xf32>
      %swap3A_2278 = arith.constant 39 : i32
      %swap3A_2279 = arith.index_cast %swap3A_2278 : i32 to index
      %swap3A_2280 = arith.constant 0 : index
      %swap3A_2281 = tpu.vector_load %arg8[%swap3A_2279, %swap3A_2280] {strides = array<i32>} : memref<128x128xf32, #tpu.memory_space<vmem>>, vector<1x16xf32>,
      %swap3A_2282 = vector.shape_cast %swap3A_2281 : vector<1x16xf32> to vector<16xf32>
      %swap3A_2283 = vector.shape_cast %get3A_2277 : vector<16xf32> to vector<1x16xf32>
      tpu.vector_store %arg8[%swap3A_2279, %swap3A_2280], %swap3A_2283 {strides = array<i32>} : memref<128x128xf32, #tpu.memory_space<vmem>>, vector<1x16xf32>,
      %get3A_2284 = arith.constant 1 : i32
      %get3A_2285 = arith.constant 5 : i32
      %get3A_2286 = arith.index_cast %get3A_2284 : i32 to index
      %get3A_2287 = arith.index_cast %get3A_2285 : i32 to index
      %get3A_2288 = arith.constant 0 : index
      %get3A_2289 = tpu.vector_load %arg7[%get3A_2286, %get3A_2287, %get3A_2288] {strides = array<i32>} : memref<2x16x128xf32, #tpu.memory_space<vmem>>, vector<1x1x16xf32>,
      %get3A_2290 = vector.shape_cast %get3A_2289 : vector<1x1x16xf32> to vector<16xf32>
      %swap3A_2291 = arith.constant 40 : i32
      %swap3A_2292 = arith.index_cast %swap3A_2291 : i32 to index
      %swap3A_2293 = arith.constant 0 : index
      %swap3A_2294 = tpu.vector_load %arg8[%swap3A_2292, %swap3A_2293] {strides = array<i32>} : memref<128x128xf32, #tpu.memory_space<vmem>>, vector<1x16xf32>,
      %swap3A_2295 = vector.shape_cast %swap3A_2294 : vector<1x16xf32> to vector<16xf32>
      %swap3A_2296 = vector.shape_cast %get3A_2290 : vector<16xf32> to vector<1x16xf32>
      tpu.vector_store %arg8[%swap3A_2292, %swap3A_2293], %swap3A_2296 {strides = array<i32>} : memref<128x128xf32, #tpu.memory_space<vmem>>, vector<1x16xf32>,
      %get3A_2297 = arith.constant 1 : i32
      %get3A_2298 = arith.constant 5 : i32
      %get3A_2299 = arith.index_cast %get3A_2297 : i32 to index
      %get3A_2300 = arith.index_cast %get3A_2298 : i32 to index
      %get3A_2301 = arith.constant 16 : index
      %get3A_2302 = tpu.vector_load %arg7[%get3A_2299, %get3A_2300, %get3A_2301] {strides = array<i32>} : memref<2x16x128xf32, #tpu.memory_space<vmem>>, vector<1x1x16xf32>,
      %get3A_2303 = vector.shape_cast %get3A_2302 : vector<1x1x16xf32> to vector<16xf32>
      %swap3A_2304 = arith.constant 41 : i32
      %swap3A_2305 = arith.index_cast %swap3A_2304 : i32 to index
      %swap3A_2306 = arith.constant 0 : index
      %swap3A_2307 = tpu.vector_load %arg8[%swap3A_2305, %swap3A_2306] {strides = array<i32>} : memref<128x128xf32, #tpu.memory_space<vmem>>, vector<1x16xf32>,
      %swap3A_2308 = vector.shape_cast %swap3A_2307 : vector<1x16xf32> to vector<16xf32>
      %swap3A_2309 = vector.shape_cast %get3A_2303 : vector<16xf32> to vector<1x16xf32>
      tpu.vector_store %arg8[%swap3A_2305, %swap3A_2306], %swap3A_2309 {strides = array<i32>} : memref<128x128xf32, #tpu.memory_space<vmem>>, vector<1x16xf32>,
      %get3A_2310 = arith.constant 1 : i32
      %get3A_2311 = arith.constant 5 : i32
      %get3A_2312 = arith.index_cast %get3A_2310 : i32 to index
      %get3A_2313 = arith.index_cast %get3A_2311 : i32 to index
      %get3A_2314 = arith.constant 32 : index
      %get3A_2315 = tpu.vector_load %arg7[%get3A_2312, %get3A_2313, %get3A_2314] {strides = array<i32>} : memref<2x16x128xf32, #tpu.memory_space<vmem>>, vector<1x1x16xf32>,
      %get3A_2316 = vector.shape_cast %get3A_2315 : vector<1x1x16xf32> to vector<16xf32>
      %swap3A_2317 = arith.constant 42 : i32
      %swap3A_2318 = arith.index_cast %swap3A_2317 : i32 to index
      %swap3A_2319 = arith.constant 0 : index
      %swap3A_2320 = tpu.vector_load %arg8[%swap3A_2318, %swap3A_2319] {strides = array<i32>} : memref<128x128xf32, #tpu.memory_space<vmem>>, vector<1x16xf32>,
      %swap3A_2321 = vector.shape_cast %swap3A_2320 : vector<1x16xf32> to vector<16xf32>
      %swap3A_2322 = vector.shape_cast %get3A_2316 : vector<16xf32> to vector<1x16xf32>
      tpu.vector_store %arg8[%swap3A_2318, %swap3A_2319], %swap3A_2322 {strides = array<i32>} : memref<128x128xf32, #tpu.memory_space<vmem>>, vector<1x16xf32>,
      %get3A_2323 = arith.constant 1 : i32
      %get3A_2324 = arith.constant 5 : i32
      %get3A_2325 = arith.index_cast %get3A_2323 : i32 to index
      %get3A_2326 = arith.index_cast %get3A_2324 : i32 to index
      %get3A_2327 = arith.constant 48 : index
      %get3A_2328 = tpu.vector_load %arg7[%get3A_2325, %get3A_2326, %get3A_2327] {strides = array<i32>} : memref<2x16x128xf32, #tpu.memory_space<vmem>>, vector<1x1x16xf32>,
      %get3A_2329 = vector.shape_cast %get3A_2328 : vector<1x1x16xf32> to vector<16xf32>
      %swap3A_2330 = arith.constant 43 : i32
      %swap3A_2331 = arith.index_cast %swap3A_2330 : i32 to index
      %swap3A_2332 = arith.constant 0 : index
      %swap3A_2333 = tpu.vector_load %arg8[%swap3A_2331, %swap3A_2332] {strides = array<i32>} : memref<128x128xf32, #tpu.memory_space<vmem>>, vector<1x16xf32>,
      %swap3A_2334 = vector.shape_cast %swap3A_2333 : vector<1x16xf32> to vector<16xf32>
      %swap3A_2335 = vector.shape_cast %get3A_2329 : vector<16xf32> to vector<1x16xf32>
      tpu.vector_store %arg8[%swap3A_2331, %swap3A_2332], %swap3A_2335 {strides = array<i32>} : memref<128x128xf32, #tpu.memory_space<vmem>>, vector<1x16xf32>,
      %get3A_2336 = arith.constant 1 : i32
      %get3A_2337 = arith.constant 5 : i32
      %get3A_2338 = arith.index_cast %get3A_2336 : i32 to index
      %get3A_2339 = arith.index_cast %get3A_2337 : i32 to index
      %get3A_2340 = arith.constant 64 : index
      %get3A_2341 = tpu.vector_load %arg7[%get3A_2338, %get3A_2339, %get3A_2340] {strides = array<i32>} : memref<2x16x128xf32, #tpu.memory_space<vmem>>, vector<1x1x16xf32>,
      %get3A_2342 = vector.shape_cast %get3A_2341 : vector<1x1x16xf32> to vector<16xf32>
      %swap3A_2343 = arith.constant 44 : i32
      %swap3A_2344 = arith.index_cast %swap3A_2343 : i32 to index
      %swap3A_2345 = arith.constant 0 : index
      %swap3A_2346 = tpu.vector_load %arg8[%swap3A_2344, %swap3A_2345] {strides = array<i32>} : memref<128x128xf32, #tpu.memory_space<vmem>>, vector<1x16xf32>,
      %swap3A_2347 = vector.shape_cast %swap3A_2346 : vector<1x16xf32> to vector<16xf32>
      %swap3A_2348 = vector.shape_cast %get3A_2342 : vector<16xf32> to vector<1x16xf32>
      tpu.vector_store %arg8[%swap3A_2344, %swap3A_2345], %swap3A_2348 {strides = array<i32>} : memref<128x128xf32, #tpu.memory_space<vmem>>, vector<1x16xf32>,
      %get3A_2349 = arith.constant 1 : i32
      %get3A_2350 = arith.constant 5 : i32
      %get3A_2351 = arith.index_cast %get3A_2349 : i32 to index
      %get3A_2352 = arith.index_cast %get3A_2350 : i32 to index
      %get3A_2353 = arith.constant 80 : index
      %get3A_2354 = tpu.vector_load %arg7[%get3A_2351, %get3A_2352, %get3A_2353] {strides = array<i32>} : memref<2x16x128xf32, #tpu.memory_space<vmem>>, vector<1x1x16xf32>,
      %get3A_2355 = vector.shape_cast %get3A_2354 : vector<1x1x16xf32> to vector<16xf32>
      %swap3A_2356 = arith.constant 45 : i32
      %swap3A_2357 = arith.index_cast %swap3A_2356 : i32 to index
      %swap3A_2358 = arith.constant 0 : index
      %swap3A_2359 = tpu.vector_load %arg8[%swap3A_2357, %swap3A_2358] {strides = array<i32>} : memref<128x128xf32, #tpu.memory_space<vmem>>, vector<1x16xf32>,
      %swap3A_2360 = vector.shape_cast %swap3A_2359 : vector<1x16xf32> to vector<16xf32>
      %swap3A_2361 = vector.shape_cast %get3A_2355 : vector<16xf32> to vector<1x16xf32>
      tpu.vector_store %arg8[%swap3A_2357, %swap3A_2358], %swap3A_2361 {strides = array<i32>} : memref<128x128xf32, #tpu.memory_space<vmem>>, vector<1x16xf32>,
      %get3A_2362 = arith.constant 1 : i32
      %get3A_2363 = arith.constant 5 : i32
      %get3A_2364 = arith.index_cast %get3A_2362 : i32 to index
      %get3A_2365 = arith.index_cast %get3A_2363 : i32 to index
      %get3A_2366 = arith.constant 96 : index
      %get3A_2367 = tpu.vector_load %arg7[%get3A_2364, %get3A_2365, %get3A_2366] {strides = array<i32>} : memref<2x16x128xf32, #tpu.memory_space<vmem>>, vector<1x1x16xf32>,
      %get3A_2368 = vector.shape_cast %get3A_2367 : vector<1x1x16xf32> to vector<16xf32>
      %swap3A_2369 = arith.constant 46 : i32
      %swap3A_2370 = arith.index_cast %swap3A_2369 : i32 to index
      %swap3A_2371 = arith.constant 0 : index
      %swap3A_2372 = tpu.vector_load %arg8[%swap3A_2370, %swap3A_2371] {strides = array<i32>} : memref<128x128xf32, #tpu.memory_space<vmem>>, vector<1x16xf32>,
      %swap3A_2373 = vector.shape_cast %swap3A_2372 : vector<1x16xf32> to vector<16xf32>
      %swap3A_2374 = vector.shape_cast %get3A_2368 : vector<16xf32> to vector<1x16xf32>
      tpu.vector_store %arg8[%swap3A_2370, %swap3A_2371], %swap3A_2374 {strides = array<i32>} : memref<128x128xf32, #tpu.memory_space<vmem>>, vector<1x16xf32>,
      %get3A_2375 = arith.constant 1 : i32
      %get3A_2376 = arith.constant 5 : i32
      %get3A_2377 = arith.index_cast %get3A_2375 : i32 to index
      %get3A_2378 = arith.index_cast %get3A_2376 : i32 to index
      %get3A_2379 = arith.constant 112 : index
      %get3A_2380 = tpu.vector_load %arg7[%get3A_2377, %get3A_2378, %get3A_2379] {strides = array<i32>} : memref<2x16x128xf32, #tpu.memory_space<vmem>>, vector<1x1x16xf32>,
      %get3A_2381 = vector.shape_cast %get3A_2380 : vector<1x1x16xf32> to vector<16xf32>
      %swap3A_2382 = arith.constant 47 : i32
      %swap3A_2383 = arith.index_cast %swap3A_2382 : i32 to index
      %swap3A_2384 = arith.constant 0 : index
      %swap3A_2385 = tpu.vector_load %arg8[%swap3A_2383, %swap3A_2384] {strides = array<i32>} : memref<128x128xf32, #tpu.memory_space<vmem>>, vector<1x16xf32>,
      %swap3A_2386 = vector.shape_cast %swap3A_2385 : vector<1x16xf32> to vector<16xf32>
      %swap3A_2387 = vector.shape_cast %get3A_2381 : vector<16xf32> to vector<1x16xf32>
      tpu.vector_store %arg8[%swap3A_2383, %swap3A_2384], %swap3A_2387 {strides = array<i32>} : memref<128x128xf32, #tpu.memory_space<vmem>>, vector<1x16xf32>,
      %get3A_2388 = arith.constant 1 : i32
      %get3A_2389 = arith.constant 6 : i32
      %get3A_2390 = arith.index_cast %get3A_2388 : i32 to index
      %get3A_2391 = arith.index_cast %get3A_2389 : i32 to index
      %get3A_2392 = arith.constant 0 : index
      %get3A_2393 = tpu.vector_load %arg7[%get3A_2390, %get3A_2391, %get3A_2392] {strides = array<i32>} : memref<2x16x128xf32, #tpu.memory_space<vmem>>, vector<1x1x16xf32>,
      %get3A_2394 = vector.shape_cast %get3A_2393 : vector<1x1x16xf32> to vector<16xf32>
      %swap3A_2395 = arith.constant 48 : i32
      %swap3A_2396 = arith.index_cast %swap3A_2395 : i32 to index
      %swap3A_2397 = arith.constant 0 : index
      %swap3A_2398 = tpu.vector_load %arg8[%swap3A_2396, %swap3A_2397] {strides = array<i32>} : memref<128x128xf32, #tpu.memory_space<vmem>>, vector<1x16xf32>,
      %swap3A_2399 = vector.shape_cast %swap3A_2398 : vector<1x16xf32> to vector<16xf32>
      %swap3A_2400 = vector.shape_cast %get3A_2394 : vector<16xf32> to vector<1x16xf32>
      tpu.vector_store %arg8[%swap3A_2396, %swap3A_2397], %swap3A_2400 {strides = array<i32>} : memref<128x128xf32, #tpu.memory_space<vmem>>, vector<1x16xf32>,
      %get3A_2401 = arith.constant 1 : i32
      %get3A_2402 = arith.constant 6 : i32
      %get3A_2403 = arith.index_cast %get3A_2401 : i32 to index
      %get3A_2404 = arith.index_cast %get3A_2402 : i32 to index
      %get3A_2405 = arith.constant 16 : index
      %get3A_2406 = tpu.vector_load %arg7[%get3A_2403, %get3A_2404, %get3A_2405] {strides = array<i32>} : memref<2x16x128xf32, #tpu.memory_space<vmem>>, vector<1x1x16xf32>,
      %get3A_2407 = vector.shape_cast %get3A_2406 : vector<1x1x16xf32> to vector<16xf32>
      %swap3A_2408 = arith.constant 49 : i32
      %swap3A_2409 = arith.index_cast %swap3A_2408 : i32 to index
      %swap3A_2410 = arith.constant 0 : index
      %swap3A_2411 = tpu.vector_load %arg8[%swap3A_2409, %swap3A_2410] {strides = array<i32>} : memref<128x128xf32, #tpu.memory_space<vmem>>, vector<1x16xf32>,
      %swap3A_2412 = vector.shape_cast %swap3A_2411 : vector<1x16xf32> to vector<16xf32>
      %swap3A_2413 = vector.shape_cast %get3A_2407 : vector<16xf32> to vector<1x16xf32>
      tpu.vector_store %arg8[%swap3A_2409, %swap3A_2410], %swap3A_2413 {strides = array<i32>} : memref<128x128xf32, #tpu.memory_space<vmem>>, vector<1x16xf32>,
      %get3A_2414 = arith.constant 1 : i32
      %get3A_2415 = arith.constant 6 : i32
      %get3A_2416 = arith.index_cast %get3A_2414 : i32 to index
      %get3A_2417 = arith.index_cast %get3A_2415 : i32 to index
      %get3A_2418 = arith.constant 32 : index
      %get3A_2419 = tpu.vector_load %arg7[%get3A_2416, %get3A_2417, %get3A_2418] {strides = array<i32>} : memref<2x16x128xf32, #tpu.memory_space<vmem>>, vector<1x1x16xf32>,
      %get3A_2420 = vector.shape_cast %get3A_2419 : vector<1x1x16xf32> to vector<16xf32>
      %swap3A_2421 = arith.constant 50 : i32
      %swap3A_2422 = arith.index_cast %swap3A_2421 : i32 to index
      %swap3A_2423 = arith.constant 0 : index
      %swap3A_2424 = tpu.vector_load %arg8[%swap3A_2422, %swap3A_2423] {strides = array<i32>} : memref<128x128xf32, #tpu.memory_space<vmem>>, vector<1x16xf32>,
      %swap3A_2425 = vector.shape_cast %swap3A_2424 : vector<1x16xf32> to vector<16xf32>
      %swap3A_2426 = vector.shape_cast %get3A_2420 : vector<16xf32> to vector<1x16xf32>
      tpu.vector_store %arg8[%swap3A_2422, %swap3A_2423], %swap3A_2426 {strides = array<i32>} : memref<128x128xf32, #tpu.memory_space<vmem>>, vector<1x16xf32>,
      %get3A_2427 = arith.constant 1 : i32
      %get3A_2428 = arith.constant 6 : i32
      %get3A_2429 = arith.index_cast %get3A_2427 : i32 to index
      %get3A_2430 = arith.index_cast %get3A_2428 : i32 to index
      %get3A_2431 = arith.constant 48 : index
      %get3A_2432 = tpu.vector_load %arg7[%get3A_2429, %get3A_2430, %get3A_2431] {strides = array<i32>} : memref<2x16x128xf32, #tpu.memory_space<vmem>>, vector<1x1x16xf32>,
      %get3A_2433 = vector.shape_cast %get3A_2432 : vector<1x1x16xf32> to vector<16xf32>
      %swap3A_2434 = arith.constant 51 : i32
      %swap3A_2435 = arith.index_cast %swap3A_2434 : i32 to index
      %swap3A_2436 = arith.constant 0 : index
      %swap3A_2437 = tpu.vector_load %arg8[%swap3A_2435, %swap3A_2436] {strides = array<i32>} : memref<128x128xf32, #tpu.memory_space<vmem>>, vector<1x16xf32>,
      %swap3A_2438 = vector.shape_cast %swap3A_2437 : vector<1x16xf32> to vector<16xf32>
      %swap3A_2439 = vector.shape_cast %get3A_2433 : vector<16xf32> to vector<1x16xf32>
      tpu.vector_store %arg8[%swap3A_2435, %swap3A_2436], %swap3A_2439 {strides = array<i32>} : memref<128x128xf32, #tpu.memory_space<vmem>>, vector<1x16xf32>,
      %get3A_2440 = arith.constant 1 : i32
      %get3A_2441 = arith.constant 6 : i32
      %get3A_2442 = arith.index_cast %get3A_2440 : i32 to index
      %get3A_2443 = arith.index_cast %get3A_2441 : i32 to index
      %get3A_2444 = arith.constant 64 : index
      %get3A_2445 = tpu.vector_load %arg7[%get3A_2442, %get3A_2443, %get3A_2444] {strides = array<i32>} : memref<2x16x128xf32, #tpu.memory_space<vmem>>, vector<1x1x16xf32>,
      %get3A_2446 = vector.shape_cast %get3A_2445 : vector<1x1x16xf32> to vector<16xf32>
      %swap3A_2447 = arith.constant 52 : i32
      %swap3A_2448 = arith.index_cast %swap3A_2447 : i32 to index
      %swap3A_2449 = arith.constant 0 : index
      %swap3A_2450 = tpu.vector_load %arg8[%swap3A_2448, %swap3A_2449] {strides = array<i32>} : memref<128x128xf32, #tpu.memory_space<vmem>>, vector<1x16xf32>,
      %swap3A_2451 = vector.shape_cast %swap3A_2450 : vector<1x16xf32> to vector<16xf32>
      %swap3A_2452 = vector.shape_cast %get3A_2446 : vector<16xf32> to vector<1x16xf32>
      tpu.vector_store %arg8[%swap3A_2448, %swap3A_2449], %swap3A_2452 {strides = array<i32>} : memref<128x128xf32, #tpu.memory_space<vmem>>, vector<1x16xf32>,
      %get3A_2453 = arith.constant 1 : i32
      %get3A_2454 = arith.constant 6 : i32
      %get3A_2455 = arith.index_cast %get3A_2453 : i32 to index
      %get3A_2456 = arith.index_cast %get3A_2454 : i32 to index
      %get3A_2457 = arith.constant 80 : index
      %get3A_2458 = tpu.vector_load %arg7[%get3A_2455, %get3A_2456, %get3A_2457] {strides = array<i32>} : memref<2x16x128xf32, #tpu.memory_space<vmem>>, vector<1x1x16xf32>,
      %get3A_2459 = vector.shape_cast %get3A_2458 : vector<1x1x16xf32> to vector<16xf32>
      %swap3A_2460 = arith.constant 53 : i32
      %swap3A_2461 = arith.index_cast %swap3A_2460 : i32 to index
      %swap3A_2462 = arith.constant 0 : index
      %swap3A_2463 = tpu.vector_load %arg8[%swap3A_2461, %swap3A_2462] {strides = array<i32>} : memref<128x128xf32, #tpu.memory_space<vmem>>, vector<1x16xf32>,
      %swap3A_2464 = vector.shape_cast %swap3A_2463 : vector<1x16xf32> to vector<16xf32>
      %swap3A_2465 = vector.shape_cast %get3A_2459 : vector<16xf32> to vector<1x16xf32>
      tpu.vector_store %arg8[%swap3A_2461, %swap3A_2462], %swap3A_2465 {strides = array<i32>} : memref<128x128xf32, #tpu.memory_space<vmem>>, vector<1x16xf32>,
      %get3A_2466 = arith.constant 1 : i32
      %get3A_2467 = arith.constant 6 : i32
      %get3A_2468 = arith.index_cast %get3A_2466 : i32 to index
      %get3A_2469 = arith.index_cast %get3A_2467 : i32 to index
      %get3A_2470 = arith.constant 96 : index
      %get3A_2471 = tpu.vector_load %arg7[%get3A_2468, %get3A_2469, %get3A_2470] {strides = array<i32>} : memref<2x16x128xf32, #tpu.memory_space<vmem>>, vector<1x1x16xf32>,
      %get3A_2472 = vector.shape_cast %get3A_2471 : vector<1x1x16xf32> to vector<16xf32>
      %swap3A_2473 = arith.constant 54 : i32
      %swap3A_2474 = arith.index_cast %swap3A_2473 : i32 to index
      %swap3A_2475 = arith.constant 0 : index
      %swap3A_2476 = tpu.vector_load %arg8[%swap3A_2474, %swap3A_2475] {strides = array<i32>} : memref<128x128xf32, #tpu.memory_space<vmem>>, vector<1x16xf32>,
      %swap3A_2477 = vector.shape_cast %swap3A_2476 : vector<1x16xf32> to vector<16xf32>
      %swap3A_2478 = vector.shape_cast %get3A_2472 : vector<16xf32> to vector<1x16xf32>
      tpu.vector_store %arg8[%swap3A_2474, %swap3A_2475], %swap3A_2478 {strides = array<i32>} : memref<128x128xf32, #tpu.memory_space<vmem>>, vector<1x16xf32>,
      %get3A_2479 = arith.constant 1 : i32
      %get3A_2480 = arith.constant 6 : i32
      %get3A_2481 = arith.index_cast %get3A_2479 : i32 to index
      %get3A_2482 = arith.index_cast %get3A_2480 : i32 to index
      %get3A_2483 = arith.constant 112 : index
      %get3A_2484 = tpu.vector_load %arg7[%get3A_2481, %get3A_2482, %get3A_2483] {strides = array<i32>} : memref<2x16x128xf32, #tpu.memory_space<vmem>>, vector<1x1x16xf32>,
      %get3A_2485 = vector.shape_cast %get3A_2484 : vector<1x1x16xf32> to vector<16xf32>
      %swap3A_2486 = arith.constant 55 : i32
      %swap3A_2487 = arith.index_cast %swap3A_2486 : i32 to index
      %swap3A_2488 = arith.constant 0 : index
      %swap3A_2489 = tpu.vector_load %arg8[%swap3A_2487, %swap3A_2488] {strides = array<i32>} : memref<128x128xf32, #tpu.memory_space<vmem>>, vector<1x16xf32>,
      %swap3A_2490 = vector.shape_cast %swap3A_2489 : vector<1x16xf32> to vector<16xf32>
      %swap3A_2491 = vector.shape_cast %get3A_2485 : vector<16xf32> to vector<1x16xf32>
      tpu.vector_store %arg8[%swap3A_2487, %swap3A_2488], %swap3A_2491 {strides = array<i32>} : memref<128x128xf32, #tpu.memory_space<vmem>>, vector<1x16xf32>,
      %get3A_2492 = arith.constant 1 : i32
      %get3A_2493 = arith.constant 7 : i32
      %get3A_2494 = arith.index_cast %get3A_2492 : i32 to index
      %get3A_2495 = arith.index_cast %get3A_2493 : i32 to index
      %get3A_2496 = arith.constant 0 : index
      %get3A_2497 = tpu.vector_load %arg7[%get3A_2494, %get3A_2495, %get3A_2496] {strides = array<i32>} : memref<2x16x128xf32, #tpu.memory_space<vmem>>, vector<1x1x16xf32>,
      %get3A_2498 = vector.shape_cast %get3A_2497 : vector<1x1x16xf32> to vector<16xf32>
      %swap3A_2499 = arith.constant 56 : i32
      %swap3A_2500 = arith.index_cast %swap3A_2499 : i32 to index
      %swap3A_2501 = arith.constant 0 : index
      %swap3A_2502 = tpu.vector_load %arg8[%swap3A_2500, %swap3A_2501] {strides = array<i32>} : memref<128x128xf32, #tpu.memory_space<vmem>>, vector<1x16xf32>,
      %swap3A_2503 = vector.shape_cast %swap3A_2502 : vector<1x16xf32> to vector<16xf32>
      %swap3A_2504 = vector.shape_cast %get3A_2498 : vector<16xf32> to vector<1x16xf32>
      tpu.vector_store %arg8[%swap3A_2500, %swap3A_2501], %swap3A_2504 {strides = array<i32>} : memref<128x128xf32, #tpu.memory_space<vmem>>, vector<1x16xf32>,
      %get3A_2505 = arith.constant 1 : i32
      %get3A_2506 = arith.constant 7 : i32
      %get3A_2507 = arith.index_cast %get3A_2505 : i32 to index
      %get3A_2508 = arith.index_cast %get3A_2506 : i32 to index
      %get3A_2509 = arith.constant 16 : index
      %get3A_2510 = tpu.vector_load %arg7[%get3A_2507, %get3A_2508, %get3A_2509] {strides = array<i32>} : memref<2x16x128xf32, #tpu.memory_space<vmem>>, vector<1x1x16xf32>,
      %get3A_2511 = vector.shape_cast %get3A_2510 : vector<1x1x16xf32> to vector<16xf32>
      %swap3A_2512 = arith.constant 57 : i32
      %swap3A_2513 = arith.index_cast %swap3A_2512 : i32 to index
      %swap3A_2514 = arith.constant 0 : index
      %swap3A_2515 = tpu.vector_load %arg8[%swap3A_2513, %swap3A_2514] {strides = array<i32>} : memref<128x128xf32, #tpu.memory_space<vmem>>, vector<1x16xf32>,
      %swap3A_2516 = vector.shape_cast %swap3A_2515 : vector<1x16xf32> to vector<16xf32>
      %swap3A_2517 = vector.shape_cast %get3A_2511 : vector<16xf32> to vector<1x16xf32>
      tpu.vector_store %arg8[%swap3A_2513, %swap3A_2514], %swap3A_2517 {strides = array<i32>} : memref<128x128xf32, #tpu.memory_space<vmem>>, vector<1x16xf32>,
      %get3A_2518 = arith.constant 1 : i32
      %get3A_2519 = arith.constant 7 : i32
      %get3A_2520 = arith.index_cast %get3A_2518 : i32 to index
      %get3A_2521 = arith.index_cast %get3A_2519 : i32 to index
      %get3A_2522 = arith.constant 32 : index
      %get3A_2523 = tpu.vector_load %arg7[%get3A_2520, %get3A_2521, %get3A_2522] {strides = array<i32>} : memref<2x16x128xf32, #tpu.memory_space<vmem>>, vector<1x1x16xf32>,
      %get3A_2524 = vector.shape_cast %get3A_2523 : vector<1x1x16xf32> to vector<16xf32>
      %swap3A_2525 = arith.constant 58 : i32
      %swap3A_2526 = arith.index_cast %swap3A_2525 : i32 to index
      %swap3A_2527 = arith.constant 0 : index
      %swap3A_2528 = tpu.vector_load %arg8[%swap3A_2526, %swap3A_2527] {strides = array<i32>} : memref<128x128xf32, #tpu.memory_space<vmem>>, vector<1x16xf32>,
      %swap3A_2529 = vector.shape_cast %swap3A_2528 : vector<1x16xf32> to vector<16xf32>
      %swap3A_2530 = vector.shape_cast %get3A_2524 : vector<16xf32> to vector<1x16xf32>
      tpu.vector_store %arg8[%swap3A_2526, %swap3A_2527], %swap3A_2530 {strides = array<i32>} : memref<128x128xf32, #tpu.memory_space<vmem>>, vector<1x16xf32>,
      %get3A_2531 = arith.constant 1 : i32
      %get3A_2532 = arith.constant 7 : i32
      %get3A_2533 = arith.index_cast %get3A_2531 : i32 to index
      %get3A_2534 = arith.index_cast %get3A_2532 : i32 to index
      %get3A_2535 = arith.constant 48 : index
      %get3A_2536 = tpu.vector_load %arg7[%get3A_2533, %get3A_2534, %get3A_2535] {strides = array<i32>} : memref<2x16x128xf32, #tpu.memory_space<vmem>>, vector<1x1x16xf32>,
      %get3A_2537 = vector.shape_cast %get3A_2536 : vector<1x1x16xf32> to vector<16xf32>
      %swap3A_2538 = arith.constant 59 : i32
      %swap3A_2539 = arith.index_cast %swap3A_2538 : i32 to index
      %swap3A_2540 = arith.constant 0 : index
      %swap3A_2541 = tpu.vector_load %arg8[%swap3A_2539, %swap3A_2540] {strides = array<i32>} : memref<128x128xf32, #tpu.memory_space<vmem>>, vector<1x16xf32>,
      %swap3A_2542 = vector.shape_cast %swap3A_2541 : vector<1x16xf32> to vector<16xf32>
      %swap3A_2543 = vector.shape_cast %get3A_2537 : vector<16xf32> to vector<1x16xf32>
      tpu.vector_store %arg8[%swap3A_2539, %swap3A_2540], %swap3A_2543 {strides = array<i32>} : memref<128x128xf32, #tpu.memory_space<vmem>>, vector<1x16xf32>,
      %get3A_2544 = arith.constant 1 : i32
      %get3A_2545 = arith.constant 7 : i32
      %get3A_2546 = arith.index_cast %get3A_2544 : i32 to index
      %get3A_2547 = arith.index_cast %get3A_2545 : i32 to index
      %get3A_2548 = arith.constant 64 : index
      %get3A_2549 = tpu.vector_load %arg7[%get3A_2546, %get3A_2547, %get3A_2548] {strides = array<i32>} : memref<2x16x128xf32, #tpu.memory_space<vmem>>, vector<1x1x16xf32>,
      %get3A_2550 = vector.shape_cast %get3A_2549 : vector<1x1x16xf32> to vector<16xf32>
      %swap3A_2551 = arith.constant 60 : i32
      %swap3A_2552 = arith.index_cast %swap3A_2551 : i32 to index
      %swap3A_2553 = arith.constant 0 : index
      %swap3A_2554 = tpu.vector_load %arg8[%swap3A_2552, %swap3A_2553] {strides = array<i32>} : memref<128x128xf32, #tpu.memory_space<vmem>>, vector<1x16xf32>,
      %swap3A_2555 = vector.shape_cast %swap3A_2554 : vector<1x16xf32> to vector<16xf32>
      %swap3A_2556 = vector.shape_cast %get3A_2550 : vector<16xf32> to vector<1x16xf32>
      tpu.vector_store %arg8[%swap3A_2552, %swap3A_2553], %swap3A_2556 {strides = array<i32>} : memref<128x128xf32, #tpu.memory_space<vmem>>, vector<1x16xf32>,
      %get3A_2557 = arith.constant 1 : i32
      %get3A_2558 = arith.constant 7 : i32
      %get3A_2559 = arith.index_cast %get3A_2557 : i32 to index
      %get3A_2560 = arith.index_cast %get3A_2558 : i32 to index
      %get3A_2561 = arith.constant 80 : index
      %get3A_2562 = tpu.vector_load %arg7[%get3A_2559, %get3A_2560, %get3A_2561] {strides = array<i32>} : memref<2x16x128xf32, #tpu.memory_space<vmem>>, vector<1x1x16xf32>,
      %get3A_2563 = vector.shape_cast %get3A_2562 : vector<1x1x16xf32> to vector<16xf32>
      %swap3A_2564 = arith.constant 61 : i32
      %swap3A_2565 = arith.index_cast %swap3A_2564 : i32 to index
      %swap3A_2566 = arith.constant 0 : index
      %swap3A_2567 = tpu.vector_load %arg8[%swap3A_2565, %swap3A_2566] {strides = array<i32>} : memref<128x128xf32, #tpu.memory_space<vmem>>, vector<1x16xf32>,
      %swap3A_2568 = vector.shape_cast %swap3A_2567 : vector<1x16xf32> to vector<16xf32>
      %swap3A_2569 = vector.shape_cast %get3A_2563 : vector<16xf32> to vector<1x16xf32>
      tpu.vector_store %arg8[%swap3A_2565, %swap3A_2566], %swap3A_2569 {strides = array<i32>} : memref<128x128xf32, #tpu.memory_space<vmem>>, vector<1x16xf32>,
      %get3A_2570 = arith.constant 1 : i32
      %get3A_2571 = arith.constant 7 : i32
      %get3A_2572 = arith.index_cast %get3A_2570 : i32 to index
      %get3A_2573 = arith.index_cast %get3A_2571 : i32 to index
      %get3A_2574 = arith.constant 96 : index
      %get3A_2575 = tpu.vector_load %arg7[%get3A_2572, %get3A_2573, %get3A_2574] {strides = array<i32>} : memref<2x16x128xf32, #tpu.memory_space<vmem>>, vector<1x1x16xf32>,
      %get3A_2576 = vector.shape_cast %get3A_2575 : vector<1x1x16xf32> to vector<16xf32>
      %swap3A_2577 = arith.constant 62 : i32
      %swap3A_2578 = arith.index_cast %swap3A_2577 : i32 to index
      %swap3A_2579 = arith.constant 0 : index
      %swap3A_2580 = tpu.vector_load %arg8[%swap3A_2578, %swap3A_2579] {strides = array<i32>} : memref<128x128xf32, #tpu.memory_space<vmem>>, vector<1x16xf32>,
      %swap3A_2581 = vector.shape_cast %swap3A_2580 : vector<1x16xf32> to vector<16xf32>
      %swap3A_2582 = vector.shape_cast %get3A_2576 : vector<16xf32> to vector<1x16xf32>
      tpu.vector_store %arg8[%swap3A_2578, %swap3A_2579], %swap3A_2582 {strides = array<i32>} : memref<128x128xf32, #tpu.memory_space<vmem>>, vector<1x16xf32>,
      %get3A_2583 = arith.constant 1 : i32
      %get3A_2584 = arith.constant 7 : i32
      %get3A_2585 = arith.index_cast %get3A_2583 : i32 to index
      %get3A_2586 = arith.index_cast %get3A_2584 : i32 to index
      %get3A_2587 = arith.constant 112 : index
      %get3A_2588 = tpu.vector_load %arg7[%get3A_2585, %get3A_2586, %get3A_2587] {strides = array<i32>} : memref<2x16x128xf32, #tpu.memory_space<vmem>>, vector<1x1x16xf32>,
      %get3A_2589 = vector.shape_cast %get3A_2588 : vector<1x1x16xf32> to vector<16xf32>
      %swap3A_2590 = arith.constant 63 : i32
      %swap3A_2591 = arith.index_cast %swap3A_2590 : i32 to index
      %swap3A_2592 = arith.constant 0 : index
      %swap3A_2593 = tpu.vector_load %arg8[%swap3A_2591, %swap3A_2592] {strides = array<i32>} : memref<128x128xf32, #tpu.memory_space<vmem>>, vector<1x16xf32>,
      %swap3A_2594 = vector.shape_cast %swap3A_2593 : vector<1x16xf32> to vector<16xf32>
      %swap3A_2595 = vector.shape_cast %get3A_2589 : vector<16xf32> to vector<1x16xf32>
      tpu.vector_store %arg8[%swap3A_2591, %swap3A_2592], %swap3A_2595 {strides = array<i32>} : memref<128x128xf32, #tpu.memory_space<vmem>>, vector<1x16xf32>,
      %get3A_2596 = arith.constant 1 : i32
      %get3A_2597 = arith.constant 8 : i32
      %get3A_2598 = arith.index_cast %get3A_2596 : i32 to index
      %get3A_2599 = arith.index_cast %get3A_2597 : i32 to index
      %get3A_2600 = arith.constant 0 : index
      %get3A_2601 = tpu.vector_load %arg7[%get3A_2598, %get3A_2599, %get3A_2600] {strides = array<i32>} : memref<2x16x128xf32, #tpu.memory_space<vmem>>, vector<1x1x16xf32>,
      %get3A_2602 = vector.shape_cast %get3A_2601 : vector<1x1x16xf32> to vector<16xf32>
      %swap3A_2603 = arith.constant 64 : i32
      %swap3A_2604 = arith.index_cast %swap3A_2603 : i32 to index
      %swap3A_2605 = arith.constant 0 : index
      %swap3A_2606 = tpu.vector_load %arg8[%swap3A_2604, %swap3A_2605] {strides = array<i32>} : memref<128x128xf32, #tpu.memory_space<vmem>>, vector<1x16xf32>,
      %swap3A_2607 = vector.shape_cast %swap3A_2606 : vector<1x16xf32> to vector<16xf32>
      %swap3A_2608 = vector.shape_cast %get3A_2602 : vector<16xf32> to vector<1x16xf32>
      tpu.vector_store %arg8[%swap3A_2604, %swap3A_2605], %swap3A_2608 {strides = array<i32>} : memref<128x128xf32, #tpu.memory_space<vmem>>, vector<1x16xf32>,
      %get3A_2609 = arith.constant 1 : i32
      %get3A_2610 = arith.constant 8 : i32
      %get3A_2611 = arith.index_cast %get3A_2609 : i32 to index
      %get3A_2612 = arith.index_cast %get3A_2610 : i32 to index
      %get3A_2613 = arith.constant 16 : index
      %get3A_2614 = tpu.vector_load %arg7[%get3A_2611, %get3A_2612, %get3A_2613] {strides = array<i32>} : memref<2x16x128xf32, #tpu.memory_space<vmem>>, vector<1x1x16xf32>,
      %get3A_2615 = vector.shape_cast %get3A_2614 : vector<1x1x16xf32> to vector<16xf32>
      %swap3A_2616 = arith.constant 65 : i32
      %swap3A_2617 = arith.index_cast %swap3A_2616 : i32 to index
      %swap3A_2618 = arith.constant 0 : index
      %swap3A_2619 = tpu.vector_load %arg8[%swap3A_2617, %swap3A_2618] {strides = array<i32>} : memref<128x128xf32, #tpu.memory_space<vmem>>, vector<1x16xf32>,
      %swap3A_2620 = vector.shape_cast %swap3A_2619 : vector<1x16xf32> to vector<16xf32>
      %swap3A_2621 = vector.shape_cast %get3A_2615 : vector<16xf32> to vector<1x16xf32>
      tpu.vector_store %arg8[%swap3A_2617, %swap3A_2618], %swap3A_2621 {strides = array<i32>} : memref<128x128xf32, #tpu.memory_space<vmem>>, vector<1x16xf32>,
      %get3A_2622 = arith.constant 1 : i32
      %get3A_2623 = arith.constant 8 : i32
      %get3A_2624 = arith.index_cast %get3A_2622 : i32 to index
      %get3A_2625 = arith.index_cast %get3A_2623 : i32 to index
      %get3A_2626 = arith.constant 32 : index
      %get3A_2627 = tpu.vector_load %arg7[%get3A_2624, %get3A_2625, %get3A_2626] {strides = array<i32>} : memref<2x16x128xf32, #tpu.memory_space<vmem>>, vector<1x1x16xf32>,
      %get3A_2628 = vector.shape_cast %get3A_2627 : vector<1x1x16xf32> to vector<16xf32>
      %swap3A_2629 = arith.constant 66 : i32
      %swap3A_2630 = arith.index_cast %swap3A_2629 : i32 to index
      %swap3A_2631 = arith.constant 0 : index
      %swap3A_2632 = tpu.vector_load %arg8[%swap3A_2630, %swap3A_2631] {strides = array<i32>} : memref<128x128xf32, #tpu.memory_space<vmem>>, vector<1x16xf32>,
      %swap3A_2633 = vector.shape_cast %swap3A_2632 : vector<1x16xf32> to vector<16xf32>
      %swap3A_2634 = vector.shape_cast %get3A_2628 : vector<16xf32> to vector<1x16xf32>
      tpu.vector_store %arg8[%swap3A_2630, %swap3A_2631], %swap3A_2634 {strides = array<i32>} : memref<128x128xf32, #tpu.memory_space<vmem>>, vector<1x16xf32>,
      %get3A_2635 = arith.constant 1 : i32
      %get3A_2636 = arith.constant 8 : i32
      %get3A_2637 = arith.index_cast %get3A_2635 : i32 to index
      %get3A_2638 = arith.index_cast %get3A_2636 : i32 to index
      %get3A_2639 = arith.constant 48 : index
      %get3A_2640 = tpu.vector_load %arg7[%get3A_2637, %get3A_2638, %get3A_2639] {strides = array<i32>} : memref<2x16x128xf32, #tpu.memory_space<vmem>>, vector<1x1x16xf32>,
      %get3A_2641 = vector.shape_cast %get3A_2640 : vector<1x1x16xf32> to vector<16xf32>
      %swap3A_2642 = arith.constant 67 : i32
      %swap3A_2643 = arith.index_cast %swap3A_2642 : i32 to index
      %swap3A_2644 = arith.constant 0 : index
      %swap3A_2645 = tpu.vector_load %arg8[%swap3A_2643, %swap3A_2644] {strides = array<i32>} : memref<128x128xf32, #tpu.memory_space<vmem>>, vector<1x16xf32>,
      %swap3A_2646 = vector.shape_cast %swap3A_2645 : vector<1x16xf32> to vector<16xf32>
      %swap3A_2647 = vector.shape_cast %get3A_2641 : vector<16xf32> to vector<1x16xf32>
      tpu.vector_store %arg8[%swap3A_2643, %swap3A_2644], %swap3A_2647 {strides = array<i32>} : memref<128x128xf32, #tpu.memory_space<vmem>>, vector<1x16xf32>,
      %get3A_2648 = arith.constant 1 : i32
      %get3A_2649 = arith.constant 8 : i32
      %get3A_2650 = arith.index_cast %get3A_2648 : i32 to index
      %get3A_2651 = arith.index_cast %get3A_2649 : i32 to index
      %get3A_2652 = arith.constant 64 : index
      %get3A_2653 = tpu.vector_load %arg7[%get3A_2650, %get3A_2651, %get3A_2652] {strides = array<i32>} : memref<2x16x128xf32, #tpu.memory_space<vmem>>, vector<1x1x16xf32>,
      %get3A_2654 = vector.shape_cast %get3A_2653 : vector<1x1x16xf32> to vector<16xf32>
      %swap3A_2655 = arith.constant 68 : i32
      %swap3A_2656 = arith.index_cast %swap3A_2655 : i32 to index
      %swap3A_2657 = arith.constant 0 : index
      %swap3A_2658 = tpu.vector_load %arg8[%swap3A_2656, %swap3A_2657] {strides = array<i32>} : memref<128x128xf32, #tpu.memory_space<vmem>>, vector<1x16xf32>,
      %swap3A_2659 = vector.shape_cast %swap3A_2658 : vector<1x16xf32> to vector<16xf32>
      %swap3A_2660 = vector.shape_cast %get3A_2654 : vector<16xf32> to vector<1x16xf32>
      tpu.vector_store %arg8[%swap3A_2656, %swap3A_2657], %swap3A_2660 {strides = array<i32>} : memref<128x128xf32, #tpu.memory_space<vmem>>, vector<1x16xf32>,
      %get3A_2661 = arith.constant 1 : i32
      %get3A_2662 = arith.constant 8 : i32
      %get3A_2663 = arith.index_cast %get3A_2661 : i32 to index
      %get3A_2664 = arith.index_cast %get3A_2662 : i32 to index
      %get3A_2665 = arith.constant 80 : index
      %get3A_2666 = tpu.vector_load %arg7[%get3A_2663, %get3A_2664, %get3A_2665] {strides = array<i32>} : memref<2x16x128xf32, #tpu.memory_space<vmem>>, vector<1x1x16xf32>,
      %get3A_2667 = vector.shape_cast %get3A_2666 : vector<1x1x16xf32> to vector<16xf32>
      %swap3A_2668 = arith.constant 69 : i32
      %swap3A_2669 = arith.index_cast %swap3A_2668 : i32 to index
      %swap3A_2670 = arith.constant 0 : index
      %swap3A_2671 = tpu.vector_load %arg8[%swap3A_2669, %swap3A_2670] {strides = array<i32>} : memref<128x128xf32, #tpu.memory_space<vmem>>, vector<1x16xf32>,
      %swap3A_2672 = vector.shape_cast %swap3A_2671 : vector<1x16xf32> to vector<16xf32>
      %swap3A_2673 = vector.shape_cast %get3A_2667 : vector<16xf32> to vector<1x16xf32>
      tpu.vector_store %arg8[%swap3A_2669, %swap3A_2670], %swap3A_2673 {strides = array<i32>} : memref<128x128xf32, #tpu.memory_space<vmem>>, vector<1x16xf32>,
      %get3A_2674 = arith.constant 1 : i32
      %get3A_2675 = arith.constant 8 : i32
      %get3A_2676 = arith.index_cast %get3A_2674 : i32 to index
      %get3A_2677 = arith.index_cast %get3A_2675 : i32 to index
      %get3A_2678 = arith.constant 96 : index
      %get3A_2679 = tpu.vector_load %arg7[%get3A_2676, %get3A_2677, %get3A_2678] {strides = array<i32>} : memref<2x16x128xf32, #tpu.memory_space<vmem>>, vector<1x1x16xf32>,
      %get3A_2680 = vector.shape_cast %get3A_2679 : vector<1x1x16xf32> to vector<16xf32>
      %swap3A_2681 = arith.constant 70 : i32
      %swap3A_2682 = arith.index_cast %swap3A_2681 : i32 to index
      %swap3A_2683 = arith.constant 0 : index
      %swap3A_2684 = tpu.vector_load %arg8[%swap3A_2682, %swap3A_2683] {strides = array<i32>} : memref<128x128xf32, #tpu.memory_space<vmem>>, vector<1x16xf32>,
      %swap3A_2685 = vector.shape_cast %swap3A_2684 : vector<1x16xf32> to vector<16xf32>
      %swap3A_2686 = vector.shape_cast %get3A_2680 : vector<16xf32> to vector<1x16xf32>
      tpu.vector_store %arg8[%swap3A_2682, %swap3A_2683], %swap3A_2686 {strides = array<i32>} : memref<128x128xf32, #tpu.memory_space<vmem>>, vector<1x16xf32>,
      %get3A_2687 = arith.constant 1 : i32
      %get3A_2688 = arith.constant 8 : i32
      %get3A_2689 = arith.index_cast %get3A_2687 : i32 to index
      %get3A_2690 = arith.index_cast %get3A_2688 : i32 to index
      %get3A_2691 = arith.constant 112 : index
      %get3A_2692 = tpu.vector_load %arg7[%get3A_2689, %get3A_2690, %get3A_2691] {strides = array<i32>} : memref<2x16x128xf32, #tpu.memory_space<vmem>>, vector<1x1x16xf32>,
      %get3A_2693 = vector.shape_cast %get3A_2692 : vector<1x1x16xf32> to vector<16xf32>
      %swap3A_2694 = arith.constant 71 : i32
      %swap3A_2695 = arith.index_cast %swap3A_2694 : i32 to index
      %swap3A_2696 = arith.constant 0 : index
      %swap3A_2697 = tpu.vector_load %arg8[%swap3A_2695, %swap3A_2696] {strides = array<i32>} : memref<128x128xf32, #tpu.memory_space<vmem>>, vector<1x16xf32>,
      %swap3A_2698 = vector.shape_cast %swap3A_2697 : vector<1x16xf32> to vector<16xf32>
      %swap3A_2699 = vector.shape_cast %get3A_2693 : vector<16xf32> to vector<1x16xf32>
      tpu.vector_store %arg8[%swap3A_2695, %swap3A_2696], %swap3A_2699 {strides = array<i32>} : memref<128x128xf32, #tpu.memory_space<vmem>>, vector<1x16xf32>,
      %get3A_2700 = arith.constant 1 : i32
      %get3A_2701 = arith.constant 9 : i32
      %get3A_2702 = arith.index_cast %get3A_2700 : i32 to index
      %get3A_2703 = arith.index_cast %get3A_2701 : i32 to index
      %get3A_2704 = arith.constant 0 : index
      %get3A_2705 = tpu.vector_load %arg7[%get3A_2702, %get3A_2703, %get3A_2704] {strides = array<i32>} : memref<2x16x128xf32, #tpu.memory_space<vmem>>, vector<1x1x16xf32>,
      %get3A_2706 = vector.shape_cast %get3A_2705 : vector<1x1x16xf32> to vector<16xf32>
      %swap3A_2707 = arith.constant 72 : i32
      %swap3A_2708 = arith.index_cast %swap3A_2707 : i32 to index
      %swap3A_2709 = arith.constant 0 : index
      %swap3A_2710 = tpu.vector_load %arg8[%swap3A_2708, %swap3A_2709] {strides = array<i32>} : memref<128x128xf32, #tpu.memory_space<vmem>>, vector<1x16xf32>,
      %swap3A_2711 = vector.shape_cast %swap3A_2710 : vector<1x16xf32> to vector<16xf32>
      %swap3A_2712 = vector.shape_cast %get3A_2706 : vector<16xf32> to vector<1x16xf32>
      tpu.vector_store %arg8[%swap3A_2708, %swap3A_2709], %swap3A_2712 {strides = array<i32>} : memref<128x128xf32, #tpu.memory_space<vmem>>, vector<1x16xf32>,
      %get3A_2713 = arith.constant 1 : i32
      %get3A_2714 = arith.constant 9 : i32
      %get3A_2715 = arith.index_cast %get3A_2713 : i32 to index
      %get3A_2716 = arith.index_cast %get3A_2714 : i32 to index
      %get3A_2717 = arith.constant 16 : index
      %get3A_2718 = tpu.vector_load %arg7[%get3A_2715, %get3A_2716, %get3A_2717] {strides = array<i32>} : memref<2x16x128xf32, #tpu.memory_space<vmem>>, vector<1x1x16xf32>,
      %get3A_2719 = vector.shape_cast %get3A_2718 : vector<1x1x16xf32> to vector<16xf32>
      %swap3A_2720 = arith.constant 73 : i32
      %swap3A_2721 = arith.index_cast %swap3A_2720 : i32 to index
      %swap3A_2722 = arith.constant 0 : index
      %swap3A_2723 = tpu.vector_load %arg8[%swap3A_2721, %swap3A_2722] {strides = array<i32>} : memref<128x128xf32, #tpu.memory_space<vmem>>, vector<1x16xf32>,
      %swap3A_2724 = vector.shape_cast %swap3A_2723 : vector<1x16xf32> to vector<16xf32>
      %swap3A_2725 = vector.shape_cast %get3A_2719 : vector<16xf32> to vector<1x16xf32>
      tpu.vector_store %arg8[%swap3A_2721, %swap3A_2722], %swap3A_2725 {strides = array<i32>} : memref<128x128xf32, #tpu.memory_space<vmem>>, vector<1x16xf32>,
      %get3A_2726 = arith.constant 1 : i32
      %get3A_2727 = arith.constant 9 : i32
      %get3A_2728 = arith.index_cast %get3A_2726 : i32 to index
      %get3A_2729 = arith.index_cast %get3A_2727 : i32 to index
      %get3A_2730 = arith.constant 32 : index
      %get3A_2731 = tpu.vector_load %arg7[%get3A_2728, %get3A_2729, %get3A_2730] {strides = array<i32>} : memref<2x16x128xf32, #tpu.memory_space<vmem>>, vector<1x1x16xf32>,
      %get3A_2732 = vector.shape_cast %get3A_2731 : vector<1x1x16xf32> to vector<16xf32>
      %swap3A_2733 = arith.constant 74 : i32
      %swap3A_2734 = arith.index_cast %swap3A_2733 : i32 to index
      %swap3A_2735 = arith.constant 0 : index
      %swap3A_2736 = tpu.vector_load %arg8[%swap3A_2734, %swap3A_2735] {strides = array<i32>} : memref<128x128xf32, #tpu.memory_space<vmem>>, vector<1x16xf32>,
      %swap3A_2737 = vector.shape_cast %swap3A_2736 : vector<1x16xf32> to vector<16xf32>
      %swap3A_2738 = vector.shape_cast %get3A_2732 : vector<16xf32> to vector<1x16xf32>
      tpu.vector_store %arg8[%swap3A_2734, %swap3A_2735], %swap3A_2738 {strides = array<i32>} : memref<128x128xf32, #tpu.memory_space<vmem>>, vector<1x16xf32>,
      %get3A_2739 = arith.constant 1 : i32
      %get3A_2740 = arith.constant 9 : i32
      %get3A_2741 = arith.index_cast %get3A_2739 : i32 to index
      %get3A_2742 = arith.index_cast %get3A_2740 : i32 to index
      %get3A_2743 = arith.constant 48 : index
      %get3A_2744 = tpu.vector_load %arg7[%get3A_2741, %get3A_2742, %get3A_2743] {strides = array<i32>} : memref<2x16x128xf32, #tpu.memory_space<vmem>>, vector<1x1x16xf32>,
      %get3A_2745 = vector.shape_cast %get3A_2744 : vector<1x1x16xf32> to vector<16xf32>
      %swap3A_2746 = arith.constant 75 : i32
      %swap3A_2747 = arith.index_cast %swap3A_2746 : i32 to index
      %swap3A_2748 = arith.constant 0 : index
      %swap3A_2749 = tpu.vector_load %arg8[%swap3A_2747, %swap3A_2748] {strides = array<i32>} : memref<128x128xf32, #tpu.memory_space<vmem>>, vector<1x16xf32>,
      %swap3A_2750 = vector.shape_cast %swap3A_2749 : vector<1x16xf32> to vector<16xf32>
      %swap3A_2751 = vector.shape_cast %get3A_2745 : vector<16xf32> to vector<1x16xf32>
      tpu.vector_store %arg8[%swap3A_2747, %swap3A_2748], %swap3A_2751 {strides = array<i32>} : memref<128x128xf32, #tpu.memory_space<vmem>>, vector<1x16xf32>,
      %get3A_2752 = arith.constant 1 : i32
      %get3A_2753 = arith.constant 9 : i32
      %get3A_2754 = arith.index_cast %get3A_2752 : i32 to index
      %get3A_2755 = arith.index_cast %get3A_2753 : i32 to index
      %get3A_2756 = arith.constant 64 : index
      %get3A_2757 = tpu.vector_load %arg7[%get3A_2754, %get3A_2755, %get3A_2756] {strides = array<i32>} : memref<2x16x128xf32, #tpu.memory_space<vmem>>, vector<1x1x16xf32>,
      %get3A_2758 = vector.shape_cast %get3A_2757 : vector<1x1x16xf32> to vector<16xf32>
      %swap3A_2759 = arith.constant 76 : i32
      %swap3A_2760 = arith.index_cast %swap3A_2759 : i32 to index
      %swap3A_2761 = arith.constant 0 : index
      %swap3A_2762 = tpu.vector_load %arg8[%swap3A_2760, %swap3A_2761] {strides = array<i32>} : memref<128x128xf32, #tpu.memory_space<vmem>>, vector<1x16xf32>,
      %swap3A_2763 = vector.shape_cast %swap3A_2762 : vector<1x16xf32> to vector<16xf32>
      %swap3A_2764 = vector.shape_cast %get3A_2758 : vector<16xf32> to vector<1x16xf32>
      tpu.vector_store %arg8[%swap3A_2760, %swap3A_2761], %swap3A_2764 {strides = array<i32>} : memref<128x128xf32, #tpu.memory_space<vmem>>, vector<1x16xf32>,
      %get3A_2765 = arith.constant 1 : i32
      %get3A_2766 = arith.constant 9 : i32
      %get3A_2767 = arith.index_cast %get3A_2765 : i32 to index
      %get3A_2768 = arith.index_cast %get3A_2766 : i32 to index
      %get3A_2769 = arith.constant 80 : index
      %get3A_2770 = tpu.vector_load %arg7[%get3A_2767, %get3A_2768, %get3A_2769] {strides = array<i32>} : memref<2x16x128xf32, #tpu.memory_space<vmem>>, vector<1x1x16xf32>,
      %get3A_2771 = vector.shape_cast %get3A_2770 : vector<1x1x16xf32> to vector<16xf32>
      %swap3A_2772 = arith.constant 77 : i32
      %swap3A_2773 = arith.index_cast %swap3A_2772 : i32 to index
      %swap3A_2774 = arith.constant 0 : index
      %swap3A_2775 = tpu.vector_load %arg8[%swap3A_2773, %swap3A_2774] {strides = array<i32>} : memref<128x128xf32, #tpu.memory_space<vmem>>, vector<1x16xf32>,
      %swap3A_2776 = vector.shape_cast %swap3A_2775 : vector<1x16xf32> to vector<16xf32>
      %swap3A_2777 = vector.shape_cast %get3A_2771 : vector<16xf32> to vector<1x16xf32>
      tpu.vector_store %arg8[%swap3A_2773, %swap3A_2774], %swap3A_2777 {strides = array<i32>} : memref<128x128xf32, #tpu.memory_space<vmem>>, vector<1x16xf32>,
      %get3A_2778 = arith.constant 1 : i32
      %get3A_2779 = arith.constant 9 : i32
      %get3A_2780 = arith.index_cast %get3A_2778 : i32 to index
      %get3A_2781 = arith.index_cast %get3A_2779 : i32 to index
      %get3A_2782 = arith.constant 96 : index
      %get3A_2783 = tpu.vector_load %arg7[%get3A_2780, %get3A_2781, %get3A_2782] {strides = array<i32>} : memref<2x16x128xf32, #tpu.memory_space<vmem>>, vector<1x1x16xf32>,
      %get3A_2784 = vector.shape_cast %get3A_2783 : vector<1x1x16xf32> to vector<16xf32>
      %swap3A_2785 = arith.constant 78 : i32
      %swap3A_2786 = arith.index_cast %swap3A_2785 : i32 to index
      %swap3A_2787 = arith.constant 0 : index
      %swap3A_2788 = tpu.vector_load %arg8[%swap3A_2786, %swap3A_2787] {strides = array<i32>} : memref<128x128xf32, #tpu.memory_space<vmem>>, vector<1x16xf32>,
      %swap3A_2789 = vector.shape_cast %swap3A_2788 : vector<1x16xf32> to vector<16xf32>
      %swap3A_2790 = vector.shape_cast %get3A_2784 : vector<16xf32> to vector<1x16xf32>
      tpu.vector_store %arg8[%swap3A_2786, %swap3A_2787], %swap3A_2790 {strides = array<i32>} : memref<128x128xf32, #tpu.memory_space<vmem>>, vector<1x16xf32>,
      %get3A_2791 = arith.constant 1 : i32
      %get3A_2792 = arith.constant 9 : i32
      %get3A_2793 = arith.index_cast %get3A_2791 : i32 to index
      %get3A_2794 = arith.index_cast %get3A_2792 : i32 to index
      %get3A_2795 = arith.constant 112 : index
      %get3A_2796 = tpu.vector_load %arg7[%get3A_2793, %get3A_2794, %get3A_2795] {strides = array<i32>} : memref<2x16x128xf32, #tpu.memory_space<vmem>>, vector<1x1x16xf32>,
      %get3A_2797 = vector.shape_cast %get3A_2796 : vector<1x1x16xf32> to vector<16xf32>
      %swap3A_2798 = arith.constant 79 : i32
      %swap3A_2799 = arith.index_cast %swap3A_2798 : i32 to index
      %swap3A_2800 = arith.constant 0 : index
      %swap3A_2801 = tpu.vector_load %arg8[%swap3A_2799, %swap3A_2800] {strides = array<i32>} : memref<128x128xf32, #tpu.memory_space<vmem>>, vector<1x16xf32>,
      %swap3A_2802 = vector.shape_cast %swap3A_2801 : vector<1x16xf32> to vector<16xf32>
      %swap3A_2803 = vector.shape_cast %get3A_2797 : vector<16xf32> to vector<1x16xf32>
      tpu.vector_store %arg8[%swap3A_2799, %swap3A_2800], %swap3A_2803 {strides = array<i32>} : memref<128x128xf32, #tpu.memory_space<vmem>>, vector<1x16xf32>,
      %get3A_2804 = arith.constant 1 : i32
      %get3A_2805 = arith.constant 10 : i32
      %get3A_2806 = arith.index_cast %get3A_2804 : i32 to index
      %get3A_2807 = arith.index_cast %get3A_2805 : i32 to index
      %get3A_2808 = arith.constant 0 : index
      %get3A_2809 = tpu.vector_load %arg7[%get3A_2806, %get3A_2807, %get3A_2808] {strides = array<i32>} : memref<2x16x128xf32, #tpu.memory_space<vmem>>, vector<1x1x16xf32>,
      %get3A_2810 = vector.shape_cast %get3A_2809 : vector<1x1x16xf32> to vector<16xf32>
      %swap3A_2811 = arith.constant 80 : i32
      %swap3A_2812 = arith.index_cast %swap3A_2811 : i32 to index
      %swap3A_2813 = arith.constant 0 : index
      %swap3A_2814 = tpu.vector_load %arg8[%swap3A_2812, %swap3A_2813] {strides = array<i32>} : memref<128x128xf32, #tpu.memory_space<vmem>>, vector<1x16xf32>,
      %swap3A_2815 = vector.shape_cast %swap3A_2814 : vector<1x16xf32> to vector<16xf32>
      %swap3A_2816 = vector.shape_cast %get3A_2810 : vector<16xf32> to vector<1x16xf32>
      tpu.vector_store %arg8[%swap3A_2812, %swap3A_2813], %swap3A_2816 {strides = array<i32>} : memref<128x128xf32, #tpu.memory_space<vmem>>, vector<1x16xf32>,
      %get3A_2817 = arith.constant 1 : i32
      %get3A_2818 = arith.constant 10 : i32
      %get3A_2819 = arith.index_cast %get3A_2817 : i32 to index
      %get3A_2820 = arith.index_cast %get3A_2818 : i32 to index
      %get3A_2821 = arith.constant 16 : index
      %get3A_2822 = tpu.vector_load %arg7[%get3A_2819, %get3A_2820, %get3A_2821] {strides = array<i32>} : memref<2x16x128xf32, #tpu.memory_space<vmem>>, vector<1x1x16xf32>,
      %get3A_2823 = vector.shape_cast %get3A_2822 : vector<1x1x16xf32> to vector<16xf32>
      %swap3A_2824 = arith.constant 81 : i32
      %swap3A_2825 = arith.index_cast %swap3A_2824 : i32 to index
      %swap3A_2826 = arith.constant 0 : index
      %swap3A_2827 = tpu.vector_load %arg8[%swap3A_2825, %swap3A_2826] {strides = array<i32>} : memref<128x128xf32, #tpu.memory_space<vmem>>, vector<1x16xf32>,
      %swap3A_2828 = vector.shape_cast %swap3A_2827 : vector<1x16xf32> to vector<16xf32>
      %swap3A_2829 = vector.shape_cast %get3A_2823 : vector<16xf32> to vector<1x16xf32>
      tpu.vector_store %arg8[%swap3A_2825, %swap3A_2826], %swap3A_2829 {strides = array<i32>} : memref<128x128xf32, #tpu.memory_space<vmem>>, vector<1x16xf32>,
      %get3A_2830 = arith.constant 1 : i32
      %get3A_2831 = arith.constant 10 : i32
      %get3A_2832 = arith.index_cast %get3A_2830 : i32 to index
      %get3A_2833 = arith.index_cast %get3A_2831 : i32 to index
      %get3A_2834 = arith.constant 32 : index
      %get3A_2835 = tpu.vector_load %arg7[%get3A_2832, %get3A_2833, %get3A_2834] {strides = array<i32>} : memref<2x16x128xf32, #tpu.memory_space<vmem>>, vector<1x1x16xf32>,
      %get3A_2836 = vector.shape_cast %get3A_2835 : vector<1x1x16xf32> to vector<16xf32>
      %swap3A_2837 = arith.constant 82 : i32
      %swap3A_2838 = arith.index_cast %swap3A_2837 : i32 to index
      %swap3A_2839 = arith.constant 0 : index
      %swap3A_2840 = tpu.vector_load %arg8[%swap3A_2838, %swap3A_2839] {strides = array<i32>} : memref<128x128xf32, #tpu.memory_space<vmem>>, vector<1x16xf32>,
      %swap3A_2841 = vector.shape_cast %swap3A_2840 : vector<1x16xf32> to vector<16xf32>
      %swap3A_2842 = vector.shape_cast %get3A_2836 : vector<16xf32> to vector<1x16xf32>
      tpu.vector_store %arg8[%swap3A_2838, %swap3A_2839], %swap3A_2842 {strides = array<i32>} : memref<128x128xf32, #tpu.memory_space<vmem>>, vector<1x16xf32>,
      %get3A_2843 = arith.constant 1 : i32
      %get3A_2844 = arith.constant 10 : i32
      %get3A_2845 = arith.index_cast %get3A_2843 : i32 to index
      %get3A_2846 = arith.index_cast %get3A_2844 : i32 to index
      %get3A_2847 = arith.constant 48 : index
      %get3A_2848 = tpu.vector_load %arg7[%get3A_2845, %get3A_2846, %get3A_2847] {strides = array<i32>} : memref<2x16x128xf32, #tpu.memory_space<vmem>>, vector<1x1x16xf32>,
      %get3A_2849 = vector.shape_cast %get3A_2848 : vector<1x1x16xf32> to vector<16xf32>
      %swap3A_2850 = arith.constant 83 : i32
      %swap3A_2851 = arith.index_cast %swap3A_2850 : i32 to index
      %swap3A_2852 = arith.constant 0 : index
      %swap3A_2853 = tpu.vector_load %arg8[%swap3A_2851, %swap3A_2852] {strides = array<i32>} : memref<128x128xf32, #tpu.memory_space<vmem>>, vector<1x16xf32>,
      %swap3A_2854 = vector.shape_cast %swap3A_2853 : vector<1x16xf32> to vector<16xf32>
      %swap3A_2855 = vector.shape_cast %get3A_2849 : vector<16xf32> to vector<1x16xf32>
      tpu.vector_store %arg8[%swap3A_2851, %swap3A_2852], %swap3A_2855 {strides = array<i32>} : memref<128x128xf32, #tpu.memory_space<vmem>>, vector<1x16xf32>,
      %get3A_2856 = arith.constant 1 : i32
      %get3A_2857 = arith.constant 10 : i32
      %get3A_2858 = arith.index_cast %get3A_2856 : i32 to index
      %get3A_2859 = arith.index_cast %get3A_2857 : i32 to index
      %get3A_2860 = arith.constant 64 : index
      %get3A_2861 = tpu.vector_load %arg7[%get3A_2858, %get3A_2859, %get3A_2860] {strides = array<i32>} : memref<2x16x128xf32, #tpu.memory_space<vmem>>, vector<1x1x16xf32>,
      %get3A_2862 = vector.shape_cast %get3A_2861 : vector<1x1x16xf32> to vector<16xf32>
      %swap3A_2863 = arith.constant 84 : i32
      %swap3A_2864 = arith.index_cast %swap3A_2863 : i32 to index
      %swap3A_2865 = arith.constant 0 : index
      %swap3A_2866 = tpu.vector_load %arg8[%swap3A_2864, %swap3A_2865] {strides = array<i32>} : memref<128x128xf32, #tpu.memory_space<vmem>>, vector<1x16xf32>,
      %swap3A_2867 = vector.shape_cast %swap3A_2866 : vector<1x16xf32> to vector<16xf32>
      %swap3A_2868 = vector.shape_cast %get3A_2862 : vector<16xf32> to vector<1x16xf32>
      tpu.vector_store %arg8[%swap3A_2864, %swap3A_2865], %swap3A_2868 {strides = array<i32>} : memref<128x128xf32, #tpu.memory_space<vmem>>, vector<1x16xf32>,
      %get3A_2869 = arith.constant 1 : i32
      %get3A_2870 = arith.constant 10 : i32
      %get3A_2871 = arith.index_cast %get3A_2869 : i32 to index
      %get3A_2872 = arith.index_cast %get3A_2870 : i32 to index
      %get3A_2873 = arith.constant 80 : index
      %get3A_2874 = tpu.vector_load %arg7[%get3A_2871, %get3A_2872, %get3A_2873] {strides = array<i32>} : memref<2x16x128xf32, #tpu.memory_space<vmem>>, vector<1x1x16xf32>,
      %get3A_2875 = vector.shape_cast %get3A_2874 : vector<1x1x16xf32> to vector<16xf32>
      %swap3A_2876 = arith.constant 85 : i32
      %swap3A_2877 = arith.index_cast %swap3A_2876 : i32 to index
      %swap3A_2878 = arith.constant 0 : index
      %swap3A_2879 = tpu.vector_load %arg8[%swap3A_2877, %swap3A_2878] {strides = array<i32>} : memref<128x128xf32, #tpu.memory_space<vmem>>, vector<1x16xf32>,
      %swap3A_2880 = vector.shape_cast %swap3A_2879 : vector<1x16xf32> to vector<16xf32>
      %swap3A_2881 = vector.shape_cast %get3A_2875 : vector<16xf32> to vector<1x16xf32>
      tpu.vector_store %arg8[%swap3A_2877, %swap3A_2878], %swap3A_2881 {strides = array<i32>} : memref<128x128xf32, #tpu.memory_space<vmem>>, vector<1x16xf32>,
      %get3A_2882 = arith.constant 1 : i32
      %get3A_2883 = arith.constant 10 : i32
      %get3A_2884 = arith.index_cast %get3A_2882 : i32 to index
      %get3A_2885 = arith.index_cast %get3A_2883 : i32 to index
      %get3A_2886 = arith.constant 96 : index
      %get3A_2887 = tpu.vector_load %arg7[%get3A_2884, %get3A_2885, %get3A_2886] {strides = array<i32>} : memref<2x16x128xf32, #tpu.memory_space<vmem>>, vector<1x1x16xf32>,
      %get3A_2888 = vector.shape_cast %get3A_2887 : vector<1x1x16xf32> to vector<16xf32>
      %swap3A_2889 = arith.constant 86 : i32
      %swap3A_2890 = arith.index_cast %swap3A_2889 : i32 to index
      %swap3A_2891 = arith.constant 0 : index
      %swap3A_2892 = tpu.vector_load %arg8[%swap3A_2890, %swap3A_2891] {strides = array<i32>} : memref<128x128xf32, #tpu.memory_space<vmem>>, vector<1x16xf32>,
      %swap3A_2893 = vector.shape_cast %swap3A_2892 : vector<1x16xf32> to vector<16xf32>
      %swap3A_2894 = vector.shape_cast %get3A_2888 : vector<16xf32> to vector<1x16xf32>
      tpu.vector_store %arg8[%swap3A_2890, %swap3A_2891], %swap3A_2894 {strides = array<i32>} : memref<128x128xf32, #tpu.memory_space<vmem>>, vector<1x16xf32>,
      %get3A_2895 = arith.constant 1 : i32
      %get3A_2896 = arith.constant 10 : i32
      %get3A_2897 = arith.index_cast %get3A_2895 : i32 to index
      %get3A_2898 = arith.index_cast %get3A_2896 : i32 to index
      %get3A_2899 = arith.constant 112 : index
      %get3A_2900 = tpu.vector_load %arg7[%get3A_2897, %get3A_2898, %get3A_2899] {strides = array<i32>} : memref<2x16x128xf32, #tpu.memory_space<vmem>>, vector<1x1x16xf32>,
      %get3A_2901 = vector.shape_cast %get3A_2900 : vector<1x1x16xf32> to vector<16xf32>
      %swap3A_2902 = arith.constant 87 : i32
      %swap3A_2903 = arith.index_cast %swap3A_2902 : i32 to index
      %swap3A_2904 = arith.constant 0 : index
      %swap3A_2905 = tpu.vector_load %arg8[%swap3A_2903, %swap3A_2904] {strides = array<i32>} : memref<128x128xf32, #tpu.memory_space<vmem>>, vector<1x16xf32>,
      %swap3A_2906 = vector.shape_cast %swap3A_2905 : vector<1x16xf32> to vector<16xf32>
      %swap3A_2907 = vector.shape_cast %get3A_2901 : vector<16xf32> to vector<1x16xf32>
      tpu.vector_store %arg8[%swap3A_2903, %swap3A_2904], %swap3A_2907 {strides = array<i32>} : memref<128x128xf32, #tpu.memory_space<vmem>>, vector<1x16xf32>,
      %get3A_2908 = arith.constant 1 : i32
      %get3A_2909 = arith.constant 11 : i32
      %get3A_2910 = arith.index_cast %get3A_2908 : i32 to index
      %get3A_2911 = arith.index_cast %get3A_2909 : i32 to index
      %get3A_2912 = arith.constant 0 : index
      %get3A_2913 = tpu.vector_load %arg7[%get3A_2910, %get3A_2911, %get3A_2912] {strides = array<i32>} : memref<2x16x128xf32, #tpu.memory_space<vmem>>, vector<1x1x16xf32>,
      %get3A_2914 = vector.shape_cast %get3A_2913 : vector<1x1x16xf32> to vector<16xf32>
      %swap3A_2915 = arith.constant 88 : i32
      %swap3A_2916 = arith.index_cast %swap3A_2915 : i32 to index
      %swap3A_2917 = arith.constant 0 : index
      %swap3A_2918 = tpu.vector_load %arg8[%swap3A_2916, %swap3A_2917] {strides = array<i32>} : memref<128x128xf32, #tpu.memory_space<vmem>>, vector<1x16xf32>,
      %swap3A_2919 = vector.shape_cast %swap3A_2918 : vector<1x16xf32> to vector<16xf32>
      %swap3A_2920 = vector.shape_cast %get3A_2914 : vector<16xf32> to vector<1x16xf32>
      tpu.vector_store %arg8[%swap3A_2916, %swap3A_2917], %swap3A_2920 {strides = array<i32>} : memref<128x128xf32, #tpu.memory_space<vmem>>, vector<1x16xf32>,
      %get3A_2921 = arith.constant 1 : i32
      %get3A_2922 = arith.constant 11 : i32
      %get3A_2923 = arith.index_cast %get3A_2921 : i32 to index
      %get3A_2924 = arith.index_cast %get3A_2922 : i32 to index
      %get3A_2925 = arith.constant 16 : index
      %get3A_2926 = tpu.vector_load %arg7[%get3A_2923, %get3A_2924, %get3A_2925] {strides = array<i32>} : memref<2x16x128xf32, #tpu.memory_space<vmem>>, vector<1x1x16xf32>,
      %get3A_2927 = vector.shape_cast %get3A_2926 : vector<1x1x16xf32> to vector<16xf32>
      %swap3A_2928 = arith.constant 89 : i32
      %swap3A_2929 = arith.index_cast %swap3A_2928 : i32 to index
      %swap3A_2930 = arith.constant 0 : index
      %swap3A_2931 = tpu.vector_load %arg8[%swap3A_2929, %swap3A_2930] {strides = array<i32>} : memref<128x128xf32, #tpu.memory_space<vmem>>, vector<1x16xf32>,
      %swap3A_2932 = vector.shape_cast %swap3A_2931 : vector<1x16xf32> to vector<16xf32>
      %swap3A_2933 = vector.shape_cast %get3A_2927 : vector<16xf32> to vector<1x16xf32>
      tpu.vector_store %arg8[%swap3A_2929, %swap3A_2930], %swap3A_2933 {strides = array<i32>} : memref<128x128xf32, #tpu.memory_space<vmem>>, vector<1x16xf32>,
      %get3A_2934 = arith.constant 1 : i32
      %get3A_2935 = arith.constant 11 : i32
      %get3A_2936 = arith.index_cast %get3A_2934 : i32 to index
      %get3A_2937 = arith.index_cast %get3A_2935 : i32 to index
      %get3A_2938 = arith.constant 32 : index
      %get3A_2939 = tpu.vector_load %arg7[%get3A_2936, %get3A_2937, %get3A_2938] {strides = array<i32>} : memref<2x16x128xf32, #tpu.memory_space<vmem>>, vector<1x1x16xf32>,
      %get3A_2940 = vector.shape_cast %get3A_2939 : vector<1x1x16xf32> to vector<16xf32>
      %swap3A_2941 = arith.constant 90 : i32
      %swap3A_2942 = arith.index_cast %swap3A_2941 : i32 to index
      %swap3A_2943 = arith.constant 0 : index
      %swap3A_2944 = tpu.vector_load %arg8[%swap3A_2942, %swap3A_2943] {strides = array<i32>} : memref<128x128xf32, #tpu.memory_space<vmem>>, vector<1x16xf32>,
      %swap3A_2945 = vector.shape_cast %swap3A_2944 : vector<1x16xf32> to vector<16xf32>
      %swap3A_2946 = vector.shape_cast %get3A_2940 : vector<16xf32> to vector<1x16xf32>
      tpu.vector_store %arg8[%swap3A_2942, %swap3A_2943], %swap3A_2946 {strides = array<i32>} : memref<128x128xf32, #tpu.memory_space<vmem>>, vector<1x16xf32>,
      %get3A_2947 = arith.constant 1 : i32
      %get3A_2948 = arith.constant 11 : i32
      %get3A_2949 = arith.index_cast %get3A_2947 : i32 to index
      %get3A_2950 = arith.index_cast %get3A_2948 : i32 to index
      %get3A_2951 = arith.constant 48 : index
      %get3A_2952 = tpu.vector_load %arg7[%get3A_2949, %get3A_2950, %get3A_2951] {strides = array<i32>} : memref<2x16x128xf32, #tpu.memory_space<vmem>>, vector<1x1x16xf32>,
      %get3A_2953 = vector.shape_cast %get3A_2952 : vector<1x1x16xf32> to vector<16xf32>
      %swap3A_2954 = arith.constant 91 : i32
      %swap3A_2955 = arith.index_cast %swap3A_2954 : i32 to index
      %swap3A_2956 = arith.constant 0 : index
      %swap3A_2957 = tpu.vector_load %arg8[%swap3A_2955, %swap3A_2956] {strides = array<i32>} : memref<128x128xf32, #tpu.memory_space<vmem>>, vector<1x16xf32>,
      %swap3A_2958 = vector.shape_cast %swap3A_2957 : vector<1x16xf32> to vector<16xf32>
      %swap3A_2959 = vector.shape_cast %get3A_2953 : vector<16xf32> to vector<1x16xf32>
      tpu.vector_store %arg8[%swap3A_2955, %swap3A_2956], %swap3A_2959 {strides = array<i32>} : memref<128x128xf32, #tpu.memory_space<vmem>>, vector<1x16xf32>,
      %get3A_2960 = arith.constant 1 : i32
      %get3A_2961 = arith.constant 11 : i32
      %get3A_2962 = arith.index_cast %get3A_2960 : i32 to index
      %get3A_2963 = arith.index_cast %get3A_2961 : i32 to index
      %get3A_2964 = arith.constant 64 : index
      %get3A_2965 = tpu.vector_load %arg7[%get3A_2962, %get3A_2963, %get3A_2964] {strides = array<i32>} : memref<2x16x128xf32, #tpu.memory_space<vmem>>, vector<1x1x16xf32>,
      %get3A_2966 = vector.shape_cast %get3A_2965 : vector<1x1x16xf32> to vector<16xf32>
      %swap3A_2967 = arith.constant 92 : i32
      %swap3A_2968 = arith.index_cast %swap3A_2967 : i32 to index
      %swap3A_2969 = arith.constant 0 : index
      %swap3A_2970 = tpu.vector_load %arg8[%swap3A_2968, %swap3A_2969] {strides = array<i32>} : memref<128x128xf32, #tpu.memory_space<vmem>>, vector<1x16xf32>,
      %swap3A_2971 = vector.shape_cast %swap3A_2970 : vector<1x16xf32> to vector<16xf32>
      %swap3A_2972 = vector.shape_cast %get3A_2966 : vector<16xf32> to vector<1x16xf32>
      tpu.vector_store %arg8[%swap3A_2968, %swap3A_2969], %swap3A_2972 {strides = array<i32>} : memref<128x128xf32, #tpu.memory_space<vmem>>, vector<1x16xf32>,
      %get3A_2973 = arith.constant 1 : i32
      %get3A_2974 = arith.constant 11 : i32
      %get3A_2975 = arith.index_cast %get3A_2973 : i32 to index
      %get3A_2976 = arith.index_cast %get3A_2974 : i32 to index
      %get3A_2977 = arith.constant 80 : index
      %get3A_2978 = tpu.vector_load %arg7[%get3A_2975, %get3A_2976, %get3A_2977] {strides = array<i32>} : memref<2x16x128xf32, #tpu.memory_space<vmem>>, vector<1x1x16xf32>,
      %get3A_2979 = vector.shape_cast %get3A_2978 : vector<1x1x16xf32> to vector<16xf32>
      %swap3A_2980 = arith.constant 93 : i32
      %swap3A_2981 = arith.index_cast %swap3A_2980 : i32 to index
      %swap3A_2982 = arith.constant 0 : index
      %swap3A_2983 = tpu.vector_load %arg8[%swap3A_2981, %swap3A_2982] {strides = array<i32>} : memref<128x128xf32, #tpu.memory_space<vmem>>, vector<1x16xf32>,
      %swap3A_2984 = vector.shape_cast %swap3A_2983 : vector<1x16xf32> to vector<16xf32>
      %swap3A_2985 = vector.shape_cast %get3A_2979 : vector<16xf32> to vector<1x16xf32>
      tpu.vector_store %arg8[%swap3A_2981, %swap3A_2982], %swap3A_2985 {strides = array<i32>} : memref<128x128xf32, #tpu.memory_space<vmem>>, vector<1x16xf32>,
      %get3A_2986 = arith.constant 1 : i32
      %get3A_2987 = arith.constant 11 : i32
      %get3A_2988 = arith.index_cast %get3A_2986 : i32 to index
      %get3A_2989 = arith.index_cast %get3A_2987 : i32 to index
      %get3A_2990 = arith.constant 96 : index
      %get3A_2991 = tpu.vector_load %arg7[%get3A_2988, %get3A_2989, %get3A_2990] {strides = array<i32>} : memref<2x16x128xf32, #tpu.memory_space<vmem>>, vector<1x1x16xf32>,
      %get3A_2992 = vector.shape_cast %get3A_2991 : vector<1x1x16xf32> to vector<16xf32>
      %swap3A_2993 = arith.constant 94 : i32
      %swap3A_2994 = arith.index_cast %swap3A_2993 : i32 to index
      %swap3A_2995 = arith.constant 0 : index
      %swap3A_2996 = tpu.vector_load %arg8[%swap3A_2994, %swap3A_2995] {strides = array<i32>} : memref<128x128xf32, #tpu.memory_space<vmem>>, vector<1x16xf32>,
      %swap3A_2997 = vector.shape_cast %swap3A_2996 : vector<1x16xf32> to vector<16xf32>
      %swap3A_2998 = vector.shape_cast %get3A_2992 : vector<16xf32> to vector<1x16xf32>
      tpu.vector_store %arg8[%swap3A_2994, %swap3A_2995], %swap3A_2998 {strides = array<i32>} : memref<128x128xf32, #tpu.memory_space<vmem>>, vector<1x16xf32>,
      %get3A_2999 = arith.constant 1 : i32
      %get3A_3000 = arith.constant 11 : i32
      %get3A_3001 = arith.index_cast %get3A_2999 : i32 to index
      %get3A_3002 = arith.index_cast %get3A_3000 : i32 to index
      %get3A_3003 = arith.constant 112 : index
      %get3A_3004 = tpu.vector_load %arg7[%get3A_3001, %get3A_3002, %get3A_3003] {strides = array<i32>} : memref<2x16x128xf32, #tpu.memory_space<vmem>>, vector<1x1x16xf32>,
      %get3A_3005 = vector.shape_cast %get3A_3004 : vector<1x1x16xf32> to vector<16xf32>
      %swap3A_3006 = arith.constant 95 : i32
      %swap3A_3007 = arith.index_cast %swap3A_3006 : i32 to index
      %swap3A_3008 = arith.constant 0 : index
      %swap3A_3009 = tpu.vector_load %arg8[%swap3A_3007, %swap3A_3008] {strides = array<i32>} : memref<128x128xf32, #tpu.memory_space<vmem>>, vector<1x16xf32>,
      %swap3A_3010 = vector.shape_cast %swap3A_3009 : vector<1x16xf32> to vector<16xf32>
      %swap3A_3011 = vector.shape_cast %get3A_3005 : vector<16xf32> to vector<1x16xf32>
      tpu.vector_store %arg8[%swap3A_3007, %swap3A_3008], %swap3A_3011 {strides = array<i32>} : memref<128x128xf32, #tpu.memory_space<vmem>>, vector<1x16xf32>,
      %get3A_3012 = arith.constant 1 : i32
      %get3A_3013 = arith.constant 12 : i32
      %get3A_3014 = arith.index_cast %get3A_3012 : i32 to index
      %get3A_3015 = arith.index_cast %get3A_3013 : i32 to index
      %get3A_3016 = arith.constant 0 : index
      %get3A_3017 = tpu.vector_load %arg7[%get3A_3014, %get3A_3015, %get3A_3016] {strides = array<i32>} : memref<2x16x128xf32, #tpu.memory_space<vmem>>, vector<1x1x16xf32>,
      %get3A_3018 = vector.shape_cast %get3A_3017 : vector<1x1x16xf32> to vector<16xf32>
      %swap3A_3019 = arith.constant 96 : i32
      %swap3A_3020 = arith.index_cast %swap3A_3019 : i32 to index
      %swap3A_3021 = arith.constant 0 : index
      %swap3A_3022 = tpu.vector_load %arg8[%swap3A_3020, %swap3A_3021] {strides = array<i32>} : memref<128x128xf32, #tpu.memory_space<vmem>>, vector<1x16xf32>,
      %swap3A_3023 = vector.shape_cast %swap3A_3022 : vector<1x16xf32> to vector<16xf32>
      %swap3A_3024 = vector.shape_cast %get3A_3018 : vector<16xf32> to vector<1x16xf32>
      tpu.vector_store %arg8[%swap3A_3020, %swap3A_3021], %swap3A_3024 {strides = array<i32>} : memref<128x128xf32, #tpu.memory_space<vmem>>, vector<1x16xf32>,
      %get3A_3025 = arith.constant 1 : i32
      %get3A_3026 = arith.constant 12 : i32
      %get3A_3027 = arith.index_cast %get3A_3025 : i32 to index
      %get3A_3028 = arith.index_cast %get3A_3026 : i32 to index
      %get3A_3029 = arith.constant 16 : index
      %get3A_3030 = tpu.vector_load %arg7[%get3A_3027, %get3A_3028, %get3A_3029] {strides = array<i32>} : memref<2x16x128xf32, #tpu.memory_space<vmem>>, vector<1x1x16xf32>,
      %get3A_3031 = vector.shape_cast %get3A_3030 : vector<1x1x16xf32> to vector<16xf32>
      %swap3A_3032 = arith.constant 97 : i32
      %swap3A_3033 = arith.index_cast %swap3A_3032 : i32 to index
      %swap3A_3034 = arith.constant 0 : index
      %swap3A_3035 = tpu.vector_load %arg8[%swap3A_3033, %swap3A_3034] {strides = array<i32>} : memref<128x128xf32, #tpu.memory_space<vmem>>, vector<1x16xf32>,
      %swap3A_3036 = vector.shape_cast %swap3A_3035 : vector<1x16xf32> to vector<16xf32>
      %swap3A_3037 = vector.shape_cast %get3A_3031 : vector<16xf32> to vector<1x16xf32>
      tpu.vector_store %arg8[%swap3A_3033, %swap3A_3034], %swap3A_3037 {strides = array<i32>} : memref<128x128xf32, #tpu.memory_space<vmem>>, vector<1x16xf32>,
      %get3A_3038 = arith.constant 1 : i32
      %get3A_3039 = arith.constant 12 : i32
      %get3A_3040 = arith.index_cast %get3A_3038 : i32 to index
      %get3A_3041 = arith.index_cast %get3A_3039 : i32 to index
      %get3A_3042 = arith.constant 32 : index
      %get3A_3043 = tpu.vector_load %arg7[%get3A_3040, %get3A_3041, %get3A_3042] {strides = array<i32>} : memref<2x16x128xf32, #tpu.memory_space<vmem>>, vector<1x1x16xf32>,
      %get3A_3044 = vector.shape_cast %get3A_3043 : vector<1x1x16xf32> to vector<16xf32>
      %swap3A_3045 = arith.constant 98 : i32
      %swap3A_3046 = arith.index_cast %swap3A_3045 : i32 to index
      %swap3A_3047 = arith.constant 0 : index
      %swap3A_3048 = tpu.vector_load %arg8[%swap3A_3046, %swap3A_3047] {strides = array<i32>} : memref<128x128xf32, #tpu.memory_space<vmem>>, vector<1x16xf32>,
      %swap3A_3049 = vector.shape_cast %swap3A_3048 : vector<1x16xf32> to vector<16xf32>
      %swap3A_3050 = vector.shape_cast %get3A_3044 : vector<16xf32> to vector<1x16xf32>
      tpu.vector_store %arg8[%swap3A_3046, %swap3A_3047], %swap3A_3050 {strides = array<i32>} : memref<128x128xf32, #tpu.memory_space<vmem>>, vector<1x16xf32>,
      %get3A_3051 = arith.constant 1 : i32
      %get3A_3052 = arith.constant 12 : i32
      %get3A_3053 = arith.index_cast %get3A_3051 : i32 to index
      %get3A_3054 = arith.index_cast %get3A_3052 : i32 to index
      %get3A_3055 = arith.constant 48 : index
      %get3A_3056 = tpu.vector_load %arg7[%get3A_3053, %get3A_3054, %get3A_3055] {strides = array<i32>} : memref<2x16x128xf32, #tpu.memory_space<vmem>>, vector<1x1x16xf32>,
      %get3A_3057 = vector.shape_cast %get3A_3056 : vector<1x1x16xf32> to vector<16xf32>
      %swap3A_3058 = arith.constant 99 : i32
      %swap3A_3059 = arith.index_cast %swap3A_3058 : i32 to index
      %swap3A_3060 = arith.constant 0 : index
      %swap3A_3061 = tpu.vector_load %arg8[%swap3A_3059, %swap3A_3060] {strides = array<i32>} : memref<128x128xf32, #tpu.memory_space<vmem>>, vector<1x16xf32>,
      %swap3A_3062 = vector.shape_cast %swap3A_3061 : vector<1x16xf32> to vector<16xf32>
      %swap3A_3063 = vector.shape_cast %get3A_3057 : vector<16xf32> to vector<1x16xf32>
      tpu.vector_store %arg8[%swap3A_3059, %swap3A_3060], %swap3A_3063 {strides = array<i32>} : memref<128x128xf32, #tpu.memory_space<vmem>>, vector<1x16xf32>,
      %get3A_3064 = arith.constant 1 : i32
      %get3A_3065 = arith.constant 12 : i32
      %get3A_3066 = arith.index_cast %get3A_3064 : i32 to index
      %get3A_3067 = arith.index_cast %get3A_3065 : i32 to index
      %get3A_3068 = arith.constant 64 : index
      %get3A_3069 = tpu.vector_load %arg7[%get3A_3066, %get3A_3067, %get3A_3068] {strides = array<i32>} : memref<2x16x128xf32, #tpu.memory_space<vmem>>, vector<1x1x16xf32>,
      %get3A_3070 = vector.shape_cast %get3A_3069 : vector<1x1x16xf32> to vector<16xf32>
      %swap3A_3071 = arith.constant 100 : i32
      %swap3A_3072 = arith.index_cast %swap3A_3071 : i32 to index
      %swap3A_3073 = arith.constant 0 : index
      %swap3A_3074 = tpu.vector_load %arg8[%swap3A_3072, %swap3A_3073] {strides = array<i32>} : memref<128x128xf32, #tpu.memory_space<vmem>>, vector<1x16xf32>,
      %swap3A_3075 = vector.shape_cast %swap3A_3074 : vector<1x16xf32> to vector<16xf32>
      %swap3A_3076 = vector.shape_cast %get3A_3070 : vector<16xf32> to vector<1x16xf32>
      tpu.vector_store %arg8[%swap3A_3072, %swap3A_3073], %swap3A_3076 {strides = array<i32>} : memref<128x128xf32, #tpu.memory_space<vmem>>, vector<1x16xf32>,
      %get3A_3077 = arith.constant 1 : i32
      %get3A_3078 = arith.constant 12 : i32
      %get3A_3079 = arith.index_cast %get3A_3077 : i32 to index
      %get3A_3080 = arith.index_cast %get3A_3078 : i32 to index
      %get3A_3081 = arith.constant 80 : index
      %get3A_3082 = tpu.vector_load %arg7[%get3A_3079, %get3A_3080, %get3A_3081] {strides = array<i32>} : memref<2x16x128xf32, #tpu.memory_space<vmem>>, vector<1x1x16xf32>,
      %get3A_3083 = vector.shape_cast %get3A_3082 : vector<1x1x16xf32> to vector<16xf32>
      %swap3A_3084 = arith.constant 101 : i32
      %swap3A_3085 = arith.index_cast %swap3A_3084 : i32 to index
      %swap3A_3086 = arith.constant 0 : index
      %swap3A_3087 = tpu.vector_load %arg8[%swap3A_3085, %swap3A_3086] {strides = array<i32>} : memref<128x128xf32, #tpu.memory_space<vmem>>, vector<1x16xf32>,
      %swap3A_3088 = vector.shape_cast %swap3A_3087 : vector<1x16xf32> to vector<16xf32>
      %swap3A_3089 = vector.shape_cast %get3A_3083 : vector<16xf32> to vector<1x16xf32>
      tpu.vector_store %arg8[%swap3A_3085, %swap3A_3086], %swap3A_3089 {strides = array<i32>} : memref<128x128xf32, #tpu.memory_space<vmem>>, vector<1x16xf32>,
      %get3A_3090 = arith.constant 1 : i32
      %get3A_3091 = arith.constant 12 : i32
      %get3A_3092 = arith.index_cast %get3A_3090 : i32 to index
      %get3A_3093 = arith.index_cast %get3A_3091 : i32 to index
      %get3A_3094 = arith.constant 96 : index
      %get3A_3095 = tpu.vector_load %arg7[%get3A_3092, %get3A_3093, %get3A_3094] {strides = array<i32>} : memref<2x16x128xf32, #tpu.memory_space<vmem>>, vector<1x1x16xf32>,
      %get3A_3096 = vector.shape_cast %get3A_3095 : vector<1x1x16xf32> to vector<16xf32>
      %swap3A_3097 = arith.constant 102 : i32
      %swap3A_3098 = arith.index_cast %swap3A_3097 : i32 to index
      %swap3A_3099 = arith.constant 0 : index
      %swap3A_3100 = tpu.vector_load %arg8[%swap3A_3098, %swap3A_3099] {strides = array<i32>} : memref<128x128xf32, #tpu.memory_space<vmem>>, vector<1x16xf32>,
      %swap3A_3101 = vector.shape_cast %swap3A_3100 : vector<1x16xf32> to vector<16xf32>
      %swap3A_3102 = vector.shape_cast %get3A_3096 : vector<16xf32> to vector<1x16xf32>
      tpu.vector_store %arg8[%swap3A_3098, %swap3A_3099], %swap3A_3102 {strides = array<i32>} : memref<128x128xf32, #tpu.memory_space<vmem>>, vector<1x16xf32>,
      %get3A_3103 = arith.constant 1 : i32
      %get3A_3104 = arith.constant 12 : i32
      %get3A_3105 = arith.index_cast %get3A_3103 : i32 to index
      %get3A_3106 = arith.index_cast %get3A_3104 : i32 to index
      %get3A_3107 = arith.constant 112 : index
      %get3A_3108 = tpu.vector_load %arg7[%get3A_3105, %get3A_3106, %get3A_3107] {strides = array<i32>} : memref<2x16x128xf32, #tpu.memory_space<vmem>>, vector<1x1x16xf32>,
      %get3A_3109 = vector.shape_cast %get3A_3108 : vector<1x1x16xf32> to vector<16xf32>
      %swap3A_3110 = arith.constant 103 : i32
      %swap3A_3111 = arith.index_cast %swap3A_3110 : i32 to index
      %swap3A_3112 = arith.constant 0 : index
      %swap3A_3113 = tpu.vector_load %arg8[%swap3A_3111, %swap3A_3112] {strides = array<i32>} : memref<128x128xf32, #tpu.memory_space<vmem>>, vector<1x16xf32>,
      %swap3A_3114 = vector.shape_cast %swap3A_3113 : vector<1x16xf32> to vector<16xf32>
      %swap3A_3115 = vector.shape_cast %get3A_3109 : vector<16xf32> to vector<1x16xf32>
      tpu.vector_store %arg8[%swap3A_3111, %swap3A_3112], %swap3A_3115 {strides = array<i32>} : memref<128x128xf32, #tpu.memory_space<vmem>>, vector<1x16xf32>,
      %get3A_3116 = arith.constant 1 : i32
      %get3A_3117 = arith.constant 13 : i32
      %get3A_3118 = arith.index_cast %get3A_3116 : i32 to index
      %get3A_3119 = arith.index_cast %get3A_3117 : i32 to index
      %get3A_3120 = arith.constant 0 : index
      %get3A_3121 = tpu.vector_load %arg7[%get3A_3118, %get3A_3119, %get3A_3120] {strides = array<i32>} : memref<2x16x128xf32, #tpu.memory_space<vmem>>, vector<1x1x16xf32>,
      %get3A_3122 = vector.shape_cast %get3A_3121 : vector<1x1x16xf32> to vector<16xf32>
      %swap3A_3123 = arith.constant 104 : i32
      %swap3A_3124 = arith.index_cast %swap3A_3123 : i32 to index
      %swap3A_3125 = arith.constant 0 : index
      %swap3A_3126 = tpu.vector_load %arg8[%swap3A_3124, %swap3A_3125] {strides = array<i32>} : memref<128x128xf32, #tpu.memory_space<vmem>>, vector<1x16xf32>,
      %swap3A_3127 = vector.shape_cast %swap3A_3126 : vector<1x16xf32> to vector<16xf32>
      %swap3A_3128 = vector.shape_cast %get3A_3122 : vector<16xf32> to vector<1x16xf32>
      tpu.vector_store %arg8[%swap3A_3124, %swap3A_3125], %swap3A_3128 {strides = array<i32>} : memref<128x128xf32, #tpu.memory_space<vmem>>, vector<1x16xf32>,
      %get3A_3129 = arith.constant 1 : i32
      %get3A_3130 = arith.constant 13 : i32
      %get3A_3131 = arith.index_cast %get3A_3129 : i32 to index
      %get3A_3132 = arith.index_cast %get3A_3130 : i32 to index
      %get3A_3133 = arith.constant 16 : index
      %get3A_3134 = tpu.vector_load %arg7[%get3A_3131, %get3A_3132, %get3A_3133] {strides = array<i32>} : memref<2x16x128xf32, #tpu.memory_space<vmem>>, vector<1x1x16xf32>,
      %get3A_3135 = vector.shape_cast %get3A_3134 : vector<1x1x16xf32> to vector<16xf32>
      %swap3A_3136 = arith.constant 105 : i32
      %swap3A_3137 = arith.index_cast %swap3A_3136 : i32 to index
      %swap3A_3138 = arith.constant 0 : index
      %swap3A_3139 = tpu.vector_load %arg8[%swap3A_3137, %swap3A_3138] {strides = array<i32>} : memref<128x128xf32, #tpu.memory_space<vmem>>, vector<1x16xf32>,
      %swap3A_3140 = vector.shape_cast %swap3A_3139 : vector<1x16xf32> to vector<16xf32>
      %swap3A_3141 = vector.shape_cast %get3A_3135 : vector<16xf32> to vector<1x16xf32>
      tpu.vector_store %arg8[%swap3A_3137, %swap3A_3138], %swap3A_3141 {strides = array<i32>} : memref<128x128xf32, #tpu.memory_space<vmem>>, vector<1x16xf32>,
      %get3A_3142 = arith.constant 1 : i32
      %get3A_3143 = arith.constant 13 : i32
      %get3A_3144 = arith.index_cast %get3A_3142 : i32 to index
      %get3A_3145 = arith.index_cast %get3A_3143 : i32 to index
      %get3A_3146 = arith.constant 32 : index
      %get3A_3147 = tpu.vector_load %arg7[%get3A_3144, %get3A_3145, %get3A_3146] {strides = array<i32>} : memref<2x16x128xf32, #tpu.memory_space<vmem>>, vector<1x1x16xf32>,
      %get3A_3148 = vector.shape_cast %get3A_3147 : vector<1x1x16xf32> to vector<16xf32>
      %swap3A_3149 = arith.constant 106 : i32
      %swap3A_3150 = arith.index_cast %swap3A_3149 : i32 to index
      %swap3A_3151 = arith.constant 0 : index
      %swap3A_3152 = tpu.vector_load %arg8[%swap3A_3150, %swap3A_3151] {strides = array<i32>} : memref<128x128xf32, #tpu.memory_space<vmem>>, vector<1x16xf32>,
      %swap3A_3153 = vector.shape_cast %swap3A_3152 : vector<1x16xf32> to vector<16xf32>
      %swap3A_3154 = vector.shape_cast %get3A_3148 : vector<16xf32> to vector<1x16xf32>
      tpu.vector_store %arg8[%swap3A_3150, %swap3A_3151], %swap3A_3154 {strides = array<i32>} : memref<128x128xf32, #tpu.memory_space<vmem>>, vector<1x16xf32>,
      %get3A_3155 = arith.constant 1 : i32
      %get3A_3156 = arith.constant 13 : i32
      %get3A_3157 = arith.index_cast %get3A_3155 : i32 to index
      %get3A_3158 = arith.index_cast %get3A_3156 : i32 to index
      %get3A_3159 = arith.constant 48 : index
      %get3A_3160 = tpu.vector_load %arg7[%get3A_3157, %get3A_3158, %get3A_3159] {strides = array<i32>} : memref<2x16x128xf32, #tpu.memory_space<vmem>>, vector<1x1x16xf32>,
      %get3A_3161 = vector.shape_cast %get3A_3160 : vector<1x1x16xf32> to vector<16xf32>
      %swap3A_3162 = arith.constant 107 : i32
      %swap3A_3163 = arith.index_cast %swap3A_3162 : i32 to index
      %swap3A_3164 = arith.constant 0 : index
      %swap3A_3165 = tpu.vector_load %arg8[%swap3A_3163, %swap3A_3164] {strides = array<i32>} : memref<128x128xf32, #tpu.memory_space<vmem>>, vector<1x16xf32>,
      %swap3A_3166 = vector.shape_cast %swap3A_3165 : vector<1x16xf32> to vector<16xf32>
      %swap3A_3167 = vector.shape_cast %get3A_3161 : vector<16xf32> to vector<1x16xf32>
      tpu.vector_store %arg8[%swap3A_3163, %swap3A_3164], %swap3A_3167 {strides = array<i32>} : memref<128x128xf32, #tpu.memory_space<vmem>>, vector<1x16xf32>,
      %get3A_3168 = arith.constant 1 : i32
      %get3A_3169 = arith.constant 13 : i32
      %get3A_3170 = arith.index_cast %get3A_3168 : i32 to index
      %get3A_3171 = arith.index_cast %get3A_3169 : i32 to index
      %get3A_3172 = arith.constant 64 : index
      %get3A_3173 = tpu.vector_load %arg7[%get3A_3170, %get3A_3171, %get3A_3172] {strides = array<i32>} : memref<2x16x128xf32, #tpu.memory_space<vmem>>, vector<1x1x16xf32>,
      %get3A_3174 = vector.shape_cast %get3A_3173 : vector<1x1x16xf32> to vector<16xf32>
      %swap3A_3175 = arith.constant 108 : i32
      %swap3A_3176 = arith.index_cast %swap3A_3175 : i32 to index
      %swap3A_3177 = arith.constant 0 : index
      %swap3A_3178 = tpu.vector_load %arg8[%swap3A_3176, %swap3A_3177] {strides = array<i32>} : memref<128x128xf32, #tpu.memory_space<vmem>>, vector<1x16xf32>,
      %swap3A_3179 = vector.shape_cast %swap3A_3178 : vector<1x16xf32> to vector<16xf32>
      %swap3A_3180 = vector.shape_cast %get3A_3174 : vector<16xf32> to vector<1x16xf32>
      tpu.vector_store %arg8[%swap3A_3176, %swap3A_3177], %swap3A_3180 {strides = array<i32>} : memref<128x128xf32, #tpu.memory_space<vmem>>, vector<1x16xf32>,
      %get3A_3181 = arith.constant 1 : i32
      %get3A_3182 = arith.constant 13 : i32
      %get3A_3183 = arith.index_cast %get3A_3181 : i32 to index
      %get3A_3184 = arith.index_cast %get3A_3182 : i32 to index
      %get3A_3185 = arith.constant 80 : index
      %get3A_3186 = tpu.vector_load %arg7[%get3A_3183, %get3A_3184, %get3A_3185] {strides = array<i32>} : memref<2x16x128xf32, #tpu.memory_space<vmem>>, vector<1x1x16xf32>,
      %get3A_3187 = vector.shape_cast %get3A_3186 : vector<1x1x16xf32> to vector<16xf32>
      %swap3A_3188 = arith.constant 109 : i32
      %swap3A_3189 = arith.index_cast %swap3A_3188 : i32 to index
      %swap3A_3190 = arith.constant 0 : index
      %swap3A_3191 = tpu.vector_load %arg8[%swap3A_3189, %swap3A_3190] {strides = array<i32>} : memref<128x128xf32, #tpu.memory_space<vmem>>, vector<1x16xf32>,
      %swap3A_3192 = vector.shape_cast %swap3A_3191 : vector<1x16xf32> to vector<16xf32>
      %swap3A_3193 = vector.shape_cast %get3A_3187 : vector<16xf32> to vector<1x16xf32>
      tpu.vector_store %arg8[%swap3A_3189, %swap3A_3190], %swap3A_3193 {strides = array<i32>} : memref<128x128xf32, #tpu.memory_space<vmem>>, vector<1x16xf32>,
      %get3A_3194 = arith.constant 1 : i32
      %get3A_3195 = arith.constant 13 : i32
      %get3A_3196 = arith.index_cast %get3A_3194 : i32 to index
      %get3A_3197 = arith.index_cast %get3A_3195 : i32 to index
      %get3A_3198 = arith.constant 96 : index
      %get3A_3199 = tpu.vector_load %arg7[%get3A_3196, %get3A_3197, %get3A_3198] {strides = array<i32>} : memref<2x16x128xf32, #tpu.memory_space<vmem>>, vector<1x1x16xf32>,
      %get3A_3200 = vector.shape_cast %get3A_3199 : vector<1x1x16xf32> to vector<16xf32>
      %swap3A_3201 = arith.constant 110 : i32
      %swap3A_3202 = arith.index_cast %swap3A_3201 : i32 to index
      %swap3A_3203 = arith.constant 0 : index
      %swap3A_3204 = tpu.vector_load %arg8[%swap3A_3202, %swap3A_3203] {strides = array<i32>} : memref<128x128xf32, #tpu.memory_space<vmem>>, vector<1x16xf32>,
      %swap3A_3205 = vector.shape_cast %swap3A_3204 : vector<1x16xf32> to vector<16xf32>
      %swap3A_3206 = vector.shape_cast %get3A_3200 : vector<16xf32> to vector<1x16xf32>
      tpu.vector_store %arg8[%swap3A_3202, %swap3A_3203], %swap3A_3206 {strides = array<i32>} : memref<128x128xf32, #tpu.memory_space<vmem>>, vector<1x16xf32>,
      %get3A_3207 = arith.constant 1 : i32
      %get3A_3208 = arith.constant 13 : i32
      %get3A_3209 = arith.index_cast %get3A_3207 : i32 to index
      %get3A_3210 = arith.index_cast %get3A_3208 : i32 to index
      %get3A_3211 = arith.constant 112 : index
      %get3A_3212 = tpu.vector_load %arg7[%get3A_3209, %get3A_3210, %get3A_3211] {strides = array<i32>} : memref<2x16x128xf32, #tpu.memory_space<vmem>>, vector<1x1x16xf32>,
      %get3A_3213 = vector.shape_cast %get3A_3212 : vector<1x1x16xf32> to vector<16xf32>
      %swap3A_3214 = arith.constant 111 : i32
      %swap3A_3215 = arith.index_cast %swap3A_3214 : i32 to index
      %swap3A_3216 = arith.constant 0 : index
      %swap3A_3217 = tpu.vector_load %arg8[%swap3A_3215, %swap3A_3216] {strides = array<i32>} : memref<128x128xf32, #tpu.memory_space<vmem>>, vector<1x16xf32>,
      %swap3A_3218 = vector.shape_cast %swap3A_3217 : vector<1x16xf32> to vector<16xf32>
      %swap3A_3219 = vector.shape_cast %get3A_3213 : vector<16xf32> to vector<1x16xf32>
      tpu.vector_store %arg8[%swap3A_3215, %swap3A_3216], %swap3A_3219 {strides = array<i32>} : memref<128x128xf32, #tpu.memory_space<vmem>>, vector<1x16xf32>,
      %get3A_3220 = arith.constant 1 : i32
      %get3A_3221 = arith.constant 14 : i32
      %get3A_3222 = arith.index_cast %get3A_3220 : i32 to index
      %get3A_3223 = arith.index_cast %get3A_3221 : i32 to index
      %get3A_3224 = arith.constant 0 : index
      %get3A_3225 = tpu.vector_load %arg7[%get3A_3222, %get3A_3223, %get3A_3224] {strides = array<i32>} : memref<2x16x128xf32, #tpu.memory_space<vmem>>, vector<1x1x16xf32>,
      %get3A_3226 = vector.shape_cast %get3A_3225 : vector<1x1x16xf32> to vector<16xf32>
      %swap3A_3227 = arith.constant 112 : i32
      %swap3A_3228 = arith.index_cast %swap3A_3227 : i32 to index
      %swap3A_3229 = arith.constant 0 : index
      %swap3A_3230 = tpu.vector_load %arg8[%swap3A_3228, %swap3A_3229] {strides = array<i32>} : memref<128x128xf32, #tpu.memory_space<vmem>>, vector<1x16xf32>,
      %swap3A_3231 = vector.shape_cast %swap3A_3230 : vector<1x16xf32> to vector<16xf32>
      %swap3A_3232 = vector.shape_cast %get3A_3226 : vector<16xf32> to vector<1x16xf32>
      tpu.vector_store %arg8[%swap3A_3228, %swap3A_3229], %swap3A_3232 {strides = array<i32>} : memref<128x128xf32, #tpu.memory_space<vmem>>, vector<1x16xf32>,
      %get3A_3233 = arith.constant 1 : i32
      %get3A_3234 = arith.constant 14 : i32
      %get3A_3235 = arith.index_cast %get3A_3233 : i32 to index
      %get3A_3236 = arith.index_cast %get3A_3234 : i32 to index
      %get3A_3237 = arith.constant 16 : index
      %get3A_3238 = tpu.vector_load %arg7[%get3A_3235, %get3A_3236, %get3A_3237] {strides = array<i32>} : memref<2x16x128xf32, #tpu.memory_space<vmem>>, vector<1x1x16xf32>,
      %get3A_3239 = vector.shape_cast %get3A_3238 : vector<1x1x16xf32> to vector<16xf32>
      %swap3A_3240 = arith.constant 113 : i32
      %swap3A_3241 = arith.index_cast %swap3A_3240 : i32 to index
      %swap3A_3242 = arith.constant 0 : index
      %swap3A_3243 = tpu.vector_load %arg8[%swap3A_3241, %swap3A_3242] {strides = array<i32>} : memref<128x128xf32, #tpu.memory_space<vmem>>, vector<1x16xf32>,
      %swap3A_3244 = vector.shape_cast %swap3A_3243 : vector<1x16xf32> to vector<16xf32>
      %swap3A_3245 = vector.shape_cast %get3A_3239 : vector<16xf32> to vector<1x16xf32>
      tpu.vector_store %arg8[%swap3A_3241, %swap3A_3242], %swap3A_3245 {strides = array<i32>} : memref<128x128xf32, #tpu.memory_space<vmem>>, vector<1x16xf32>,
      %get3A_3246 = arith.constant 1 : i32
      %get3A_3247 = arith.constant 14 : i32
      %get3A_3248 = arith.index_cast %get3A_3246 : i32 to index
      %get3A_3249 = arith.index_cast %get3A_3247 : i32 to index
      %get3A_3250 = arith.constant 32 : index
      %get3A_3251 = tpu.vector_load %arg7[%get3A_3248, %get3A_3249, %get3A_3250] {strides = array<i32>} : memref<2x16x128xf32, #tpu.memory_space<vmem>>, vector<1x1x16xf32>,
      %get3A_3252 = vector.shape_cast %get3A_3251 : vector<1x1x16xf32> to vector<16xf32>
      %swap3A_3253 = arith.constant 114 : i32
      %swap3A_3254 = arith.index_cast %swap3A_3253 : i32 to index
      %swap3A_3255 = arith.constant 0 : index
      %swap3A_3256 = tpu.vector_load %arg8[%swap3A_3254, %swap3A_3255] {strides = array<i32>} : memref<128x128xf32, #tpu.memory_space<vmem>>, vector<1x16xf32>,
      %swap3A_3257 = vector.shape_cast %swap3A_3256 : vector<1x16xf32> to vector<16xf32>
      %swap3A_3258 = vector.shape_cast %get3A_3252 : vector<16xf32> to vector<1x16xf32>
      tpu.vector_store %arg8[%swap3A_3254, %swap3A_3255], %swap3A_3258 {strides = array<i32>} : memref<128x128xf32, #tpu.memory_space<vmem>>, vector<1x16xf32>,
      %get3A_3259 = arith.constant 1 : i32
      %get3A_3260 = arith.constant 14 : i32
      %get3A_3261 = arith.index_cast %get3A_3259 : i32 to index
      %get3A_3262 = arith.index_cast %get3A_3260 : i32 to index
      %get3A_3263 = arith.constant 48 : index
      %get3A_3264 = tpu.vector_load %arg7[%get3A_3261, %get3A_3262, %get3A_3263] {strides = array<i32>} : memref<2x16x128xf32, #tpu.memory_space<vmem>>, vector<1x1x16xf32>,
      %get3A_3265 = vector.shape_cast %get3A_3264 : vector<1x1x16xf32> to vector<16xf32>
      %swap3A_3266 = arith.constant 115 : i32
      %swap3A_3267 = arith.index_cast %swap3A_3266 : i32 to index
      %swap3A_3268 = arith.constant 0 : index
      %swap3A_3269 = tpu.vector_load %arg8[%swap3A_3267, %swap3A_3268] {strides = array<i32>} : memref<128x128xf32, #tpu.memory_space<vmem>>, vector<1x16xf32>,
      %swap3A_3270 = vector.shape_cast %swap3A_3269 : vector<1x16xf32> to vector<16xf32>
      %swap3A_3271 = vector.shape_cast %get3A_3265 : vector<16xf32> to vector<1x16xf32>
      tpu.vector_store %arg8[%swap3A_3267, %swap3A_3268], %swap3A_3271 {strides = array<i32>} : memref<128x128xf32, #tpu.memory_space<vmem>>, vector<1x16xf32>,
      %get3A_3272 = arith.constant 1 : i32
      %get3A_3273 = arith.constant 14 : i32
      %get3A_3274 = arith.index_cast %get3A_3272 : i32 to index
      %get3A_3275 = arith.index_cast %get3A_3273 : i32 to index
      %get3A_3276 = arith.constant 64 : index
      %get3A_3277 = tpu.vector_load %arg7[%get3A_3274, %get3A_3275, %get3A_3276] {strides = array<i32>} : memref<2x16x128xf32, #tpu.memory_space<vmem>>, vector<1x1x16xf32>,
      %get3A_3278 = vector.shape_cast %get3A_3277 : vector<1x1x16xf32> to vector<16xf32>
      %swap3A_3279 = arith.constant 116 : i32
      %swap3A_3280 = arith.index_cast %swap3A_3279 : i32 to index
      %swap3A_3281 = arith.constant 0 : index
      %swap3A_3282 = tpu.vector_load %arg8[%swap3A_3280, %swap3A_3281] {strides = array<i32>} : memref<128x128xf32, #tpu.memory_space<vmem>>, vector<1x16xf32>,
      %swap3A_3283 = vector.shape_cast %swap3A_3282 : vector<1x16xf32> to vector<16xf32>
      %swap3A_3284 = vector.shape_cast %get3A_3278 : vector<16xf32> to vector<1x16xf32>
      tpu.vector_store %arg8[%swap3A_3280, %swap3A_3281], %swap3A_3284 {strides = array<i32>} : memref<128x128xf32, #tpu.memory_space<vmem>>, vector<1x16xf32>,
      %get3A_3285 = arith.constant 1 : i32
      %get3A_3286 = arith.constant 14 : i32
      %get3A_3287 = arith.index_cast %get3A_3285 : i32 to index
      %get3A_3288 = arith.index_cast %get3A_3286 : i32 to index
      %get3A_3289 = arith.constant 80 : index
      %get3A_3290 = tpu.vector_load %arg7[%get3A_3287, %get3A_3288, %get3A_3289] {strides = array<i32>} : memref<2x16x128xf32, #tpu.memory_space<vmem>>, vector<1x1x16xf32>,
      %get3A_3291 = vector.shape_cast %get3A_3290 : vector<1x1x16xf32> to vector<16xf32>
      %swap3A_3292 = arith.constant 117 : i32
      %swap3A_3293 = arith.index_cast %swap3A_3292 : i32 to index
      %swap3A_3294 = arith.constant 0 : index
      %swap3A_3295 = tpu.vector_load %arg8[%swap3A_3293, %swap3A_3294] {strides = array<i32>} : memref<128x128xf32, #tpu.memory_space<vmem>>, vector<1x16xf32>,
      %swap3A_3296 = vector.shape_cast %swap3A_3295 : vector<1x16xf32> to vector<16xf32>
      %swap3A_3297 = vector.shape_cast %get3A_3291 : vector<16xf32> to vector<1x16xf32>
      tpu.vector_store %arg8[%swap3A_3293, %swap3A_3294], %swap3A_3297 {strides = array<i32>} : memref<128x128xf32, #tpu.memory_space<vmem>>, vector<1x16xf32>,
      %get3A_3298 = arith.constant 1 : i32
      %get3A_3299 = arith.constant 14 : i32
      %get3A_3300 = arith.index_cast %get3A_3298 : i32 to index
      %get3A_3301 = arith.index_cast %get3A_3299 : i32 to index
      %get3A_3302 = arith.constant 96 : index
      %get3A_3303 = tpu.vector_load %arg7[%get3A_3300, %get3A_3301, %get3A_3302] {strides = array<i32>} : memref<2x16x128xf32, #tpu.memory_space<vmem>>, vector<1x1x16xf32>,
      %get3A_3304 = vector.shape_cast %get3A_3303 : vector<1x1x16xf32> to vector<16xf32>
      %swap3A_3305 = arith.constant 118 : i32
      %swap3A_3306 = arith.index_cast %swap3A_3305 : i32 to index
      %swap3A_3307 = arith.constant 0 : index
      %swap3A_3308 = tpu.vector_load %arg8[%swap3A_3306, %swap3A_3307] {strides = array<i32>} : memref<128x128xf32, #tpu.memory_space<vmem>>, vector<1x16xf32>,
      %swap3A_3309 = vector.shape_cast %swap3A_3308 : vector<1x16xf32> to vector<16xf32>
      %swap3A_3310 = vector.shape_cast %get3A_3304 : vector<16xf32> to vector<1x16xf32>
      tpu.vector_store %arg8[%swap3A_3306, %swap3A_3307], %swap3A_3310 {strides = array<i32>} : memref<128x128xf32, #tpu.memory_space<vmem>>, vector<1x16xf32>,
      %get3A_3311 = arith.constant 1 : i32
      %get3A_3312 = arith.constant 14 : i32
      %get3A_3313 = arith.index_cast %get3A_3311 : i32 to index
      %get3A_3314 = arith.index_cast %get3A_3312 : i32 to index
      %get3A_3315 = arith.constant 112 : index
      %get3A_3316 = tpu.vector_load %arg7[%get3A_3313, %get3A_3314, %get3A_3315] {strides = array<i32>} : memref<2x16x128xf32, #tpu.memory_space<vmem>>, vector<1x1x16xf32>,
      %get3A_3317 = vector.shape_cast %get3A_3316 : vector<1x1x16xf32> to vector<16xf32>
      %swap3A_3318 = arith.constant 119 : i32
      %swap3A_3319 = arith.index_cast %swap3A_3318 : i32 to index
      %swap3A_3320 = arith.constant 0 : index
      %swap3A_3321 = tpu.vector_load %arg8[%swap3A_3319, %swap3A_3320] {strides = array<i32>} : memref<128x128xf32, #tpu.memory_space<vmem>>, vector<1x16xf32>,
      %swap3A_3322 = vector.shape_cast %swap3A_3321 : vector<1x16xf32> to vector<16xf32>
      %swap3A_3323 = vector.shape_cast %get3A_3317 : vector<16xf32> to vector<1x16xf32>
      tpu.vector_store %arg8[%swap3A_3319, %swap3A_3320], %swap3A_3323 {strides = array<i32>} : memref<128x128xf32, #tpu.memory_space<vmem>>, vector<1x16xf32>,
      %get3A_3324 = arith.constant 1 : i32
      %get3A_3325 = arith.constant 15 : i32
      %get3A_3326 = arith.index_cast %get3A_3324 : i32 to index
      %get3A_3327 = arith.index_cast %get3A_3325 : i32 to index
      %get3A_3328 = arith.constant 0 : index
      %get3A_3329 = tpu.vector_load %arg7[%get3A_3326, %get3A_3327, %get3A_3328] {strides = array<i32>} : memref<2x16x128xf32, #tpu.memory_space<vmem>>, vector<1x1x16xf32>,
      %get3A_3330 = vector.shape_cast %get3A_3329 : vector<1x1x16xf32> to vector<16xf32>
      %swap3A_3331 = arith.constant 120 : i32
      %swap3A_3332 = arith.index_cast %swap3A_3331 : i32 to index
      %swap3A_3333 = arith.constant 0 : index
      %swap3A_3334 = tpu.vector_load %arg8[%swap3A_3332, %swap3A_3333] {strides = array<i32>} : memref<128x128xf32, #tpu.memory_space<vmem>>, vector<1x16xf32>,
      %swap3A_3335 = vector.shape_cast %swap3A_3334 : vector<1x16xf32> to vector<16xf32>
      %swap3A_3336 = vector.shape_cast %get3A_3330 : vector<16xf32> to vector<1x16xf32>
      tpu.vector_store %arg8[%swap3A_3332, %swap3A_3333], %swap3A_3336 {strides = array<i32>} : memref<128x128xf32, #tpu.memory_space<vmem>>, vector<1x16xf32>,
      %get3A_3337 = arith.constant 1 : i32
      %get3A_3338 = arith.constant 15 : i32
      %get3A_3339 = arith.index_cast %get3A_3337 : i32 to index
      %get3A_3340 = arith.index_cast %get3A_3338 : i32 to index
      %get3A_3341 = arith.constant 16 : index
      %get3A_3342 = tpu.vector_load %arg7[%get3A_3339, %get3A_3340, %get3A_3341] {strides = array<i32>} : memref<2x16x128xf32, #tpu.memory_space<vmem>>, vector<1x1x16xf32>,
      %get3A_3343 = vector.shape_cast %get3A_3342 : vector<1x1x16xf32> to vector<16xf32>
      %swap3A_3344 = arith.constant 121 : i32
      %swap3A_3345 = arith.index_cast %swap3A_3344 : i32 to index
      %swap3A_3346 = arith.constant 0 : index
      %swap3A_3347 = tpu.vector_load %arg8[%swap3A_3345, %swap3A_3346] {strides = array<i32>} : memref<128x128xf32, #tpu.memory_space<vmem>>, vector<1x16xf32>,
      %swap3A_3348 = vector.shape_cast %swap3A_3347 : vector<1x16xf32> to vector<16xf32>
      %swap3A_3349 = vector.shape_cast %get3A_3343 : vector<16xf32> to vector<1x16xf32>
      tpu.vector_store %arg8[%swap3A_3345, %swap3A_3346], %swap3A_3349 {strides = array<i32>} : memref<128x128xf32, #tpu.memory_space<vmem>>, vector<1x16xf32>,
      %get3A_3350 = arith.constant 1 : i32
      %get3A_3351 = arith.constant 15 : i32
      %get3A_3352 = arith.index_cast %get3A_3350 : i32 to index
      %get3A_3353 = arith.index_cast %get3A_3351 : i32 to index
      %get3A_3354 = arith.constant 32 : index
      %get3A_3355 = tpu.vector_load %arg7[%get3A_3352, %get3A_3353, %get3A_3354] {strides = array<i32>} : memref<2x16x128xf32, #tpu.memory_space<vmem>>, vector<1x1x16xf32>,
      %get3A_3356 = vector.shape_cast %get3A_3355 : vector<1x1x16xf32> to vector<16xf32>
      %swap3A_3357 = arith.constant 122 : i32
      %swap3A_3358 = arith.index_cast %swap3A_3357 : i32 to index
      %swap3A_3359 = arith.constant 0 : index
      %swap3A_3360 = tpu.vector_load %arg8[%swap3A_3358, %swap3A_3359] {strides = array<i32>} : memref<128x128xf32, #tpu.memory_space<vmem>>, vector<1x16xf32>,
      %swap3A_3361 = vector.shape_cast %swap3A_3360 : vector<1x16xf32> to vector<16xf32>
      %swap3A_3362 = vector.shape_cast %get3A_3356 : vector<16xf32> to vector<1x16xf32>
      tpu.vector_store %arg8[%swap3A_3358, %swap3A_3359], %swap3A_3362 {strides = array<i32>} : memref<128x128xf32, #tpu.memory_space<vmem>>, vector<1x16xf32>,
      %get3A_3363 = arith.constant 1 : i32
      %get3A_3364 = arith.constant 15 : i32
      %get3A_3365 = arith.index_cast %get3A_3363 : i32 to index
      %get3A_3366 = arith.index_cast %get3A_3364 : i32 to index
      %get3A_3367 = arith.constant 48 : index
      %get3A_3368 = tpu.vector_load %arg7[%get3A_3365, %get3A_3366, %get3A_3367] {strides = array<i32>} : memref<2x16x128xf32, #tpu.memory_space<vmem>>, vector<1x1x16xf32>,
      %get3A_3369 = vector.shape_cast %get3A_3368 : vector<1x1x16xf32> to vector<16xf32>
      %swap3A_3370 = arith.constant 123 : i32
      %swap3A_3371 = arith.index_cast %swap3A_3370 : i32 to index
      %swap3A_3372 = arith.constant 0 : index
      %swap3A_3373 = tpu.vector_load %arg8[%swap3A_3371, %swap3A_3372] {strides = array<i32>} : memref<128x128xf32, #tpu.memory_space<vmem>>, vector<1x16xf32>,
      %swap3A_3374 = vector.shape_cast %swap3A_3373 : vector<1x16xf32> to vector<16xf32>
      %swap3A_3375 = vector.shape_cast %get3A_3369 : vector<16xf32> to vector<1x16xf32>
      tpu.vector_store %arg8[%swap3A_3371, %swap3A_3372], %swap3A_3375 {strides = array<i32>} : memref<128x128xf32, #tpu.memory_space<vmem>>, vector<1x16xf32>,
      %get3A_3376 = arith.constant 1 : i32
      %get3A_3377 = arith.constant 15 : i32
      %get3A_3378 = arith.index_cast %get3A_3376 : i32 to index
      %get3A_3379 = arith.index_cast %get3A_3377 : i32 to index
      %get3A_3380 = arith.constant 64 : index
      %get3A_3381 = tpu.vector_load %arg7[%get3A_3378, %get3A_3379, %get3A_3380] {strides = array<i32>} : memref<2x16x128xf32, #tpu.memory_space<vmem>>, vector<1x1x16xf32>,
      %get3A_3382 = vector.shape_cast %get3A_3381 : vector<1x1x16xf32> to vector<16xf32>
      %swap3A_3383 = arith.constant 124 : i32
      %swap3A_3384 = arith.index_cast %swap3A_3383 : i32 to index
      %swap3A_3385 = arith.constant 0 : index
      %swap3A_3386 = tpu.vector_load %arg8[%swap3A_3384, %swap3A_3385] {strides = array<i32>} : memref<128x128xf32, #tpu.memory_space<vmem>>, vector<1x16xf32>,
      %swap3A_3387 = vector.shape_cast %swap3A_3386 : vector<1x16xf32> to vector<16xf32>
      %swap3A_3388 = vector.shape_cast %get3A_3382 : vector<16xf32> to vector<1x16xf32>
      tpu.vector_store %arg8[%swap3A_3384, %swap3A_3385], %swap3A_3388 {strides = array<i32>} : memref<128x128xf32, #tpu.memory_space<vmem>>, vector<1x16xf32>,
      %get3A_3389 = arith.constant 1 : i32
      %get3A_3390 = arith.constant 15 : i32
      %get3A_3391 = arith.index_cast %get3A_3389 : i32 to index
      %get3A_3392 = arith.index_cast %get3A_3390 : i32 to index
      %get3A_3393 = arith.constant 80 : index
      %get3A_3394 = tpu.vector_load %arg7[%get3A_3391, %get3A_3392, %get3A_3393] {strides = array<i32>} : memref<2x16x128xf32, #tpu.memory_space<vmem>>, vector<1x1x16xf32>,
      %get3A_3395 = vector.shape_cast %get3A_3394 : vector<1x1x16xf32> to vector<16xf32>
      %swap3A_3396 = arith.constant 125 : i32
      %swap3A_3397 = arith.index_cast %swap3A_3396 : i32 to index
      %swap3A_3398 = arith.constant 0 : index
      %swap3A_3399 = tpu.vector_load %arg8[%swap3A_3397, %swap3A_3398] {strides = array<i32>} : memref<128x128xf32, #tpu.memory_space<vmem>>, vector<1x16xf32>,
      %swap3A_3400 = vector.shape_cast %swap3A_3399 : vector<1x16xf32> to vector<16xf32>
      %swap3A_3401 = vector.shape_cast %get3A_3395 : vector<16xf32> to vector<1x16xf32>
      tpu.vector_store %arg8[%swap3A_3397, %swap3A_3398], %swap3A_3401 {strides = array<i32>} : memref<128x128xf32, #tpu.memory_space<vmem>>, vector<1x16xf32>,
      %get3A_3402 = arith.constant 1 : i32
      %get3A_3403 = arith.constant 15 : i32
      %get3A_3404 = arith.index_cast %get3A_3402 : i32 to index
      %get3A_3405 = arith.index_cast %get3A_3403 : i32 to index
      %get3A_3406 = arith.constant 96 : index
      %get3A_3407 = tpu.vector_load %arg7[%get3A_3404, %get3A_3405, %get3A_3406] {strides = array<i32>} : memref<2x16x128xf32, #tpu.memory_space<vmem>>, vector<1x1x16xf32>,
      %get3A_3408 = vector.shape_cast %get3A_3407 : vector<1x1x16xf32> to vector<16xf32>
      %swap3A_3409 = arith.constant 126 : i32
      %swap3A_3410 = arith.index_cast %swap3A_3409 : i32 to index
      %swap3A_3411 = arith.constant 0 : index
      %swap3A_3412 = tpu.vector_load %arg8[%swap3A_3410, %swap3A_3411] {strides = array<i32>} : memref<128x128xf32, #tpu.memory_space<vmem>>, vector<1x16xf32>,
      %swap3A_3413 = vector.shape_cast %swap3A_3412 : vector<1x16xf32> to vector<16xf32>
      %swap3A_3414 = vector.shape_cast %get3A_3408 : vector<16xf32> to vector<1x16xf32>
      tpu.vector_store %arg8[%swap3A_3410, %swap3A_3411], %swap3A_3414 {strides = array<i32>} : memref<128x128xf32, #tpu.memory_space<vmem>>, vector<1x16xf32>,
      %get3A_3415 = arith.constant 1 : i32
      %get3A_3416 = arith.constant 15 : i32
      %get3A_3417 = arith.index_cast %get3A_3415 : i32 to index
      %get3A_3418 = arith.index_cast %get3A_3416 : i32 to index
      %get3A_3419 = arith.constant 112 : index
      %get3A_3420 = tpu.vector_load %arg7[%get3A_3417, %get3A_3418, %get3A_3419] {strides = array<i32>} : memref<2x16x128xf32, #tpu.memory_space<vmem>>, vector<1x1x16xf32>,
      %get3A_3421 = vector.shape_cast %get3A_3420 : vector<1x1x16xf32> to vector<16xf32>
      %swap3A_3422 = arith.constant 127 : i32
      %swap3A_3423 = arith.index_cast %swap3A_3422 : i32 to index
      %swap3A_3424 = arith.constant 0 : index
      %swap3A_3425 = tpu.vector_load %arg8[%swap3A_3423, %swap3A_3424] {strides = array<i32>} : memref<128x128xf32, #tpu.memory_space<vmem>>, vector<1x16xf32>,
      %swap3A_3426 = vector.shape_cast %swap3A_3425 : vector<1x16xf32> to vector<16xf32>
      %swap3A_3427 = vector.shape_cast %get3A_3421 : vector<16xf32> to vector<1x16xf32>
      tpu.vector_store %arg8[%swap3A_3423, %swap3A_3424], %swap3A_3427 {strides = array<i32>} : memref<128x128xf32, #tpu.memory_space<vmem>>, vector<1x16xf32>,
      %add3A_3428 = arith.constant 2 : i32
      %add3A_3429 = arith.addi %add3A_1747, %add3A_3428 : i32
      %lt3A_3430 = arith.constant 40 : i32
      %lt3A_3431 = arith.cmpi slt, %add3A_3429, %lt3A_3430 : i32
      %convert_element_type3A_3432 = arith.extui %lt3A_3431 : i1 to i32
      %cond3A_3433 = arith.constant 0 : i32
      %cond3A_3434 = arith.cmpi ne, %convert_element_type3A_3432, %cond3A_3433 : i32
      scf.if %cond3A_3434 {
        %add3A_3435 = arith.constant 2 : i32
        %add3A_3436 = arith.addi %add3A_1747, %add3A_3435 : i32
        %mul3A_3437 = arith.constant 16 : i32
        %mul3A_3438 = arith.muli %add3A_3436, %mul3A_3437 : i32
        %add3A_3439 = arith.addi %mul3A_20, %mul3A_3438 : i32
        %dma_start3A_3440 = arith.constant 1 : i32
        %dma_start3A_3441 = arith.constant 0 : i32
        %dma_start3A_3442 = arith.constant 0 : i32
        %dma_start3A_3443 = tpu.memref_slice %arg7[%dma_start3A_3440, %dma_start3A_3441, %dma_start3A_3442] : memref<2x16x128xf32, #tpu.memory_space<vmem>> -> memref<1x16x128xf32, #tpu.memory_space<vmem>>
        %dma_start3A_3444 = tpu.memref_squeeze %dma_start3A_3443 : memref<1x16x128xf32, #tpu.memory_space<vmem>> -> memref<16x128xf32, #tpu.memory_space<vmem>>
        %dma_start3A_3445 = arith.constant 0 : i32
        %dma_start3A_3446 = tpu.memref_slice %arg3[%add3A_3439, %dma_start3A_3445] : memref<20480x128xf32, #tpu.memory_space<hbm>> -> memref<16x128xf32, #tpu.memory_space<hbm>>
        %dma_start3A_3447 = arith.constant 0 : i32
        %dma_start3A_3448 = arith.constant 0 : i32
        %dma_start3A_3449 = tpu.memref_slice %arg7[%dma_start3A_3440, %dma_start3A_3447, %dma_start3A_3448] : memref<2x16x128xf32, #tpu.memory_space<vmem>> -> memref<1x16x128xf32, #tpu.memory_space<vmem>>
        %dma_start3A_3450 = tpu.memref_squeeze %dma_start3A_3449 : memref<1x16x128xf32, #tpu.memory_space<vmem>> -> memref<16x128xf32, #tpu.memory_space<vmem>>
        %dma_start3A_3451 = arith.constant 0 : i32
        %dma_start3A_3452 = tpu.memref_slice %arg3[%add3A_3439, %dma_start3A_3451] : memref<20480x128xf32, #tpu.memory_space<hbm>> -> memref<16x128xf32, #tpu.memory_space<hbm>>
        tpu.enqueue_dma source(%dma_start3A_3452 : memref<16x128xf32, #tpu.memory_space<hbm>>) target(%dma_start3A_3450 : memref<16x128xf32, #tpu.memory_space<vmem>>) target_semaphore(%arg10 : memref<!tpu.dma_semaphore, #tpu.memory_space<semaphore_mem>>)
      } else {
      }
      "tpu.region"() ({
        %run_scoped3A = tpu.sem_alloc : memref<!tpu.dma_semaphore, #tpu.memory_space<semaphore_mem>>
        %dma_start3A_3435 = arith.constant 0 : i32
        %dma_start3A_3436 = tpu.memref_slice %arg6[%add3A_1747, %dma_start3A_3435] : memref<40x128xi32, #tpu.memory_space<vmem>> -> memref<1x128xi32, #tpu.memory_space<vmem>>
        %dma_start3A_3437 = tpu.memref_squeeze %dma_start3A_3436 : memref<1x128xi32, #tpu.memory_space<vmem>> -> memref<128xi32, #tpu.memory_space<vmem>>
        %dma_start3A_3438 = arith.constant 0 : i32
        %dma_start3A_3439 = arith.constant 0 : i32
        %dma_start3A_3440 = tpu.memref_slice %arg5[%dma_start3A_3438, %dma_start3A_3439] : memref<10240x128xf32, #tpu.memory_space<vmem_shared>> -> memref<10240x128xf32, #tpu.memory_space<vmem_shared>>
        tpu.enqueue_indirect_dma source(%arg8 : memref<128x128xf32, #tpu.memory_space<vmem>>) target(%dma_start3A_3440 : memref<10240x128xf32, #tpu.memory_space<vmem_shared>>) offsets(%dma_start3A_3437 : memref<128xi32, #tpu.memory_space<vmem>>) semaphore(%run_scoped3A : memref<!tpu.dma_semaphore, #tpu.memory_space<semaphore_mem>>) {add = true}
        %dma_wait3A_3441 = arith.constant 0 : i32
        %dma_wait3A_3442 = tpu.memref_slice %arg6[%add3A_1747, %dma_wait3A_3441] : memref<40x128xi32, #tpu.memory_space<vmem>> -> memref<1x128xi32, #tpu.memory_space<vmem>>
        %dma_wait3A_3443 = tpu.memref_squeeze %dma_wait3A_3442 : memref<1x128xi32, #tpu.memory_space<vmem>> -> memref<128xi32, #tpu.memory_space<vmem>>
        %dma_wait3A_3444 = arith.constant 0 : i32
        %dma_wait3A_3445 = arith.constant 0 : i32
        %dma_wait3A_3446 = tpu.memref_slice %arg5[%dma_wait3A_3444, %dma_wait3A_3445] : memref<10240x128xf32, #tpu.memory_space<vmem_shared>> -> memref<10240x128xf32, #tpu.memory_space<vmem_shared>>
        tpu.wait_indirect_dma semaphore(%run_scoped3A : memref<!tpu.dma_semaphore, #tpu.memory_space<semaphore_mem>>) src(%arg8 : memref<128x128xf32, #tpu.memory_space<vmem>>) dst(%dma_wait3A_3446 : memref<10240x128xf32, #tpu.memory_space<vmem_shared>>)
        tpu.yield
      }) : () -> ()
    }
    %scan3A_52 = arith.constant 20 : i32
    %barrier3A_53 = arith.constant 0 : index
    tpu.barrier barrier_id(%barrier3A_53)
    %mul3A_54 = arith.constant 640 : i32
    %mul3A_55 = arith.muli %arg1, %mul3A_54 : i32
    %mul3A_56 = arith.constant 640 : i32
    %mul3A_57 = arith.muli %arg1, %mul3A_56 : i32
    "tpu.region"() ({
      %run_scoped3A = tpu.sem_alloc : memref<!tpu.dma_semaphore, #tpu.memory_space<semaphore_mem>>
      %dma_start3A_58 = arith.constant 0 : i32
      %dma_start3A_59 = tpu.memref_slice %arg4[%arg0, %mul3A_57, %dma_start3A_58] : memref<2x10240x128xf32, #tpu.memory_space<hbm>> -> memref<1x640x128xf32, #tpu.memory_space<hbm>>
      %dma_start3A_60 = tpu.memref_squeeze %dma_start3A_59 : memref<1x640x128xf32, #tpu.memory_space<hbm>> -> memref<640x128xf32, #tpu.memory_space<hbm>>
      %dma_start3A_61 = arith.constant 0 : i32
      %dma_start3A_62 = tpu.memref_slice %arg5[%mul3A_55, %dma_start3A_61] : memref<10240x128xf32, #tpu.memory_space<vmem_shared>> -> memref<640x128xf32, #tpu.memory_space<vmem_shared>>
      tpu.enqueue_dma source(%dma_start3A_62 : memref<640x128xf32, #tpu.memory_space<vmem_shared>>) target(%dma_start3A_60 : memref<640x128xf32, #tpu.memory_space<hbm>>) target_semaphore(%run_scoped3A : memref<!tpu.dma_semaphore, #tpu.memory_space<semaphore_mem>>)
      %dma_wait3A = arith.constant 0 : i32
      %dma_wait3A_63 = tpu.memref_slice %arg4[%arg0, %mul3A_57, %dma_wait3A] : memref<2x10240x128xf32, #tpu.memory_space<hbm>> -> memref<1x640x128xf32, #tpu.memory_space<hbm>>
      %dma_wait3A_64 = tpu.memref_squeeze %dma_wait3A_63 : memref<1x640x128xf32, #tpu.memory_space<hbm>> -> memref<640x128xf32, #tpu.memory_space<hbm>>
      %dma_wait3A_65 = arith.constant 0 : i32
      %dma_wait3A_66 = tpu.memref_slice %arg5[%mul3A_55, %dma_wait3A_65] : memref<10240x128xf32, #tpu.memory_space<vmem_shared>> -> memref<640x128xf32, #tpu.memory_space<vmem_shared>>
      tpu.wait_dma2 semaphore(%run_scoped3A : memref<!tpu.dma_semaphore, #tpu.memory_space<semaphore_mem>>) src(%dma_wait3A_66 : memref<640x128xf32, #tpu.memory_space<vmem_shared>>) dst(%dma_wait3A_64 : memref<640x128xf32, #tpu.memory_space<hbm>>)
      tpu.yield
    }) : () -> ()
    return
  }
}

</mosaic_0001>

<sc_bundles>
// kernel: _sc_aggregate.4.cloned.1.call-start
scs
__scs_entry_jumppad:
0x0: {  	(pc) =	sbr.rel $0x88, $3  }
0x1: {  	(tag) =	ssettag $0x0;
	lr =	simm.s32 $0x1  }
0x2: {  	[smem:$0x3F9C] =	sst lr;
	_ =	strace $0xD0000000  }
0x3: {  	_ = 	snop  }
0x4: {  	_ = 	snop  }
0x5: {  	_ = 	snop  }
0x6: {  	_ = 	snop  }
0x7: {  	_ = 	snop  }
__scs_overlays_trampoline_lowered:
0x8: {  	[smem:$0x3FAB] =	sst s0  }
0x9: {  	[smem:$0x3FAC] =	sst s1  }
0xa: {  	[smem:$0x3FAD] =	sst s2  }
0xb: {  	[smem:$0x3FAE] =	sst s3  }
0xc: {  	[smem:$0x3FAF] =	sst s4  }
0xd: {  	[smem:$0x3FB0] =	sst s5  }
0xe: {  	[smem:$0x3FB1] =	sst s6  }
0xf: {  	[smem:$0x3FB2] =	sst s7  }
0x10: {  	[smem:$0x3FB3] =	sst s8  }
0x11: {  	[smem:$0x3FB4] =	sst s9;
	s0 =	simm.s32 @!p0 $0x0  }
0x12: {  	s1 =	sld [smem:$0x3F9A];
	s0 =	simm.s32 @p0 $0x1  }
0x13: {  	[smem:$0x3FB5] =	sst s0;
	s0 =	simm.s32 @!p1 $0x0  }
0x14: {  	s2 =	sld [smem:$0x3F99];
	s0 =	simm.s32 @p1 $0x1  }
0x15: {  	[smem:$0x3FB6] =	sst s0;
	s0 =	simm.s32 @!p2 $0x0  }
0x16: {  	s3 =	sld [smem:$0x3FDB];
	s0 =	simm.s32 @p2 $0x1  }
0x17: {  	s4 =	simm.s32 $0x1BF5;
	[smem:$0x3FB8] =	sst s0  }
0x18: {  	s0 =	sld [smem:$0x3F9B];
	_ =	swait.ge [sflag:s4], $0x0  }
0x19: {  	s7 =	sld [smem:$0x3F9C]  }
0x1a: {  	s8 =	sadd.s32 $0xFFFFE003, lr  }
0x1b: {  	s9 =	sadd.s32 $0xFFFFFEF7, lr;
	s5 =	simm.s32 $0xFFFFFFFF;
	p2 =	slt.u32 s8, $0xFFFFF086  }
0x1c: {  	p1 =	slt.u32 s9, $0xF7A;
	s5 =	simm.s32 @!p2 $0x0  }
0x1d: {  	s5 =	simm.s32 @p1 $0x1;
	p0 =	seq.s32 s7, s2  }
0x1e: {  	s7 =	smul.u32 @!p0 $0xF7A, s2;
	p2 =	seq.s32 @!p0 s5, $0x0  }
0x1f: {  	s9 =	smul.u32 $0xF7A, s1;
	s8 =	simm.s32 @!p0 $0x1BF5;
	p2 =	por !p2, p0  }
0x20: {  	[sflag:s8] =	ssyncset.s32 @!p0 $0xFFFFF086;
	s6 =	sadd.s32 @!p0 s3, s7;
	s7 =	simm.s32 @!p0 $0x108  }
0x21: {  	s3 =	sadd.s32 s3, s9;
	s6 =	sadd.s32 @!p0 $0x88, s6;
	s7 =	simm.s32 @p2 $0x1082  }
0x22: {  	[simem:s7], [sflag:s8] =	dma.local @!p0 [hbm:s6], $0xF7A  }
0x23: {  	s9 =	sor.u32 $0xD0000000, s2;
	s6 =	simm.s32 $0x108;
	_ =	swait.ge @!p0 [sflag:s8], $0x0  }
0x24: {  	s3 =	sadd.s32 $0x88, s3;
	s6 =	simm.s32 @!p1 $0x1082;
	[sflag:s4] =	ssyncset.s32 $0xFFFFF086  }
0x25: {  	[simem:s6], [sflag:s4] =	dma.local [hbm:s3], $0xF7A  }
0x26: {  	[smem:$0x3F9C] =	sst s1;
	(tag) =	ssettag s2;
	_ =	strace s9  }
0x27: {  	s1 =	sld [smem:$0x3FAC]  }
0x28: {  	s2 =	sld [smem:$0x3FAD]  }
0x29: {  	s4 =	sld [smem:$0x3FAF]  }
0x2a: {  	p0 =	seq.s32 s5, $0x0;
	s5 =	sld [smem:$0x3FB0]  }
0x2b: {  	s6 =	sld [smem:$0x3FB1]  }
0x2c: {  	s7 =	sld [smem:$0x3FB2]  }
0x2d: {  	s3 =	simm.s32 $0x108;
	s8 =	sld [smem:$0x3FB3]  }
0x2e: {  	s3 =	simm.s32 @!p0 $0x1082;
	s9 =	sld [smem:$0x3FB4]  }
0x2f: {  	lr =	sadd.s32 s0, s3;
	s0 =	sld [smem:$0x3FAB]  }
0x30: {  	s3 =	sld [smem:$0x3FAE]  }
0x31: {  	[smem:$0x3FB7] =	sst s10  }
0x32: {  	s10 =	sld [smem:$0x3FB5];
	_ =	sdelay $0x3  }
0x33: {  	p0 =	seq.s32 s10, $0x1;
	s10 =	sld [smem:$0x3FB7];
	_ =	sdelay $0x3  }
0x34: {  	[smem:$0x3FB7] =	sst s10  }
0x35: {  	s10 =	sld [smem:$0x3FB6];
	_ =	sdelay $0x3  }
0x36: {  	p1 =	seq.s32 s10, $0x1;
	s10 =	sld [smem:$0x3FB7];
	_ =	sdelay $0x3  }
0x37: {  	[smem:$0x3FB7] =	sst s10  }
0x38: {  	s10 =	sld [smem:$0x3FB8]  }
0x39: {  	_ = 	snop;
	(pc) =	sbr.ind lr, $3  }
0x3a: {  	_ = 	snop  }
0x3b: {  	_ = 	snop  }
0x3c: {  	p2 =	seq.s32 s10, $0x1;
	s10 =	sld [smem:$0x3FB7]  }
0x3d: {  	_ =	shalt  }
0x3e: {  	_ =	shalt  }
0x3f: {  	_ =	shalt  }
0x40: {  	_ =	shalt  }
0x41: {  	_ =	shalt  }
0x42: {  	_ =	shalt  }
0x43: {  	_ =	shalt  }
0x44: {  	_ =	shalt  }
0x45: {  	_ =	shalt  }
0x46: {  	_ =	shalt  }
0x47: {  	_ =	shalt  }
0x48: {  	_ =	shalt  }
0x49: {  	_ =	shalt  }
0x4a: {  	_ =	shalt  }
0x4b: {  	_ =	shalt  }
0x4c: {  	_ =	shalt  }
0x4d: {  	_ =	shalt  }
0x4e: {  	_ =	shalt  }
0x4f: {  	_ =	shalt  }
0x50: {  	_ =	shalt  }
0x51: {  	_ =	shalt  }
0x52: {  	_ =	shalt  }
0x53: {  	_ =	shalt  }
0x54: {  	_ =	shalt  }
0x55: {  	_ =	shalt  }
0x56: {  	_ =	shalt  }
0x57: {  	_ =	shalt  }
0x58: {  	_ =	shalt  }
0x59: {  	_ =	shalt  }
0x5a: {  	_ =	shalt  }
0x5b: {  	_ =	shalt  }
0x5c: {  	_ =	shalt  }
0x5d: {  	_ =	shalt  }
0x5e: {  	_ =	shalt  }
0x5f: {  	_ =	shalt  }
0x60: {  	_ =	shalt  }
0x61: {  	_ =	shalt  }
0x62: {  	_ =	shalt  }
0x63: {  	_ =	shalt  }
0x64: {  	_ =	shalt  }
0x65: {  	_ =	shalt  }
0x66: {  	_ =	shalt  }
0x67: {  	_ =	shalt  }
0x68: {  	_ =	shalt  }
0x69: {  	_ =	shalt  }
0x6a: {  	_ =	shalt  }
0x6b: {  	_ =	shalt  }
0x6c: {  	_ =	shalt  }
0x6d: {  	_ =	shalt  }
0x6e: {  	_ =	shalt  }
0x6f: {  	_ =	shalt  }
0x70: {  	_ =	shalt  }
0x71: {  	_ =	shalt  }
0x72: {  	_ =	shalt  }
0x73: {  	_ =	shalt  }
0x74: {  	_ =	shalt  }
0x75: {  	_ =	shalt  }
0x76: {  	_ =	shalt  }
0x77: {  	_ =	shalt  }
0x78: {  	_ =	shalt  }
0x79: {  	_ =	shalt  }
0x7a: {  	_ =	shalt  }
0x7b: {  	_ =	shalt  }
0x7c: {  	_ =	shalt  }
0x7d: {  	_ =	shalt  }
0x7e: {  	_ =	shalt  }
0x7f: {  	_ =	shalt  }
0x80: {  	_ =	shalt  }
0x81: {  	_ =	shalt  }
0x82: {  	_ =	shalt  }
0x83: {  	_ =	shalt  }
0x84: {  	_ =	shalt  }
0x85: {  	_ =	shalt  }
0x86: {  	_ =	shalt  }
0x87: {  	_ =	shalt  }
.Lfunc_end0:
.L_simem_size_0:
called_computation_lowered:
.L_overlay_start_0:
0x88: {  	s2 =	sld [smem:$0x3FD9]  }
0x89: {  	s3 =	sld [smem:$0x3FFE];
	_ =	sdelay $0x1  }
0x8a: {  	s1 =	srdreg.scid  }
0x8b: {  	s0 =	sand.u32 $0x1, s1  }
0x8c: {  	s14 =	sshll.u32 s0, $0xA;
	s2 =	sadd.s32 s3, s2  }
0x8d: {  	s2 =	sadd.s32 s2, s14  }
0x8e: {  	[smem:$0x3FC3] =	sst s2  }
0x8f: {  	_ = 	snop  }
0x90: {  	s2 =	sld [smem:$0x3FD0];
	_ =	sdelay $0x2  }
0x91: {  	s4 =	simm.s32 $0xB;
	s5 =	simm.s32 $0x10;
	s15 =	sld [smem:$0x3FC9]  }
0x92: {  	[smem:s5], [sflag:s4] =	dma.local [hbm:s2], $0x1  }
0x93: {  	_ =	swait.eq [sflag:s4], $0x1  }
0x94: {  	[sflag:s4] =	ssyncset.done $0x0  }
0x95: {  	[sflag:s4] =	ssyncadd.s32 $0xFFFFFFFF  }
0x96: {  	s16 =	sld [smem:$0x10];
	(tm) =	ssettm $0x1  }
0x97: {  	s17 =	sld [smem:$0x3FFB];
	_ =	sdelay $0x3  }
0x98: {  	_ =	strace s17  }
0x99: {  	s4 =	sld [smem:$0x3FFC];
	_ =	sdelay $0x3  }
0x9a: {  	_ =	strace s4  }
0x9b: {  	s4 =	sld [smem:$0x3FFD];
	_ =	sdelay $0x3  }
0x9c: {  	_ =	strace s4  }
0x9d: {  	_ =	strace $0x8FFFFFFF  }
0x9e: {  	s18 =	sld [smem:$0x3FDB];
	_ =	sdelay $0x1  }
0x9f: {  	s19 =	simm.s32 $_scs_section_size  }
0xa0: {  	s6 =	simm.s32 $_size__tile_overlayer_lowered;
	s7 =	simm.s32 $_tile_overlayer_lowered  }
0xa1: {  	s22 =	simm.s32 $0x1BFF;
	s21 =	sshll.u32 s7, $0x1;
	s4 =	sadd.s32 s19, s18  }
0xa2: {  	s8 =	simm.s32 $0x0;
	s20 =	sshll.u32 s6, $0x1;
	s6 =	sadd.s32 s21, s4  }
0xa3: {  	[timem:s8], [sflag:s22] =	dma.local [hbm:s6], s20  }
0xa4: {  	_ =	swait.ge [sflag:s22], s20  }
0xa5: {  	s5 =	ssub.s32 $0x0, s20;
	[sflag:s22] =	ssyncset.done $0x0  }
0xa6: {  	[sflag:s22] =	ssyncadd.s32 s5;
	_ =	sdelay $0x1  }
0xa7: {  	s23 =	simm.s32 $0x1B8B  }
0xa8: {  	_ =	swait.ge [sflag:s23], $0x1  }
0xa9: {  	[sflag:s23] =	ssyncset.done $0x0  }
0xaa: {  	s25 =	simm.s32 $0x1B8E;
	s24 =	sld [smem:$0x3FFE];
	[sflag:s23] =	ssyncadd.s32 $0xFFFFFFFF  }
0xab: {  	s26 =	simm.s32 $execute0_lowered;
	[smem:$0x3FD2] =	sst s25  }
0xac: {  	s6 =	sshll.u32 s26, $0x1;
	_ =	strace $0x80000046;
	[dreg:$0x1] =	wrdreg $0xFFFFFFFF  }
0xad: {  	s28 =	simm.s32 $_size_execute0_lowered;
	s4 =	sadd.s32 s4, s6;
	[dreg:$0x0] =	wrdreg $0x0  }
0xae: {  	s6 =	sshll.u32 s28, $0x1;
	[dreg:$0x2] =	wrdreg s4  }
0xaf: {  	[dreg:$0x3] =	wrdreg s6  }
0xb0: {  	[dreg:$0x4] =	wrdreg $0xC0  }
0xb1: {  	_ =	task [dreg:s8], $0x5FFFF  }
0xb2: {  	[dreg:$0x1] =	wrdreg $0xFFFFFFFF  }
0xb3: {  	[dreg:$0x0] =	wrdreg $0x60  }
0xb4: {  	[dreg:$0x2] =	wrdreg s15  }
0xb5: {  	[dreg:$0x3] =	wrdreg s24  }
0xb6: {  	[dreg:$0x4] =	wrdreg s16  }
0xb7: {  	[dreg:$0x5] =	wrdreg $0x0  }
0xb8: {  	[dreg:$0x6] =	wrdreg $0x9  }
0xb9: {  	_ =	task.clear_ibuf [dreg:s8], $0x7FFFF;
	_ =	strace $0x90000046  }
0xba: {  	s29 =	simm.s32 $0x9;
	_ =	strace $0x80000048  }
0xbb: {  	_ =	swait.ge [sflag:s29], $0x1  }
0xbc: {  	[sflag:s29] =	ssyncadd.s32 $0xFFFFFFFF  }
0xbd: {  	_ =	strace $0x90000048  }
0xbe: {  	_ =	sfence  }
0xbf: {  	s30 =	sld [smem:$0x0];
	_ =	sdelay $0x2  }
0xc0: {  	s31 =	sshll.u32 s1, $0xD;
	s1 =	sshrl.u32 s1, $0x2  }
0xc1: {  	s3 =	sand.u32 $0x4000, s31;
	s1 =	sadd.s32 s1, s30  }
0xc2: {  	s0 =	sor.u32 s3, s0;
	s1 =	sshll.u32 s1, $0x11  }
0xc3: {  	s0 =	sor.u32 s1, s0  }
0xc4: {  	s0 =	sadd.s32 $0x8F2B, s0  }
0xc5: {  	[sflag:s0] =	ssyncadd.remote.s32 $0x1  }
0xc6: {  	_ =	sfence.sel $0xFFFF  }
0xc7: {  	[dreg:$0x0] =	wrdreg $0xFFFFFFFF;
	(pc) =	sbr.abs _section_cstart, $3  }
0xc8: {  	[dreg:$0x1] =	wrdreg $0xFFFFFFFF  }
0xc9: {  	_ =	task.clear_ibuf [dreg:s8], $0x2FFFF;
	_ =	strace $0x9FFFFFFF  }
0xca: {  	(tm) =	ssettm $0x7FFFFFFF  }
0xcb: {  	_ =	shalt  }
tec
execute0_lowered:
.L_overlay_start_1:
0x0: {  	(tag) =	ssettag $0x1  }
0x1: {  	s1 =	rddreg [dreg:$0x0]  }
0x2: {  	s5 =	rddreg [dreg:$0x1]  }
0x3: {  	s7 =	rddreg [dreg:$0x2]  }
0x4: {  	s2 =	rddreg [dreg:$0x3]  }
0x5: {  	s0 =	rddreg [dreg:$0x4]  }
0x6: {  	s4 =	simm.s32 $0x0;
	s3 =	srdreg.scid;
	s17 =	simm.s32 $0x1C080  }
0x7: {  	s18 =	simm.s32 $0x2;
	s19 =	simm.s32 $0x14000;
	s20 =	simm.s32 $0x18000  }
0x8: {  	s22 =	simm.s32 $0x1C000;
	[smem:$0x7FF] =	sst s4;
	s21 =	sand.u32 $0x1, s3  }
0x9: {  	s23 =	simm.s32 $0x1;
	s3 =	stileid.u32;
	s6 =	smul.u32 $0x140000, s21  }
0xa: {  	_ =	strace $0x80000047;
	s8 =	ssub.s32 $0x2, s21;
	s9 =	smul.u32 $0x14000, s3  }
0xb: {  	s10 =	sshll.u32 s3, $0xB;
	s12 =	smul.u32 $0x50000, s3;
	s11 =	sshrl.u32 s8, $0x1  }
0xc: {  	v0 =	vmov s21;
	s21 =	simm.s32 $0x50;
	s10 =	sadd.s32 s10, s5;
	s11 =	ssub.s32 s8, s11  }
0xd: {  	s6 =	sadd.s32 s9, s6;
	s5 =	sadd.s32 $0x800, s10;
	s31 =	sshrl.u32 s12, $0x2  }
0xe: {  	s30 =	sshrl.u32 s6, $0x3;
	s6 =	sadd.s32 $0x8800, s10;
	s8 =	sadd.s32 s31, s2  }
0xf: {  	s9 =	smax.u32 s11, $0x1;
	s7 =	sadd.s32 s7, s30;
	s10 =	sadd.s32 $0x2800, s8  }
0x10: {  	s11 =	sadd.s32 $0x5000, s8;
	s12 =	sadd.s32 $0x7800, s8;
	s13 =	sadd.s32 $0xA000, s8  }
0x11: {  	v1 =	vimm.f32 $0.0e+00;
	s14 =	sadd.s32 $0xC800, s8;
	s15 =	sadd.s32 $0xF000, s8;
	s16 =	sadd.s32 $0x11800, s8  }
.LBB2_1:
0x12: {  	s24 =	simm.s32 $0x0;
	s25 =	simm.s32 $0x200  }
.LBB2_2:
0x13: {  	p0 =	sne.s32 s25, $0x9E00;
	[tilespmem:s24+$0x1C0F0] =	vst v1  }
0x14: {  	[tilespmem:s24+$0x1C080] =	vst v1  }
0x15: {  	[tilespmem:s24+$0x1C090] =	vst v1  }
.Ltmp0:
0x16: {  	[tilespmem:s24+$0x1C0A0] =	vst v1;
	(pc) =	sbr.rel @p0 .LBB2_2-.Ltmp0, $4  }
0x17: {  	[tilespmem:s24+$0x1C0B0] =	vst v1  }
0x18: {  	[tilespmem:s24+$0x1C0C0] =	vst v1  }
0x19: {  	[tilespmem:s24+$0x1C0D0] =	vst v1  }
0x1a: {  	[tilespmem:s24+$0x1C0E0] =	vst v1;
	s24 =	sshra.s32 s25, $0x2;
	s25 =	sadd.s32 $0x200, s25  }
0x1b: {  	[tilespmem:s24+$0x1C0F0] =	vst v1  }
0x1c: {  	[tilespmem:s24+$0x1C080] =	vst v1  }
0x1d: {  	[tilespmem:s24+$0x1C090] =	vst v1  }
0x1e: {  	[tilespmem:s24+$0x1C0A0] =	vst v1  }
0x1f: {  	[tilespmem:s24+$0x1C0B0] =	vst v1  }
0x20: {  	[tilespmem:s24+$0x1C0C0] =	vst v1  }
0x21: {  	[tilespmem:s24+$0x1C0D0] =	vst v1  }
0x22: {  	[tilespmem:s24+$0x1C0E0] =	vst v1  }
0x23: {  	[spmem:s8] =	stream.linear.scatter [tilespmem:s17], [sflag:$0x2], $0x2800, $0x38;
	[tilespmem:$0x1E880] =	vst v63  }
0x24: {  	_ =	swait.ge [sflag:s18], $0x2800  }
0x25: {  	[sflag:s18] =	ssyncset.done $0x0  }
0x26: {  	[sflag:s18] =	ssyncadd.s32 $0xFFFFD800  }
0x27: {  	[spmem:s10] =	stream.linear.scatter [tilespmem:s17], [sflag:$0x2], $0x2800, $0x38;
	[tilespmem:$0x1E880] =	vst v63  }
0x28: {  	_ =	swait.ge [sflag:s18], $0x2800  }
0x29: {  	[sflag:s18] =	ssyncset.done $0x0  }
0x2a: {  	[sflag:s18] =	ssyncadd.s32 $0xFFFFD800  }
0x2b: {  	[spmem:s11] =	stream.linear.scatter [tilespmem:s17], [sflag:$0x2], $0x2800, $0x38;
	[tilespmem:$0x1E880] =	vst v63  }
0x2c: {  	_ =	swait.ge [sflag:s18], $0x2800  }
0x2d: {  	[sflag:s18] =	ssyncset.done $0x0  }
0x2e: {  	[sflag:s18] =	ssyncadd.s32 $0xFFFFD800  }
0x2f: {  	[spmem:s12] =	stream.linear.scatter [tilespmem:s17], [sflag:$0x2], $0x2800, $0x38;
	[tilespmem:$0x1E880] =	vst v63  }
0x30: {  	_ =	swait.ge [sflag:s18], $0x2800  }
0x31: {  	[sflag:s18] =	ssyncset.done $0x0  }
0x32: {  	[sflag:s18] =	ssyncadd.s32 $0xFFFFD800  }
0x33: {  	[spmem:s13] =	stream.linear.scatter [tilespmem:s17], [sflag:$0x2], $0x2800, $0x38;
	[tilespmem:$0x1E880] =	vst v63  }
0x34: {  	_ =	swait.ge [sflag:s18], $0x2800  }
0x35: {  	[sflag:s18] =	ssyncset.done $0x0  }
0x36: {  	[sflag:s18] =	ssyncadd.s32 $0xFFFFD800  }
0x37: {  	[spmem:s14] =	stream.linear.scatter [tilespmem:s17], [sflag:$0x2], $0x2800, $0x38;
	[tilespmem:$0x1E880] =	vst v63  }
0x38: {  	_ =	swait.ge [sflag:s18], $0x2800  }
0x39: {  	[sflag:s18] =	ssyncset.done $0x0  }
0x3a: {  	[sflag:s18] =	ssyncadd.s32 $0xFFFFD800  }
0x3b: {  	[spmem:s15] =	stream.linear.scatter [tilespmem:s17], [sflag:$0x2], $0x2800, $0x38;
	[tilespmem:$0x1E880] =	vst v63  }
0x3c: {  	_ =	swait.ge [sflag:s18], $0x2800  }
0x3d: {  	[sflag:s18] =	ssyncset.done $0x0  }
0x3e: {  	[sflag:s18] =	ssyncadd.s32 $0xFFFFD800  }
0x3f: {  	[spmem:s16] =	stream.linear.scatter [tilespmem:s17], [sflag:$0x2], $0x2800, $0x38;
	[tilespmem:$0x1E880] =	vst v63  }
0x40: {  	_ =	swait.ge [sflag:s18], $0x2800  }
0x41: {  	[sflag:s18] =	ssyncset.done $0x0  }
0x42: {  	[sflag:s18] =	ssyncadd.s32 $0xFFFFD800  }
0x43: {  	s29 =	simm.s32 $0x0;
	[bflag:$0x0] =	sbarrier.arrive $0xFFFF  }
0x44: {  	[tilespmem:s19], [sflag:$0x2] =	stream.linear.gather [hbm4b:s5+s29], $0x3E80, $0x38;
	[tilespmem:$0x1E880] =	vst v63  }
0x45: {  	_ =	swait.ge [sflag:s18], $0x3E80  }
0x46: {  	[sflag:s18] =	ssyncset.done $0x0  }
0x47: {  	[sflag:s18] =	ssyncadd.s32 $0xFFFFC180  }
0x48: {  	[tilespmem:s20], [sflag:$0x2] =	stream.linear.gather [hbm4b:s6+s29], $0x3E80, $0x38;
	[tilespmem:$0x1E880] =	vst v63  }
0x49: {  	_ =	swait.ge [sflag:s18], $0x3E80  }
0x4a: {  	[sflag:s18] =	ssyncset.done $0x0  }
0x4b: {  	s30 =	simm.s32 $0x0;
	[sflag:s18] =	ssyncadd.s32 $0xFFFFC180  }
0x4c: {  	v2 =	vld [tilespmem:s30+$0x14000];
	_ =	sdelay $0x4  }
0x4d: {  	v2 =	vshll.u32 v2, $0x1  }
0x4e: {  	v2 =	vor.u32 v0, v2  }
0x4f: {  	[tilespmem:$0x1C000] =	vst v2  }
0x50: {  	v2 =	vld [tilespmem:s30+$0x14010];
	_ =	sdelay $0x4  }
0x51: {  	v2 =	vshll.u32 v2, $0x1  }
0x52: {  	v2 =	vor.u32 v0, v2  }
0x53: {  	[tilespmem:$0x1C010] =	vst v2  }
0x54: {  	v2 =	vld [tilespmem:s30+$0x14020];
	_ =	sdelay $0x4  }
0x55: {  	v2 =	vshll.u32 v2, $0x1  }
0x56: {  	v2 =	vor.u32 v0, v2  }
0x57: {  	[tilespmem:$0x1C020] =	vst v2  }
0x58: {  	v2 =	vld [tilespmem:s30+$0x14030];
	_ =	sdelay $0x4  }
0x59: {  	v2 =	vshll.u32 v2, $0x1  }
0x5a: {  	v2 =	vor.u32 v0, v2  }
0x5b: {  	[tilespmem:$0x1C030] =	vst v2  }
0x5c: {  	v2 =	vld [tilespmem:s30+$0x14040];
	_ =	sdelay $0x4  }
0x5d: {  	v2 =	vshll.u32 v2, $0x1  }
0x5e: {  	v2 =	vor.u32 v0, v2  }
0x5f: {  	[tilespmem:$0x1C040] =	vst v2  }
0x60: {  	[tilespmem:s17], [sflag:$0x1] =	stream.indirect.gather [hbm4b:s1+s21], $0x80, s22, s21, $0xb8;
	[tilespmem:$0x1E880] =	vst v63  }
0x61: {  	_ =	swait.ge [sflag:s23], $0x2800  }
0x62: {  	[sflag:s23] =	ssyncset.done $0x0  }
0x63: {  	s31 =	simm.s32 $0x18000;
	[sflag:s23] =	ssyncadd.s32 $0xFFFFD800  }
0x64: {  	[spmem:s2] =	stream.indirect.scatter.add.f32 [tilespmem:s17], [sflag:$0x2], $0x80, s31, s21, $0xb8;
	[tilespmem:$0x1E880] =	vst v63  }
0x65: {  	_ =	swait.ge [sflag:s18], $0x2800  }
0x66: {  	s24 =	simm.s32 $0x200;
	s28 =	simm.s32 $0x400;
	[sflag:s18] =	ssyncset.done $0x0  }
.LBB2_4:
0x67: {  	s26 =	sshra.s32 s24, $0x2  }
0x68: {  	[sflag:s18] =	ssyncadd.s32 $0xFFFFD800;
	s24 =	smov.u32 s28;
	s25 =	sadd.s32 $0x200, s28  }
0x69: {  	p0 =	sne.s32 s28, $0xF800;
	v2 =	vld [tilespmem:s26+$0x14000];
	_ =	sdelay $0x4  }
0x6a: {  	v2 =	vshll.u32 v2, $0x1  }
0x6b: {  	v2 =	vor.u32 v0, v2  }
0x6c: {  	[tilespmem:$0x1C000] =	vst v2  }
0x6d: {  	v2 =	vld [tilespmem:s26+$0x14010];
	_ =	sdelay $0x4  }
0x6e: {  	v2 =	vshll.u32 v2, $0x1  }
0x6f: {  	v2 =	vor.u32 v0, v2  }
0x70: {  	[tilespmem:$0x1C010] =	vst v2  }
0x71: {  	v2 =	vld [tilespmem:s26+$0x14020];
	_ =	sdelay $0x4  }
0x72: {  	v2 =	vshll.u32 v2, $0x1  }
0x73: {  	v2 =	vor.u32 v0, v2  }
0x74: {  	[tilespmem:$0x1C020] =	vst v2  }
0x75: {  	v2 =	vld [tilespmem:s26+$0x14030];
	_ =	sdelay $0x4  }
0x76: {  	v2 =	vshll.u32 v2, $0x1  }
0x77: {  	v2 =	vor.u32 v0, v2  }
0x78: {  	[tilespmem:$0x1C030] =	vst v2  }
0x79: {  	v2 =	vld [tilespmem:s26+$0x14040];
	_ =	sdelay $0x4  }
0x7a: {  	v2 =	vshll.u32 v2, $0x1  }
0x7b: {  	v2 =	vor.u32 v0, v2  }
0x7c: {  	[tilespmem:$0x1C040] =	vst v2  }
0x7d: {  	[tilespmem:s17], [sflag:$0x1] =	stream.indirect.gather [hbm4b:s1+s21], $0x80, s22, s21, $0xb8;
	[tilespmem:$0x1E880] =	vst v63  }
0x7e: {  	_ =	swait.ge [sflag:s23], $0x2800  }
.Ltmp1:
0x7f: {  	[sflag:s23] =	ssyncset.done $0x0;
	(pc) =	sbr.rel @p0 .LBB2_4-.Ltmp1, $4  }
0x80: {  	s26 =	sadd.s32 $0x18000, s26;
	[sflag:s23] =	ssyncadd.s32 $0xFFFFD800  }
0x81: {  	[spmem:s2] =	stream.indirect.scatter.add.f32 [tilespmem:s17], [sflag:$0x2], $0x80, s26, s21, $0xb8;
	[tilespmem:$0x1E880] =	vst v63  }
0x82: {  	_ =	swait.ge [sflag:s18], $0x2800  }
0x83: {  	s28 =	smov.u32 s25;
	[sflag:s18] =	ssyncset.done $0x0  }
0x84: {  	s24 =	sshra.s32 s24, $0x2;
	[sflag:s18] =	ssyncadd.s32 $0xFFFFD800  }
0x85: {  	v2 =	vld [tilespmem:s24+$0x14000];
	_ =	sdelay $0x4  }
0x86: {  	v2 =	vshll.u32 v2, $0x1  }
0x87: {  	v2 =	vor.u32 v0, v2  }
0x88: {  	[tilespmem:$0x1C000] =	vst v2  }
0x89: {  	v2 =	vld [tilespmem:s24+$0x14010];
	_ =	sdelay $0x4  }
0x8a: {  	v2 =	vshll.u32 v2, $0x1  }
0x8b: {  	v2 =	vor.u32 v0, v2  }
0x8c: {  	[tilespmem:$0x1C010] =	vst v2  }
0x8d: {  	v2 =	vld [tilespmem:s24+$0x14020];
	_ =	sdelay $0x4  }
0x8e: {  	v2 =	vshll.u32 v2, $0x1  }
0x8f: {  	v2 =	vor.u32 v0, v2  }
0x90: {  	[tilespmem:$0x1C020] =	vst v2  }
0x91: {  	v2 =	vld [tilespmem:s24+$0x14030];
	_ =	sdelay $0x4  }
0x92: {  	v2 =	vshll.u32 v2, $0x1  }
0x93: {  	v2 =	vor.u32 v0, v2  }
0x94: {  	[tilespmem:$0x1C030] =	vst v2  }
0x95: {  	v2 =	vld [tilespmem:s24+$0x14040];
	_ =	sdelay $0x4  }
0x96: {  	v2 =	vshll.u32 v2, $0x1  }
0x97: {  	v2 =	vor.u32 v0, v2  }
0x98: {  	[tilespmem:$0x1C040] =	vst v2  }
0x99: {  	[tilespmem:s17], [sflag:$0x1] =	stream.indirect.gather [hbm4b:s1+s21], $0x80, s22, s21, $0xb8;
	[tilespmem:$0x1E880] =	vst v63  }
0x9a: {  	_ =	swait.ge [sflag:s23], $0x2800  }
0x9b: {  	[sflag:s23] =	ssyncset.done $0x0  }
0x9c: {  	s24 =	sadd.s32 $0x18000, s24;
	[sflag:s23] =	ssyncadd.s32 $0xFFFFD800  }
0x9d: {  	[spmem:s2] =	stream.indirect.scatter.add.f32 [tilespmem:s17], [sflag:$0x2], $0x80, s24, s21, $0xb8;
	[tilespmem:$0x1E880] =	vst v63  }
0x9e: {  	_ =	swait.ge [sflag:s18], $0x2800  }
0x9f: {  	s31 =	sshll.u32 s3, $0x6;
	s4 =	sadd.s32 $0x1, s4;
	[sflag:s18] =	ssyncset.done $0x0  }
0xa0: {  	s25 =	sshrl.u32 s8, $0x3;
	p0 =	sne.s32 s4, s9;
	[sflag:s18] =	ssyncadd.s32 $0xFFFFD800  }
.Ltmp2:
0xa1: {  	s24 =	sor.u32 $0x1C02, s31;
	[bflag:$0x0] =	sbarrier.arrive $0xFFFF;
	(pc) =	sbr.rel @p0 .LBB2_1-.Ltmp2, $4  }
0xa2: {  	[hbm:s7], [sflag:s24] =	dma.local [spmem:s25], $0x2800  }
0xa3: {  	_ =	swait.ge [sflag:s18], $0x2800  }
0xa4: {  	[sflag:s18] =	ssyncset.done $0x0  }
0xa5: {  	[sflag:s18] =	ssyncadd.s32 $0xFFFFD800  }
0xa6: {  	_ =	sfence.sel $0x180000  }
0xa7: {  	[bflag:$0x0] =	sbarrier.arrive $0xFFFF  }
0xa8: {  	p0 =	sne.s32 s3, $0x0;
	_ =	strace $0x90000047  }
0xa9: {  	s0 =	sadd.s32 @!p0 $0x100000, s0;
	[bflag:$0x2] =	sbarrier.arrive $0xFFFF  }
0xaa: {  	[sflag:s0] =	ssyncadd.tile.s32 @!p0 $0x1;
	_ =	shalt  }
.Lfunc_end2:
_tile_overlayer_lowered:
.L_overlay_start_2:
0xab: {  	(tag) =	ssettag $0x2  }
0xac: {  	s0 =	rddreg [dreg:$0x0];
	s2 =	stileid.u32  }
0xad: {  	s1 =	rddreg [dreg:$0x1];
	p0 =	sne.s32 s2, $0x0  }
0xae: {  	s3 =	rddreg [dreg:$0x2];
	[bflag:$0x3] =	sbarrier.arrive $0xFFFF;
	s2 =	simm.s32 @!p0 $0x1C02  }
0xaf: {  	[timem:s3], [sflag:s2] =	dma.local @!p0 [hbm:s0], s1  }
0xb0: {  	s0 =	simm.s32 @!p0 $0x2  }
0xb1: {  	_ =	swait.ge @!p0 [sflag:s0], s1  }
0xb2: {  	s1 =	ssub.s32 @!p0 $0x0, s1;
	[sflag:s0] =	ssyncset.done @!p0 $0x0  }
0xb3: {  	[sflag:s0] =	ssyncadd.s32 @!p0 s1  }
0xb4: {  	[bflag:$0x3] =	sbarrier.arrive $0xFFFF  }
0xb5: {  	_ =	shalt  }

// kernel: _sc_aggregate.7.cloned.1.call-start
scs
__scs_entry_jumppad:
0x0: {  	(pc) =	sbr.rel $0x88, $3  }
0x1: {  	(tag) =	ssettag $0x0;
	lr =	simm.s32 $0x1  }
0x2: {  	[smem:$0x3F9C] =	sst lr;
	_ =	strace $0xD0000000  }
0x3: {  	_ = 	snop  }
0x4: {  	_ = 	snop  }
0x5: {  	_ = 	snop  }
0x6: {  	_ = 	snop  }
0x7: {  	_ = 	snop  }
__scs_overlays_trampoline_lowered:
0x8: {  	[smem:$0x3FAB] =	sst s0  }
0x9: {  	[smem:$0x3FAC] =	sst s1  }
0xa: {  	[smem:$0x3FAD] =	sst s2  }
0xb: {  	[smem:$0x3FAE] =	sst s3  }
0xc: {  	[smem:$0x3FAF] =	sst s4  }
0xd: {  	[smem:$0x3FB0] =	sst s5  }
0xe: {  	[smem:$0x3FB1] =	sst s6  }
0xf: {  	[smem:$0x3FB2] =	sst s7  }
0x10: {  	[smem:$0x3FB3] =	sst s8  }
0x11: {  	[smem:$0x3FB4] =	sst s9;
	s0 =	simm.s32 @!p0 $0x0  }
0x12: {  	s1 =	sld [smem:$0x3F9A];
	s0 =	simm.s32 @p0 $0x1  }
0x13: {  	[smem:$0x3FB5] =	sst s0;
	s0 =	simm.s32 @!p1 $0x0  }
0x14: {  	s2 =	sld [smem:$0x3F99];
	s0 =	simm.s32 @p1 $0x1  }
0x15: {  	[smem:$0x3FB6] =	sst s0;
	s0 =	simm.s32 @!p2 $0x0  }
0x16: {  	s3 =	sld [smem:$0x3FDB];
	s0 =	simm.s32 @p2 $0x1  }
0x17: {  	s4 =	simm.s32 $0x1BF5;
	[smem:$0x3FB8] =	sst s0  }
0x18: {  	s0 =	sld [smem:$0x3F9B];
	_ =	swait.ge [sflag:s4], $0x0  }
0x19: {  	s7 =	sld [smem:$0x3F9C]  }
0x1a: {  	s8 =	sadd.s32 $0xFFFFE003, lr  }
0x1b: {  	s9 =	sadd.s32 $0xFFFFFEF7, lr;
	s5 =	simm.s32 $0xFFFFFFFF;
	p2 =	slt.u32 s8, $0xFFFFF086  }
0x1c: {  	p1 =	slt.u32 s9, $0xF7A;
	s5 =	simm.s32 @!p2 $0x0  }
0x1d: {  	s5 =	simm.s32 @p1 $0x1;
	p0 =	seq.s32 s7, s2  }
0x1e: {  	s7 =	smul.u32 @!p0 $0xF7A, s2;
	p2 =	seq.s32 @!p0 s5, $0x0  }
0x1f: {  	s9 =	smul.u32 $0xF7A, s1;
	s8 =	simm.s32 @!p0 $0x1BF5;
	p2 =	por !p2, p0  }
0x20: {  	[sflag:s8] =	ssyncset.s32 @!p0 $0xFFFFF086;
	s6 =	sadd.s32 @!p0 s3, s7;
	s7 =	simm.s32 @!p0 $0x108  }
0x21: {  	s3 =	sadd.s32 s3, s9;
	s6 =	sadd.s32 @!p0 $0x88, s6;
	s7 =	simm.s32 @p2 $0x1082  }
0x22: {  	[simem:s7], [sflag:s8] =	dma.local @!p0 [hbm:s6], $0xF7A  }
0x23: {  	s9 =	sor.u32 $0xD0000000, s2;
	s6 =	simm.s32 $0x108;
	_ =	swait.ge @!p0 [sflag:s8], $0x0  }
0x24: {  	s3 =	sadd.s32 $0x88, s3;
	s6 =	simm.s32 @!p1 $0x1082;
	[sflag:s4] =	ssyncset.s32 $0xFFFFF086  }
0x25: {  	[simem:s6], [sflag:s4] =	dma.local [hbm:s3], $0xF7A  }
0x26: {  	[smem:$0x3F9C] =	sst s1;
	(tag) =	ssettag s2;
	_ =	strace s9  }
0x27: {  	s1 =	sld [smem:$0x3FAC]  }
0x28: {  	s2 =	sld [smem:$0x3FAD]  }
0x29: {  	s4 =	sld [smem:$0x3FAF]  }
0x2a: {  	p0 =	seq.s32 s5, $0x0;
	s5 =	sld [smem:$0x3FB0]  }
0x2b: {  	s6 =	sld [smem:$0x3FB1]  }
0x2c: {  	s7 =	sld [smem:$0x3FB2]  }
0x2d: {  	s3 =	simm.s32 $0x108;
	s8 =	sld [smem:$0x3FB3]  }
0x2e: {  	s3 =	simm.s32 @!p0 $0x1082;
	s9 =	sld [smem:$0x3FB4]  }
0x2f: {  	lr =	sadd.s32 s0, s3;
	s0 =	sld [smem:$0x3FAB]  }
0x30: {  	s3 =	sld [smem:$0x3FAE]  }
0x31: {  	[smem:$0x3FB7] =	sst s10  }
0x32: {  	s10 =	sld [smem:$0x3FB5];
	_ =	sdelay $0x3  }
0x33: {  	p0 =	seq.s32 s10, $0x1;
	s10 =	sld [smem:$0x3FB7];
	_ =	sdelay $0x3  }
0x34: {  	[smem:$0x3FB7] =	sst s10  }
0x35: {  	s10 =	sld [smem:$0x3FB6];
	_ =	sdelay $0x3  }
0x36: {  	p1 =	seq.s32 s10, $0x1;
	s10 =	sld [smem:$0x3FB7];
	_ =	sdelay $0x3  }
0x37: {  	[smem:$0x3FB7] =	sst s10  }
0x38: {  	s10 =	sld [smem:$0x3FB8]  }
0x39: {  	_ = 	snop;
	(pc) =	sbr.ind lr, $3  }
0x3a: {  	_ = 	snop  }
0x3b: {  	_ = 	snop  }
0x3c: {  	p2 =	seq.s32 s10, $0x1;
	s10 =	sld [smem:$0x3FB7]  }
0x3d: {  	_ =	shalt  }
0x3e: {  	_ =	shalt  }
0x3f: {  	_ =	shalt  }
0x40: {  	_ =	shalt  }
0x41: {  	_ =	shalt  }
0x42: {  	_ =	shalt  }
0x43: {  	_ =	shalt  }
0x44: {  	_ =	shalt  }
0x45: {  	_ =	shalt  }
0x46: {  	_ =	shalt  }
0x47: {  	_ =	shalt  }
0x48: {  	_ =	shalt  }
0x49: {  	_ =	shalt  }
0x4a: {  	_ =	shalt  }
0x4b: {  	_ =	shalt  }
0x4c: {  	_ =	shalt  }
0x4d: {  	_ =	shalt  }
0x4e: {  	_ =	shalt  }
0x4f: {  	_ =	shalt  }
0x50: {  	_ =	shalt  }
0x51: {  	_ =	shalt  }
0x52: {  	_ =	shalt  }
0x53: {  	_ =	shalt  }
0x54: {  	_ =	shalt  }
0x55: {  	_ =	shalt  }
0x56: {  	_ =	shalt  }
0x57: {  	_ =	shalt  }
0x58: {  	_ =	shalt  }
0x59: {  	_ =	shalt  }
0x5a: {  	_ =	shalt  }
0x5b: {  	_ =	shalt  }
0x5c: {  	_ =	shalt  }
0x5d: {  	_ =	shalt  }
0x5e: {  	_ =	shalt  }
0x5f: {  	_ =	shalt  }
0x60: {  	_ =	shalt  }
0x61: {  	_ =	shalt  }
0x62: {  	_ =	shalt  }
0x63: {  	_ =	shalt  }
0x64: {  	_ =	shalt  }
0x65: {  	_ =	shalt  }
0x66: {  	_ =	shalt  }
0x67: {  	_ =	shalt  }
0x68: {  	_ =	shalt  }
0x69: {  	_ =	shalt  }
0x6a: {  	_ =	shalt  }
0x6b: {  	_ =	shalt  }
0x6c: {  	_ =	shalt  }
0x6d: {  	_ =	shalt  }
0x6e: {  	_ =	shalt  }
0x6f: {  	_ =	shalt  }
0x70: {  	_ =	shalt  }
0x71: {  	_ =	shalt  }
0x72: {  	_ =	shalt  }
0x73: {  	_ =	shalt  }
0x74: {  	_ =	shalt  }
0x75: {  	_ =	shalt  }
0x76: {  	_ =	shalt  }
0x77: {  	_ =	shalt  }
0x78: {  	_ =	shalt  }
0x79: {  	_ =	shalt  }
0x7a: {  	_ =	shalt  }
0x7b: {  	_ =	shalt  }
0x7c: {  	_ =	shalt  }
0x7d: {  	_ =	shalt  }
0x7e: {  	_ =	shalt  }
0x7f: {  	_ =	shalt  }
0x80: {  	_ =	shalt  }
0x81: {  	_ =	shalt  }
0x82: {  	_ =	shalt  }
0x83: {  	_ =	shalt  }
0x84: {  	_ =	shalt  }
0x85: {  	_ =	shalt  }
0x86: {  	_ =	shalt  }
0x87: {  	_ =	shalt  }
.Lfunc_end0:
.L_simem_size_0:
called_computation.1_lowered:
.L_overlay_start_0:
0x88: {  	s2 =	sld [smem:$0x3FD9]  }
0x89: {  	s3 =	sld [smem:$0x3FFE];
	_ =	sdelay $0x1  }
0x8a: {  	s1 =	srdreg.scid  }
0x8b: {  	s0 =	sand.u32 $0x1, s1  }
0x8c: {  	s16 =	sshll.u32 s0, $0xA;
	s2 =	sadd.s32 s3, s2  }
0x8d: {  	s2 =	sadd.s32 s2, s16  }
0x8e: {  	[smem:$0x3FC3] =	sst s2  }
0x8f: {  	_ = 	snop  }
0x90: {  	s4 =	sld [smem:$0x3FD0];
	_ =	sdelay $0x1  }
0x91: {  	s2 =	sld [smem:$0x3FC6]  }
0x92: {  	s5 =	simm.s32 $0xB;
	s6 =	simm.s32 $0x10;
	s17 =	sld [smem:$0x3FC5]  }
0x93: {  	[smem:s6], [sflag:s5] =	dma.local [hbm:s4], $0x1  }
0x94: {  	_ =	swait.eq [sflag:s5], $0x1  }
0x95: {  	[sflag:s5] =	ssyncset.done $0x0  }
0x96: {  	[sflag:s5] =	ssyncadd.s32 $0xFFFFFFFF  }
0x97: {  	s18 =	sld [smem:$0x11];
	(tm) =	ssettm $0x1  }
0x98: {  	s19 =	sld [smem:$0x3FFB];
	_ =	sdelay $0x3  }
0x99: {  	_ =	strace s19  }
0x9a: {  	s4 =	sld [smem:$0x3FFC];
	_ =	sdelay $0x3  }
0x9b: {  	_ =	strace s4  }
0x9c: {  	s4 =	sld [smem:$0x3FFD];
	_ =	sdelay $0x3  }
0x9d: {  	_ =	strace s4  }
0x9e: {  	_ =	strace $0x8FFFFFFF  }
0x9f: {  	s20 =	sld [smem:$0x3FDB];
	_ =	sdelay $0x1  }
0xa0: {  	s21 =	simm.s32 $_scs_section_size  }
0xa1: {  	s7 =	simm.s32 $_size__tile_overlayer_lowered;
	s8 =	simm.s32 $_tile_overlayer_lowered  }
0xa2: {  	s9 =	simm.s32 $0x1BFF;
	s22 =	sshll.u32 s8, $0x1;
	s6 =	sadd.s32 s21, s20  }
0xa3: {  	s23 =	simm.s32 $0x0;
	s7 =	sshll.u32 s7, $0x1;
	s8 =	sadd.s32 s22, s6  }
0xa4: {  	[timem:s23], [sflag:s9] =	dma.local [hbm:s8], s7  }
0xa5: {  	_ =	swait.ge [sflag:s9], s7  }
0xa6: {  	s7 =	ssub.s32 $0x0, s7;
	[sflag:s9] =	ssyncset.done $0x0  }
0xa7: {  	[sflag:s9] =	ssyncadd.s32 s7;
	_ =	sdelay $0x1  }
0xa8: {  	s24 =	simm.s32 $0x1B8B  }
0xa9: {  	_ =	swait.ge [sflag:s24], $0x1  }
0xaa: {  	[sflag:s24] =	ssyncset.done $0x0  }
0xab: {  	[sflag:s24] =	ssyncadd.s32 $0xFFFFFFFF  }
0xac: {  	s7 =	sld [smem:$0x0]  }
0xad: {  	s8 =	sand.u32 $0xFFFFFFFE, s1  }
0xae: {  	p0 =	sne.s32 s1, s8  }
0xaf: {  	s8 =	sshll.u32 @p0 s8, $0xE  }
0xb0: {  	s8 =	sadd.s32 @p0 $0x11B8D, s8;
	s9 =	sshll.u32 @p0 s7, $0x11  }
0xb1: {  	s8 =	sor.u32 @p0 s9, s8  }
0xb2: {  	[sflag:s8] =	ssyncadd.remote.s32 @p0 $0x1;
	_ =	sdelay $0x1  }
0xb3: {  	s8 =	simm.s32 @p0 $0x1B8D  }
0xb4: {  	_ =	swait.eq @p0 [sflag:s8], $0x1  }
0xb5: {  	[sflag:s8] =	ssyncadd.s32 @p0 $0xFFFFFFFF  }
0xb6: {  	s9 =	sshll.u32 @!p0 s1, $0xE  }
0xb7: {  	s9 =	sor.u32 @!p0 $0x4000, s9;
	s8 =	simm.s32 @!p0 $0x1B8D  }
0xb8: {  	s7 =	sshll.u32 @!p0 s7, $0x11;
	s9 =	sadd.s32 @!p0 $0x11B8D, s9;
	_ =	swait.eq @!p0 [sflag:s8], $0x1  }
0xb9: {  	s7 =	sor.u32 @!p0 s7, s9;
	[sflag:s8] =	ssyncadd.s32 @!p0 $0xFFFFFFFF  }
0xba: {  	s25 =	simm.s32 $0x1B8E;
	[sflag:s7] =	ssyncadd.remote.s32 @!p0 $0x1  }
0xbb: {  	s26 =	simm.s32 $execute0_lowered;
	[smem:$0x3FD2] =	sst s25  }
0xbc: {  	s7 =	sshll.u32 s26, $0x1;
	_ =	strace $0x80000049;
	[dreg:$0x1] =	wrdreg $0xFFFFFFFF  }
0xbd: {  	s28 =	simm.s32 $_size_execute0_lowered;
	s6 =	sadd.s32 s6, s7;
	[dreg:$0x0] =	wrdreg $0x0  }
0xbe: {  	s7 =	sshll.u32 s28, $0x1;
	[dreg:$0x2] =	wrdreg s6  }
0xbf: {  	[dreg:$0x3] =	wrdreg s7  }
0xc0: {  	[dreg:$0x4] =	wrdreg $0xC0  }
0xc1: {  	_ =	task [dreg:s23], $0x5FFFF  }
0xc2: {  	[dreg:$0x1] =	wrdreg $0xFFFFFFFF  }
0xc3: {  	[dreg:$0x0] =	wrdreg $0x60  }
0xc4: {  	[dreg:$0x2] =	wrdreg s2  }
0xc5: {  	[dreg:$0x3] =	wrdreg s17  }
0xc6: {  	[dreg:$0x4] =	wrdreg s18  }
0xc7: {  	[dreg:$0x5] =	wrdreg $0x0  }
0xc8: {  	[dreg:$0x6] =	wrdreg $0xA  }
0xc9: {  	_ =	task.clear_ibuf [dreg:s23], $0x7FFFF;
	_ =	strace $0x90000049  }
0xca: {  	s29 =	simm.s32 $0xA;
	_ =	strace $0x8000004B  }
0xcb: {  	_ =	swait.ge [sflag:s29], $0x1  }
0xcc: {  	[sflag:s29] =	ssyncadd.s32 $0xFFFFFFFF  }
0xcd: {  	_ =	strace $0x9000004B  }
0xce: {  	_ =	sfence  }
0xcf: {  	s30 =	sld [smem:$0x0];
	_ =	sdelay $0x2  }
0xd0: {  	s31 =	sshll.u32 s1, $0xD;
	s1 =	sshrl.u32 s1, $0x2  }
0xd1: {  	s3 =	sand.u32 $0x4000, s31;
	s1 =	sadd.s32 s1, s30  }
0xd2: {  	s0 =	sor.u32 s3, s0;
	s1 =	sshll.u32 s1, $0x11  }
0xd3: {  	s0 =	sor.u32 s1, s0  }
0xd4: {  	s0 =	sadd.s32 $0x8F2B, s0  }
0xd5: {  	[sflag:s0] =	ssyncadd.remote.s32 $0x1  }
0xd6: {  	_ =	sfence.sel $0xFFFF  }
0xd7: {  	[dreg:$0x0] =	wrdreg $0xFFFFFFFF;
	(pc) =	sbr.abs _section_cstart, $3  }
0xd8: {  	[dreg:$0x1] =	wrdreg $0xFFFFFFFF  }
0xd9: {  	_ =	task.clear_ibuf [dreg:s23], $0x2FFFF;
	_ =	strace $0x9FFFFFFF  }
0xda: {  	(tm) =	ssettm $0x7FFFFFFF  }
0xdb: {  	_ =	shalt  }
tec
execute0_lowered:
.L_overlay_start_1:
0x0: {  	(tag) =	ssettag $0x1  }
0x1: {  	s5 =	rddreg [dreg:$0x0]  }
0x2: {  	s15 =	rddreg [dreg:$0x1]  }
0x3: {  	s8 =	rddreg [dreg:$0x2]  }
0x4: {  	s0 =	srdreg.scid;
	s2 =	rddreg [dreg:$0x3];
	s3 =	simm.s32 $0x0  }
0x5: {  	s17 =	simm.s32 $0x3;
	s18 =	simm.s32 $0x14000;
	s19 =	simm.s32 $0x15400  }
0x6: {  	s20 =	simm.s32 $0x15C00;
	s4 =	sand.u32 $0x1, s0;
	s0 =	stileid.u32  }
0x7: {  	s21 =	simm.s32 $0x1;
	s22 =	simm.s32 $0x80;
	s7 =	smul.u32 $0x50000, s0  }
0x8: {  	s23 =	simm.s32 $0x2;
	[smem:$0x7FF] =	sst s3;
	s10 =	smul.u32 $0x140000, s4  }
0x9: {  	s1 =	sshll.u32 s4, $0x4;
	s4 =	ssub.s32 $0x2, s4;
	s11 =	smul.u32 $0x14000, s0  }
0xa: {  	s6 =	sor.u32 s0, s1;
	s1 =	rddreg [dreg:$0x4];
	_ =	strace $0x8000004A  }
0xb: {  	s12 =	sshrl.u32 s4, $0x1;
	s9 =	smul.u32 $0x280, s6;
	s7 =	sshrl.u32 s7, $0x2  }
0xc: {  	s6 =	smul.u32 $0x2800, s6;
	s12 =	ssub.s32 s4, s12;
	s13 =	sadd.s32 s11, s10  }
0xd: {  	s4 =	sadd.s32 s7, s2;
	s31 =	sshrl.u32 s13, $0x3;
	s14 =	sor.u32 $0x1800, s13  }
0xe: {  	s16 =	sor.u32 $0x1000, s13;
	s5 =	sadd.s32 s5, s9;
	s6 =	sadd.s32 s15, s6  }
0xf: {  	s8 =	sadd.s32 s8, s31;
	s9 =	smax.u32 s12, $0x1;
	s10 =	sadd.s32 $0x4000, s4  }
0x10: {  	s11 =	sadd.s32 $0x8000, s4;
	s12 =	sadd.s32 $0xC000, s4;
	s14 =	sshrl.u32 s14, $0x3  }
0x11: {  	v0 =	vimm.f32 $0.0e+00;
	vm0 =	vcmask $0x300;
	s13 =	sadd.s32 $0x10000, s4;
	s16 =	sshrl.u32 s16, $0x3;
	s7 =	sadd.s32 $0x100, s6  }
0x12: {  	v1 =	vsel vm0, $0x3F800000, v0;
	s14 =	sadd.s32 s14, s15;
	s15 =	sadd.s32 s16, s15;
	s16 =	simm.s32 $0x16400  }
.LBB2_1:
0x13: {  	s24 =	simm.s32 $0x0;
	s25 =	simm.s32 $0x200  }
.LBB2_2:
0x14: {  	p0 =	sne.s32 s25, $0xFE00;
	[tilespmem:s24+$0x16470] =	vst v0  }
0x15: {  	[tilespmem:s24+$0x16400] =	vst v0  }
0x16: {  	[tilespmem:s24+$0x16410] =	vst v0  }
.Ltmp0:
0x17: {  	[tilespmem:s24+$0x16420] =	vst v0;
	(pc) =	sbr.rel @p0 .LBB2_2-.Ltmp0, $4  }
0x18: {  	[tilespmem:s24+$0x16430] =	vst v0  }
0x19: {  	[tilespmem:s24+$0x16440] =	vst v0  }
0x1a: {  	[tilespmem:s24+$0x16450] =	vst v0  }
0x1b: {  	[tilespmem:s24+$0x16460] =	vst v0;
	s24 =	sshra.s32 s25, $0x2;
	s25 =	sadd.s32 $0x200, s25  }
0x1c: {  	[tilespmem:s24+$0x16470] =	vst v0  }
0x1d: {  	[tilespmem:s24+$0x16400] =	vst v0  }
0x1e: {  	[tilespmem:s24+$0x16410] =	vst v0  }
0x1f: {  	[tilespmem:s24+$0x16420] =	vst v0  }
0x20: {  	[tilespmem:s24+$0x16430] =	vst v0  }
0x21: {  	[tilespmem:s24+$0x16440] =	vst v0  }
0x22: {  	[tilespmem:s24+$0x16450] =	vst v0  }
0x23: {  	[tilespmem:s24+$0x16460] =	vst v0  }
0x24: {  	[spmem:s4] =	stream.linear.scatter [tilespmem:s16], [sflag:$0x3], $0x4000, $0x38;
	[tilespmem:$0x1A400] =	vst v63  }
0x25: {  	_ =	swait.ge [sflag:s17], $0x4000  }
0x26: {  	[sflag:s17] =	ssyncset.done $0x0  }
0x27: {  	[sflag:s17] =	ssyncadd.s32 $0xFFFFC000  }
0x28: {  	[spmem:s10] =	stream.linear.scatter [tilespmem:s16], [sflag:$0x3], $0x4000, $0x38;
	[tilespmem:$0x1A400] =	vst v63  }
0x29: {  	_ =	swait.ge [sflag:s17], $0x4000  }
0x2a: {  	[sflag:s17] =	ssyncset.done $0x0  }
0x2b: {  	[sflag:s17] =	ssyncadd.s32 $0xFFFFC000  }
0x2c: {  	[spmem:s11] =	stream.linear.scatter [tilespmem:s16], [sflag:$0x3], $0x4000, $0x38;
	[tilespmem:$0x1A400] =	vst v63  }
0x2d: {  	_ =	swait.ge [sflag:s17], $0x4000  }
0x2e: {  	[sflag:s17] =	ssyncset.done $0x0  }
0x2f: {  	[sflag:s17] =	ssyncadd.s32 $0xFFFFC000  }
0x30: {  	[spmem:s12] =	stream.linear.scatter [tilespmem:s16], [sflag:$0x3], $0x4000, $0x38;
	[tilespmem:$0x1A400] =	vst v63  }
0x31: {  	_ =	swait.ge [sflag:s17], $0x4000  }
0x32: {  	[sflag:s17] =	ssyncset.done $0x0  }
0x33: {  	[sflag:s17] =	ssyncadd.s32 $0xFFFFC000  }
0x34: {  	[spmem:s13] =	stream.linear.scatter [tilespmem:s16], [sflag:$0x3], $0x4000, $0x38;
	[tilespmem:$0x1A400] =	vst v63  }
0x35: {  	_ =	swait.ge [sflag:s17], $0x4000  }
0x36: {  	[sflag:s17] =	ssyncset.done $0x0  }
0x37: {  	s24 =	simm.s32 $0x200;
	s25 =	simm.s32 $0x0;
	[sflag:s17] =	ssyncadd.s32 $0xFFFFC000  }
.LBB2_4:
0x38: {  	p0 =	sne.s32 s24, $0xFE00;
	[tilespmem:s25+$0x16410] =	vst v1;
	s25 =	smov.u32 s24;
	s24 =	sadd.s32 $0x200, s24  }
.Ltmp1:
0x39: {  	(pc) =	sbr.rel @p0 .LBB2_4-.Ltmp1, $2  }
0x3a: {  	_ =	sdelay $0x2  }
0x3b: {  	s25 =	sshra.s32 s25, $0x2  }
0x3c: {  	[tilespmem:s25+$0x16410] =	vst v1  }
0x3d: {  	s24 =	simm.s32 $0x0;
	[bflag:$0x0] =	sbarrier.arrive $0xFFFF  }
0x3e: {  	[tilespmem:s18], [sflag:$0x3] =	stream.linear.gather [hbm4b:s5+s24], $0x1400, $0x38;
	[tilespmem:$0x1A400] =	vst v63  }
0x3f: {  	_ =	swait.ge [sflag:s17], $0x1400  }
0x40: {  	[sflag:s17] =	ssyncset.done $0x0  }
0x41: {  	[sflag:s17] =	ssyncadd.s32 $0xFFFFEC00  }
0x42: {  	[tilespmem:s19], [sflag:$0x1] =	stream.linear.gather [hbm4b:s6+s24], $0x800, $0x38;
	[tilespmem:$0x1A400] =	vst v63  }
0x43: {  	s25 =	smov.u32 s15;
	s26 =	smov.u32 s14  }
0x44: {  	[tilespmem:s20], [sflag:$0x2] =	stream.linear.gather [hbm4b:s7+s24], $0x800, $0x38;
	[tilespmem:$0x1A400] =	vst v63  }
.LBB2_6:
0x45: {  	_ =	swait.ge [sflag:s21], $0x800  }
0x46: {  	[sflag:s21] =	ssyncset.done $0x0  }
0x47: {  	[sflag:s21] =	ssyncadd.s32 $0xFFFFF800  }
0x48: {  	v2 =	vld [tilespmem:$0x15400]  }
0x49: {  	v3 =	vld [tilespmem:$0x15410]  }
0x4a: {  	v4 =	vld [tilespmem:$0x15420]  }
0x4b: {  	v5 =	vld [tilespmem:$0x15430]  }
0x4c: {  	v6 =	vld [tilespmem:$0x15440]  }
0x4d: {  	[tilespmem:$0x16400] =	vst v2;
	v2 =	vld [tilespmem:$0x15450]  }
0x4e: {  	v26 =	vld [tilespmem:$0x15470];
	[tilespmem:$0x16480] =	vst v3  }
0x4f: {  	v27 =	vld [tilespmem:$0x15480];
	[tilespmem:$0x16500] =	vst v4  }
0x50: {  	v28 =	vld [tilespmem:$0x15490];
	[tilespmem:$0x16580] =	vst v5  }
0x51: {  	v3 =	vld [tilespmem:$0x15460];
	[tilespmem:$0x16600] =	vst v6  }
0x52: {  	[tilespmem:$0x16680] =	vst v2;
	v2 =	vld [tilespmem:$0x154A0]  }
0x53: {  	[tilespmem:$0x16780] =	vst v26  }
0x54: {  	[tilespmem:$0x16800] =	vst v27  }
0x55: {  	[tilespmem:$0x16880] =	vst v28  }
0x56: {  	[tilespmem:$0x16700] =	vst v3  }
0x57: {  	[tilespmem:$0x16900] =	vst v2  }
0x58: {  	v2 =	vld [tilespmem:$0x154B0]  }
0x59: {  	v3 =	vld [tilespmem:$0x154C0]  }
0x5a: {  	v29 =	vld [tilespmem:$0x154D0]  }
0x5b: {  	v30 =	vld [tilespmem:$0x154E0]  }
0x5c: {  	v31 =	vld [tilespmem:$0x154F0]  }
0x5d: {  	[tilespmem:$0x16980] =	vst v2;
	v2 =	vld [tilespmem:$0x15500]  }
0x5e: {  	[tilespmem:$0x16A00] =	vst v3;
	v3 =	vld [tilespmem:$0x15510]  }
0x5f: {  	v32 =	vld [tilespmem:$0x15520];
	[tilespmem:$0x16A80] =	vst v29  }
0x60: {  	v33 =	vld [tilespmem:$0x15530];
	[tilespmem:$0x16B00] =	vst v30  }
0x61: {  	v34 =	vld [tilespmem:$0x15540];
	[tilespmem:$0x16B80] =	vst v31  }
0x62: {  	[tilespmem:$0x16C00] =	vst v2;
	v2 =	vld [tilespmem:$0x15550]  }
0x63: {  	[tilespmem:$0x16C80] =	vst v3;
	v3 =	vld [tilespmem:$0x15560]  }
0x64: {  	v35 =	vld [tilespmem:$0x15570];
	[tilespmem:$0x16D00] =	vst v32  }
0x65: {  	v36 =	vld [tilespmem:$0x15580];
	[tilespmem:$0x16D80] =	vst v33  }
0x66: {  	v37 =	vld [tilespmem:$0x15590];
	[tilespmem:$0x16E00] =	vst v34  }
0x67: {  	[tilespmem:$0x16E80] =	vst v2;
	v2 =	vld [tilespmem:$0x155A0]  }
0x68: {  	[tilespmem:$0x16F00] =	vst v3;
	v3 =	vld [tilespmem:$0x155B0]  }
0x69: {  	v38 =	vld [tilespmem:$0x155C0];
	[tilespmem:$0x16F80] =	vst v35  }
0x6a: {  	v39 =	vld [tilespmem:$0x155D0];
	[tilespmem:$0x17000] =	vst v36  }
0x6b: {  	v40 =	vld [tilespmem:$0x155E0];
	[tilespmem:$0x17080] =	vst v37  }
0x6c: {  	[tilespmem:$0x17100] =	vst v2;
	v2 =	vld [tilespmem:$0x155F0]  }
0x6d: {  	[tilespmem:$0x17180] =	vst v3;
	v3 =	vld [tilespmem:$0x15600]  }
0x6e: {  	v41 =	vld [tilespmem:$0x15610];
	[tilespmem:$0x17200] =	vst v38  }
0x6f: {  	v42 =	vld [tilespmem:$0x15620];
	[tilespmem:$0x17280] =	vst v39  }
0x70: {  	v43 =	vld [tilespmem:$0x15630];
	[tilespmem:$0x17300] =	vst v40  }
0x71: {  	[tilespmem:$0x17380] =	vst v2;
	v2 =	vld [tilespmem:$0x15640]  }
0x72: {  	[tilespmem:$0x17400] =	vst v3;
	v3 =	vld [tilespmem:$0x15650]  }
0x73: {  	v44 =	vld [tilespmem:$0x15660];
	[tilespmem:$0x17480] =	vst v41  }
0x74: {  	v45 =	vld [tilespmem:$0x15670];
	[tilespmem:$0x17500] =	vst v42  }
0x75: {  	v46 =	vld [tilespmem:$0x15680];
	[tilespmem:$0x17580] =	vst v43  }
0x76: {  	[tilespmem:$0x17600] =	vst v2;
	v2 =	vld [tilespmem:$0x15690]  }
0x77: {  	[tilespmem:$0x17680] =	vst v3;
	v3 =	vld [tilespmem:$0x156A0]  }
0x78: {  	v47 =	vld [tilespmem:$0x156B0];
	[tilespmem:$0x17700] =	vst v44  }
0x79: {  	v48 =	vld [tilespmem:$0x156C0];
	[tilespmem:$0x17780] =	vst v45  }
0x7a: {  	v49 =	vld [tilespmem:$0x156D0];
	[tilespmem:$0x17800] =	vst v46  }
0x7b: {  	[tilespmem:$0x17880] =	vst v2;
	v2 =	vld [tilespmem:$0x156E0]  }
0x7c: {  	[tilespmem:$0x17900] =	vst v3;
	v3 =	vld [tilespmem:$0x156F0]  }
0x7d: {  	v50 =	vld [tilespmem:$0x15700];
	[tilespmem:$0x17980] =	vst v47  }
0x7e: {  	v51 =	vld [tilespmem:$0x15710];
	[tilespmem:$0x17A00] =	vst v48  }
0x7f: {  	v52 =	vld [tilespmem:$0x15720];
	[tilespmem:$0x17A80] =	vst v49  }
0x80: {  	[tilespmem:$0x17B00] =	vst v2;
	v2 =	vld [tilespmem:$0x15730]  }
0x81: {  	[tilespmem:$0x17B80] =	vst v3;
	v3 =	vld [tilespmem:$0x15740]  }
0x82: {  	v53 =	vld [tilespmem:$0x15750];
	[tilespmem:$0x17C00] =	vst v50  }
0x83: {  	v54 =	vld [tilespmem:$0x15760];
	[tilespmem:$0x17C80] =	vst v51  }
0x84: {  	v55 =	vld [tilespmem:$0x15770];
	[tilespmem:$0x17D00] =	vst v52  }
0x85: {  	[tilespmem:$0x17D80] =	vst v2;
	v2 =	vld [tilespmem:$0x15780]  }
0x86: {  	[tilespmem:$0x17E00] =	vst v3;
	v3 =	vld [tilespmem:$0x15790]  }
0x87: {  	v56 =	vld [tilespmem:$0x157A0];
	[tilespmem:$0x17E80] =	vst v53  }
0x88: {  	v57 =	vld [tilespmem:$0x157B0];
	[tilespmem:$0x17F00] =	vst v54  }
0x89: {  	v58 =	vld [tilespmem:$0x157C0];
	[tilespmem:$0x17F80] =	vst v55  }
0x8a: {  	[tilespmem:$0x18000] =	vst v2;
	v2 =	vld [tilespmem:$0x157D0]  }
0x8b: {  	[tilespmem:$0x18080] =	vst v3;
	v3 =	vld [tilespmem:$0x157E0]  }
0x8c: {  	v59 =	vld [tilespmem:$0x157F0];
	[tilespmem:$0x18100] =	vst v56  }
0x8d: {  	v60 =	vld [tilespmem:$0x15800];
	[tilespmem:$0x18180] =	vst v57  }
0x8e: {  	v61 =	vld [tilespmem:$0x15810];
	[tilespmem:$0x18200] =	vst v58  }
0x8f: {  	[tilespmem:$0x18280] =	vst v2;
	v2 =	vld [tilespmem:$0x15820]  }
0x90: {  	[tilespmem:$0x18300] =	vst v3;
	v3 =	vld [tilespmem:$0x15830]  }
0x91: {  	v62 =	vld [tilespmem:$0x15840];
	[tilespmem:$0x18380] =	vst v59  }
0x92: {  	v63 =	vld [tilespmem:$0x15850];
	[tilespmem:$0x18400] =	vst v60  }
0x93: {  	v9 =	vld [tilespmem:$0x15860];
	[tilespmem:$0x18480] =	vst v61  }
0x94: {  	[tilespmem:$0x18500] =	vst v2;
	v2 =	vld [tilespmem:$0x15870]  }
0x95: {  	[tilespmem:$0x18580] =	vst v3;
	v3 =	vld [tilespmem:$0x15880]  }
0x96: {  	v10 =	vld [tilespmem:$0x15890];
	[tilespmem:$0x18600] =	vst v62  }
0x97: {  	v11 =	vld [tilespmem:$0x158A0];
	[tilespmem:$0x18680] =	vst v63  }
0x98: {  	v12 =	vld [tilespmem:$0x158B0];
	[tilespmem:$0x18700] =	vst v9  }
0x99: {  	[tilespmem:$0x18780] =	vst v2;
	v2 =	vld [tilespmem:$0x158C0]  }
0x9a: {  	[tilespmem:$0x18800] =	vst v3;
	v3 =	vld [tilespmem:$0x158D0]  }
0x9b: {  	v13 =	vld [tilespmem:$0x158E0];
	[tilespmem:$0x18880] =	vst v10  }
0x9c: {  	v14 =	vld [tilespmem:$0x158F0];
	[tilespmem:$0x18900] =	vst v11  }
0x9d: {  	v15 =	vld [tilespmem:$0x15900];
	[tilespmem:$0x18980] =	vst v12  }
0x9e: {  	[tilespmem:$0x18A00] =	vst v2;
	v2 =	vld [tilespmem:$0x15910]  }
0x9f: {  	[tilespmem:$0x18A80] =	vst v3;
	v3 =	vld [tilespmem:$0x15920]  }
0xa0: {  	v16 =	vld [tilespmem:$0x15930];
	[tilespmem:$0x18B00] =	vst v13  }
0xa1: {  	v17 =	vld [tilespmem:$0x15940];
	[tilespmem:$0x18B80] =	vst v14  }
0xa2: {  	v18 =	vld [tilespmem:$0x15950];
	[tilespmem:$0x18C00] =	vst v15  }
0xa3: {  	[tilespmem:$0x18C80] =	vst v2;
	v2 =	vld [tilespmem:$0x15960]  }
0xa4: {  	[tilespmem:$0x18D00] =	vst v3;
	v3 =	vld [tilespmem:$0x15970]  }
0xa5: {  	v19 =	vld [tilespmem:$0x15980];
	[tilespmem:$0x18D80] =	vst v16  }
0xa6: {  	v20 =	vld [tilespmem:$0x15990];
	[tilespmem:$0x18E00] =	vst v17  }
0xa7: {  	v21 =	vld [tilespmem:$0x159A0];
	[tilespmem:$0x18E80] =	vst v18  }
0xa8: {  	[tilespmem:$0x18F00] =	vst v2;
	v2 =	vld [tilespmem:$0x159B0]  }
0xa9: {  	[tilespmem:$0x18F80] =	vst v3;
	v3 =	vld [tilespmem:$0x159C0]  }
0xaa: {  	v22 =	vld [tilespmem:$0x159D0];
	[tilespmem:$0x19000] =	vst v19  }
0xab: {  	v23 =	vld [tilespmem:$0x159E0];
	[tilespmem:$0x19080] =	vst v20  }
0xac: {  	v24 =	vld [tilespmem:$0x159F0];
	[tilespmem:$0x19100] =	vst v21  }
0xad: {  	[tilespmem:$0x19180] =	vst v2;
	v2 =	vld [tilespmem:$0x15A00]  }
0xae: {  	[tilespmem:$0x19200] =	vst v3;
	v3 =	vld [tilespmem:$0x15A10]  }
0xaf: {  	v25 =	vld [tilespmem:$0x15A20];
	[tilespmem:$0x19280] =	vst v22  }
0xb0: {  	v26 =	vld [tilespmem:$0x15A30];
	[tilespmem:$0x19300] =	vst v23  }
0xb1: {  	v27 =	vld [tilespmem:$0x15A40];
	[tilespmem:$0x19380] =	vst v24  }
0xb2: {  	[tilespmem:$0x19400] =	vst v2;
	v2 =	vld [tilespmem:$0x15A50]  }
0xb3: {  	[tilespmem:$0x19480] =	vst v3;
	v3 =	vld [tilespmem:$0x15A60]  }
0xb4: {  	v28 =	vld [tilespmem:$0x15A70];
	[tilespmem:$0x19500] =	vst v25  }
0xb5: {  	[tilespmem:$0x19580] =	vst v26;
	v29 =	vld [tilespmem:$0x15A80]  }
0xb6: {  	[tilespmem:$0x19600] =	vst v27;
	v30 =	vld [tilespmem:$0x15A90]  }
0xb7: {  	[tilespmem:$0x19680] =	vst v2;
	v2 =	vld [tilespmem:$0x15AA0]  }
0xb8: {  	[tilespmem:$0x19700] =	vst v3;
	v3 =	vld [tilespmem:$0x15AB0]  }
0xb9: {  	[tilespmem:$0x19780] =	vst v28;
	v31 =	vld [tilespmem:$0x15AC0]  }
0xba: {  	v32 =	vld [tilespmem:$0x15AD0];
	[tilespmem:$0x19800] =	vst v29  }
0xbb: {  	v33 =	vld [tilespmem:$0x15AE0];
	[tilespmem:$0x19880] =	vst v30  }
0xbc: {  	[tilespmem:$0x19900] =	vst v2;
	v2 =	vld [tilespmem:$0x15AF0]  }
0xbd: {  	[tilespmem:$0x19980] =	vst v3;
	v3 =	vld [tilespmem:$0x15B00]  }
0xbe: {  	v34 =	vld [tilespmem:$0x15B10];
	[tilespmem:$0x19A00] =	vst v31  }
0xbf: {  	v35 =	vld [tilespmem:$0x15B20];
	[tilespmem:$0x19A80] =	vst v32  }
0xc0: {  	v36 =	vld [tilespmem:$0x15B30];
	[tilespmem:$0x19B00] =	vst v33  }
0xc1: {  	[tilespmem:$0x19B80] =	vst v2;
	v2 =	vld [tilespmem:$0x15B40]  }
0xc2: {  	[tilespmem:$0x19C00] =	vst v3;
	v3 =	vld [tilespmem:$0x15B50]  }
0xc3: {  	v37 =	vld [tilespmem:$0x15B60];
	[tilespmem:$0x19C80] =	vst v34  }
0xc4: {  	v38 =	vld [tilespmem:$0x15B70];
	[tilespmem:$0x19D00] =	vst v35  }
0xc5: {  	v39 =	vld [tilespmem:$0x15B80];
	[tilespmem:$0x19D80] =	vst v36  }
0xc6: {  	[tilespmem:$0x19E00] =	vst v2;
	v2 =	vld [tilespmem:$0x15B90]  }
0xc7: {  	[tilespmem:$0x19E80] =	vst v3;
	v3 =	vld [tilespmem:$0x15BA0]  }
0xc8: {  	v40 =	vld [tilespmem:$0x15BB0];
	[tilespmem:$0x19F00] =	vst v37  }
0xc9: {  	v41 =	vld [tilespmem:$0x15BC0];
	[tilespmem:$0x19F80] =	vst v38  }
0xca: {  	v42 =	vld [tilespmem:$0x15BD0];
	[tilespmem:$0x1A000] =	vst v39  }
0xcb: {  	[tilespmem:$0x1A080] =	vst v2;
	v2 =	vld [tilespmem:$0x15BE0]  }
0xcc: {  	[tilespmem:$0x1A100] =	vst v3;
	v3 =	vld [tilespmem:$0x15BF0]  }
0xcd: {  	[tilespmem:$0x1A180] =	vst v40  }
0xce: {  	[tilespmem:$0x1A200] =	vst v41  }
0xcf: {  	[tilespmem:$0x1A280] =	vst v42  }
0xd0: {  	p0 =	seq.s32 s24, $0x4C00;
	[tilespmem:$0x1A300] =	vst v2  }
0xd1: {  	s31 =	sshra.s32 s24, $0x2;
	s28 =	simm.s32 @!p0 $0x0;
	s29 =	simm.s32 @!p0 $0x15400;
	[tilespmem:$0x1A380] =	vst v3  }
0xd2: {  	[tilespmem:s29], [sflag:$0x1] =	stream.linear.gather @!p0 [hbm4b:s25+s28], $0x800, $0x38;
	[tilespmem:$0x1A400] =	vst v63  }
0xd3: {  	s30 =	sadd.s32 $0x14000, s31  }
0xd4: {  	[spmem:s2] =	stream.indirect.scatter.add.f32 [tilespmem:s16], [sflag:$0x3], $0x80, s30, s22, $0xb8;
	[tilespmem:$0x1A400] =	vst v63  }
0xd5: {  	_ =	swait.ge [sflag:s17], $0x4000  }
0xd6: {  	[sflag:s17] =	ssyncset.done $0x0  }
0xd7: {  	[sflag:s17] =	ssyncadd.s32 $0xFFFFC000  }
0xd8: {  	_ =	swait.ge [sflag:s23], $0x800  }
0xd9: {  	[sflag:s23] =	ssyncset.done $0x0  }
0xda: {  	[sflag:s23] =	ssyncadd.s32 $0xFFFFF800  }
0xdb: {  	v2 =	vld [tilespmem:$0x15C00]  }
0xdc: {  	v3 =	vld [tilespmem:$0x15C10]  }
0xdd: {  	v43 =	vld [tilespmem:$0x15C20]  }
0xde: {  	v44 =	vld [tilespmem:$0x15C30]  }
0xdf: {  	v45 =	vld [tilespmem:$0x15C40]  }
0xe0: {  	v46 =	vld [tilespmem:$0x15C70];
	[tilespmem:$0x16400] =	vst v2  }
0xe1: {  	v2 =	vld [tilespmem:$0x15C50];
	[tilespmem:$0x16480] =	vst v3  }
0xe2: {  	v3 =	vld [tilespmem:$0x15C60];
	[tilespmem:$0x16500] =	vst v43  }
0xe3: {  	v47 =	vld [tilespmem:$0x15C80];
	[tilespmem:$0x16580] =	vst v44  }
0xe4: {  	v48 =	vld [tilespmem:$0x15C90];
	[tilespmem:$0x16600] =	vst v45  }
0xe5: {  	v49 =	vld [tilespmem:$0x15CC0];
	[tilespmem:$0x16780] =	vst v46  }
0xe6: {  	[tilespmem:$0x16680] =	vst v2;
	v2 =	vld [tilespmem:$0x15CA0]  }
0xe7: {  	[tilespmem:$0x16700] =	vst v3;
	v3 =	vld [tilespmem:$0x15CB0]  }
0xe8: {  	v50 =	vld [tilespmem:$0x15CD0];
	[tilespmem:$0x16800] =	vst v47  }
0xe9: {  	v51 =	vld [tilespmem:$0x15CE0];
	[tilespmem:$0x16880] =	vst v48  }
0xea: {  	v52 =	vld [tilespmem:$0x15D10];
	[tilespmem:$0x16A00] =	vst v49  }
0xeb: {  	[tilespmem:$0x16900] =	vst v2;
	v2 =	vld [tilespmem:$0x15CF0]  }
0xec: {  	[tilespmem:$0x16980] =	vst v3;
	v3 =	vld [tilespmem:$0x15D00]  }
0xed: {  	v53 =	vld [tilespmem:$0x15D20];
	[tilespmem:$0x16A80] =	vst v50  }
0xee: {  	v54 =	vld [tilespmem:$0x15D30];
	[tilespmem:$0x16B00] =	vst v51  }
0xef: {  	v55 =	vld [tilespmem:$0x15D60];
	[tilespmem:$0x16C80] =	vst v52  }
0xf0: {  	[tilespmem:$0x16B80] =	vst v2;
	v2 =	vld [tilespmem:$0x15D40]  }
0xf1: {  	[tilespmem:$0x16C00] =	vst v3;
	v3 =	vld [tilespmem:$0x15D50]  }
0xf2: {  	v56 =	vld [tilespmem:$0x15D70];
	[tilespmem:$0x16D00] =	vst v53  }
0xf3: {  	v57 =	vld [tilespmem:$0x15D80];
	[tilespmem:$0x16D80] =	vst v54  }
0xf4: {  	v58 =	vld [tilespmem:$0x15DB0];
	[tilespmem:$0x16F00] =	vst v55  }
0xf5: {  	[tilespmem:$0x16E00] =	vst v2;
	v2 =	vld [tilespmem:$0x15D90]  }
0xf6: {  	[tilespmem:$0x16E80] =	vst v3;
	v3 =	vld [tilespmem:$0x15DA0]  }
0xf7: {  	v59 =	vld [tilespmem:$0x15DC0];
	[tilespmem:$0x16F80] =	vst v56  }
0xf8: {  	v60 =	vld [tilespmem:$0x15DD0];
	[tilespmem:$0x17000] =	vst v57  }
0xf9: {  	v61 =	vld [tilespmem:$0x15E00];
	[tilespmem:$0x17180] =	vst v58  }
0xfa: {  	[tilespmem:$0x17080] =	vst v2;
	v2 =	vld [tilespmem:$0x15DE0]  }
0xfb: {  	[tilespmem:$0x17100] =	vst v3;
	v3 =	vld [tilespmem:$0x15DF0]  }
0xfc: {  	v62 =	vld [tilespmem:$0x15E10];
	[tilespmem:$0x17200] =	vst v59  }
0xfd: {  	v63 =	vld [tilespmem:$0x15E20];
	[tilespmem:$0x17280] =	vst v60  }
0xfe: {  	v9 =	vld [tilespmem:$0x15E50];
	[tilespmem:$0x17400] =	vst v61  }
0xff: {  	[tilespmem:$0x17300] =	vst v2;
	v2 =	vld [tilespmem:$0x15E30]  }
0x100: {  	[tilespmem:$0x17380] =	vst v3;
	v3 =	vld [tilespmem:$0x15E40]  }
0x101: {  	v10 =	vld [tilespmem:$0x15E60];
	[tilespmem:$0x17480] =	vst v62  }
0x102: {  	v11 =	vld [tilespmem:$0x15E70];
	[tilespmem:$0x17500] =	vst v63  }
0x103: {  	v12 =	vld [tilespmem:$0x15EA0];
	[tilespmem:$0x17680] =	vst v9  }
0x104: {  	[tilespmem:$0x17580] =	vst v2;
	v2 =	vld [tilespmem:$0x15E80]  }
0x105: {  	[tilespmem:$0x17600] =	vst v3;
	v3 =	vld [tilespmem:$0x15E90]  }
0x106: {  	v13 =	vld [tilespmem:$0x15EB0];
	[tilespmem:$0x17700] =	vst v10  }
0x107: {  	v14 =	vld [tilespmem:$0x15EC0];
	[tilespmem:$0x17780] =	vst v11  }
0x108: {  	v15 =	vld [tilespmem:$0x15EF0];
	[tilespmem:$0x17900] =	vst v12  }
0x109: {  	[tilespmem:$0x17800] =	vst v2;
	v2 =	vld [tilespmem:$0x15ED0]  }
0x10a: {  	[tilespmem:$0x17880] =	vst v3;
	v3 =	vld [tilespmem:$0x15EE0]  }
0x10b: {  	v16 =	vld [tilespmem:$0x15F00];
	[tilespmem:$0x17980] =	vst v13  }
0x10c: {  	v17 =	vld [tilespmem:$0x15F10];
	[tilespmem:$0x17A00] =	vst v14  }
0x10d: {  	v18 =	vld [tilespmem:$0x15F40];
	[tilespmem:$0x17B80] =	vst v15  }
0x10e: {  	[tilespmem:$0x17A80] =	vst v2;
	v2 =	vld [tilespmem:$0x15F20]  }
0x10f: {  	[tilespmem:$0x17B00] =	vst v3;
	v3 =	vld [tilespmem:$0x15F30]  }
0x110: {  	v19 =	vld [tilespmem:$0x15F50];
	[tilespmem:$0x17C00] =	vst v16  }
0x111: {  	v20 =	vld [tilespmem:$0x15F60];
	[tilespmem:$0x17C80] =	vst v17  }
0x112: {  	v21 =	vld [tilespmem:$0x15F90];
	[tilespmem:$0x17E00] =	vst v18  }
0x113: {  	[tilespmem:$0x17D00] =	vst v2;
	v2 =	vld [tilespmem:$0x15F70]  }
0x114: {  	[tilespmem:$0x17D80] =	vst v3;
	v3 =	vld [tilespmem:$0x15F80]  }
0x115: {  	v22 =	vld [tilespmem:$0x15FA0];
	[tilespmem:$0x17E80] =	vst v19  }
0x116: {  	v23 =	vld [tilespmem:$0x15FB0];
	[tilespmem:$0x17F00] =	vst v20  }
0x117: {  	v24 =	vld [tilespmem:$0x15FE0];
	[tilespmem:$0x18080] =	vst v21  }
0x118: {  	[tilespmem:$0x17F80] =	vst v2;
	v2 =	vld [tilespmem:$0x15FC0]  }
0x119: {  	[tilespmem:$0x18000] =	vst v3;
	v3 =	vld [tilespmem:$0x15FD0]  }
0x11a: {  	v25 =	vld [tilespmem:$0x15FF0];
	[tilespmem:$0x18100] =	vst v22  }
0x11b: {  	v26 =	vld [tilespmem:$0x16000];
	[tilespmem:$0x18180] =	vst v23  }
0x11c: {  	v27 =	vld [tilespmem:$0x16030];
	[tilespmem:$0x18300] =	vst v24  }
0x11d: {  	[tilespmem:$0x18200] =	vst v2;
	v2 =	vld [tilespmem:$0x16010]  }
0x11e: {  	[tilespmem:$0x18280] =	vst v3;
	v3 =	vld [tilespmem:$0x16020]  }
0x11f: {  	v28 =	vld [tilespmem:$0x16040];
	[tilespmem:$0x18380] =	vst v25  }
0x120: {  	v29 =	vld [tilespmem:$0x16050];
	[tilespmem:$0x18400] =	vst v26  }
0x121: {  	v30 =	vld [tilespmem:$0x16080];
	[tilespmem:$0x18580] =	vst v27  }
0x122: {  	[tilespmem:$0x18480] =	vst v2;
	v2 =	vld [tilespmem:$0x16060]  }
0x123: {  	[tilespmem:$0x18500] =	vst v3;
	v3 =	vld [tilespmem:$0x16070]  }
0x124: {  	v31 =	vld [tilespmem:$0x16090];
	[tilespmem:$0x18600] =	vst v28  }
0x125: {  	v32 =	vld [tilespmem:$0x160A0];
	[tilespmem:$0x18680] =	vst v29  }
0x126: {  	v33 =	vld [tilespmem:$0x160D0];
	[tilespmem:$0x18800] =	vst v30  }
0x127: {  	[tilespmem:$0x18700] =	vst v2;
	v2 =	vld [tilespmem:$0x160B0]  }
0x128: {  	[tilespmem:$0x18780] =	vst v3;
	v3 =	vld [tilespmem:$0x160C0]  }
0x129: {  	v34 =	vld [tilespmem:$0x160E0];
	[tilespmem:$0x18880] =	vst v31  }
0x12a: {  	v35 =	vld [tilespmem:$0x160F0];
	[tilespmem:$0x18900] =	vst v32  }
0x12b: {  	v36 =	vld [tilespmem:$0x16120];
	[tilespmem:$0x18A80] =	vst v33  }
0x12c: {  	[tilespmem:$0x18980] =	vst v2;
	v2 =	vld [tilespmem:$0x16100]  }
0x12d: {  	[tilespmem:$0x18A00] =	vst v3;
	v3 =	vld [tilespmem:$0x16110]  }
0x12e: {  	v37 =	vld [tilespmem:$0x16130];
	[tilespmem:$0x18B00] =	vst v34  }
0x12f: {  	v38 =	vld [tilespmem:$0x16140];
	[tilespmem:$0x18B80] =	vst v35  }
0x130: {  	v39 =	vld [tilespmem:$0x16170];
	[tilespmem:$0x18D00] =	vst v36  }
0x131: {  	[tilespmem:$0x18C00] =	vst v2;
	v2 =	vld [tilespmem:$0x16150]  }
0x132: {  	[tilespmem:$0x18C80] =	vst v3;
	v3 =	vld [tilespmem:$0x16160]  }
0x133: {  	v40 =	vld [tilespmem:$0x16180];
	[tilespmem:$0x18D80] =	vst v37  }
0x134: {  	v41 =	vld [tilespmem:$0x16190];
	[tilespmem:$0x18E00] =	vst v38  }
0x135: {  	v42 =	vld [tilespmem:$0x161C0];
	[tilespmem:$0x18F80] =	vst v39  }
0x136: {  	[tilespmem:$0x18E80] =	vst v2;
	v2 =	vld [tilespmem:$0x161A0]  }
0x137: {  	[tilespmem:$0x18F00] =	vst v3;
	v3 =	vld [tilespmem:$0x161B0]  }
0x138: {  	[tilespmem:$0x19000] =	vst v40;
	v43 =	vld [tilespmem:$0x161D0]  }
0x139: {  	[tilespmem:$0x19080] =	vst v41;
	v44 =	vld [tilespmem:$0x161E0]  }
0x13a: {  	[tilespmem:$0x19200] =	vst v42;
	v45 =	vld [tilespmem:$0x16210]  }
0x13b: {  	[tilespmem:$0x19100] =	vst v2;
	v2 =	vld [tilespmem:$0x161F0]  }
0x13c: {  	[tilespmem:$0x19180] =	vst v3;
	v3 =	vld [tilespmem:$0x16200]  }
0x13d: {  	v46 =	vld [tilespmem:$0x16220];
	[tilespmem:$0x19280] =	vst v43  }
0x13e: {  	v47 =	vld [tilespmem:$0x16230];
	[tilespmem:$0x19300] =	vst v44  }
0x13f: {  	v48 =	vld [tilespmem:$0x16260];
	[tilespmem:$0x19480] =	vst v45  }
0x140: {  	[tilespmem:$0x19380] =	vst v2;
	v2 =	vld [tilespmem:$0x16240]  }
0x141: {  	[tilespmem:$0x19400] =	vst v3;
	v3 =	vld [tilespmem:$0x16250]  }
0x142: {  	v49 =	vld [tilespmem:$0x16270];
	[tilespmem:$0x19500] =	vst v46  }
0x143: {  	v50 =	vld [tilespmem:$0x16280];
	[tilespmem:$0x19580] =	vst v47  }
0x144: {  	v51 =	vld [tilespmem:$0x162B0];
	[tilespmem:$0x19700] =	vst v48  }
0x145: {  	[tilespmem:$0x19600] =	vst v2;
	v2 =	vld [tilespmem:$0x16290]  }
0x146: {  	[tilespmem:$0x19680] =	vst v3;
	v3 =	vld [tilespmem:$0x162A0]  }
0x147: {  	v52 =	vld [tilespmem:$0x162C0];
	[tilespmem:$0x19780] =	vst v49  }
0x148: {  	v53 =	vld [tilespmem:$0x162D0];
	[tilespmem:$0x19800] =	vst v50  }
0x149: {  	v54 =	vld [tilespmem:$0x16300];
	[tilespmem:$0x19980] =	vst v51  }
0x14a: {  	[tilespmem:$0x19880] =	vst v2;
	v2 =	vld [tilespmem:$0x162E0]  }
0x14b: {  	[tilespmem:$0x19900] =	vst v3;
	v3 =	vld [tilespmem:$0x162F0]  }
0x14c: {  	v55 =	vld [tilespmem:$0x16310];
	[tilespmem:$0x19A00] =	vst v52  }
0x14d: {  	v56 =	vld [tilespmem:$0x16320];
	[tilespmem:$0x19A80] =	vst v53  }
0x14e: {  	v57 =	vld [tilespmem:$0x16350];
	[tilespmem:$0x19C00] =	vst v54  }
0x14f: {  	[tilespmem:$0x19B00] =	vst v2;
	v2 =	vld [tilespmem:$0x16330]  }
0x150: {  	[tilespmem:$0x19B80] =	vst v3;
	v3 =	vld [tilespmem:$0x16340]  }
0x151: {  	v58 =	vld [tilespmem:$0x16360];
	[tilespmem:$0x19C80] =	vst v55  }
0x152: {  	v59 =	vld [tilespmem:$0x16370];
	[tilespmem:$0x19D00] =	vst v56  }
0x153: {  	v60 =	vld [tilespmem:$0x163A0];
	[tilespmem:$0x19E80] =	vst v57  }
0x154: {  	[tilespmem:$0x19D80] =	vst v2;
	v2 =	vld [tilespmem:$0x16380]  }
0x155: {  	[tilespmem:$0x19E00] =	vst v3;
	v3 =	vld [tilespmem:$0x16390]  }
0x156: {  	v61 =	vld [tilespmem:$0x163B0];
	[tilespmem:$0x19F00] =	vst v58  }
0x157: {  	v62 =	vld [tilespmem:$0x163C0];
	[tilespmem:$0x19F80] =	vst v59  }
0x158: {  	v63 =	vld [tilespmem:$0x163F0];
	[tilespmem:$0x1A100] =	vst v60  }
0x159: {  	[tilespmem:$0x1A000] =	vst v2;
	v2 =	vld [tilespmem:$0x163D0]  }
0x15a: {  	[tilespmem:$0x1A080] =	vst v3;
	v3 =	vld [tilespmem:$0x163E0]  }
0x15b: {  	[tilespmem:$0x1A180] =	vst v61  }
0x15c: {  	[tilespmem:$0x1A200] =	vst v62  }
0x15d: {  	[tilespmem:$0x1A380] =	vst v63  }
0x15e: {  	[tilespmem:$0x1A280] =	vst v2  }
0x15f: {  	s24 =	sadd.s32 $0x400, s24;
	s30 =	simm.s32 @!p0 $0x15C00;
	[tilespmem:$0x1A300] =	vst v3  }
0x160: {  	[tilespmem:s30], [sflag:$0x2] =	stream.linear.gather @!p0 [hbm4b:s26+s28], $0x800, $0x38;
	[tilespmem:$0x1A400] =	vst v63  }
0x161: {  	p0 =	sne.s32 s24, $0x5000  }
.Ltmp2:
0x162: {  	s31 =	sadd.s32 $0x14080, s31;
	(pc) =	sbr.rel @p0 .LBB2_6-.Ltmp2, $4  }
0x163: {  	[spmem:s2] =	stream.indirect.scatter.add.f32 [tilespmem:s16], [sflag:$0x3], $0x80, s31, s22, $0xb8;
	[tilespmem:$0x1A400] =	vst v63  }
0x164: {  	_ =	swait.ge [sflag:s17], $0x4000  }
0x165: {  	[sflag:s17] =	ssyncset.done $0x0  }
0x166: {  	s25 =	sadd.s32 $0x200, s25;
	s26 =	sadd.s32 $0x200, s26;
	[sflag:s17] =	ssyncadd.s32 $0xFFFFC000  }
0x167: {  	s3 =	sadd.s32 $0x1, s3  }
0x168: {  	s24 =	sshll.u32 s0, $0x6;
	[bflag:$0x0] =	sbarrier.arrive $0xFFFF;
	p0 =	sne.s32 s3, s9  }
.Ltmp3:
0x169: {  	s25 =	sshrl.u32 s4, $0x3;
	s24 =	sor.u32 $0x1C03, s24;
	(pc) =	sbr.rel @p0 .LBB2_1-.Ltmp3, $4  }
0x16a: {  	[hbm:s8], [sflag:s24] =	dma.local [spmem:s25], $0x2800  }
0x16b: {  	_ =	swait.ge [sflag:s17], $0x2800  }
0x16c: {  	[sflag:s17] =	ssyncset.done $0x0  }
0x16d: {  	[sflag:s17] =	ssyncadd.s32 $0xFFFFD800  }
0x16e: {  	_ =	sfence.sel $0x180000  }
0x16f: {  	[bflag:$0x0] =	sbarrier.arrive $0xFFFF  }
0x170: {  	p0 =	sne.s32 s0, $0x0;
	_ =	strace $0x9000004A  }
0x171: {  	s0 =	sadd.s32 @!p0 $0x100000, s1;
	[bflag:$0x2] =	sbarrier.arrive $0xFFFF  }
0x172: {  	[sflag:s0] =	ssyncadd.tile.s32 @!p0 $0x1;
	_ =	shalt  }
.Lfunc_end2:
_tile_overlayer_lowered:
.L_overlay_start_2:
0x173: {  	(tag) =	ssettag $0x2  }
0x174: {  	s0 =	rddreg [dreg:$0x0];
	s2 =	stileid.u32  }
0x175: {  	s1 =	rddreg [dreg:$0x1];
	p0 =	sne.s32 s2, $0x0  }
0x176: {  	s3 =	rddreg [dreg:$0x2];
	[bflag:$0x3] =	sbarrier.arrive $0xFFFF;
	s2 =	simm.s32 @!p0 $0x1C03  }
0x177: {  	[timem:s3], [sflag:s2] =	dma.local @!p0 [hbm:s0], s1  }
0x178: {  	s0 =	simm.s32 @!p0 $0x3  }
0x179: {  	_ =	swait.ge @!p0 [sflag:s0], s1  }
0x17a: {  	s1 =	ssub.s32 @!p0 $0x0, s1;
	[sflag:s0] =	ssyncset.done @!p0 $0x0  }
0x17b: {  	[sflag:s0] =	ssyncadd.s32 @!p0 s1  }
0x17c: {  	[bflag:$0x3] =	sbarrier.arrive $0xFFFF  }
0x17d: {  	_ =	shalt  }

</sc_bundles>
